<compile_context>
chip_gen: v7x
topology: tpu7x:2x2x1
jax: 0.10.2.dev20260603
libtpu: 0.0.44.dev20260713+nightly
codegen_flags: <defaults>
</compile_context>

<pallas_src>
import functools

import jax
import jax.numpy as jnp
from jax import lax
from jax.experimental import pallas as pl
from jax.experimental.pallas import tpu as pltpu
from jax.experimental.pallas import tpu_sc as plsc

N = 10000
K = 32
E = N * K
H = 64
NB_E = 200
GRID_E = N // NB_E
NB_N = 2000
GRID_N = N // NB_N
CH = 512
NCHUNK = E // CH
SUB = CH // 128
NW = 32
PER_W = -(-NCHUNK // NW)
DEC_PAD = 512


def _sp(x):
    return jnp.maximum(x, 0.0) + jnp.log1p(jnp.exp(-jnp.abs(x)))



def _sc_gather(table, idx3d):
    mesh = plsc.VectorSubcoreMesh(core_axis_name="c", subcore_axis_name="s")
    nch = idx3d.shape[0]
    m = nch * CH
    trips = -(-nch // NW)

    @functools.partial(
        pl.kernel, mesh=mesh,
        out_type=jax.ShapeDtypeStruct((m, 2 * H), jnp.float32),
        scratch_types=[
            pltpu.VMEM((SUB, 128), jnp.int32),
            pltpu.VMEM((CH, 2 * H), jnp.float32),
            pltpu.SemaphoreType.DMA,
        ],
    )
    def k(table_hbm, idx_hbm, out_hbm, idx_v, rows_v, sem):
        wid = lax.axis_index("s") * 2 + lax.axis_index("c")

        def body(t, carry):
            cid = wid + NW * t

            @pl.when(cid < nch)
            def _():
                pltpu.sync_copy(idx_hbm.at[cid], idx_v)
                cps = [
                    pltpu.async_copy(table_hbm.at[idx_v.at[j]],
                                     rows_v.at[pl.ds(j * 128, 128)], sem)
                    for j in range(SUB)
                ]
                for cp in cps:
                    cp.wait()
                pltpu.sync_copy(rows_v, out_hbm.at[pl.ds(cid * CH, CH)])

            return carry

        lax.fori_loop(0, trips, body, 0)

    return k(table, idx3d)


def _cumsum_kernel(srt, par, sume, tri):
    blk = NB_E * K

    def body(srt_r, par_r, sume_r, tri_r, s_o, carry):
        i = pl.program_id(0)

        @pl.when(i == 0)
        def _():
            carry[...] = jnp.zeros((1, H), jnp.float32)

        sel = (jnp.where(par_r[...] > 0.5, srt_r[:, H:], srt_r[:, :H])
               - sume_r[...] * (1.0 / E))
        x3 = sel.reshape(blk // 32, 32, H)
        f = x3
        sh = 1
        while sh < 32:
            f = f + jnp.concatenate(
                [jnp.zeros((blk // 32, sh, H), jnp.float32), f[:, :-sh]],
                axis=1)
            sh *= 2
        coarse = tri_r[...] @ x3.sum(axis=1)
        s = (f + coarse[:, None, :]).reshape(blk, H) + carry[...]
        s_o[...] = s
        carry[...] = s[blk - 1:blk, :]

    return pl.pallas_call(
        body, grid=(GRID_E,),
        in_specs=[pl.BlockSpec((blk, 2 * H), lambda i: (i, 0)),
                  pl.BlockSpec((blk, 1), lambda i: (i, 0)),
                  _full((1, H)), _full((NB_E, NB_E))],
        out_specs=pl.BlockSpec((blk, H), lambda i: (i, 0)),
        out_shape=jax.ShapeDtypeStruct((E, H), jnp.float32),
        scratch_shapes=[pltpu.VMEM((1, H), jnp.float32)],
    )(srt, par, sume, tri)



def _full(shape):
    return pl.BlockSpec(shape, lambda i: tuple(0 for _ in shape))


def _prep_kernel(nodes, g2d, wn1, bn1, wn2, bn2, wg1, bg1, wg2, bg2,
                 wp1, wq1, wcg1, b1e1, wgnb1, b1n1, wggb1, b1g1):

    def body(nodes_r, g_r, wn1_r, bn1_r, wn2_r, bn2_r, wg1_r, bg1_r, wg2_r,
             bg2_r, wp1_r, wq1_r, wcg1_r, b1e1_r, wgnb1_r, b1n1_r, wggb1_r,
             b1g1_r, enc_n_o, p1_o, q1_o, enc_g_o, cg1_o, gnb1_o, ggb1_o):
        enc_n = _sp(_sp(nodes_r[...] @ wn1_r[...] + bn1_r[...])
                    @ wn2_r[...] + bn2_r[...])
        enc_g = _sp(_sp(g_r[...] @ wg1_r[...] + bg1_r[...])
                    @ wg2_r[...] + bg2_r[...])
        enc_n_o[...] = enc_n
        p1_o[:, :H] = enc_n @ wp1_r[...]
        p1_o[:, H:] = jnp.zeros((N, H), jnp.float32)
        q1_o[...] = enc_n @ wq1_r[...]
        enc_g_o[...] = enc_g
        cg1_o[...] = enc_g @ wcg1_r[...] + b1e1_r[...]
        gnb1_o[...] = enc_g @ wgnb1_r[...] + b1n1_r[...]
        ggb1_o[...] = enc_g @ wggb1_r[...] + b1g1_r[...]

    out_shape = [
        jax.ShapeDtypeStruct((N, H), jnp.float32),
        jax.ShapeDtypeStruct((N, 2 * H), jnp.float32),
        jax.ShapeDtypeStruct((N, H), jnp.float32),
        jax.ShapeDtypeStruct((1, H), jnp.float32),
        jax.ShapeDtypeStruct((1, H), jnp.float32),
        jax.ShapeDtypeStruct((1, H), jnp.float32),
        jax.ShapeDtypeStruct((1, H), jnp.float32),
    ]
    return pl.pallas_call(body, out_shape=out_shape)(
        nodes, g2d, wn1, bn1, wn2, bn2, wg1, bg1, wg2, bg2,
        wp1, wq1, wcg1, b1e1, wgnb1, b1n1, wggb1, b1g1)


def _edge_kernel(edges_flat, g_rows, q, cg, we1, be1, we2, be2,
                 wab, w2e, b2e, out_e=None, wa=None):
    two_e = out_e is not None

    def body(*refs):
        if two_e:
            (edges_r, g_r, q_r, cg_r, we1_r, be1_r, we2_r, be2_r, wab_r,
             w2e_r, b2e_r, oute_r, wa_r, enew_o, inc_o, sume_o) = refs
        else:
            (edges_r, g_r, q_r, cg_r, we1_r, be1_r, we2_r, be2_r, wab_r,
             w2e_r, b2e_r, enew_o, inc_o, sume_o) = refs
        i = pl.program_id(0)
        enc_e = _sp(_sp(edges_r[...] @ we1_r[...] + be1_r[...])
                    @ we2_r[...] + be2_r[...])
        z = enc_e @ wab_r[...] + g_r[:, :H] + cg_r[...]
        if two_e:
            z = z + oute_r[...] @ wa_r[...]
        qb = jnp.broadcast_to(q_r[...][:, None, :], (NB_E, K, H))
        z = z + qb.reshape(NB_E * K, H)
        en = _sp(_sp(z) @ w2e_r[...] + b2e_r[...])
        enew_o[...] = en.reshape(NB_E * K // 2, 2, H)
        inc_o[...] = en.reshape(NB_E, K, H).sum(axis=1)
        s = en.sum(axis=0, keepdims=True)

        @pl.when(i == 0)
        def _():
            sume_o[...] = s

        @pl.when(i > 0)
        def _():
            sume_o[...] += s

    blk = NB_E * K
    in_specs = [
        pl.BlockSpec((blk, 4), lambda i: (i, 0)),
        pl.BlockSpec((blk, 2 * H), lambda i: (i, 0)),
        pl.BlockSpec((NB_E, H), lambda i: (i, 0)),
        _full((1, H)), _full((4, H)), _full((1, H)), _full((H, H)),
        _full((1, H)), _full((H, H)), _full((H, H)), _full((1, H)),
    ]
    args = [edges_flat, g_rows, q, cg, we1, be1, we2, be2, wab, w2e, b2e]
    if two_e:
        in_specs += [pl.BlockSpec((blk, H), lambda i: (i, 0)), _full((H, H))]
        args += [out_e, wa]
    out_shape = [
        jax.ShapeDtypeStruct((E // 2, 2, H), jnp.float32),
        jax.ShapeDtypeStruct((N, H), jnp.float32),
        jax.ShapeDtypeStruct((1, H), jnp.float32),
    ]
    out_specs = [
        pl.BlockSpec((blk // 2, 2, H), lambda i: (i, 0, 0)),
        pl.BlockSpec((NB_E, H), lambda i: (i, 0)),
        _full((1, H)),
    ]
    return pl.pallas_call(
        body, grid=(GRID_E,), in_specs=in_specs, out_specs=out_specs,
        out_shape=out_shape)(*args)


def _node_kernel(out_n, enc_n, inc, bnd, gnb, wna, wnb, wnc, wnd, w2n, b2n,
                 sum_e, ggb, wgn, wge, w2g, b2g, enc_g, nxt):
    final = len(nxt) == 6

    def body(*refs):
        (outn_r, encn_r, inc_r, ghi_r, glo_r, phi_r, plo_r, mhi_r, mlo_r,
         deg_r, gnb_r, wna_r, wnb_r, wnc_r,
         wnd_r, w2n_r, b2n_r, sume_r, ggb_r, wgn_r, wge_r, w2g_r, b2g_r,
         encg_r) = refs[:24]
        nxt_r = refs[24:24 + len(nxt)]
        outs = refs[24 + len(nxt):]
        i = pl.program_id(0)

        outg = (jnp.where(phi_r[...] > 0.5, ghi_r[:, H:], ghi_r[:, :H])
                * mhi_r[...]
                - jnp.where(plo_r[...] > 0.5, glo_r[:, H:], glo_r[:, :H])
                * mlo_r[...]
                + deg_r[...] * (sume_r[...] * (1.0 / E)))
        zn = (outn_r[...] @ wna_r[...] + encn_r[...] @ wnb_r[...]
              + inc_r[...] @ wnc_r[...]
              + outg @ wnd_r[...] + gnb_r[...])
        nn = _sp(_sp(zn) @ w2n_r[...] + b2n_r[...])
        if final:
            sumn_o, dec_o = outs
        else:
            (nnew_o, p2_o, q2_o, sumn_o, gnew_o, cg2_o, gnb2_o, ggb2_o) = outs
            nnew_o[...] = nn
            p2_o[:, :H] = nn @ nxt_r[0][...] + encn_r[...] @ nxt_r[1][...]
            p2_o[:, H:] = jnp.zeros((NB_N, H), jnp.float32)
            q2_o[...] = nn @ nxt_r[2][...] + encn_r[...] @ nxt_r[3][...]
        s = nn.sum(axis=0, keepdims=True)

        @pl.when(i == 0)
        def _():
            sumn_o[...] = s

        @pl.when(i > 0)
        def _():
            sumn_o[...] += s

        @pl.when(i == GRID_N - 1)
        def _():
            zg = (ggb_r[...] + sumn_o[...] @ wgn_r[...]
                  + sume_r[...] @ wge_r[...])
            gn = _sp(_sp(zg) @ w2g_r[...] + b2g_r[...])
            if final:
                d1, db1, d2, db2, d3, db3 = nxt_r
                d = _sp(gn @ d1[...] + db1[...])
                d = _sp(d @ d2[...] + db2[...])
                dec_o[...] = d @ d3[...] + db3[...]
            else:
                gnew_o[...] = gn
                cg2_o[...] = gn @ nxt_r[4][...] + encg_r[...] @ nxt_r[5][...] + nxt_r[6][...]
                gnb2_o[...] = gn @ nxt_r[7][...] + encg_r[...] @ nxt_r[8][...] + nxt_r[9][...]
                ggb2_o[...] = gn @ nxt_r[10][...] + encg_r[...] @ nxt_r[11][...] + nxt_r[12][...]

    nblk = pl.BlockSpec((NB_N, H), lambda i: (i, 0))
    gblk = pl.BlockSpec((NB_N, 2 * H), lambda i: (i, 0))
    pblk = pl.BlockSpec((NB_N, 1), lambda i: (i, 0))
    in_specs = [
        nblk, nblk, nblk,
        gblk, gblk, pblk, pblk, pblk, pblk, pblk,
        _full((1, H)), _full((H, H)), _full((H, H)), _full((H, H)),
        _full((H, H)), _full((H, H)), _full((1, H)),
        _full((1, H)), _full((1, H)), _full((H, H)), _full((H, H)),
        _full((H, H)), _full((1, H)), _full((1, H)),
    ]
    for w in nxt:
        in_specs.append(_full(tuple(w.shape)))
    if final:
        out_shape = [
            jax.ShapeDtypeStruct((1, H), jnp.float32),
            jax.ShapeDtypeStruct((1, DEC_PAD), jnp.float32),
        ]
        out_specs = [_full((1, H)), _full((1, DEC_PAD))]
    else:
        out_shape = [
            jax.ShapeDtypeStruct((N, H), jnp.float32),
            jax.ShapeDtypeStruct((N, 2 * H), jnp.float32),
            jax.ShapeDtypeStruct((N, H), jnp.float32),
            jax.ShapeDtypeStruct((1, H), jnp.float32),
            jax.ShapeDtypeStruct((1, H), jnp.float32),
            jax.ShapeDtypeStruct((1, H), jnp.float32),
            jax.ShapeDtypeStruct((1, H), jnp.float32),
            jax.ShapeDtypeStruct((1, H), jnp.float32),
        ]
        out_specs = ([nblk, pl.BlockSpec((NB_N, 2 * H), lambda i: (i, 0)),
                      nblk] + [_full((1, H))] * 5)
    ghi, glo, phi, plo, mhi, mlo, deg = bnd
    return pl.pallas_call(
        body, grid=(GRID_N,), in_specs=in_specs, out_specs=out_specs,
        out_shape=out_shape,
    )(out_n, enc_n, inc, ghi, glo, phi, plo, mhi, mlo, deg, gnb, wna, wnb,
      wnc, wnd, w2n, b2n, sum_e, ggb, wgn, wge, w2g, b2g, enc_g, *nxt)



def kernel(nodes, edges, globals_, edge_idx, params):
    f32 = jnp.float32
    i32 = jnp.int32
    idx3d = edge_idx.reshape(NCHUNK, SUB, 128)
    idx_flat = edge_idx.reshape(E)
    edges_flat = edges.reshape(E, 4)
    g2d = globals_.reshape(1, -1)

    sorted_idx, perm = lax.sort(
        (idx_flat, jnp.arange(E, dtype=jnp.int32)), num_keys=1)
    b = jnp.searchsorted(sorted_idx, jnp.arange(N + 1, dtype=i32)).astype(i32)
    gperm3d = (perm // 2).astype(i32).reshape(NCHUNK, SUB, 128)
    spar = (perm % 2).astype(f32).reshape(E, 1)
    lo = jnp.maximum(b[:-1] - 1, 0)
    hi = jnp.maximum(b[1:] - 1, 0)
    PADN = 16384
    lo3d = jnp.zeros((PADN,), i32).at[:N].set(lo // 2).reshape(
        PADN // CH, SUB, 128)
    hi3d = jnp.zeros((PADN,), i32).at[:N].set(hi // 2).reshape(
        PADN // CH, SUB, 128)
    plo = (lo % 2).astype(f32).reshape(N, 1)
    phi = (hi % 2).astype(f32).reshape(N, 1)
    mlo = (b[:-1] > 0).astype(f32).reshape(N, 1)
    mhi = (b[1:] > 0).astype(f32).reshape(N, 1)
    deg = (b[1:] - b[:-1]).astype(f32).reshape(N, 1)
    tri = (jnp.arange(NB_E)[:, None] > jnp.arange(NB_E)[None, :]).astype(f32)

    def outgoing_bnd(e3, sume):
        srt = _sc_gather(e3.reshape(E // 2, 2 * H), gperm3d)
        s = _cumsum_kernel(srt, spar, sume, tri)
        stab = s.reshape(E // 2, 2 * H)
        return (_sc_gather(stab, hi3d), _sc_gather(stab, lo3d),
                phi, plo, mhi, mlo, deg)

    def row2d(b):
        return b.reshape(1, -1).astype(f32)

    (wn1, bn1), (wn2, bn2) = params['node_enc']
    (we1, be1), (we2, be2) = params['edge_enc']
    (wg1, bg1), (wg2, bg2) = params['glob_enc']
    bn1, bn2, bg1, bg2, be1, be2 = map(row2d, (bn1, bn2, bg1, bg2, be1, be2))

    rblk = []
    for rp in params['rec']:
        (w1e, b1e), (w2e, b2e) = rp['edge_fn']
        (w1n, b1n), (w2n, b2n) = rp['node_fn']
        (w1g, b1g), (w2g, b2g) = rp['glob_fn']
        rblk.append(dict(
            wa=w1e[0:64], wb=w1e[64:128],
            wp_a=w1e[128:192], wp_b=w1e[192:256],
            wq_a=w1e[256:320], wq_b=w1e[320:384],
            wcg_a=w1e[384:448], wcg_b=w1e[448:512],
            b1e=row2d(b1e), w2e=w2e, b2e=row2d(b2e),
            wna=w1n[0:64], wnb=w1n[64:128], wnc=w1n[128:192],
            wnd=w1n[192:256], wgnb_a=w1n[256:320], wgnb_b=w1n[320:384],
            b1n=row2d(b1n), w2n=w2n, b2n=row2d(b2n),
            wgg_a=w1g[0:64], wgg_b=w1g[64:128], wgn=w1g[128:192],
            wge=w1g[192:256], b1g=row2d(b1g), w2g=w2g, b2g=row2d(b2g)))
    r1, r2 = rblk

    (d1, db1), (d2, db2), (d3, db3) = params['decoder']
    d3p = jnp.zeros((H, DEC_PAD), f32).at[:, :d3.shape[1]].set(d3)
    db3p = jnp.zeros((1, DEC_PAD), f32).at[0, :d3.shape[1]].set(db3)

    enc_n, p1, q1, enc_g, cg1, gnb1, ggb1 = _prep_kernel(
        nodes, g2d, wn1, bn1, wn2, bn2, wg1, bg1, wg2, bg2,
        r1['wp_a'] + r1['wp_b'], r1['wq_a'] + r1['wq_b'],
        r1['wcg_a'] + r1['wcg_b'], r1['b1e'],
        r1['wgnb_a'] + r1['wgnb_b'], r1['b1n'],
        r1['wgg_a'] + r1['wgg_b'], r1['b1g'])

    g1_rows = _sc_gather(p1, idx3d)
    e_new1, inc1, sum_e1 = _edge_kernel(
        edges_flat, g1_rows, q1, cg1, we1, be1, we2, be2,
        r1['wa'] + r1['wb'], r1['w2e'], r1['b2e'])
    bnd1 = outgoing_bnd(e_new1, sum_e1)
    nxt = (r2['wp_a'], r2['wp_b'], r2['wq_a'], r2['wq_b'],
           r2['wcg_a'], r2['wcg_b'], r2['b1e'],
           r2['wgnb_a'], r2['wgnb_b'], r2['b1n'],
           r2['wgg_a'], r2['wgg_b'], r2['b1g'])
    (n_new1, p2, q2, _sum_n1, g_new1, cg2, gnb2, ggb2) = _node_kernel(
        enc_n, enc_n, inc1, bnd1, gnb1,
        r1['wna'] + r1['wnb'], jnp.zeros((H, H), f32), r1['wnc'], r1['wnd'],
        r1['w2n'], r1['b2n'], sum_e1, ggb1, r1['wgn'], r1['wge'],
        r1['w2g'], r1['b2g'], enc_g, nxt)

    g2_rows = _sc_gather(p2, idx3d)
    e_new2, inc2, sum_e2 = _edge_kernel(
        edges_flat, g2_rows, q2, cg2, we1, be1, we2, be2,
        r2['wb'], r2['w2e'], r2['b2e'],
        out_e=e_new1.reshape(E, H), wa=r2['wa'])
    bnd2 = outgoing_bnd(e_new2, sum_e2)
    dec = (d1, row2d(db1), d2, row2d(db2), d3p, db3p)
    _sum_n2, out = _node_kernel(
        n_new1, enc_n, inc2, bnd2, gnb2,
        r2['wna'], r2['wnb'], r2['wnc'], r2['wnd'],
        r2['w2n'], r2['b2n'], sum_e2, ggb2, r2['wgn'], r2['wge'],
        r2['w2g'], r2['b2g'], enc_g, dec)

    return out[0, :d3.shape[1]]

# --- scband reference (transcript-rebuilt; emitter-appended) ---
"""Pipeline reference for scband-origami-net-68453188763965 (READ-ONLY COPY).

The authoritative reference and input builder live on the scoring server;
editing this copy changes nothing except your own understanding.
"""

import jax, jax.numpy as jnp
import numpy as np

MLP_SIZES = (64, 64)
POLY_LEN = 128
POLY_DIM = 3
N_REC = 2
N_NODES = 10000
MAX_NEIGH = 32
D_NODE = 128
D_EDGE = 4
D_GLOB = 16


def _init_mlp(key, in_dim, sizes):
    params = []
    d = in_dim
    for s in sizes:
        key, k1, k2 = jax.random.split(key, 3)
        W = jax.random.normal(k1, (d, s), jnp.float32) * np.sqrt(1.0 / d)
        b = jax.random.normal(k2, (s,), jnp.float32) * np.sqrt(0.1 / max(s, 1))
        params.append((W, b))
        d = s
    return params


def _mlp(params, x, activate_final):
    n = len(params)
    for i, (W, b) in enumerate(params):
        x = x @ W + b
        if i < n - 1 or activate_final:
            x = jax.nn.softplus(x)
    return x


def setup_inputs(seed: int = 0):
    key = jax.random.key(seed)
    ks = jax.random.split(key, 10)
    nodes = jax.random.normal(ks[0], (N_NODES, D_NODE), jnp.float32)
    edges = jax.random.normal(ks[1], (N_NODES, MAX_NEIGH, D_EDGE), jnp.float32)
    globals_ = jax.random.normal(ks[2], (D_GLOB,), jnp.float32)
    edge_idx = jax.random.randint(ks[3], (N_NODES, MAX_NEIGH), 0, N_NODES, dtype=jnp.int32)
    h = MLP_SIZES[-1]
    params = {
        'edge_enc': _init_mlp(ks[4], D_EDGE, MLP_SIZES),
        'node_enc': _init_mlp(ks[5], D_NODE, MLP_SIZES),
        'glob_enc': _init_mlp(ks[6], D_GLOB, MLP_SIZES),
        'rec': [
            {
                'edge_fn': _init_mlp(jax.random.fold_in(ks[7], 3 * r), 8 * h, MLP_SIZES),
                'node_fn': _init_mlp(jax.random.fold_in(ks[7], 3 * r + 1), 6 * h, MLP_SIZES),
                'glob_fn': _init_mlp(jax.random.fold_in(ks[7], 3 * r + 2), 4 * h, MLP_SIZES),
            }
            for r in range(N_REC)
        ],
        'decoder': _init_mlp(ks[8], h, MLP_SIZES + (POLY_LEN * POLY_DIM + 1,)),
    }
    return {'nodes': nodes, 'edges': edges, 'globals_': globals_, 'edge_idx': edge_idx, 'params': params}


def _forward(nodes, edges, globals_, edge_idx, params):
    N = nodes.shape[0]
    enc_n = _mlp(params['node_enc'], nodes, True)
    enc_e = _mlp(params['edge_enc'], edges, True)
    enc_g = _mlp(params['glob_enc'], globals_, True)
    out_n, out_e, out_g = enc_n, enc_e, enc_g
    mask = (edge_idx < N)[:, :, None].astype(jnp.float32)
    for rp in params['rec']:
        n_in = jnp.concatenate([out_n, enc_n], axis=-1)
        e_in = jnp.concatenate([out_e, enc_e], axis=-1)
        g_in = jnp.concatenate([out_g, enc_g], axis=-1)
        incoming = jnp.take(n_in, edge_idx, axis=0)
        outgoing = jnp.broadcast_to(n_in[:, None, :], incoming.shape)
        g_e = jnp.broadcast_to(g_in[None, None, :], edge_idx.shape + g_in.shape)
        e_new = _mlp(rp['edge_fn'], jnp.concatenate([e_in, incoming, outgoing, g_e], axis=-1), True)
        e_new = e_new * mask
        incoming_edges = jnp.sum(e_new, axis=1)
        outgoing_edges = jax.ops.segment_sum(e_new.reshape(-1, e_new.shape[-1]), edge_idx.reshape(-1), num_segments=N)
        g_n = jnp.broadcast_to(g_in[None, :], (N,) + g_in.shape)
        n_new = _mlp(rp['node_fn'], jnp.concatenate([n_in, incoming_edges, outgoing_edges, g_n], axis=-1), True)
        g_new = _mlp(rp['glob_fn'], jnp.concatenate([g_in, jnp.sum(n_new, axis=0), jnp.sum(e_new, axis=(0, 1))], axis=-1), True)
        out_n, out_e, out_g = n_new, e_new, g_new
    return _mlp(params['decoder'], out_g, False)


def reference(nodes, edges, globals_, edge_idx, params):
    return _forward(nodes, edges, globals_, edge_idx, params)

if __name__ == "__main__":
    import jax
    _d = setup_inputs()
    print(jax.jit(kernel)(*tuple(_d.values())))

</pallas_src>

<mosaic_0001>
#map = affine_map<(d0, d1) -> (0, 0)>
#map1 = affine_map<(d0, d1) -> (0, 0, 0)>
module attributes {stable_mosaic.version = 14 : i64} {
  func.func @k(%arg0: i32, %arg1: i32, %arg2: memref<160000x128xf32, #tpu.memory_space<hbm>>, %arg3: memref<32x4x128xi32, #tpu.memory_space<hbm>>, %arg4: memref<16384x128xf32, #tpu.memory_space<hbm>>, %arg5: memref<4x128xi32, #tpu.memory_space<vmem>>, %arg6: memref<512x128xf32, #tpu.memory_space<vmem>>, %arg7: memref<!tpu.dma_semaphore, #tpu.memory_space<semaphore_mem>>) attributes {dimension_semantics = [#tpu.dimension_semantics<core_parallel>, #tpu.dimension_semantics<subcore_parallel>], iteration_bounds = array<i64: 2, 16>, scalar_prefetch = 0 : i64, scratch_operands = 3 : i64, tpu.core_type = #tpu.core_type<sc_vector_subcore>, window_params = [{transform_indices = #map}, {transform_indices = #map1}, {transform_indices = #map}]} {
    %mul3A = arith.constant 2 : i32
    %mul3A_0 = arith.muli %arg1, %mul3A : i32
    %add3A = arith.addi %mul3A_0, %arg0 : i32
    %scan3A = arith.constant 0 : i32
    %scan3A_1 = arith.constant 0 : i32
    %mul3A_2 = arith.constant 32 : i32
    %mul3A_3 = arith.muli %mul3A_2, %scan3A_1 : i32
    %add3A_4 = arith.addi %add3A, %mul3A_3 : i32
    %lt3A = arith.constant 32 : i32
    %lt3A_5 = arith.cmpi slt, %add3A_4, %lt3A : i32
    %convert_element_type3A = arith.extui %lt3A_5 : i1 to i32
    %cond3A = arith.constant 0 : i32
    %cond3A_6 = arith.cmpi ne, %convert_element_type3A, %cond3A : i32
    scf.if %cond3A_6 {
      "tpu.region"() ({
        %run_scoped3A = tpu.sem_alloc : memref<!tpu.dma_semaphore, #tpu.memory_space<semaphore_mem>>
        %dma_start3A_88 = arith.constant 0 : i32
        %dma_start3A_89 = arith.constant 0 : i32
        %dma_start3A_90 = tpu.memref_slice %arg3[%add3A_4, %dma_start3A_88, %dma_start3A_89] : memref<32x4x128xi32, #tpu.memory_space<hbm>> -> memref<1x4x128xi32, #tpu.memory_space<hbm>>
        %dma_start3A_91 = tpu.memref_squeeze %dma_start3A_90 : memref<1x4x128xi32, #tpu.memory_space<hbm>> -> memref<4x128xi32, #tpu.memory_space<hbm>>
        %dma_start3A_92 = arith.constant 0 : i32
        %dma_start3A_93 = arith.constant 0 : i32
        %dma_start3A_94 = tpu.memref_slice %arg3[%add3A_4, %dma_start3A_92, %dma_start3A_93] : memref<32x4x128xi32, #tpu.memory_space<hbm>> -> memref<1x4x128xi32, #tpu.memory_space<hbm>>
        %dma_start3A_95 = tpu.memref_squeeze %dma_start3A_94 : memref<1x4x128xi32, #tpu.memory_space<hbm>> -> memref<4x128xi32, #tpu.memory_space<hbm>>
        tpu.enqueue_dma source(%dma_start3A_95 : memref<4x128xi32, #tpu.memory_space<hbm>>) target(%arg5 : memref<4x128xi32, #tpu.memory_space<vmem>>) target_semaphore(%run_scoped3A : memref<!tpu.dma_semaphore, #tpu.memory_space<semaphore_mem>>)
        %dma_wait3A_96 = arith.constant 0 : i32
        %dma_wait3A_97 = arith.constant 0 : i32
        %dma_wait3A_98 = tpu.memref_slice %arg3[%add3A_4, %dma_wait3A_96, %dma_wait3A_97] : memref<32x4x128xi32, #tpu.memory_space<hbm>> -> memref<1x4x128xi32, #tpu.memory_space<hbm>>
        %dma_wait3A_99 = tpu.memref_squeeze %dma_wait3A_98 : memref<1x4x128xi32, #tpu.memory_space<hbm>> -> memref<4x128xi32, #tpu.memory_space<hbm>>
        %dma_wait3A_100 = arith.constant 0 : i32
        %dma_wait3A_101 = arith.constant 0 : i32
        %dma_wait3A_102 = tpu.memref_slice %arg3[%add3A_4, %dma_wait3A_100, %dma_wait3A_101] : memref<32x4x128xi32, #tpu.memory_space<hbm>> -> memref<1x4x128xi32, #tpu.memory_space<hbm>>
        %dma_wait3A_103 = tpu.memref_squeeze %dma_wait3A_102 : memref<1x4x128xi32, #tpu.memory_space<hbm>> -> memref<4x128xi32, #tpu.memory_space<hbm>>
        tpu.wait_dma2 semaphore(%run_scoped3A : memref<!tpu.dma_semaphore, #tpu.memory_space<semaphore_mem>>) src(%dma_wait3A_103 : memref<4x128xi32, #tpu.memory_space<hbm>>) dst(%arg5 : memref<4x128xi32, #tpu.memory_space<vmem>>)
        tpu.yield
      }) : () -> ()
      %dma_start3A = arith.constant 0 : i32
      %dma_start3A_8 = arith.constant 0 : i32
      %dma_start3A_9 = arith.constant 0 : i32
      %dma_start3A_10 = tpu.memref_slice %arg6[%dma_start3A_8, %dma_start3A_9] : memref<512x128xf32, #tpu.memory_space<vmem>> -> memref<128x128xf32, #tpu.memory_space<vmem>>
      %dma_start3A_11 = arith.constant 0 : i32
      %dma_start3A_12 = tpu.memref_slice %arg5[%dma_start3A, %dma_start3A_11] : memref<4x128xi32, #tpu.memory_space<vmem>> -> memref<1x128xi32, #tpu.memory_space<vmem>>
      %dma_start3A_13 = tpu.memref_squeeze %dma_start3A_12 : memref<1x128xi32, #tpu.memory_space<vmem>> -> memref<128xi32, #tpu.memory_space<vmem>>
      %dma_start3A_14 = arith.constant 0 : i32
      %dma_start3A_15 = arith.constant 0 : i32
      %dma_start3A_16 = tpu.memref_slice %arg2[%dma_start3A_14, %dma_start3A_15] : memref<160000x128xf32, #tpu.memory_space<hbm>> -> memref<160000x128xf32, #tpu.memory_space<hbm>>
      tpu.enqueue_indirect_dma source(%dma_start3A_16 : memref<160000x128xf32, #tpu.memory_space<hbm>>) target(%dma_start3A_10 : memref<128x128xf32, #tpu.memory_space<vmem>>) offsets(%dma_start3A_13 : memref<128xi32, #tpu.memory_space<vmem>>) semaphore(%arg7 : memref<!tpu.dma_semaphore, #tpu.memory_space<semaphore_mem>>)
      %dma_start3A_17 = arith.constant 1 : i32
      %dma_start3A_18 = arith.constant 128 : i32
      %dma_start3A_19 = arith.constant 0 : i32
      %dma_start3A_20 = tpu.memref_slice %arg6[%dma_start3A_18, %dma_start3A_19] : memref<512x128xf32, #tpu.memory_space<vmem>> -> memref<128x128xf32, #tpu.memory_space<vmem>>
      %dma_start3A_21 = arith.constant 0 : i32
      %dma_start3A_22 = tpu.memref_slice %arg5[%dma_start3A_17, %dma_start3A_21] : memref<4x128xi32, #tpu.memory_space<vmem>> -> memref<1x128xi32, #tpu.memory_space<vmem>>
      %dma_start3A_23 = tpu.memref_squeeze %dma_start3A_22 : memref<1x128xi32, #tpu.memory_space<vmem>> -> memref<128xi32, #tpu.memory_space<vmem>>
      %dma_start3A_24 = arith.constant 0 : i32
      %dma_start3A_25 = arith.constant 0 : i32
      %dma_start3A_26 = tpu.memref_slice %arg2[%dma_start3A_24, %dma_start3A_25] : memref<160000x128xf32, #tpu.memory_space<hbm>> -> memref<160000x128xf32, #tpu.memory_space<hbm>>
      tpu.enqueue_indirect_dma source(%dma_start3A_26 : memref<160000x128xf32, #tpu.memory_space<hbm>>) target(%dma_start3A_20 : memref<128x128xf32, #tpu.memory_space<vmem>>) offsets(%dma_start3A_23 : memref<128xi32, #tpu.memory_space<vmem>>) semaphore(%arg7 : memref<!tpu.dma_semaphore, #tpu.memory_space<semaphore_mem>>)
      %dma_start3A_27 = arith.constant 2 : i32
      %dma_start3A_28 = arith.constant 256 : i32
      %dma_start3A_29 = arith.constant 0 : i32
      %dma_start3A_30 = tpu.memref_slice %arg6[%dma_start3A_28, %dma_start3A_29] : memref<512x128xf32, #tpu.memory_space<vmem>> -> memref<128x128xf32, #tpu.memory_space<vmem>>
      %dma_start3A_31 = arith.constant 0 : i32
      %dma_start3A_32 = tpu.memref_slice %arg5[%dma_start3A_27, %dma_start3A_31] : memref<4x128xi32, #tpu.memory_space<vmem>> -> memref<1x128xi32, #tpu.memory_space<vmem>>
      %dma_start3A_33 = tpu.memref_squeeze %dma_start3A_32 : memref<1x128xi32, #tpu.memory_space<vmem>> -> memref<128xi32, #tpu.memory_space<vmem>>
      %dma_start3A_34 = arith.constant 0 : i32
      %dma_start3A_35 = arith.constant 0 : i32
      %dma_start3A_36 = tpu.memref_slice %arg2[%dma_start3A_34, %dma_start3A_35] : memref<160000x128xf32, #tpu.memory_space<hbm>> -> memref<160000x128xf32, #tpu.memory_space<hbm>>
      tpu.enqueue_indirect_dma source(%dma_start3A_36 : memref<160000x128xf32, #tpu.memory_space<hbm>>) target(%dma_start3A_30 : memref<128x128xf32, #tpu.memory_space<vmem>>) offsets(%dma_start3A_33 : memref<128xi32, #tpu.memory_space<vmem>>) semaphore(%arg7 : memref<!tpu.dma_semaphore, #tpu.memory_space<semaphore_mem>>)
      %dma_start3A_37 = arith.constant 3 : i32
      %dma_start3A_38 = arith.constant 384 : i32
      %dma_start3A_39 = arith.constant 0 : i32
      %dma_start3A_40 = tpu.memref_slice %arg6[%dma_start3A_38, %dma_start3A_39] : memref<512x128xf32, #tpu.memory_space<vmem>> -> memref<128x128xf32, #tpu.memory_space<vmem>>
      %dma_start3A_41 = arith.constant 0 : i32
      %dma_start3A_42 = tpu.memref_slice %arg5[%dma_start3A_37, %dma_start3A_41] : memref<4x128xi32, #tpu.memory_space<vmem>> -> memref<1x128xi32, #tpu.memory_space<vmem>>
      %dma_start3A_43 = tpu.memref_squeeze %dma_start3A_42 : memref<1x128xi32, #tpu.memory_space<vmem>> -> memref<128xi32, #tpu.memory_space<vmem>>
      %dma_start3A_44 = arith.constant 0 : i32
      %dma_start3A_45 = arith.constant 0 : i32
      %dma_start3A_46 = tpu.memref_slice %arg2[%dma_start3A_44, %dma_start3A_45] : memref<160000x128xf32, #tpu.memory_space<hbm>> -> memref<160000x128xf32, #tpu.memory_space<hbm>>
      tpu.enqueue_indirect_dma source(%dma_start3A_46 : memref<160000x128xf32, #tpu.memory_space<hbm>>) target(%dma_start3A_40 : memref<128x128xf32, #tpu.memory_space<vmem>>) offsets(%dma_start3A_43 : memref<128xi32, #tpu.memory_space<vmem>>) semaphore(%arg7 : memref<!tpu.dma_semaphore, #tpu.memory_space<semaphore_mem>>)
      %dma_wait3A = arith.constant 0 : i32
      %dma_wait3A_47 = arith.constant 0 : i32
      %dma_wait3A_48 = arith.constant 0 : i32
      %dma_wait3A_49 = tpu.memref_slice %arg6[%dma_wait3A_47, %dma_wait3A_48] : memref<512x128xf32, #tpu.memory_space<vmem>> -> memref<128x128xf32, #tpu.memory_space<vmem>>
      %dma_wait3A_50 = arith.constant 0 : i32
      %dma_wait3A_51 = tpu.memref_slice %arg5[%dma_wait3A, %dma_wait3A_50] : memref<4x128xi32, #tpu.memory_space<vmem>> -> memref<1x128xi32, #tpu.memory_space<vmem>>
      %dma_wait3A_52 = tpu.memref_squeeze %dma_wait3A_51 : memref<1x128xi32, #tpu.memory_space<vmem>> -> memref<128xi32, #tpu.memory_space<vmem>>
      %dma_wait3A_53 = arith.constant 0 : i32
      %dma_wait3A_54 = arith.constant 0 : i32
      %dma_wait3A_55 = tpu.memref_slice %arg2[%dma_wait3A_53, %dma_wait3A_54] : memref<160000x128xf32, #tpu.memory_space<hbm>> -> memref<160000x128xf32, #tpu.memory_space<hbm>>
      tpu.wait_indirect_dma semaphore(%arg7 : memref<!tpu.dma_semaphore, #tpu.memory_space<semaphore_mem>>) src(%dma_wait3A_55 : memref<160000x128xf32, #tpu.memory_space<hbm>>) dst(%dma_wait3A_49 : memref<128x128xf32, #tpu.memory_space<vmem>>)
      %dma_wait3A_56 = arith.constant 1 : i32
      %dma_wait3A_57 = arith.constant 128 : i32
      %dma_wait3A_58 = arith.constant 0 : i32
      %dma_wait3A_59 = tpu.memref_slice %arg6[%dma_wait3A_57, %dma_wait3A_58] : memref<512x128xf32, #tpu.memory_space<vmem>> -> memref<128x128xf32, #tpu.memory_space<vmem>>
      %dma_wait3A_60 = arith.constant 0 : i32
      %dma_wait3A_61 = tpu.memref_slice %arg5[%dma_wait3A_56, %dma_wait3A_60] : memref<4x128xi32, #tpu.memory_space<vmem>> -> memref<1x128xi32, #tpu.memory_space<vmem>>
      %dma_wait3A_62 = tpu.memref_squeeze %dma_wait3A_61 : memref<1x128xi32, #tpu.memory_space<vmem>> -> memref<128xi32, #tpu.memory_space<vmem>>
      %dma_wait3A_63 = arith.constant 0 : i32
      %dma_wait3A_64 = arith.constant 0 : i32
      %dma_wait3A_65 = tpu.memref_slice %arg2[%dma_wait3A_63, %dma_wait3A_64] : memref<160000x128xf32, #tpu.memory_space<hbm>> -> memref<160000x128xf32, #tpu.memory_space<hbm>>
      tpu.wait_indirect_dma semaphore(%arg7 : memref<!tpu.dma_semaphore, #tpu.memory_space<semaphore_mem>>) src(%dma_wait3A_65 : memref<160000x128xf32, #tpu.memory_space<hbm>>) dst(%dma_wait3A_59 : memref<128x128xf32, #tpu.memory_space<vmem>>)
      %dma_wait3A_66 = arith.constant 2 : i32
      %dma_wait3A_67 = arith.constant 256 : i32
      %dma_wait3A_68 = arith.constant 0 : i32
      %dma_wait3A_69 = tpu.memref_slice %arg6[%dma_wait3A_67, %dma_wait3A_68] : memref<512x128xf32, #tpu.memory_space<vmem>> -> memref<128x128xf32, #tpu.memory_space<vmem>>
      %dma_wait3A_70 = arith.constant 0 : i32
      %dma_wait3A_71 = tpu.memref_slice %arg5[%dma_wait3A_66, %dma_wait3A_70] : memref<4x128xi32, #tpu.memory_space<vmem>> -> memref<1x128xi32, #tpu.memory_space<vmem>>
      %dma_wait3A_72 = tpu.memref_squeeze %dma_wait3A_71 : memref<1x128xi32, #tpu.memory_space<vmem>> -> memref<128xi32, #tpu.memory_space<vmem>>
      %dma_wait3A_73 = arith.constant 0 : i32
      %dma_wait3A_74 = arith.constant 0 : i32
      %dma_wait3A_75 = tpu.memref_slice %arg2[%dma_wait3A_73, %dma_wait3A_74] : memref<160000x128xf32, #tpu.memory_space<hbm>> -> memref<160000x128xf32, #tpu.memory_space<hbm>>
      tpu.wait_indirect_dma semaphore(%arg7 : memref<!tpu.dma_semaphore, #tpu.memory_space<semaphore_mem>>) src(%dma_wait3A_75 : memref<160000x128xf32, #tpu.memory_space<hbm>>) dst(%dma_wait3A_69 : memref<128x128xf32, #tpu.memory_space<vmem>>)
      %dma_wait3A_76 = arith.constant 3 : i32
      %dma_wait3A_77 = arith.constant 384 : i32
      %dma_wait3A_78 = arith.constant 0 : i32
      %dma_wait3A_79 = tpu.memref_slice %arg6[%dma_wait3A_77, %dma_wait3A_78] : memref<512x128xf32, #tpu.memory_space<vmem>> -> memref<128x128xf32, #tpu.memory_space<vmem>>
      %dma_wait3A_80 = arith.constant 0 : i32
      %dma_wait3A_81 = tpu.memref_slice %arg5[%dma_wait3A_76, %dma_wait3A_80] : memref<4x128xi32, #tpu.memory_space<vmem>> -> memref<1x128xi32, #tpu.memory_space<vmem>>
      %dma_wait3A_82 = tpu.memref_squeeze %dma_wait3A_81 : memref<1x128xi32, #tpu.memory_space<vmem>> -> memref<128xi32, #tpu.memory_space<vmem>>
      %dma_wait3A_83 = arith.constant 0 : i32
      %dma_wait3A_84 = arith.constant 0 : i32
      %dma_wait3A_85 = tpu.memref_slice %arg2[%dma_wait3A_83, %dma_wait3A_84] : memref<160000x128xf32, #tpu.memory_space<hbm>> -> memref<160000x128xf32, #tpu.memory_space<hbm>>
      tpu.wait_indirect_dma semaphore(%arg7 : memref<!tpu.dma_semaphore, #tpu.memory_space<semaphore_mem>>) src(%dma_wait3A_85 : memref<160000x128xf32, #tpu.memory_space<hbm>>) dst(%dma_wait3A_79 : memref<128x128xf32, #tpu.memory_space<vmem>>)
      %mul3A_86 = arith.constant 512 : i32
      %mul3A_87 = arith.muli %add3A_4, %mul3A_86 : i32
      "tpu.region"() ({
        %run_scoped3A = tpu.sem_alloc : memref<!tpu.dma_semaphore, #tpu.memory_space<semaphore_mem>>
        %dma_start3A_88 = arith.constant 0 : i32
        %dma_start3A_89 = tpu.memref_slice %arg4[%mul3A_87, %dma_start3A_88] : memref<16384x128xf32, #tpu.memory_space<hbm>> -> memref<512x128xf32, #tpu.memory_space<hbm>>
        %dma_start3A_90 = arith.constant 0 : i32
        %dma_start3A_91 = tpu.memref_slice %arg4[%mul3A_87, %dma_start3A_90] : memref<16384x128xf32, #tpu.memory_space<hbm>> -> memref<512x128xf32, #tpu.memory_space<hbm>>
        tpu.enqueue_dma source(%arg6 : memref<512x128xf32, #tpu.memory_space<vmem>>) target(%dma_start3A_91 : memref<512x128xf32, #tpu.memory_space<hbm>>) target_semaphore(%run_scoped3A : memref<!tpu.dma_semaphore, #tpu.memory_space<semaphore_mem>>)
        %dma_wait3A_92 = arith.constant 0 : i32
        %dma_wait3A_93 = tpu.memref_slice %arg4[%mul3A_87, %dma_wait3A_92] : memref<16384x128xf32, #tpu.memory_space<hbm>> -> memref<512x128xf32, #tpu.memory_space<hbm>>
        %dma_wait3A_94 = arith.constant 0 : i32
        %dma_wait3A_95 = tpu.memref_slice %arg4[%mul3A_87, %dma_wait3A_94] : memref<16384x128xf32, #tpu.memory_space<hbm>> -> memref<512x128xf32, #tpu.memory_space<hbm>>
        tpu.wait_dma2 semaphore(%run_scoped3A : memref<!tpu.dma_semaphore, #tpu.memory_space<semaphore_mem>>) src(%arg6 : memref<512x128xf32, #tpu.memory_space<vmem>>) dst(%dma_wait3A_95 : memref<512x128xf32, #tpu.memory_space<hbm>>)
        tpu.yield
      }) : () -> ()
    } else {
    }
    %scan3A_7 = arith.constant 1 : i32
    return
  }
}

#map = affine_map<(d0, d1) -> (0, 0)>
#map1 = affine_map<(d0, d1) -> (0, 0, 0)>
module attributes {stable_mosaic.version = 14 : i64} {
  func.func @k(%arg0: i32, %arg1: i32, %arg2: memref<160000x128xf32, #tpu.memory_space<hbm>>, %arg3: memref<32x4x128xi32, #tpu.memory_space<hbm>>, %arg4: memref<16384x128xf32, #tpu.memory_space<hbm>>, %arg5: memref<4x128xi32, #tpu.memory_space<vmem>>, %arg6: memref<512x128xf32, #tpu.memory_space<vmem>>, %arg7: memref<!tpu.dma_semaphore, #tpu.memory_space<semaphore_mem>>) attributes {dimension_semantics = [#tpu.dimension_semantics<core_parallel>, #tpu.dimension_semantics<subcore_parallel>], iteration_bounds = array<i64: 2, 16>, scalar_prefetch = 0 : i64, scratch_operands = 3 : i64, tpu.core_type = #tpu.core_type<sc_vector_subcore>, window_params = [{transform_indices = #map}, {transform_indices = #map1}, {transform_indices = #map}]} {
    %mul3A = arith.constant 2 : i32
    %mul3A_0 = arith.muli %arg1, %mul3A : i32
    %add3A = arith.addi %mul3A_0, %arg0 : i32
    %scan3A = arith.constant 0 : i32
    %scan3A_1 = arith.constant 0 : i32
    %mul3A_2 = arith.constant 32 : i32
    %mul3A_3 = arith.muli %mul3A_2, %scan3A_1 : i32
    %add3A_4 = arith.addi %add3A, %mul3A_3 : i32
    %lt3A = arith.constant 32 : i32
    %lt3A_5 = arith.cmpi slt, %add3A_4, %lt3A : i32
    %convert_element_type3A = arith.extui %lt3A_5 : i1 to i32
    %cond3A = arith.constant 0 : i32
    %cond3A_6 = arith.cmpi ne, %convert_element_type3A, %cond3A : i32
    scf.if %cond3A_6 {
      "tpu.region"() ({
        %run_scoped3A = tpu.sem_alloc : memref<!tpu.dma_semaphore, #tpu.memory_space<semaphore_mem>>
        %dma_start3A_88 = arith.constant 0 : i32
        %dma_start3A_89 = arith.constant 0 : i32
        %dma_start3A_90 = tpu.memref_slice %arg3[%add3A_4, %dma_start3A_88, %dma_start3A_89] : memref<32x4x128xi32, #tpu.memory_space<hbm>> -> memref<1x4x128xi32, #tpu.memory_space<hbm>>
        %dma_start3A_91 = tpu.memref_squeeze %dma_start3A_90 : memref<1x4x128xi32, #tpu.memory_space<hbm>> -> memref<4x128xi32, #tpu.memory_space<hbm>>
        %dma_start3A_92 = arith.constant 0 : i32
        %dma_start3A_93 = arith.constant 0 : i32
        %dma_start3A_94 = tpu.memref_slice %arg3[%add3A_4, %dma_start3A_92, %dma_start3A_93] : memref<32x4x128xi32, #tpu.memory_space<hbm>> -> memref<1x4x128xi32, #tpu.memory_space<hbm>>
        %dma_start3A_95 = tpu.memref_squeeze %dma_start3A_94 : memref<1x4x128xi32, #tpu.memory_space<hbm>> -> memref<4x128xi32, #tpu.memory_space<hbm>>
        tpu.enqueue_dma source(%dma_start3A_95 : memref<4x128xi32, #tpu.memory_space<hbm>>) target(%arg5 : memref<4x128xi32, #tpu.memory_space<vmem>>) target_semaphore(%run_scoped3A : memref<!tpu.dma_semaphore, #tpu.memory_space<semaphore_mem>>)
        %dma_wait3A_96 = arith.constant 0 : i32
        %dma_wait3A_97 = arith.constant 0 : i32
        %dma_wait3A_98 = tpu.memref_slice %arg3[%add3A_4, %dma_wait3A_96, %dma_wait3A_97] : memref<32x4x128xi32, #tpu.memory_space<hbm>> -> memref<1x4x128xi32, #tpu.memory_space<hbm>>
        %dma_wait3A_99 = tpu.memref_squeeze %dma_wait3A_98 : memref<1x4x128xi32, #tpu.memory_space<hbm>> -> memref<4x128xi32, #tpu.memory_space<hbm>>
        %dma_wait3A_100 = arith.constant 0 : i32
        %dma_wait3A_101 = arith.constant 0 : i32
        %dma_wait3A_102 = tpu.memref_slice %arg3[%add3A_4, %dma_wait3A_100, %dma_wait3A_101] : memref<32x4x128xi32, #tpu.memory_space<hbm>> -> memref<1x4x128xi32, #tpu.memory_space<hbm>>
        %dma_wait3A_103 = tpu.memref_squeeze %dma_wait3A_102 : memref<1x4x128xi32, #tpu.memory_space<hbm>> -> memref<4x128xi32, #tpu.memory_space<hbm>>
        tpu.wait_dma2 semaphore(%run_scoped3A : memref<!tpu.dma_semaphore, #tpu.memory_space<semaphore_mem>>) src(%dma_wait3A_103 : memref<4x128xi32, #tpu.memory_space<hbm>>) dst(%arg5 : memref<4x128xi32, #tpu.memory_space<vmem>>)
        tpu.yield
      }) : () -> ()
      %dma_start3A = arith.constant 0 : i32
      %dma_start3A_8 = arith.constant 0 : i32
      %dma_start3A_9 = arith.constant 0 : i32
      %dma_start3A_10 = tpu.memref_slice %arg6[%dma_start3A_8, %dma_start3A_9] : memref<512x128xf32, #tpu.memory_space<vmem>> -> memref<128x128xf32, #tpu.memory_space<vmem>>
      %dma_start3A_11 = arith.constant 0 : i32
      %dma_start3A_12 = tpu.memref_slice %arg5[%dma_start3A, %dma_start3A_11] : memref<4x128xi32, #tpu.memory_space<vmem>> -> memref<1x128xi32, #tpu.memory_space<vmem>>
      %dma_start3A_13 = tpu.memref_squeeze %dma_start3A_12 : memref<1x128xi32, #tpu.memory_space<vmem>> -> memref<128xi32, #tpu.memory_space<vmem>>
      %dma_start3A_14 = arith.constant 0 : i32
      %dma_start3A_15 = arith.constant 0 : i32
      %dma_start3A_16 = tpu.memref_slice %arg2[%dma_start3A_14, %dma_start3A_15] : memref<160000x128xf32, #tpu.memory_space<hbm>> -> memref<160000x128xf32, #tpu.memory_space<hbm>>
      tpu.enqueue_indirect_dma source(%dma_start3A_16 : memref<160000x128xf32, #tpu.memory_space<hbm>>) target(%dma_start3A_10 : memref<128x128xf32, #tpu.memory_space<vmem>>) offsets(%dma_start3A_13 : memref<128xi32, #tpu.memory_space<vmem>>) semaphore(%arg7 : memref<!tpu.dma_semaphore, #tpu.memory_space<semaphore_mem>>)
      %dma_start3A_17 = arith.constant 1 : i32
      %dma_start3A_18 = arith.constant 128 : i32
      %dma_start3A_19 = arith.constant 0 : i32
      %dma_start3A_20 = tpu.memref_slice %arg6[%dma_start3A_18, %dma_start3A_19] : memref<512x128xf32, #tpu.memory_space<vmem>> -> memref<128x128xf32, #tpu.memory_space<vmem>>
      %dma_start3A_21 = arith.constant 0 : i32
      %dma_start3A_22 = tpu.memref_slice %arg5[%dma_start3A_17, %dma_start3A_21] : memref<4x128xi32, #tpu.memory_space<vmem>> -> memref<1x128xi32, #tpu.memory_space<vmem>>
      %dma_start3A_23 = tpu.memref_squeeze %dma_start3A_22 : memref<1x128xi32, #tpu.memory_space<vmem>> -> memref<128xi32, #tpu.memory_space<vmem>>
      %dma_start3A_24 = arith.constant 0 : i32
      %dma_start3A_25 = arith.constant 0 : i32
      %dma_start3A_26 = tpu.memref_slice %arg2[%dma_start3A_24, %dma_start3A_25] : memref<160000x128xf32, #tpu.memory_space<hbm>> -> memref<160000x128xf32, #tpu.memory_space<hbm>>
      tpu.enqueue_indirect_dma source(%dma_start3A_26 : memref<160000x128xf32, #tpu.memory_space<hbm>>) target(%dma_start3A_20 : memref<128x128xf32, #tpu.memory_space<vmem>>) offsets(%dma_start3A_23 : memref<128xi32, #tpu.memory_space<vmem>>) semaphore(%arg7 : memref<!tpu.dma_semaphore, #tpu.memory_space<semaphore_mem>>)
      %dma_start3A_27 = arith.constant 2 : i32
      %dma_start3A_28 = arith.constant 256 : i32
      %dma_start3A_29 = arith.constant 0 : i32
      %dma_start3A_30 = tpu.memref_slice %arg6[%dma_start3A_28, %dma_start3A_29] : memref<512x128xf32, #tpu.memory_space<vmem>> -> memref<128x128xf32, #tpu.memory_space<vmem>>
      %dma_start3A_31 = arith.constant 0 : i32
      %dma_start3A_32 = tpu.memref_slice %arg5[%dma_start3A_27, %dma_start3A_31] : memref<4x128xi32, #tpu.memory_space<vmem>> -> memref<1x128xi32, #tpu.memory_space<vmem>>
      %dma_start3A_33 = tpu.memref_squeeze %dma_start3A_32 : memref<1x128xi32, #tpu.memory_space<vmem>> -> memref<128xi32, #tpu.memory_space<vmem>>
      %dma_start3A_34 = arith.constant 0 : i32
      %dma_start3A_35 = arith.constant 0 : i32
      %dma_start3A_36 = tpu.memref_slice %arg2[%dma_start3A_34, %dma_start3A_35] : memref<160000x128xf32, #tpu.memory_space<hbm>> -> memref<160000x128xf32, #tpu.memory_space<hbm>>
      tpu.enqueue_indirect_dma source(%dma_start3A_36 : memref<160000x128xf32, #tpu.memory_space<hbm>>) target(%dma_start3A_30 : memref<128x128xf32, #tpu.memory_space<vmem>>) offsets(%dma_start3A_33 : memref<128xi32, #tpu.memory_space<vmem>>) semaphore(%arg7 : memref<!tpu.dma_semaphore, #tpu.memory_space<semaphore_mem>>)
      %dma_start3A_37 = arith.constant 3 : i32
      %dma_start3A_38 = arith.constant 384 : i32
      %dma_start3A_39 = arith.constant 0 : i32
      %dma_start3A_40 = tpu.memref_slice %arg6[%dma_start3A_38, %dma_start3A_39] : memref<512x128xf32, #tpu.memory_space<vmem>> -> memref<128x128xf32, #tpu.memory_space<vmem>>
      %dma_start3A_41 = arith.constant 0 : i32
      %dma_start3A_42 = tpu.memref_slice %arg5[%dma_start3A_37, %dma_start3A_41] : memref<4x128xi32, #tpu.memory_space<vmem>> -> memref<1x128xi32, #tpu.memory_space<vmem>>
      %dma_start3A_43 = tpu.memref_squeeze %dma_start3A_42 : memref<1x128xi32, #tpu.memory_space<vmem>> -> memref<128xi32, #tpu.memory_space<vmem>>
      %dma_start3A_44 = arith.constant 0 : i32
      %dma_start3A_45 = arith.constant 0 : i32
      %dma_start3A_46 = tpu.memref_slice %arg2[%dma_start3A_44, %dma_start3A_45] : memref<160000x128xf32, #tpu.memory_space<hbm>> -> memref<160000x128xf32, #tpu.memory_space<hbm>>
      tpu.enqueue_indirect_dma source(%dma_start3A_46 : memref<160000x128xf32, #tpu.memory_space<hbm>>) target(%dma_start3A_40 : memref<128x128xf32, #tpu.memory_space<vmem>>) offsets(%dma_start3A_43 : memref<128xi32, #tpu.memory_space<vmem>>) semaphore(%arg7 : memref<!tpu.dma_semaphore, #tpu.memory_space<semaphore_mem>>)
      %dma_wait3A = arith.constant 0 : i32
      %dma_wait3A_47 = arith.constant 0 : i32
      %dma_wait3A_48 = arith.constant 0 : i32
      %dma_wait3A_49 = tpu.memref_slice %arg6[%dma_wait3A_47, %dma_wait3A_48] : memref<512x128xf32, #tpu.memory_space<vmem>> -> memref<128x128xf32, #tpu.memory_space<vmem>>
      %dma_wait3A_50 = arith.constant 0 : i32
      %dma_wait3A_51 = tpu.memref_slice %arg5[%dma_wait3A, %dma_wait3A_50] : memref<4x128xi32, #tpu.memory_space<vmem>> -> memref<1x128xi32, #tpu.memory_space<vmem>>
      %dma_wait3A_52 = tpu.memref_squeeze %dma_wait3A_51 : memref<1x128xi32, #tpu.memory_space<vmem>> -> memref<128xi32, #tpu.memory_space<vmem>>
      %dma_wait3A_53 = arith.constant 0 : i32
      %dma_wait3A_54 = arith.constant 0 : i32
      %dma_wait3A_55 = tpu.memref_slice %arg2[%dma_wait3A_53, %dma_wait3A_54] : memref<160000x128xf32, #tpu.memory_space<hbm>> -> memref<160000x128xf32, #tpu.memory_space<hbm>>
      tpu.wait_indirect_dma semaphore(%arg7 : memref<!tpu.dma_semaphore, #tpu.memory_space<semaphore_mem>>) src(%dma_wait3A_55 : memref<160000x128xf32, #tpu.memory_space<hbm>>) dst(%dma_wait3A_49 : memref<128x128xf32, #tpu.memory_space<vmem>>)
      %dma_wait3A_56 = arith.constant 1 : i32
      %dma_wait3A_57 = arith.constant 128 : i32
      %dma_wait3A_58 = arith.constant 0 : i32
      %dma_wait3A_59 = tpu.memref_slice %arg6[%dma_wait3A_57, %dma_wait3A_58] : memref<512x128xf32, #tpu.memory_space<vmem>> -> memref<128x128xf32, #tpu.memory_space<vmem>>
      %dma_wait3A_60 = arith.constant 0 : i32
      %dma_wait3A_61 = tpu.memref_slice %arg5[%dma_wait3A_56, %dma_wait3A_60] : memref<4x128xi32, #tpu.memory_space<vmem>> -> memref<1x128xi32, #tpu.memory_space<vmem>>
      %dma_wait3A_62 = tpu.memref_squeeze %dma_wait3A_61 : memref<1x128xi32, #tpu.memory_space<vmem>> -> memref<128xi32, #tpu.memory_space<vmem>>
      %dma_wait3A_63 = arith.constant 0 : i32
      %dma_wait3A_64 = arith.constant 0 : i32
      %dma_wait3A_65 = tpu.memref_slice %arg2[%dma_wait3A_63, %dma_wait3A_64] : memref<160000x128xf32, #tpu.memory_space<hbm>> -> memref<160000x128xf32, #tpu.memory_space<hbm>>
      tpu.wait_indirect_dma semaphore(%arg7 : memref<!tpu.dma_semaphore, #tpu.memory_space<semaphore_mem>>) src(%dma_wait3A_65 : memref<160000x128xf32, #tpu.memory_space<hbm>>) dst(%dma_wait3A_59 : memref<128x128xf32, #tpu.memory_space<vmem>>)
      %dma_wait3A_66 = arith.constant 2 : i32
      %dma_wait3A_67 = arith.constant 256 : i32
      %dma_wait3A_68 = arith.constant 0 : i32
      %dma_wait3A_69 = tpu.memref_slice %arg6[%dma_wait3A_67, %dma_wait3A_68] : memref<512x128xf32, #tpu.memory_space<vmem>> -> memref<128x128xf32, #tpu.memory_space<vmem>>
      %dma_wait3A_70 = arith.constant 0 : i32
      %dma_wait3A_71 = tpu.memref_slice %arg5[%dma_wait3A_66, %dma_wait3A_70] : memref<4x128xi32, #tpu.memory_space<vmem>> -> memref<1x128xi32, #tpu.memory_space<vmem>>
      %dma_wait3A_72 = tpu.memref_squeeze %dma_wait3A_71 : memref<1x128xi32, #tpu.memory_space<vmem>> -> memref<128xi32, #tpu.memory_space<vmem>>
      %dma_wait3A_73 = arith.constant 0 : i32
      %dma_wait3A_74 = arith.constant 0 : i32
      %dma_wait3A_75 = tpu.memref_slice %arg2[%dma_wait3A_73, %dma_wait3A_74] : memref<160000x128xf32, #tpu.memory_space<hbm>> -> memref<160000x128xf32, #tpu.memory_space<hbm>>
      tpu.wait_indirect_dma semaphore(%arg7 : memref<!tpu.dma_semaphore, #tpu.memory_space<semaphore_mem>>) src(%dma_wait3A_75 : memref<160000x128xf32, #tpu.memory_space<hbm>>) dst(%dma_wait3A_69 : memref<128x128xf32, #tpu.memory_space<vmem>>)
      %dma_wait3A_76 = arith.constant 3 : i32
      %dma_wait3A_77 = arith.constant 384 : i32
      %dma_wait3A_78 = arith.constant 0 : i32
      %dma_wait3A_79 = tpu.memref_slice %arg6[%dma_wait3A_77, %dma_wait3A_78] : memref<512x128xf32, #tpu.memory_space<vmem>> -> memref<128x128xf32, #tpu.memory_space<vmem>>
      %dma_wait3A_80 = arith.constant 0 : i32
      %dma_wait3A_81 = tpu.memref_slice %arg5[%dma_wait3A_76, %dma_wait3A_80] : memref<4x128xi32, #tpu.memory_space<vmem>> -> memref<1x128xi32, #tpu.memory_space<vmem>>
      %dma_wait3A_82 = tpu.memref_squeeze %dma_wait3A_81 : memref<1x128xi32, #tpu.memory_space<vmem>> -> memref<128xi32, #tpu.memory_space<vmem>>
      %dma_wait3A_83 = arith.constant 0 : i32
      %dma_wait3A_84 = arith.constant 0 : i32
      %dma_wait3A_85 = tpu.memref_slice %arg2[%dma_wait3A_83, %dma_wait3A_84] : memref<160000x128xf32, #tpu.memory_space<hbm>> -> memref<160000x128xf32, #tpu.memory_space<hbm>>
      tpu.wait_indirect_dma semaphore(%arg7 : memref<!tpu.dma_semaphore, #tpu.memory_space<semaphore_mem>>) src(%dma_wait3A_85 : memref<160000x128xf32, #tpu.memory_space<hbm>>) dst(%dma_wait3A_79 : memref<128x128xf32, #tpu.memory_space<vmem>>)
      %mul3A_86 = arith.constant 512 : i32
      %mul3A_87 = arith.muli %add3A_4, %mul3A_86 : i32
      "tpu.region"() ({
        %run_scoped3A = tpu.sem_alloc : memref<!tpu.dma_semaphore, #tpu.memory_space<semaphore_mem>>
        %dma_start3A_88 = arith.constant 0 : i32
        %dma_start3A_89 = tpu.memref_slice %arg4[%mul3A_87, %dma_start3A_88] : memref<16384x128xf32, #tpu.memory_space<hbm>> -> memref<512x128xf32, #tpu.memory_space<hbm>>
        %dma_start3A_90 = arith.constant 0 : i32
        %dma_start3A_91 = tpu.memref_slice %arg4[%mul3A_87, %dma_start3A_90] : memref<16384x128xf32, #tpu.memory_space<hbm>> -> memref<512x128xf32, #tpu.memory_space<hbm>>
        tpu.enqueue_dma source(%arg6 : memref<512x128xf32, #tpu.memory_space<vmem>>) target(%dma_start3A_91 : memref<512x128xf32, #tpu.memory_space<hbm>>) target_semaphore(%run_scoped3A : memref<!tpu.dma_semaphore, #tpu.memory_space<semaphore_mem>>)
        %dma_wait3A_92 = arith.constant 0 : i32
        %dma_wait3A_93 = tpu.memref_slice %arg4[%mul3A_87, %dma_wait3A_92] : memref<16384x128xf32, #tpu.memory_space<hbm>> -> memref<512x128xf32, #tpu.memory_space<hbm>>
        %dma_wait3A_94 = arith.constant 0 : i32
        %dma_wait3A_95 = tpu.memref_slice %arg4[%mul3A_87, %dma_wait3A_94] : memref<16384x128xf32, #tpu.memory_space<hbm>> -> memref<512x128xf32, #tpu.memory_space<hbm>>
        tpu.wait_dma2 semaphore(%run_scoped3A : memref<!tpu.dma_semaphore, #tpu.memory_space<semaphore_mem>>) src(%arg6 : memref<512x128xf32, #tpu.memory_space<vmem>>) dst(%dma_wait3A_95 : memref<512x128xf32, #tpu.memory_space<hbm>>)
        tpu.yield
      }) : () -> ()
    } else {
    }
    %scan3A_7 = arith.constant 1 : i32
    return
  }
}

#map = affine_map<(d0, d1) -> (0, 0)>
#map1 = affine_map<(d0, d1) -> (0, 0, 0)>
module attributes {stable_mosaic.version = 14 : i64} {
  func.func @k(%arg0: i32, %arg1: i32, %arg2: memref<160000x128xf32, #tpu.memory_space<hbm>>, %arg3: memref<625x4x128xi32, #tpu.memory_space<hbm>>, %arg4: memref<320000x128xf32, #tpu.memory_space<hbm>>, %arg5: memref<4x128xi32, #tpu.memory_space<vmem>>, %arg6: memref<512x128xf32, #tpu.memory_space<vmem>>, %arg7: memref<!tpu.dma_semaphore, #tpu.memory_space<semaphore_mem>>) attributes {dimension_semantics = [#tpu.dimension_semantics<core_parallel>, #tpu.dimension_semantics<subcore_parallel>], iteration_bounds = array<i64: 2, 16>, scalar_prefetch = 0 : i64, scratch_operands = 3 : i64, tpu.core_type = #tpu.core_type<sc_vector_subcore>, window_params = [{transform_indices = #map}, {transform_indices = #map1}, {transform_indices = #map}]} {
    %mul3A = arith.constant 2 : i32
    %mul3A_0 = arith.muli %arg1, %mul3A : i32
    %add3A = arith.addi %mul3A_0, %arg0 : i32
    %scan3A = arith.constant 0 : i32
    %scan3A_1 = arith.constant 0 : i32
    %scan3A_2 = arith.constant 20 : i32
    %scan3A_3 = arith.addi %scan3A_1, %scan3A_2 : i32
    %scan3A_4 = arith.constant 1 : i32
    scf.for %scan3A_6 = %scan3A_1 to %scan3A_3 step %scan3A_4  : i32 {
      %mul3A_7 = arith.constant 32 : i32
      %mul3A_8 = arith.muli %mul3A_7, %scan3A_6 : i32
      %add3A_9 = arith.addi %add3A, %mul3A_8 : i32
      %lt3A = arith.constant 625 : i32
      %lt3A_10 = arith.cmpi slt, %add3A_9, %lt3A : i32
      %convert_element_type3A = arith.extui %lt3A_10 : i1 to i32
      %cond3A = arith.constant 0 : i32
      %cond3A_11 = arith.cmpi ne, %convert_element_type3A, %cond3A : i32
      scf.if %cond3A_11 {
        "tpu.region"() ({
          %run_scoped3A = tpu.sem_alloc : memref<!tpu.dma_semaphore, #tpu.memory_space<semaphore_mem>>
          %dma_start3A_92 = arith.constant 0 : i32
          %dma_start3A_93 = arith.constant 0 : i32
          %dma_start3A_94 = tpu.memref_slice %arg3[%add3A_9, %dma_start3A_92, %dma_start3A_93] : memref<625x4x128xi32, #tpu.memory_space<hbm>> -> memref<1x4x128xi32, #tpu.memory_space<hbm>>
          %dma_start3A_95 = tpu.memref_squeeze %dma_start3A_94 : memref<1x4x128xi32, #tpu.memory_space<hbm>> -> memref<4x128xi32, #tpu.memory_space<hbm>>
          %dma_start3A_96 = arith.constant 0 : i32
          %dma_start3A_97 = arith.constant 0 : i32
          %dma_start3A_98 = tpu.memref_slice %arg3[%add3A_9, %dma_start3A_96, %dma_start3A_97] : memref<625x4x128xi32, #tpu.memory_space<hbm>> -> memref<1x4x128xi32, #tpu.memory_space<hbm>>
          %dma_start3A_99 = tpu.memref_squeeze %dma_start3A_98 : memref<1x4x128xi32, #tpu.memory_space<hbm>> -> memref<4x128xi32, #tpu.memory_space<hbm>>
          tpu.enqueue_dma source(%dma_start3A_99 : memref<4x128xi32, #tpu.memory_space<hbm>>) target(%arg5 : memref<4x128xi32, #tpu.memory_space<vmem>>) target_semaphore(%run_scoped3A : memref<!tpu.dma_semaphore, #tpu.memory_space<semaphore_mem>>)
          %dma_wait3A_100 = arith.constant 0 : i32
          %dma_wait3A_101 = arith.constant 0 : i32
          %dma_wait3A_102 = tpu.memref_slice %arg3[%add3A_9, %dma_wait3A_100, %dma_wait3A_101] : memref<625x4x128xi32, #tpu.memory_space<hbm>> -> memref<1x4x128xi32, #tpu.memory_space<hbm>>
          %dma_wait3A_103 = tpu.memref_squeeze %dma_wait3A_102 : memref<1x4x128xi32, #tpu.memory_space<hbm>> -> memref<4x128xi32, #tpu.memory_space<hbm>>
          %dma_wait3A_104 = arith.constant 0 : i32
          %dma_wait3A_105 = arith.constant 0 : i32
          %dma_wait3A_106 = tpu.memref_slice %arg3[%add3A_9, %dma_wait3A_104, %dma_wait3A_105] : memref<625x4x128xi32, #tpu.memory_space<hbm>> -> memref<1x4x128xi32, #tpu.memory_space<hbm>>
          %dma_wait3A_107 = tpu.memref_squeeze %dma_wait3A_106 : memref<1x4x128xi32, #tpu.memory_space<hbm>> -> memref<4x128xi32, #tpu.memory_space<hbm>>
          tpu.wait_dma2 semaphore(%run_scoped3A : memref<!tpu.dma_semaphore, #tpu.memory_space<semaphore_mem>>) src(%dma_wait3A_107 : memref<4x128xi32, #tpu.memory_space<hbm>>) dst(%arg5 : memref<4x128xi32, #tpu.memory_space<vmem>>)
          tpu.yield
        }) : () -> ()
        %dma_start3A = arith.constant 0 : i32
        %dma_start3A_12 = arith.constant 0 : i32
        %dma_start3A_13 = arith.constant 0 : i32
        %dma_start3A_14 = tpu.memref_slice %arg6[%dma_start3A_12, %dma_start3A_13] : memref<512x128xf32, #tpu.memory_space<vmem>> -> memref<128x128xf32, #tpu.memory_space<vmem>>
        %dma_start3A_15 = arith.constant 0 : i32
        %dma_start3A_16 = tpu.memref_slice %arg5[%dma_start3A, %dma_start3A_15] : memref<4x128xi32, #tpu.memory_space<vmem>> -> memref<1x128xi32, #tpu.memory_space<vmem>>
        %dma_start3A_17 = tpu.memref_squeeze %dma_start3A_16 : memref<1x128xi32, #tpu.memory_space<vmem>> -> memref<128xi32, #tpu.memory_space<vmem>>
        %dma_start3A_18 = arith.constant 0 : i32
        %dma_start3A_19 = arith.constant 0 : i32
        %dma_start3A_20 = tpu.memref_slice %arg2[%dma_start3A_18, %dma_start3A_19] : memref<160000x128xf32, #tpu.memory_space<hbm>> -> memref<160000x128xf32, #tpu.memory_space<hbm>>
        tpu.enqueue_indirect_dma source(%dma_start3A_20 : memref<160000x128xf32, #tpu.memory_space<hbm>>) target(%dma_start3A_14 : memref<128x128xf32, #tpu.memory_space<vmem>>) offsets(%dma_start3A_17 : memref<128xi32, #tpu.memory_space<vmem>>) semaphore(%arg7 : memref<!tpu.dma_semaphore, #tpu.memory_space<semaphore_mem>>)
        %dma_start3A_21 = arith.constant 1 : i32
        %dma_start3A_22 = arith.constant 128 : i32
        %dma_start3A_23 = arith.constant 0 : i32
        %dma_start3A_24 = tpu.memref_slice %arg6[%dma_start3A_22, %dma_start3A_23] : memref<512x128xf32, #tpu.memory_space<vmem>> -> memref<128x128xf32, #tpu.memory_space<vmem>>
        %dma_start3A_25 = arith.constant 0 : i32
        %dma_start3A_26 = tpu.memref_slice %arg5[%dma_start3A_21, %dma_start3A_25] : memref<4x128xi32, #tpu.memory_space<vmem>> -> memref<1x128xi32, #tpu.memory_space<vmem>>
        %dma_start3A_27 = tpu.memref_squeeze %dma_start3A_26 : memref<1x128xi32, #tpu.memory_space<vmem>> -> memref<128xi32, #tpu.memory_space<vmem>>
        %dma_start3A_28 = arith.constant 0 : i32
        %dma_start3A_29 = arith.constant 0 : i32
        %dma_start3A_30 = tpu.memref_slice %arg2[%dma_start3A_28, %dma_start3A_29] : memref<160000x128xf32, #tpu.memory_space<hbm>> -> memref<160000x128xf32, #tpu.memory_space<hbm>>
        tpu.enqueue_indirect_dma source(%dma_start3A_30 : memref<160000x128xf32, #tpu.memory_space<hbm>>) target(%dma_start3A_24 : memref<128x128xf32, #tpu.memory_space<vmem>>) offsets(%dma_start3A_27 : memref<128xi32, #tpu.memory_space<vmem>>) semaphore(%arg7 : memref<!tpu.dma_semaphore, #tpu.memory_space<semaphore_mem>>)
        %dma_start3A_31 = arith.constant 2 : i32
        %dma_start3A_32 = arith.constant 256 : i32
        %dma_start3A_33 = arith.constant 0 : i32
        %dma_start3A_34 = tpu.memref_slice %arg6[%dma_start3A_32, %dma_start3A_33] : memref<512x128xf32, #tpu.memory_space<vmem>> -> memref<128x128xf32, #tpu.memory_space<vmem>>
        %dma_start3A_35 = arith.constant 0 : i32
        %dma_start3A_36 = tpu.memref_slice %arg5[%dma_start3A_31, %dma_start3A_35] : memref<4x128xi32, #tpu.memory_space<vmem>> -> memref<1x128xi32, #tpu.memory_space<vmem>>
        %dma_start3A_37 = tpu.memref_squeeze %dma_start3A_36 : memref<1x128xi32, #tpu.memory_space<vmem>> -> memref<128xi32, #tpu.memory_space<vmem>>
        %dma_start3A_38 = arith.constant 0 : i32
        %dma_start3A_39 = arith.constant 0 : i32
        %dma_start3A_40 = tpu.memref_slice %arg2[%dma_start3A_38, %dma_start3A_39] : memref<160000x128xf32, #tpu.memory_space<hbm>> -> memref<160000x128xf32, #tpu.memory_space<hbm>>
        tpu.enqueue_indirect_dma source(%dma_start3A_40 : memref<160000x128xf32, #tpu.memory_space<hbm>>) target(%dma_start3A_34 : memref<128x128xf32, #tpu.memory_space<vmem>>) offsets(%dma_start3A_37 : memref<128xi32, #tpu.memory_space<vmem>>) semaphore(%arg7 : memref<!tpu.dma_semaphore, #tpu.memory_space<semaphore_mem>>)
        %dma_start3A_41 = arith.constant 3 : i32
        %dma_start3A_42 = arith.constant 384 : i32
        %dma_start3A_43 = arith.constant 0 : i32
        %dma_start3A_44 = tpu.memref_slice %arg6[%dma_start3A_42, %dma_start3A_43] : memref<512x128xf32, #tpu.memory_space<vmem>> -> memref<128x128xf32, #tpu.memory_space<vmem>>
        %dma_start3A_45 = arith.constant 0 : i32
        %dma_start3A_46 = tpu.memref_slice %arg5[%dma_start3A_41, %dma_start3A_45] : memref<4x128xi32, #tpu.memory_space<vmem>> -> memref<1x128xi32, #tpu.memory_space<vmem>>
        %dma_start3A_47 = tpu.memref_squeeze %dma_start3A_46 : memref<1x128xi32, #tpu.memory_space<vmem>> -> memref<128xi32, #tpu.memory_space<vmem>>
        %dma_start3A_48 = arith.constant 0 : i32
        %dma_start3A_49 = arith.constant 0 : i32
        %dma_start3A_50 = tpu.memref_slice %arg2[%dma_start3A_48, %dma_start3A_49] : memref<160000x128xf32, #tpu.memory_space<hbm>> -> memref<160000x128xf32, #tpu.memory_space<hbm>>
        tpu.enqueue_indirect_dma source(%dma_start3A_50 : memref<160000x128xf32, #tpu.memory_space<hbm>>) target(%dma_start3A_44 : memref<128x128xf32, #tpu.memory_space<vmem>>) offsets(%dma_start3A_47 : memref<128xi32, #tpu.memory_space<vmem>>) semaphore(%arg7 : memref<!tpu.dma_semaphore, #tpu.memory_space<semaphore_mem>>)
        %dma_wait3A = arith.constant 0 : i32
        %dma_wait3A_51 = arith.constant 0 : i32
        %dma_wait3A_52 = arith.constant 0 : i32
        %dma_wait3A_53 = tpu.memref_slice %arg6[%dma_wait3A_51, %dma_wait3A_52] : memref<512x128xf32, #tpu.memory_space<vmem>> -> memref<128x128xf32, #tpu.memory_space<vmem>>
        %dma_wait3A_54 = arith.constant 0 : i32
        %dma_wait3A_55 = tpu.memref_slice %arg5[%dma_wait3A, %dma_wait3A_54] : memref<4x128xi32, #tpu.memory_space<vmem>> -> memref<1x128xi32, #tpu.memory_space<vmem>>
        %dma_wait3A_56 = tpu.memref_squeeze %dma_wait3A_55 : memref<1x128xi32, #tpu.memory_space<vmem>> -> memref<128xi32, #tpu.memory_space<vmem>>
        %dma_wait3A_57 = arith.constant 0 : i32
        %dma_wait3A_58 = arith.constant 0 : i32
        %dma_wait3A_59 = tpu.memref_slice %arg2[%dma_wait3A_57, %dma_wait3A_58] : memref<160000x128xf32, #tpu.memory_space<hbm>> -> memref<160000x128xf32, #tpu.memory_space<hbm>>
        tpu.wait_indirect_dma semaphore(%arg7 : memref<!tpu.dma_semaphore, #tpu.memory_space<semaphore_mem>>) src(%dma_wait3A_59 : memref<160000x128xf32, #tpu.memory_space<hbm>>) dst(%dma_wait3A_53 : memref<128x128xf32, #tpu.memory_space<vmem>>)
        %dma_wait3A_60 = arith.constant 1 : i32
        %dma_wait3A_61 = arith.constant 128 : i32
        %dma_wait3A_62 = arith.constant 0 : i32
        %dma_wait3A_63 = tpu.memref_slice %arg6[%dma_wait3A_61, %dma_wait3A_62] : memref<512x128xf32, #tpu.memory_space<vmem>> -> memref<128x128xf32, #tpu.memory_space<vmem>>
        %dma_wait3A_64 = arith.constant 0 : i32
        %dma_wait3A_65 = tpu.memref_slice %arg5[%dma_wait3A_60, %dma_wait3A_64] : memref<4x128xi32, #tpu.memory_space<vmem>> -> memref<1x128xi32, #tpu.memory_space<vmem>>
        %dma_wait3A_66 = tpu.memref_squeeze %dma_wait3A_65 : memref<1x128xi32, #tpu.memory_space<vmem>> -> memref<128xi32, #tpu.memory_space<vmem>>
        %dma_wait3A_67 = arith.constant 0 : i32
        %dma_wait3A_68 = arith.constant 0 : i32
        %dma_wait3A_69 = tpu.memref_slice %arg2[%dma_wait3A_67, %dma_wait3A_68] : memref<160000x128xf32, #tpu.memory_space<hbm>> -> memref<160000x128xf32, #tpu.memory_space<hbm>>
        tpu.wait_indirect_dma semaphore(%arg7 : memref<!tpu.dma_semaphore, #tpu.memory_space<semaphore_mem>>) src(%dma_wait3A_69 : memref<160000x128xf32, #tpu.memory_space<hbm>>) dst(%dma_wait3A_63 : memref<128x128xf32, #tpu.memory_space<vmem>>)
        %dma_wait3A_70 = arith.constant 2 : i32
        %dma_wait3A_71 = arith.constant 256 : i32
        %dma_wait3A_72 = arith.constant 0 : i32
        %dma_wait3A_73 = tpu.memref_slice %arg6[%dma_wait3A_71, %dma_wait3A_72] : memref<512x128xf32, #tpu.memory_space<vmem>> -> memref<128x128xf32, #tpu.memory_space<vmem>>
        %dma_wait3A_74 = arith.constant 0 : i32
        %dma_wait3A_75 = tpu.memref_slice %arg5[%dma_wait3A_70, %dma_wait3A_74] : memref<4x128xi32, #tpu.memory_space<vmem>> -> memref<1x128xi32, #tpu.memory_space<vmem>>
        %dma_wait3A_76 = tpu.memref_squeeze %dma_wait3A_75 : memref<1x128xi32, #tpu.memory_space<vmem>> -> memref<128xi32, #tpu.memory_space<vmem>>
        %dma_wait3A_77 = arith.constant 0 : i32
        %dma_wait3A_78 = arith.constant 0 : i32
        %dma_wait3A_79 = tpu.memref_slice %arg2[%dma_wait3A_77, %dma_wait3A_78] : memref<160000x128xf32, #tpu.memory_space<hbm>> -> memref<160000x128xf32, #tpu.memory_space<hbm>>
        tpu.wait_indirect_dma semaphore(%arg7 : memref<!tpu.dma_semaphore, #tpu.memory_space<semaphore_mem>>) src(%dma_wait3A_79 : memref<160000x128xf32, #tpu.memory_space<hbm>>) dst(%dma_wait3A_73 : memref<128x128xf32, #tpu.memory_space<vmem>>)
        %dma_wait3A_80 = arith.constant 3 : i32
        %dma_wait3A_81 = arith.constant 384 : i32
        %dma_wait3A_82 = arith.constant 0 : i32
        %dma_wait3A_83 = tpu.memref_slice %arg6[%dma_wait3A_81, %dma_wait3A_82] : memref<512x128xf32, #tpu.memory_space<vmem>> -> memref<128x128xf32, #tpu.memory_space<vmem>>
        %dma_wait3A_84 = arith.constant 0 : i32
        %dma_wait3A_85 = tpu.memref_slice %arg5[%dma_wait3A_80, %dma_wait3A_84] : memref<4x128xi32, #tpu.memory_space<vmem>> -> memref<1x128xi32, #tpu.memory_space<vmem>>
        %dma_wait3A_86 = tpu.memref_squeeze %dma_wait3A_85 : memref<1x128xi32, #tpu.memory_space<vmem>> -> memref<128xi32, #tpu.memory_space<vmem>>
        %dma_wait3A_87 = arith.constant 0 : i32
        %dma_wait3A_88 = arith.constant 0 : i32
        %dma_wait3A_89 = tpu.memref_slice %arg2[%dma_wait3A_87, %dma_wait3A_88] : memref<160000x128xf32, #tpu.memory_space<hbm>> -> memref<160000x128xf32, #tpu.memory_space<hbm>>
        tpu.wait_indirect_dma semaphore(%arg7 : memref<!tpu.dma_semaphore, #tpu.memory_space<semaphore_mem>>) src(%dma_wait3A_89 : memref<160000x128xf32, #tpu.memory_space<hbm>>) dst(%dma_wait3A_83 : memref<128x128xf32, #tpu.memory_space<vmem>>)
        %mul3A_90 = arith.constant 512 : i32
        %mul3A_91 = arith.muli %add3A_9, %mul3A_90 : i32
        "tpu.region"() ({
          %run_scoped3A = tpu.sem_alloc : memref<!tpu.dma_semaphore, #tpu.memory_space<semaphore_mem>>
          %dma_start3A_92 = arith.constant 0 : i32
          %dma_start3A_93 = tpu.memref_slice %arg4[%mul3A_91, %dma_start3A_92] : memref<320000x128xf32, #tpu.memory_space<hbm>> -> memref<512x128xf32, #tpu.memory_space<hbm>>
          %dma_start3A_94 = arith.constant 0 : i32
          %dma_start3A_95 = tpu.memref_slice %arg4[%mul3A_91, %dma_start3A_94] : memref<320000x128xf32, #tpu.memory_space<hbm>> -> memref<512x128xf32, #tpu.memory_space<hbm>>
          tpu.enqueue_dma source(%arg6 : memref<512x128xf32, #tpu.memory_space<vmem>>) target(%dma_start3A_95 : memref<512x128xf32, #tpu.memory_space<hbm>>) target_semaphore(%run_scoped3A : memref<!tpu.dma_semaphore, #tpu.memory_space<semaphore_mem>>)
          %dma_wait3A_96 = arith.constant 0 : i32
          %dma_wait3A_97 = tpu.memref_slice %arg4[%mul3A_91, %dma_wait3A_96] : memref<320000x128xf32, #tpu.memory_space<hbm>> -> memref<512x128xf32, #tpu.memory_space<hbm>>
          %dma_wait3A_98 = arith.constant 0 : i32
          %dma_wait3A_99 = tpu.memref_slice %arg4[%mul3A_91, %dma_wait3A_98] : memref<320000x128xf32, #tpu.memory_space<hbm>> -> memref<512x128xf32, #tpu.memory_space<hbm>>
          tpu.wait_dma2 semaphore(%run_scoped3A : memref<!tpu.dma_semaphore, #tpu.memory_space<semaphore_mem>>) src(%arg6 : memref<512x128xf32, #tpu.memory_space<vmem>>) dst(%dma_wait3A_99 : memref<512x128xf32, #tpu.memory_space<hbm>>)
          tpu.yield
        }) : () -> ()
      } else {
      }
    }
    %scan3A_5 = arith.constant 20 : i32
    return
  }
}

#map = affine_map<(d0, d1) -> (0, 0)>
#map1 = affine_map<(d0, d1) -> (0, 0, 0)>
module attributes {stable_mosaic.version = 14 : i64} {
  func.func @k(%arg0: i32, %arg1: i32, %arg2: memref<10000x128xf32, #tpu.memory_space<hbm>>, %arg3: memref<625x4x128xi32, #tpu.memory_space<hbm>>, %arg4: memref<320000x128xf32, #tpu.memory_space<hbm>>, %arg5: memref<4x128xi32, #tpu.memory_space<vmem>>, %arg6: memref<512x128xf32, #tpu.memory_space<vmem>>, %arg7: memref<!tpu.dma_semaphore, #tpu.memory_space<semaphore_mem>>) attributes {dimension_semantics = [#tpu.dimension_semantics<core_parallel>, #tpu.dimension_semantics<subcore_parallel>], iteration_bounds = array<i64: 2, 16>, scalar_prefetch = 0 : i64, scratch_operands = 3 : i64, tpu.core_type = #tpu.core_type<sc_vector_subcore>, window_params = [{transform_indices = #map}, {transform_indices = #map1}, {transform_indices = #map}]} {
    %mul3A = arith.constant 2 : i32
    %mul3A_0 = arith.muli %arg1, %mul3A : i32
    %add3A = arith.addi %mul3A_0, %arg0 : i32
    %scan3A = arith.constant 0 : i32
    %scan3A_1 = arith.constant 0 : i32
    %scan3A_2 = arith.constant 20 : i32
    %scan3A_3 = arith.addi %scan3A_1, %scan3A_2 : i32
    %scan3A_4 = arith.constant 1 : i32
    scf.for %scan3A_6 = %scan3A_1 to %scan3A_3 step %scan3A_4  : i32 {
      %mul3A_7 = arith.constant 32 : i32
      %mul3A_8 = arith.muli %mul3A_7, %scan3A_6 : i32
      %add3A_9 = arith.addi %add3A, %mul3A_8 : i32
      %lt3A = arith.constant 625 : i32
      %lt3A_10 = arith.cmpi slt, %add3A_9, %lt3A : i32
      %convert_element_type3A = arith.extui %lt3A_10 : i1 to i32
      %cond3A = arith.constant 0 : i32
      %cond3A_11 = arith.cmpi ne, %convert_element_type3A, %cond3A : i32
      scf.if %cond3A_11 {
        "tpu.region"() ({
          %run_scoped3A = tpu.sem_alloc : memref<!tpu.dma_semaphore, #tpu.memory_space<semaphore_mem>>
          %dma_start3A_92 = arith.constant 0 : i32
          %dma_start3A_93 = arith.constant 0 : i32
          %dma_start3A_94 = tpu.memref_slice %arg3[%add3A_9, %dma_start3A_92, %dma_start3A_93] : memref<625x4x128xi32, #tpu.memory_space<hbm>> -> memref<1x4x128xi32, #tpu.memory_space<hbm>>
          %dma_start3A_95 = tpu.memref_squeeze %dma_start3A_94 : memref<1x4x128xi32, #tpu.memory_space<hbm>> -> memref<4x128xi32, #tpu.memory_space<hbm>>
          %dma_start3A_96 = arith.constant 0 : i32
          %dma_start3A_97 = arith.constant 0 : i32
          %dma_start3A_98 = tpu.memref_slice %arg3[%add3A_9, %dma_start3A_96, %dma_start3A_97] : memref<625x4x128xi32, #tpu.memory_space<hbm>> -> memref<1x4x128xi32, #tpu.memory_space<hbm>>
          %dma_start3A_99 = tpu.memref_squeeze %dma_start3A_98 : memref<1x4x128xi32, #tpu.memory_space<hbm>> -> memref<4x128xi32, #tpu.memory_space<hbm>>
          tpu.enqueue_dma source(%dma_start3A_99 : memref<4x128xi32, #tpu.memory_space<hbm>>) target(%arg5 : memref<4x128xi32, #tpu.memory_space<vmem>>) target_semaphore(%run_scoped3A : memref<!tpu.dma_semaphore, #tpu.memory_space<semaphore_mem>>)
          %dma_wait3A_100 = arith.constant 0 : i32
          %dma_wait3A_101 = arith.constant 0 : i32
          %dma_wait3A_102 = tpu.memref_slice %arg3[%add3A_9, %dma_wait3A_100, %dma_wait3A_101] : memref<625x4x128xi32, #tpu.memory_space<hbm>> -> memref<1x4x128xi32, #tpu.memory_space<hbm>>
          %dma_wait3A_103 = tpu.memref_squeeze %dma_wait3A_102 : memref<1x4x128xi32, #tpu.memory_space<hbm>> -> memref<4x128xi32, #tpu.memory_space<hbm>>
          %dma_wait3A_104 = arith.constant 0 : i32
          %dma_wait3A_105 = arith.constant 0 : i32
          %dma_wait3A_106 = tpu.memref_slice %arg3[%add3A_9, %dma_wait3A_104, %dma_wait3A_105] : memref<625x4x128xi32, #tpu.memory_space<hbm>> -> memref<1x4x128xi32, #tpu.memory_space<hbm>>
          %dma_wait3A_107 = tpu.memref_squeeze %dma_wait3A_106 : memref<1x4x128xi32, #tpu.memory_space<hbm>> -> memref<4x128xi32, #tpu.memory_space<hbm>>
          tpu.wait_dma2 semaphore(%run_scoped3A : memref<!tpu.dma_semaphore, #tpu.memory_space<semaphore_mem>>) src(%dma_wait3A_107 : memref<4x128xi32, #tpu.memory_space<hbm>>) dst(%arg5 : memref<4x128xi32, #tpu.memory_space<vmem>>)
          tpu.yield
        }) : () -> ()
        %dma_start3A = arith.constant 0 : i32
        %dma_start3A_12 = arith.constant 0 : i32
        %dma_start3A_13 = arith.constant 0 : i32
        %dma_start3A_14 = tpu.memref_slice %arg6[%dma_start3A_12, %dma_start3A_13] : memref<512x128xf32, #tpu.memory_space<vmem>> -> memref<128x128xf32, #tpu.memory_space<vmem>>
        %dma_start3A_15 = arith.constant 0 : i32
        %dma_start3A_16 = tpu.memref_slice %arg5[%dma_start3A, %dma_start3A_15] : memref<4x128xi32, #tpu.memory_space<vmem>> -> memref<1x128xi32, #tpu.memory_space<vmem>>
        %dma_start3A_17 = tpu.memref_squeeze %dma_start3A_16 : memref<1x128xi32, #tpu.memory_space<vmem>> -> memref<128xi32, #tpu.memory_space<vmem>>
        %dma_start3A_18 = arith.constant 0 : i32
        %dma_start3A_19 = arith.constant 0 : i32
        %dma_start3A_20 = tpu.memref_slice %arg2[%dma_start3A_18, %dma_start3A_19] : memref<10000x128xf32, #tpu.memory_space<hbm>> -> memref<10000x128xf32, #tpu.memory_space<hbm>>
        tpu.enqueue_indirect_dma source(%dma_start3A_20 : memref<10000x128xf32, #tpu.memory_space<hbm>>) target(%dma_start3A_14 : memref<128x128xf32, #tpu.memory_space<vmem>>) offsets(%dma_start3A_17 : memref<128xi32, #tpu.memory_space<vmem>>) semaphore(%arg7 : memref<!tpu.dma_semaphore, #tpu.memory_space<semaphore_mem>>)
        %dma_start3A_21 = arith.constant 1 : i32
        %dma_start3A_22 = arith.constant 128 : i32
        %dma_start3A_23 = arith.constant 0 : i32
        %dma_start3A_24 = tpu.memref_slice %arg6[%dma_start3A_22, %dma_start3A_23] : memref<512x128xf32, #tpu.memory_space<vmem>> -> memref<128x128xf32, #tpu.memory_space<vmem>>
        %dma_start3A_25 = arith.constant 0 : i32
        %dma_start3A_26 = tpu.memref_slice %arg5[%dma_start3A_21, %dma_start3A_25] : memref<4x128xi32, #tpu.memory_space<vmem>> -> memref<1x128xi32, #tpu.memory_space<vmem>>
        %dma_start3A_27 = tpu.memref_squeeze %dma_start3A_26 : memref<1x128xi32, #tpu.memory_space<vmem>> -> memref<128xi32, #tpu.memory_space<vmem>>
        %dma_start3A_28 = arith.constant 0 : i32
        %dma_start3A_29 = arith.constant 0 : i32
        %dma_start3A_30 = tpu.memref_slice %arg2[%dma_start3A_28, %dma_start3A_29] : memref<10000x128xf32, #tpu.memory_space<hbm>> -> memref<10000x128xf32, #tpu.memory_space<hbm>>
        tpu.enqueue_indirect_dma source(%dma_start3A_30 : memref<10000x128xf32, #tpu.memory_space<hbm>>) target(%dma_start3A_24 : memref<128x128xf32, #tpu.memory_space<vmem>>) offsets(%dma_start3A_27 : memref<128xi32, #tpu.memory_space<vmem>>) semaphore(%arg7 : memref<!tpu.dma_semaphore, #tpu.memory_space<semaphore_mem>>)
        %dma_start3A_31 = arith.constant 2 : i32
        %dma_start3A_32 = arith.constant 256 : i32
        %dma_start3A_33 = arith.constant 0 : i32
        %dma_start3A_34 = tpu.memref_slice %arg6[%dma_start3A_32, %dma_start3A_33] : memref<512x128xf32, #tpu.memory_space<vmem>> -> memref<128x128xf32, #tpu.memory_space<vmem>>
        %dma_start3A_35 = arith.constant 0 : i32
        %dma_start3A_36 = tpu.memref_slice %arg5[%dma_start3A_31, %dma_start3A_35] : memref<4x128xi32, #tpu.memory_space<vmem>> -> memref<1x128xi32, #tpu.memory_space<vmem>>
        %dma_start3A_37 = tpu.memref_squeeze %dma_start3A_36 : memref<1x128xi32, #tpu.memory_space<vmem>> -> memref<128xi32, #tpu.memory_space<vmem>>
        %dma_start3A_38 = arith.constant 0 : i32
        %dma_start3A_39 = arith.constant 0 : i32
        %dma_start3A_40 = tpu.memref_slice %arg2[%dma_start3A_38, %dma_start3A_39] : memref<10000x128xf32, #tpu.memory_space<hbm>> -> memref<10000x128xf32, #tpu.memory_space<hbm>>
        tpu.enqueue_indirect_dma source(%dma_start3A_40 : memref<10000x128xf32, #tpu.memory_space<hbm>>) target(%dma_start3A_34 : memref<128x128xf32, #tpu.memory_space<vmem>>) offsets(%dma_start3A_37 : memref<128xi32, #tpu.memory_space<vmem>>) semaphore(%arg7 : memref<!tpu.dma_semaphore, #tpu.memory_space<semaphore_mem>>)
        %dma_start3A_41 = arith.constant 3 : i32
        %dma_start3A_42 = arith.constant 384 : i32
        %dma_start3A_43 = arith.constant 0 : i32
        %dma_start3A_44 = tpu.memref_slice %arg6[%dma_start3A_42, %dma_start3A_43] : memref<512x128xf32, #tpu.memory_space<vmem>> -> memref<128x128xf32, #tpu.memory_space<vmem>>
        %dma_start3A_45 = arith.constant 0 : i32
        %dma_start3A_46 = tpu.memref_slice %arg5[%dma_start3A_41, %dma_start3A_45] : memref<4x128xi32, #tpu.memory_space<vmem>> -> memref<1x128xi32, #tpu.memory_space<vmem>>
        %dma_start3A_47 = tpu.memref_squeeze %dma_start3A_46 : memref<1x128xi32, #tpu.memory_space<vmem>> -> memref<128xi32, #tpu.memory_space<vmem>>
        %dma_start3A_48 = arith.constant 0 : i32
        %dma_start3A_49 = arith.constant 0 : i32
        %dma_start3A_50 = tpu.memref_slice %arg2[%dma_start3A_48, %dma_start3A_49] : memref<10000x128xf32, #tpu.memory_space<hbm>> -> memref<10000x128xf32, #tpu.memory_space<hbm>>
        tpu.enqueue_indirect_dma source(%dma_start3A_50 : memref<10000x128xf32, #tpu.memory_space<hbm>>) target(%dma_start3A_44 : memref<128x128xf32, #tpu.memory_space<vmem>>) offsets(%dma_start3A_47 : memref<128xi32, #tpu.memory_space<vmem>>) semaphore(%arg7 : memref<!tpu.dma_semaphore, #tpu.memory_space<semaphore_mem>>)
        %dma_wait3A = arith.constant 0 : i32
        %dma_wait3A_51 = arith.constant 0 : i32
        %dma_wait3A_52 = arith.constant 0 : i32
        %dma_wait3A_53 = tpu.memref_slice %arg6[%dma_wait3A_51, %dma_wait3A_52] : memref<512x128xf32, #tpu.memory_space<vmem>> -> memref<128x128xf32, #tpu.memory_space<vmem>>
        %dma_wait3A_54 = arith.constant 0 : i32
        %dma_wait3A_55 = tpu.memref_slice %arg5[%dma_wait3A, %dma_wait3A_54] : memref<4x128xi32, #tpu.memory_space<vmem>> -> memref<1x128xi32, #tpu.memory_space<vmem>>
        %dma_wait3A_56 = tpu.memref_squeeze %dma_wait3A_55 : memref<1x128xi32, #tpu.memory_space<vmem>> -> memref<128xi32, #tpu.memory_space<vmem>>
        %dma_wait3A_57 = arith.constant 0 : i32
        %dma_wait3A_58 = arith.constant 0 : i32
        %dma_wait3A_59 = tpu.memref_slice %arg2[%dma_wait3A_57, %dma_wait3A_58] : memref<10000x128xf32, #tpu.memory_space<hbm>> -> memref<10000x128xf32, #tpu.memory_space<hbm>>
        tpu.wait_indirect_dma semaphore(%arg7 : memref<!tpu.dma_semaphore, #tpu.memory_space<semaphore_mem>>) src(%dma_wait3A_59 : memref<10000x128xf32, #tpu.memory_space<hbm>>) dst(%dma_wait3A_53 : memref<128x128xf32, #tpu.memory_space<vmem>>)
        %dma_wait3A_60 = arith.constant 1 : i32
        %dma_wait3A_61 = arith.constant 128 : i32
        %dma_wait3A_62 = arith.constant 0 : i32
        %dma_wait3A_63 = tpu.memref_slice %arg6[%dma_wait3A_61, %dma_wait3A_62] : memref<512x128xf32, #tpu.memory_space<vmem>> -> memref<128x128xf32, #tpu.memory_space<vmem>>
        %dma_wait3A_64 = arith.constant 0 : i32
        %dma_wait3A_65 = tpu.memref_slice %arg5[%dma_wait3A_60, %dma_wait3A_64] : memref<4x128xi32, #tpu.memory_space<vmem>> -> memref<1x128xi32, #tpu.memory_space<vmem>>
        %dma_wait3A_66 = tpu.memref_squeeze %dma_wait3A_65 : memref<1x128xi32, #tpu.memory_space<vmem>> -> memref<128xi32, #tpu.memory_space<vmem>>
        %dma_wait3A_67 = arith.constant 0 : i32
        %dma_wait3A_68 = arith.constant 0 : i32
        %dma_wait3A_69 = tpu.memref_slice %arg2[%dma_wait3A_67, %dma_wait3A_68] : memref<10000x128xf32, #tpu.memory_space<hbm>> -> memref<10000x128xf32, #tpu.memory_space<hbm>>
        tpu.wait_indirect_dma semaphore(%arg7 : memref<!tpu.dma_semaphore, #tpu.memory_space<semaphore_mem>>) src(%dma_wait3A_69 : memref<10000x128xf32, #tpu.memory_space<hbm>>) dst(%dma_wait3A_63 : memref<128x128xf32, #tpu.memory_space<vmem>>)
        %dma_wait3A_70 = arith.constant 2 : i32
        %dma_wait3A_71 = arith.constant 256 : i32
        %dma_wait3A_72 = arith.constant 0 : i32
        %dma_wait3A_73 = tpu.memref_slice %arg6[%dma_wait3A_71, %dma_wait3A_72] : memref<512x128xf32, #tpu.memory_space<vmem>> -> memref<128x128xf32, #tpu.memory_space<vmem>>
        %dma_wait3A_74 = arith.constant 0 : i32
        %dma_wait3A_75 = tpu.memref_slice %arg5[%dma_wait3A_70, %dma_wait3A_74] : memref<4x128xi32, #tpu.memory_space<vmem>> -> memref<1x128xi32, #tpu.memory_space<vmem>>
        %dma_wait3A_76 = tpu.memref_squeeze %dma_wait3A_75 : memref<1x128xi32, #tpu.memory_space<vmem>> -> memref<128xi32, #tpu.memory_space<vmem>>
        %dma_wait3A_77 = arith.constant 0 : i32
        %dma_wait3A_78 = arith.constant 0 : i32
        %dma_wait3A_79 = tpu.memref_slice %arg2[%dma_wait3A_77, %dma_wait3A_78] : memref<10000x128xf32, #tpu.memory_space<hbm>> -> memref<10000x128xf32, #tpu.memory_space<hbm>>
        tpu.wait_indirect_dma semaphore(%arg7 : memref<!tpu.dma_semaphore, #tpu.memory_space<semaphore_mem>>) src(%dma_wait3A_79 : memref<10000x128xf32, #tpu.memory_space<hbm>>) dst(%dma_wait3A_73 : memref<128x128xf32, #tpu.memory_space<vmem>>)
        %dma_wait3A_80 = arith.constant 3 : i32
        %dma_wait3A_81 = arith.constant 384 : i32
        %dma_wait3A_82 = arith.constant 0 : i32
        %dma_wait3A_83 = tpu.memref_slice %arg6[%dma_wait3A_81, %dma_wait3A_82] : memref<512x128xf32, #tpu.memory_space<vmem>> -> memref<128x128xf32, #tpu.memory_space<vmem>>
        %dma_wait3A_84 = arith.constant 0 : i32
        %dma_wait3A_85 = tpu.memref_slice %arg5[%dma_wait3A_80, %dma_wait3A_84] : memref<4x128xi32, #tpu.memory_space<vmem>> -> memref<1x128xi32, #tpu.memory_space<vmem>>
        %dma_wait3A_86 = tpu.memref_squeeze %dma_wait3A_85 : memref<1x128xi32, #tpu.memory_space<vmem>> -> memref<128xi32, #tpu.memory_space<vmem>>
        %dma_wait3A_87 = arith.constant 0 : i32
        %dma_wait3A_88 = arith.constant 0 : i32
        %dma_wait3A_89 = tpu.memref_slice %arg2[%dma_wait3A_87, %dma_wait3A_88] : memref<10000x128xf32, #tpu.memory_space<hbm>> -> memref<10000x128xf32, #tpu.memory_space<hbm>>
        tpu.wait_indirect_dma semaphore(%arg7 : memref<!tpu.dma_semaphore, #tpu.memory_space<semaphore_mem>>) src(%dma_wait3A_89 : memref<10000x128xf32, #tpu.memory_space<hbm>>) dst(%dma_wait3A_83 : memref<128x128xf32, #tpu.memory_space<vmem>>)
        %mul3A_90 = arith.constant 512 : i32
        %mul3A_91 = arith.muli %add3A_9, %mul3A_90 : i32
        "tpu.region"() ({
          %run_scoped3A = tpu.sem_alloc : memref<!tpu.dma_semaphore, #tpu.memory_space<semaphore_mem>>
          %dma_start3A_92 = arith.constant 0 : i32
          %dma_start3A_93 = tpu.memref_slice %arg4[%mul3A_91, %dma_start3A_92] : memref<320000x128xf32, #tpu.memory_space<hbm>> -> memref<512x128xf32, #tpu.memory_space<hbm>>
          %dma_start3A_94 = arith.constant 0 : i32
          %dma_start3A_95 = tpu.memref_slice %arg4[%mul3A_91, %dma_start3A_94] : memref<320000x128xf32, #tpu.memory_space<hbm>> -> memref<512x128xf32, #tpu.memory_space<hbm>>
          tpu.enqueue_dma source(%arg6 : memref<512x128xf32, #tpu.memory_space<vmem>>) target(%dma_start3A_95 : memref<512x128xf32, #tpu.memory_space<hbm>>) target_semaphore(%run_scoped3A : memref<!tpu.dma_semaphore, #tpu.memory_space<semaphore_mem>>)
          %dma_wait3A_96 = arith.constant 0 : i32
          %dma_wait3A_97 = tpu.memref_slice %arg4[%mul3A_91, %dma_wait3A_96] : memref<320000x128xf32, #tpu.memory_space<hbm>> -> memref<512x128xf32, #tpu.memory_space<hbm>>
          %dma_wait3A_98 = arith.constant 0 : i32
          %dma_wait3A_99 = tpu.memref_slice %arg4[%mul3A_91, %dma_wait3A_98] : memref<320000x128xf32, #tpu.memory_space<hbm>> -> memref<512x128xf32, #tpu.memory_space<hbm>>
          tpu.wait_dma2 semaphore(%run_scoped3A : memref<!tpu.dma_semaphore, #tpu.memory_space<semaphore_mem>>) src(%arg6 : memref<512x128xf32, #tpu.memory_space<vmem>>) dst(%dma_wait3A_99 : memref<512x128xf32, #tpu.memory_space<hbm>>)
          tpu.yield
        }) : () -> ()
      } else {
      }
    }
    %scan3A_5 = arith.constant 20 : i32
    return
  }
}

#map = affine_map<(d0, d1) -> (0, 0)>
#map1 = affine_map<(d0, d1) -> (0, 0, 0)>
module attributes {stable_mosaic.version = 14 : i64} {
  func.func @k(%arg0: i32, %arg1: i32, %arg2: memref<10000x128xf32, #tpu.memory_space<hbm>>, %arg3: memref<625x4x128xi32, #tpu.memory_space<hbm>>, %arg4: memref<320000x128xf32, #tpu.memory_space<hbm>>, %arg5: memref<4x128xi32, #tpu.memory_space<vmem>>, %arg6: memref<512x128xf32, #tpu.memory_space<vmem>>, %arg7: memref<!tpu.dma_semaphore, #tpu.memory_space<semaphore_mem>>) attributes {dimension_semantics = [#tpu.dimension_semantics<core_parallel>, #tpu.dimension_semantics<subcore_parallel>], iteration_bounds = array<i64: 2, 16>, scalar_prefetch = 0 : i64, scratch_operands = 3 : i64, tpu.core_type = #tpu.core_type<sc_vector_subcore>, window_params = [{transform_indices = #map}, {transform_indices = #map1}, {transform_indices = #map}]} {
    %mul3A = arith.constant 2 : i32
    %mul3A_0 = arith.muli %arg1, %mul3A : i32
    %add3A = arith.addi %mul3A_0, %arg0 : i32
    %scan3A = arith.constant 0 : i32
    %scan3A_1 = arith.constant 0 : i32
    %scan3A_2 = arith.constant 20 : i32
    %scan3A_3 = arith.addi %scan3A_1, %scan3A_2 : i32
    %scan3A_4 = arith.constant 1 : i32
    scf.for %scan3A_6 = %scan3A_1 to %scan3A_3 step %scan3A_4  : i32 {
      %mul3A_7 = arith.constant 32 : i32
      %mul3A_8 = arith.muli %mul3A_7, %scan3A_6 : i32
      %add3A_9 = arith.addi %add3A, %mul3A_8 : i32
      %lt3A = arith.constant 625 : i32
      %lt3A_10 = arith.cmpi slt, %add3A_9, %lt3A : i32
      %convert_element_type3A = arith.extui %lt3A_10 : i1 to i32
      %cond3A = arith.constant 0 : i32
      %cond3A_11 = arith.cmpi ne, %convert_element_type3A, %cond3A : i32
      scf.if %cond3A_11 {
        "tpu.region"() ({
          %run_scoped3A = tpu.sem_alloc : memref<!tpu.dma_semaphore, #tpu.memory_space<semaphore_mem>>
          %dma_start3A_92 = arith.constant 0 : i32
          %dma_start3A_93 = arith.constant 0 : i32
          %dma_start3A_94 = tpu.memref_slice %arg3[%add3A_9, %dma_start3A_92, %dma_start3A_93] : memref<625x4x128xi32, #tpu.memory_space<hbm>> -> memref<1x4x128xi32, #tpu.memory_space<hbm>>
          %dma_start3A_95 = tpu.memref_squeeze %dma_start3A_94 : memref<1x4x128xi32, #tpu.memory_space<hbm>> -> memref<4x128xi32, #tpu.memory_space<hbm>>
          %dma_start3A_96 = arith.constant 0 : i32
          %dma_start3A_97 = arith.constant 0 : i32
          %dma_start3A_98 = tpu.memref_slice %arg3[%add3A_9, %dma_start3A_96, %dma_start3A_97] : memref<625x4x128xi32, #tpu.memory_space<hbm>> -> memref<1x4x128xi32, #tpu.memory_space<hbm>>
          %dma_start3A_99 = tpu.memref_squeeze %dma_start3A_98 : memref<1x4x128xi32, #tpu.memory_space<hbm>> -> memref<4x128xi32, #tpu.memory_space<hbm>>
          tpu.enqueue_dma source(%dma_start3A_99 : memref<4x128xi32, #tpu.memory_space<hbm>>) target(%arg5 : memref<4x128xi32, #tpu.memory_space<vmem>>) target_semaphore(%run_scoped3A : memref<!tpu.dma_semaphore, #tpu.memory_space<semaphore_mem>>)
          %dma_wait3A_100 = arith.constant 0 : i32
          %dma_wait3A_101 = arith.constant 0 : i32
          %dma_wait3A_102 = tpu.memref_slice %arg3[%add3A_9, %dma_wait3A_100, %dma_wait3A_101] : memref<625x4x128xi32, #tpu.memory_space<hbm>> -> memref<1x4x128xi32, #tpu.memory_space<hbm>>
          %dma_wait3A_103 = tpu.memref_squeeze %dma_wait3A_102 : memref<1x4x128xi32, #tpu.memory_space<hbm>> -> memref<4x128xi32, #tpu.memory_space<hbm>>
          %dma_wait3A_104 = arith.constant 0 : i32
          %dma_wait3A_105 = arith.constant 0 : i32
          %dma_wait3A_106 = tpu.memref_slice %arg3[%add3A_9, %dma_wait3A_104, %dma_wait3A_105] : memref<625x4x128xi32, #tpu.memory_space<hbm>> -> memref<1x4x128xi32, #tpu.memory_space<hbm>>
          %dma_wait3A_107 = tpu.memref_squeeze %dma_wait3A_106 : memref<1x4x128xi32, #tpu.memory_space<hbm>> -> memref<4x128xi32, #tpu.memory_space<hbm>>
          tpu.wait_dma2 semaphore(%run_scoped3A : memref<!tpu.dma_semaphore, #tpu.memory_space<semaphore_mem>>) src(%dma_wait3A_107 : memref<4x128xi32, #tpu.memory_space<hbm>>) dst(%arg5 : memref<4x128xi32, #tpu.memory_space<vmem>>)
          tpu.yield
        }) : () -> ()
        %dma_start3A = arith.constant 0 : i32
        %dma_start3A_12 = arith.constant 0 : i32
        %dma_start3A_13 = arith.constant 0 : i32
        %dma_start3A_14 = tpu.memref_slice %arg6[%dma_start3A_12, %dma_start3A_13] : memref<512x128xf32, #tpu.memory_space<vmem>> -> memref<128x128xf32, #tpu.memory_space<vmem>>
        %dma_start3A_15 = arith.constant 0 : i32
        %dma_start3A_16 = tpu.memref_slice %arg5[%dma_start3A, %dma_start3A_15] : memref<4x128xi32, #tpu.memory_space<vmem>> -> memref<1x128xi32, #tpu.memory_space<vmem>>
        %dma_start3A_17 = tpu.memref_squeeze %dma_start3A_16 : memref<1x128xi32, #tpu.memory_space<vmem>> -> memref<128xi32, #tpu.memory_space<vmem>>
        %dma_start3A_18 = arith.constant 0 : i32
        %dma_start3A_19 = arith.constant 0 : i32
        %dma_start3A_20 = tpu.memref_slice %arg2[%dma_start3A_18, %dma_start3A_19] : memref<10000x128xf32, #tpu.memory_space<hbm>> -> memref<10000x128xf32, #tpu.memory_space<hbm>>
        tpu.enqueue_indirect_dma source(%dma_start3A_20 : memref<10000x128xf32, #tpu.memory_space<hbm>>) target(%dma_start3A_14 : memref<128x128xf32, #tpu.memory_space<vmem>>) offsets(%dma_start3A_17 : memref<128xi32, #tpu.memory_space<vmem>>) semaphore(%arg7 : memref<!tpu.dma_semaphore, #tpu.memory_space<semaphore_mem>>)
        %dma_start3A_21 = arith.constant 1 : i32
        %dma_start3A_22 = arith.constant 128 : i32
        %dma_start3A_23 = arith.constant 0 : i32
        %dma_start3A_24 = tpu.memref_slice %arg6[%dma_start3A_22, %dma_start3A_23] : memref<512x128xf32, #tpu.memory_space<vmem>> -> memref<128x128xf32, #tpu.memory_space<vmem>>
        %dma_start3A_25 = arith.constant 0 : i32
        %dma_start3A_26 = tpu.memref_slice %arg5[%dma_start3A_21, %dma_start3A_25] : memref<4x128xi32, #tpu.memory_space<vmem>> -> memref<1x128xi32, #tpu.memory_space<vmem>>
        %dma_start3A_27 = tpu.memref_squeeze %dma_start3A_26 : memref<1x128xi32, #tpu.memory_space<vmem>> -> memref<128xi32, #tpu.memory_space<vmem>>
        %dma_start3A_28 = arith.constant 0 : i32
        %dma_start3A_29 = arith.constant 0 : i32
        %dma_start3A_30 = tpu.memref_slice %arg2[%dma_start3A_28, %dma_start3A_29] : memref<10000x128xf32, #tpu.memory_space<hbm>> -> memref<10000x128xf32, #tpu.memory_space<hbm>>
        tpu.enqueue_indirect_dma source(%dma_start3A_30 : memref<10000x128xf32, #tpu.memory_space<hbm>>) target(%dma_start3A_24 : memref<128x128xf32, #tpu.memory_space<vmem>>) offsets(%dma_start3A_27 : memref<128xi32, #tpu.memory_space<vmem>>) semaphore(%arg7 : memref<!tpu.dma_semaphore, #tpu.memory_space<semaphore_mem>>)
        %dma_start3A_31 = arith.constant 2 : i32
        %dma_start3A_32 = arith.constant 256 : i32
        %dma_start3A_33 = arith.constant 0 : i32
        %dma_start3A_34 = tpu.memref_slice %arg6[%dma_start3A_32, %dma_start3A_33] : memref<512x128xf32, #tpu.memory_space<vmem>> -> memref<128x128xf32, #tpu.memory_space<vmem>>
        %dma_start3A_35 = arith.constant 0 : i32
        %dma_start3A_36 = tpu.memref_slice %arg5[%dma_start3A_31, %dma_start3A_35] : memref<4x128xi32, #tpu.memory_space<vmem>> -> memref<1x128xi32, #tpu.memory_space<vmem>>
        %dma_start3A_37 = tpu.memref_squeeze %dma_start3A_36 : memref<1x128xi32, #tpu.memory_space<vmem>> -> memref<128xi32, #tpu.memory_space<vmem>>
        %dma_start3A_38 = arith.constant 0 : i32
        %dma_start3A_39 = arith.constant 0 : i32
        %dma_start3A_40 = tpu.memref_slice %arg2[%dma_start3A_38, %dma_start3A_39] : memref<10000x128xf32, #tpu.memory_space<hbm>> -> memref<10000x128xf32, #tpu.memory_space<hbm>>
        tpu.enqueue_indirect_dma source(%dma_start3A_40 : memref<10000x128xf32, #tpu.memory_space<hbm>>) target(%dma_start3A_34 : memref<128x128xf32, #tpu.memory_space<vmem>>) offsets(%dma_start3A_37 : memref<128xi32, #tpu.memory_space<vmem>>) semaphore(%arg7 : memref<!tpu.dma_semaphore, #tpu.memory_space<semaphore_mem>>)
        %dma_start3A_41 = arith.constant 3 : i32
        %dma_start3A_42 = arith.constant 384 : i32
        %dma_start3A_43 = arith.constant 0 : i32
        %dma_start3A_44 = tpu.memref_slice %arg6[%dma_start3A_42, %dma_start3A_43] : memref<512x128xf32, #tpu.memory_space<vmem>> -> memref<128x128xf32, #tpu.memory_space<vmem>>
        %dma_start3A_45 = arith.constant 0 : i32
        %dma_start3A_46 = tpu.memref_slice %arg5[%dma_start3A_41, %dma_start3A_45] : memref<4x128xi32, #tpu.memory_space<vmem>> -> memref<1x128xi32, #tpu.memory_space<vmem>>
        %dma_start3A_47 = tpu.memref_squeeze %dma_start3A_46 : memref<1x128xi32, #tpu.memory_space<vmem>> -> memref<128xi32, #tpu.memory_space<vmem>>
        %dma_start3A_48 = arith.constant 0 : i32
        %dma_start3A_49 = arith.constant 0 : i32
        %dma_start3A_50 = tpu.memref_slice %arg2[%dma_start3A_48, %dma_start3A_49] : memref<10000x128xf32, #tpu.memory_space<hbm>> -> memref<10000x128xf32, #tpu.memory_space<hbm>>
        tpu.enqueue_indirect_dma source(%dma_start3A_50 : memref<10000x128xf32, #tpu.memory_space<hbm>>) target(%dma_start3A_44 : memref<128x128xf32, #tpu.memory_space<vmem>>) offsets(%dma_start3A_47 : memref<128xi32, #tpu.memory_space<vmem>>) semaphore(%arg7 : memref<!tpu.dma_semaphore, #tpu.memory_space<semaphore_mem>>)
        %dma_wait3A = arith.constant 0 : i32
        %dma_wait3A_51 = arith.constant 0 : i32
        %dma_wait3A_52 = arith.constant 0 : i32
        %dma_wait3A_53 = tpu.memref_slice %arg6[%dma_wait3A_51, %dma_wait3A_52] : memref<512x128xf32, #tpu.memory_space<vmem>> -> memref<128x128xf32, #tpu.memory_space<vmem>>
        %dma_wait3A_54 = arith.constant 0 : i32
        %dma_wait3A_55 = tpu.memref_slice %arg5[%dma_wait3A, %dma_wait3A_54] : memref<4x128xi32, #tpu.memory_space<vmem>> -> memref<1x128xi32, #tpu.memory_space<vmem>>
        %dma_wait3A_56 = tpu.memref_squeeze %dma_wait3A_55 : memref<1x128xi32, #tpu.memory_space<vmem>> -> memref<128xi32, #tpu.memory_space<vmem>>
        %dma_wait3A_57 = arith.constant 0 : i32
        %dma_wait3A_58 = arith.constant 0 : i32
        %dma_wait3A_59 = tpu.memref_slice %arg2[%dma_wait3A_57, %dma_wait3A_58] : memref<10000x128xf32, #tpu.memory_space<hbm>> -> memref<10000x128xf32, #tpu.memory_space<hbm>>
        tpu.wait_indirect_dma semaphore(%arg7 : memref<!tpu.dma_semaphore, #tpu.memory_space<semaphore_mem>>) src(%dma_wait3A_59 : memref<10000x128xf32, #tpu.memory_space<hbm>>) dst(%dma_wait3A_53 : memref<128x128xf32, #tpu.memory_space<vmem>>)
        %dma_wait3A_60 = arith.constant 1 : i32
        %dma_wait3A_61 = arith.constant 128 : i32
        %dma_wait3A_62 = arith.constant 0 : i32
        %dma_wait3A_63 = tpu.memref_slice %arg6[%dma_wait3A_61, %dma_wait3A_62] : memref<512x128xf32, #tpu.memory_space<vmem>> -> memref<128x128xf32, #tpu.memory_space<vmem>>
        %dma_wait3A_64 = arith.constant 0 : i32
        %dma_wait3A_65 = tpu.memref_slice %arg5[%dma_wait3A_60, %dma_wait3A_64] : memref<4x128xi32, #tpu.memory_space<vmem>> -> memref<1x128xi32, #tpu.memory_space<vmem>>
        %dma_wait3A_66 = tpu.memref_squeeze %dma_wait3A_65 : memref<1x128xi32, #tpu.memory_space<vmem>> -> memref<128xi32, #tpu.memory_space<vmem>>
        %dma_wait3A_67 = arith.constant 0 : i32
        %dma_wait3A_68 = arith.constant 0 : i32
        %dma_wait3A_69 = tpu.memref_slice %arg2[%dma_wait3A_67, %dma_wait3A_68] : memref<10000x128xf32, #tpu.memory_space<hbm>> -> memref<10000x128xf32, #tpu.memory_space<hbm>>
        tpu.wait_indirect_dma semaphore(%arg7 : memref<!tpu.dma_semaphore, #tpu.memory_space<semaphore_mem>>) src(%dma_wait3A_69 : memref<10000x128xf32, #tpu.memory_space<hbm>>) dst(%dma_wait3A_63 : memref<128x128xf32, #tpu.memory_space<vmem>>)
        %dma_wait3A_70 = arith.constant 2 : i32
        %dma_wait3A_71 = arith.constant 256 : i32
        %dma_wait3A_72 = arith.constant 0 : i32
        %dma_wait3A_73 = tpu.memref_slice %arg6[%dma_wait3A_71, %dma_wait3A_72] : memref<512x128xf32, #tpu.memory_space<vmem>> -> memref<128x128xf32, #tpu.memory_space<vmem>>
        %dma_wait3A_74 = arith.constant 0 : i32
        %dma_wait3A_75 = tpu.memref_slice %arg5[%dma_wait3A_70, %dma_wait3A_74] : memref<4x128xi32, #tpu.memory_space<vmem>> -> memref<1x128xi32, #tpu.memory_space<vmem>>
        %dma_wait3A_76 = tpu.memref_squeeze %dma_wait3A_75 : memref<1x128xi32, #tpu.memory_space<vmem>> -> memref<128xi32, #tpu.memory_space<vmem>>
        %dma_wait3A_77 = arith.constant 0 : i32
        %dma_wait3A_78 = arith.constant 0 : i32
        %dma_wait3A_79 = tpu.memref_slice %arg2[%dma_wait3A_77, %dma_wait3A_78] : memref<10000x128xf32, #tpu.memory_space<hbm>> -> memref<10000x128xf32, #tpu.memory_space<hbm>>
        tpu.wait_indirect_dma semaphore(%arg7 : memref<!tpu.dma_semaphore, #tpu.memory_space<semaphore_mem>>) src(%dma_wait3A_79 : memref<10000x128xf32, #tpu.memory_space<hbm>>) dst(%dma_wait3A_73 : memref<128x128xf32, #tpu.memory_space<vmem>>)
        %dma_wait3A_80 = arith.constant 3 : i32
        %dma_wait3A_81 = arith.constant 384 : i32
        %dma_wait3A_82 = arith.constant 0 : i32
        %dma_wait3A_83 = tpu.memref_slice %arg6[%dma_wait3A_81, %dma_wait3A_82] : memref<512x128xf32, #tpu.memory_space<vmem>> -> memref<128x128xf32, #tpu.memory_space<vmem>>
        %dma_wait3A_84 = arith.constant 0 : i32
        %dma_wait3A_85 = tpu.memref_slice %arg5[%dma_wait3A_80, %dma_wait3A_84] : memref<4x128xi32, #tpu.memory_space<vmem>> -> memref<1x128xi32, #tpu.memory_space<vmem>>
        %dma_wait3A_86 = tpu.memref_squeeze %dma_wait3A_85 : memref<1x128xi32, #tpu.memory_space<vmem>> -> memref<128xi32, #tpu.memory_space<vmem>>
        %dma_wait3A_87 = arith.constant 0 : i32
        %dma_wait3A_88 = arith.constant 0 : i32
        %dma_wait3A_89 = tpu.memref_slice %arg2[%dma_wait3A_87, %dma_wait3A_88] : memref<10000x128xf32, #tpu.memory_space<hbm>> -> memref<10000x128xf32, #tpu.memory_space<hbm>>
        tpu.wait_indirect_dma semaphore(%arg7 : memref<!tpu.dma_semaphore, #tpu.memory_space<semaphore_mem>>) src(%dma_wait3A_89 : memref<10000x128xf32, #tpu.memory_space<hbm>>) dst(%dma_wait3A_83 : memref<128x128xf32, #tpu.memory_space<vmem>>)
        %mul3A_90 = arith.constant 512 : i32
        %mul3A_91 = arith.muli %add3A_9, %mul3A_90 : i32
        "tpu.region"() ({
          %run_scoped3A = tpu.sem_alloc : memref<!tpu.dma_semaphore, #tpu.memory_space<semaphore_mem>>
          %dma_start3A_92 = arith.constant 0 : i32
          %dma_start3A_93 = tpu.memref_slice %arg4[%mul3A_91, %dma_start3A_92] : memref<320000x128xf32, #tpu.memory_space<hbm>> -> memref<512x128xf32, #tpu.memory_space<hbm>>
          %dma_start3A_94 = arith.constant 0 : i32
          %dma_start3A_95 = tpu.memref_slice %arg4[%mul3A_91, %dma_start3A_94] : memref<320000x128xf32, #tpu.memory_space<hbm>> -> memref<512x128xf32, #tpu.memory_space<hbm>>
          tpu.enqueue_dma source(%arg6 : memref<512x128xf32, #tpu.memory_space<vmem>>) target(%dma_start3A_95 : memref<512x128xf32, #tpu.memory_space<hbm>>) target_semaphore(%run_scoped3A : memref<!tpu.dma_semaphore, #tpu.memory_space<semaphore_mem>>)
          %dma_wait3A_96 = arith.constant 0 : i32
          %dma_wait3A_97 = tpu.memref_slice %arg4[%mul3A_91, %dma_wait3A_96] : memref<320000x128xf32, #tpu.memory_space<hbm>> -> memref<512x128xf32, #tpu.memory_space<hbm>>
          %dma_wait3A_98 = arith.constant 0 : i32
          %dma_wait3A_99 = tpu.memref_slice %arg4[%mul3A_91, %dma_wait3A_98] : memref<320000x128xf32, #tpu.memory_space<hbm>> -> memref<512x128xf32, #tpu.memory_space<hbm>>
          tpu.wait_dma2 semaphore(%run_scoped3A : memref<!tpu.dma_semaphore, #tpu.memory_space<semaphore_mem>>) src(%arg6 : memref<512x128xf32, #tpu.memory_space<vmem>>) dst(%dma_wait3A_99 : memref<512x128xf32, #tpu.memory_space<hbm>>)
          tpu.yield
        }) : () -> ()
      } else {
      }
    }
    %scan3A_5 = arith.constant 20 : i32
    return
  }
}

#map = affine_map<(d0, d1) -> (0, 0)>
#map1 = affine_map<(d0, d1) -> (0, 0, 0)>
module attributes {stable_mosaic.version = 14 : i64} {
  func.func @k(%arg0: i32, %arg1: i32, %arg2: memref<160000x128xf32, #tpu.memory_space<hbm>>, %arg3: memref<625x4x128xi32, #tpu.memory_space<hbm>>, %arg4: memref<320000x128xf32, #tpu.memory_space<hbm>>, %arg5: memref<4x128xi32, #tpu.memory_space<vmem>>, %arg6: memref<512x128xf32, #tpu.memory_space<vmem>>, %arg7: memref<!tpu.dma_semaphore, #tpu.memory_space<semaphore_mem>>) attributes {dimension_semantics = [#tpu.dimension_semantics<core_parallel>, #tpu.dimension_semantics<subcore_parallel>], iteration_bounds = array<i64: 2, 16>, scalar_prefetch = 0 : i64, scratch_operands = 3 : i64, tpu.core_type = #tpu.core_type<sc_vector_subcore>, window_params = [{transform_indices = #map}, {transform_indices = #map1}, {transform_indices = #map}]} {
    %mul3A = arith.constant 2 : i32
    %mul3A_0 = arith.muli %arg1, %mul3A : i32
    %add3A = arith.addi %mul3A_0, %arg0 : i32
    %scan3A = arith.constant 0 : i32
    %scan3A_1 = arith.constant 0 : i32
    %scan3A_2 = arith.constant 20 : i32
    %scan3A_3 = arith.addi %scan3A_1, %scan3A_2 : i32
    %scan3A_4 = arith.constant 1 : i32
    scf.for %scan3A_6 = %scan3A_1 to %scan3A_3 step %scan3A_4  : i32 {
      %mul3A_7 = arith.constant 32 : i32
      %mul3A_8 = arith.muli %mul3A_7, %scan3A_6 : i32
      %add3A_9 = arith.addi %add3A, %mul3A_8 : i32
      %lt3A = arith.constant 625 : i32
      %lt3A_10 = arith.cmpi slt, %add3A_9, %lt3A : i32
      %convert_element_type3A = arith.extui %lt3A_10 : i1 to i32
      %cond3A = arith.constant 0 : i32
      %cond3A_11 = arith.cmpi ne, %convert_element_type3A, %cond3A : i32
      scf.if %cond3A_11 {
        "tpu.region"() ({
          %run_scoped3A = tpu.sem_alloc : memref<!tpu.dma_semaphore, #tpu.memory_space<semaphore_mem>>
          %dma_start3A_92 = arith.constant 0 : i32
          %dma_start3A_93 = arith.constant 0 : i32
          %dma_start3A_94 = tpu.memref_slice %arg3[%add3A_9, %dma_start3A_92, %dma_start3A_93] : memref<625x4x128xi32, #tpu.memory_space<hbm>> -> memref<1x4x128xi32, #tpu.memory_space<hbm>>
          %dma_start3A_95 = tpu.memref_squeeze %dma_start3A_94 : memref<1x4x128xi32, #tpu.memory_space<hbm>> -> memref<4x128xi32, #tpu.memory_space<hbm>>
          %dma_start3A_96 = arith.constant 0 : i32
          %dma_start3A_97 = arith.constant 0 : i32
          %dma_start3A_98 = tpu.memref_slice %arg3[%add3A_9, %dma_start3A_96, %dma_start3A_97] : memref<625x4x128xi32, #tpu.memory_space<hbm>> -> memref<1x4x128xi32, #tpu.memory_space<hbm>>
          %dma_start3A_99 = tpu.memref_squeeze %dma_start3A_98 : memref<1x4x128xi32, #tpu.memory_space<hbm>> -> memref<4x128xi32, #tpu.memory_space<hbm>>
          tpu.enqueue_dma source(%dma_start3A_99 : memref<4x128xi32, #tpu.memory_space<hbm>>) target(%arg5 : memref<4x128xi32, #tpu.memory_space<vmem>>) target_semaphore(%run_scoped3A : memref<!tpu.dma_semaphore, #tpu.memory_space<semaphore_mem>>)
          %dma_wait3A_100 = arith.constant 0 : i32
          %dma_wait3A_101 = arith.constant 0 : i32
          %dma_wait3A_102 = tpu.memref_slice %arg3[%add3A_9, %dma_wait3A_100, %dma_wait3A_101] : memref<625x4x128xi32, #tpu.memory_space<hbm>> -> memref<1x4x128xi32, #tpu.memory_space<hbm>>
          %dma_wait3A_103 = tpu.memref_squeeze %dma_wait3A_102 : memref<1x4x128xi32, #tpu.memory_space<hbm>> -> memref<4x128xi32, #tpu.memory_space<hbm>>
          %dma_wait3A_104 = arith.constant 0 : i32
          %dma_wait3A_105 = arith.constant 0 : i32
          %dma_wait3A_106 = tpu.memref_slice %arg3[%add3A_9, %dma_wait3A_104, %dma_wait3A_105] : memref<625x4x128xi32, #tpu.memory_space<hbm>> -> memref<1x4x128xi32, #tpu.memory_space<hbm>>
          %dma_wait3A_107 = tpu.memref_squeeze %dma_wait3A_106 : memref<1x4x128xi32, #tpu.memory_space<hbm>> -> memref<4x128xi32, #tpu.memory_space<hbm>>
          tpu.wait_dma2 semaphore(%run_scoped3A : memref<!tpu.dma_semaphore, #tpu.memory_space<semaphore_mem>>) src(%dma_wait3A_107 : memref<4x128xi32, #tpu.memory_space<hbm>>) dst(%arg5 : memref<4x128xi32, #tpu.memory_space<vmem>>)
          tpu.yield
        }) : () -> ()
        %dma_start3A = arith.constant 0 : i32
        %dma_start3A_12 = arith.constant 0 : i32
        %dma_start3A_13 = arith.constant 0 : i32
        %dma_start3A_14 = tpu.memref_slice %arg6[%dma_start3A_12, %dma_start3A_13] : memref<512x128xf32, #tpu.memory_space<vmem>> -> memref<128x128xf32, #tpu.memory_space<vmem>>
        %dma_start3A_15 = arith.constant 0 : i32
        %dma_start3A_16 = tpu.memref_slice %arg5[%dma_start3A, %dma_start3A_15] : memref<4x128xi32, #tpu.memory_space<vmem>> -> memref<1x128xi32, #tpu.memory_space<vmem>>
        %dma_start3A_17 = tpu.memref_squeeze %dma_start3A_16 : memref<1x128xi32, #tpu.memory_space<vmem>> -> memref<128xi32, #tpu.memory_space<vmem>>
        %dma_start3A_18 = arith.constant 0 : i32
        %dma_start3A_19 = arith.constant 0 : i32
        %dma_start3A_20 = tpu.memref_slice %arg2[%dma_start3A_18, %dma_start3A_19] : memref<160000x128xf32, #tpu.memory_space<hbm>> -> memref<160000x128xf32, #tpu.memory_space<hbm>>
        tpu.enqueue_indirect_dma source(%dma_start3A_20 : memref<160000x128xf32, #tpu.memory_space<hbm>>) target(%dma_start3A_14 : memref<128x128xf32, #tpu.memory_space<vmem>>) offsets(%dma_start3A_17 : memref<128xi32, #tpu.memory_space<vmem>>) semaphore(%arg7 : memref<!tpu.dma_semaphore, #tpu.memory_space<semaphore_mem>>)
        %dma_start3A_21 = arith.constant 1 : i32
        %dma_start3A_22 = arith.constant 128 : i32
        %dma_start3A_23 = arith.constant 0 : i32
        %dma_start3A_24 = tpu.memref_slice %arg6[%dma_start3A_22, %dma_start3A_23] : memref<512x128xf32, #tpu.memory_space<vmem>> -> memref<128x128xf32, #tpu.memory_space<vmem>>
        %dma_start3A_25 = arith.constant 0 : i32
        %dma_start3A_26 = tpu.memref_slice %arg5[%dma_start3A_21, %dma_start3A_25] : memref<4x128xi32, #tpu.memory_space<vmem>> -> memref<1x128xi32, #tpu.memory_space<vmem>>
        %dma_start3A_27 = tpu.memref_squeeze %dma_start3A_26 : memref<1x128xi32, #tpu.memory_space<vmem>> -> memref<128xi32, #tpu.memory_space<vmem>>
        %dma_start3A_28 = arith.constant 0 : i32
        %dma_start3A_29 = arith.constant 0 : i32
        %dma_start3A_30 = tpu.memref_slice %arg2[%dma_start3A_28, %dma_start3A_29] : memref<160000x128xf32, #tpu.memory_space<hbm>> -> memref<160000x128xf32, #tpu.memory_space<hbm>>
        tpu.enqueue_indirect_dma source(%dma_start3A_30 : memref<160000x128xf32, #tpu.memory_space<hbm>>) target(%dma_start3A_24 : memref<128x128xf32, #tpu.memory_space<vmem>>) offsets(%dma_start3A_27 : memref<128xi32, #tpu.memory_space<vmem>>) semaphore(%arg7 : memref<!tpu.dma_semaphore, #tpu.memory_space<semaphore_mem>>)
        %dma_start3A_31 = arith.constant 2 : i32
        %dma_start3A_32 = arith.constant 256 : i32
        %dma_start3A_33 = arith.constant 0 : i32
        %dma_start3A_34 = tpu.memref_slice %arg6[%dma_start3A_32, %dma_start3A_33] : memref<512x128xf32, #tpu.memory_space<vmem>> -> memref<128x128xf32, #tpu.memory_space<vmem>>
        %dma_start3A_35 = arith.constant 0 : i32
        %dma_start3A_36 = tpu.memref_slice %arg5[%dma_start3A_31, %dma_start3A_35] : memref<4x128xi32, #tpu.memory_space<vmem>> -> memref<1x128xi32, #tpu.memory_space<vmem>>
        %dma_start3A_37 = tpu.memref_squeeze %dma_start3A_36 : memref<1x128xi32, #tpu.memory_space<vmem>> -> memref<128xi32, #tpu.memory_space<vmem>>
        %dma_start3A_38 = arith.constant 0 : i32
        %dma_start3A_39 = arith.constant 0 : i32
        %dma_start3A_40 = tpu.memref_slice %arg2[%dma_start3A_38, %dma_start3A_39] : memref<160000x128xf32, #tpu.memory_space<hbm>> -> memref<160000x128xf32, #tpu.memory_space<hbm>>
        tpu.enqueue_indirect_dma source(%dma_start3A_40 : memref<160000x128xf32, #tpu.memory_space<hbm>>) target(%dma_start3A_34 : memref<128x128xf32, #tpu.memory_space<vmem>>) offsets(%dma_start3A_37 : memref<128xi32, #tpu.memory_space<vmem>>) semaphore(%arg7 : memref<!tpu.dma_semaphore, #tpu.memory_space<semaphore_mem>>)
        %dma_start3A_41 = arith.constant 3 : i32
        %dma_start3A_42 = arith.constant 384 : i32
        %dma_start3A_43 = arith.constant 0 : i32
        %dma_start3A_44 = tpu.memref_slice %arg6[%dma_start3A_42, %dma_start3A_43] : memref<512x128xf32, #tpu.memory_space<vmem>> -> memref<128x128xf32, #tpu.memory_space<vmem>>
        %dma_start3A_45 = arith.constant 0 : i32
        %dma_start3A_46 = tpu.memref_slice %arg5[%dma_start3A_41, %dma_start3A_45] : memref<4x128xi32, #tpu.memory_space<vmem>> -> memref<1x128xi32, #tpu.memory_space<vmem>>
        %dma_start3A_47 = tpu.memref_squeeze %dma_start3A_46 : memref<1x128xi32, #tpu.memory_space<vmem>> -> memref<128xi32, #tpu.memory_space<vmem>>
        %dma_start3A_48 = arith.constant 0 : i32
        %dma_start3A_49 = arith.constant 0 : i32
        %dma_start3A_50 = tpu.memref_slice %arg2[%dma_start3A_48, %dma_start3A_49] : memref<160000x128xf32, #tpu.memory_space<hbm>> -> memref<160000x128xf32, #tpu.memory_space<hbm>>
        tpu.enqueue_indirect_dma source(%dma_start3A_50 : memref<160000x128xf32, #tpu.memory_space<hbm>>) target(%dma_start3A_44 : memref<128x128xf32, #tpu.memory_space<vmem>>) offsets(%dma_start3A_47 : memref<128xi32, #tpu.memory_space<vmem>>) semaphore(%arg7 : memref<!tpu.dma_semaphore, #tpu.memory_space<semaphore_mem>>)
        %dma_wait3A = arith.constant 0 : i32
        %dma_wait3A_51 = arith.constant 0 : i32
        %dma_wait3A_52 = arith.constant 0 : i32
        %dma_wait3A_53 = tpu.memref_slice %arg6[%dma_wait3A_51, %dma_wait3A_52] : memref<512x128xf32, #tpu.memory_space<vmem>> -> memref<128x128xf32, #tpu.memory_space<vmem>>
        %dma_wait3A_54 = arith.constant 0 : i32
        %dma_wait3A_55 = tpu.memref_slice %arg5[%dma_wait3A, %dma_wait3A_54] : memref<4x128xi32, #tpu.memory_space<vmem>> -> memref<1x128xi32, #tpu.memory_space<vmem>>
        %dma_wait3A_56 = tpu.memref_squeeze %dma_wait3A_55 : memref<1x128xi32, #tpu.memory_space<vmem>> -> memref<128xi32, #tpu.memory_space<vmem>>
        %dma_wait3A_57 = arith.constant 0 : i32
        %dma_wait3A_58 = arith.constant 0 : i32
        %dma_wait3A_59 = tpu.memref_slice %arg2[%dma_wait3A_57, %dma_wait3A_58] : memref<160000x128xf32, #tpu.memory_space<hbm>> -> memref<160000x128xf32, #tpu.memory_space<hbm>>
        tpu.wait_indirect_dma semaphore(%arg7 : memref<!tpu.dma_semaphore, #tpu.memory_space<semaphore_mem>>) src(%dma_wait3A_59 : memref<160000x128xf32, #tpu.memory_space<hbm>>) dst(%dma_wait3A_53 : memref<128x128xf32, #tpu.memory_space<vmem>>)
        %dma_wait3A_60 = arith.constant 1 : i32
        %dma_wait3A_61 = arith.constant 128 : i32
        %dma_wait3A_62 = arith.constant 0 : i32
        %dma_wait3A_63 = tpu.memref_slice %arg6[%dma_wait3A_61, %dma_wait3A_62] : memref<512x128xf32, #tpu.memory_space<vmem>> -> memref<128x128xf32, #tpu.memory_space<vmem>>
        %dma_wait3A_64 = arith.constant 0 : i32
        %dma_wait3A_65 = tpu.memref_slice %arg5[%dma_wait3A_60, %dma_wait3A_64] : memref<4x128xi32, #tpu.memory_space<vmem>> -> memref<1x128xi32, #tpu.memory_space<vmem>>
        %dma_wait3A_66 = tpu.memref_squeeze %dma_wait3A_65 : memref<1x128xi32, #tpu.memory_space<vmem>> -> memref<128xi32, #tpu.memory_space<vmem>>
        %dma_wait3A_67 = arith.constant 0 : i32
        %dma_wait3A_68 = arith.constant 0 : i32
        %dma_wait3A_69 = tpu.memref_slice %arg2[%dma_wait3A_67, %dma_wait3A_68] : memref<160000x128xf32, #tpu.memory_space<hbm>> -> memref<160000x128xf32, #tpu.memory_space<hbm>>
        tpu.wait_indirect_dma semaphore(%arg7 : memref<!tpu.dma_semaphore, #tpu.memory_space<semaphore_mem>>) src(%dma_wait3A_69 : memref<160000x128xf32, #tpu.memory_space<hbm>>) dst(%dma_wait3A_63 : memref<128x128xf32, #tpu.memory_space<vmem>>)
        %dma_wait3A_70 = arith.constant 2 : i32
        %dma_wait3A_71 = arith.constant 256 : i32
        %dma_wait3A_72 = arith.constant 0 : i32
        %dma_wait3A_73 = tpu.memref_slice %arg6[%dma_wait3A_71, %dma_wait3A_72] : memref<512x128xf32, #tpu.memory_space<vmem>> -> memref<128x128xf32, #tpu.memory_space<vmem>>
        %dma_wait3A_74 = arith.constant 0 : i32
        %dma_wait3A_75 = tpu.memref_slice %arg5[%dma_wait3A_70, %dma_wait3A_74] : memref<4x128xi32, #tpu.memory_space<vmem>> -> memref<1x128xi32, #tpu.memory_space<vmem>>
        %dma_wait3A_76 = tpu.memref_squeeze %dma_wait3A_75 : memref<1x128xi32, #tpu.memory_space<vmem>> -> memref<128xi32, #tpu.memory_space<vmem>>
        %dma_wait3A_77 = arith.constant 0 : i32
        %dma_wait3A_78 = arith.constant 0 : i32
        %dma_wait3A_79 = tpu.memref_slice %arg2[%dma_wait3A_77, %dma_wait3A_78] : memref<160000x128xf32, #tpu.memory_space<hbm>> -> memref<160000x128xf32, #tpu.memory_space<hbm>>
        tpu.wait_indirect_dma semaphore(%arg7 : memref<!tpu.dma_semaphore, #tpu.memory_space<semaphore_mem>>) src(%dma_wait3A_79 : memref<160000x128xf32, #tpu.memory_space<hbm>>) dst(%dma_wait3A_73 : memref<128x128xf32, #tpu.memory_space<vmem>>)
        %dma_wait3A_80 = arith.constant 3 : i32
        %dma_wait3A_81 = arith.constant 384 : i32
        %dma_wait3A_82 = arith.constant 0 : i32
        %dma_wait3A_83 = tpu.memref_slice %arg6[%dma_wait3A_81, %dma_wait3A_82] : memref<512x128xf32, #tpu.memory_space<vmem>> -> memref<128x128xf32, #tpu.memory_space<vmem>>
        %dma_wait3A_84 = arith.constant 0 : i32
        %dma_wait3A_85 = tpu.memref_slice %arg5[%dma_wait3A_80, %dma_wait3A_84] : memref<4x128xi32, #tpu.memory_space<vmem>> -> memref<1x128xi32, #tpu.memory_space<vmem>>
        %dma_wait3A_86 = tpu.memref_squeeze %dma_wait3A_85 : memref<1x128xi32, #tpu.memory_space<vmem>> -> memref<128xi32, #tpu.memory_space<vmem>>
        %dma_wait3A_87 = arith.constant 0 : i32
        %dma_wait3A_88 = arith.constant 0 : i32
        %dma_wait3A_89 = tpu.memref_slice %arg2[%dma_wait3A_87, %dma_wait3A_88] : memref<160000x128xf32, #tpu.memory_space<hbm>> -> memref<160000x128xf32, #tpu.memory_space<hbm>>
        tpu.wait_indirect_dma semaphore(%arg7 : memref<!tpu.dma_semaphore, #tpu.memory_space<semaphore_mem>>) src(%dma_wait3A_89 : memref<160000x128xf32, #tpu.memory_space<hbm>>) dst(%dma_wait3A_83 : memref<128x128xf32, #tpu.memory_space<vmem>>)
        %mul3A_90 = arith.constant 512 : i32
        %mul3A_91 = arith.muli %add3A_9, %mul3A_90 : i32
        "tpu.region"() ({
          %run_scoped3A = tpu.sem_alloc : memref<!tpu.dma_semaphore, #tpu.memory_space<semaphore_mem>>
          %dma_start3A_92 = arith.constant 0 : i32
          %dma_start3A_93 = tpu.memref_slice %arg4[%mul3A_91, %dma_start3A_92] : memref<320000x128xf32, #tpu.memory_space<hbm>> -> memref<512x128xf32, #tpu.memory_space<hbm>>
          %dma_start3A_94 = arith.constant 0 : i32
          %dma_start3A_95 = tpu.memref_slice %arg4[%mul3A_91, %dma_start3A_94] : memref<320000x128xf32, #tpu.memory_space<hbm>> -> memref<512x128xf32, #tpu.memory_space<hbm>>
          tpu.enqueue_dma source(%arg6 : memref<512x128xf32, #tpu.memory_space<vmem>>) target(%dma_start3A_95 : memref<512x128xf32, #tpu.memory_space<hbm>>) target_semaphore(%run_scoped3A : memref<!tpu.dma_semaphore, #tpu.memory_space<semaphore_mem>>)
          %dma_wait3A_96 = arith.constant 0 : i32
          %dma_wait3A_97 = tpu.memref_slice %arg4[%mul3A_91, %dma_wait3A_96] : memref<320000x128xf32, #tpu.memory_space<hbm>> -> memref<512x128xf32, #tpu.memory_space<hbm>>
          %dma_wait3A_98 = arith.constant 0 : i32
          %dma_wait3A_99 = tpu.memref_slice %arg4[%mul3A_91, %dma_wait3A_98] : memref<320000x128xf32, #tpu.memory_space<hbm>> -> memref<512x128xf32, #tpu.memory_space<hbm>>
          tpu.wait_dma2 semaphore(%run_scoped3A : memref<!tpu.dma_semaphore, #tpu.memory_space<semaphore_mem>>) src(%arg6 : memref<512x128xf32, #tpu.memory_space<vmem>>) dst(%dma_wait3A_99 : memref<512x128xf32, #tpu.memory_space<hbm>>)
          tpu.yield
        }) : () -> ()
      } else {
      }
    }
    %scan3A_5 = arith.constant 20 : i32
    return
  }
}

#map = affine_map<(d0, d1) -> (0, 0)>
#map1 = affine_map<(d0, d1) -> (0, 0, 0)>
module attributes {stable_mosaic.version = 14 : i64} {
  func.func @k(%arg0: i32, %arg1: i32, %arg2: memref<160000x128xf32, #tpu.memory_space<hbm>>, %arg3: memref<32x4x128xi32, #tpu.memory_space<hbm>>, %arg4: memref<16384x128xf32, #tpu.memory_space<hbm>>, %arg5: memref<4x128xi32, #tpu.memory_space<vmem>>, %arg6: memref<512x128xf32, #tpu.memory_space<vmem>>, %arg7: memref<!tpu.dma_semaphore, #tpu.memory_space<semaphore_mem>>) attributes {dimension_semantics = [#tpu.dimension_semantics<core_parallel>, #tpu.dimension_semantics<subcore_parallel>], iteration_bounds = array<i64: 2, 16>, scalar_prefetch = 0 : i64, scratch_operands = 3 : i64, tpu.core_type = #tpu.core_type<sc_vector_subcore>, window_params = [{transform_indices = #map}, {transform_indices = #map1}, {transform_indices = #map}]} {
    %mul3A = arith.constant 2 : i32
    %mul3A_0 = arith.muli %arg1, %mul3A : i32
    %add3A = arith.addi %mul3A_0, %arg0 : i32
    %scan3A = arith.constant 0 : i32
    %scan3A_1 = arith.constant 0 : i32
    %mul3A_2 = arith.constant 32 : i32
    %mul3A_3 = arith.muli %mul3A_2, %scan3A_1 : i32
    %add3A_4 = arith.addi %add3A, %mul3A_3 : i32
    %lt3A = arith.constant 32 : i32
    %lt3A_5 = arith.cmpi slt, %add3A_4, %lt3A : i32
    %convert_element_type3A = arith.extui %lt3A_5 : i1 to i32
    %cond3A = arith.constant 0 : i32
    %cond3A_6 = arith.cmpi ne, %convert_element_type3A, %cond3A : i32
    scf.if %cond3A_6 {
      "tpu.region"() ({
        %run_scoped3A = tpu.sem_alloc : memref<!tpu.dma_semaphore, #tpu.memory_space<semaphore_mem>>
        %dma_start3A_88 = arith.constant 0 : i32
        %dma_start3A_89 = arith.constant 0 : i32
        %dma_start3A_90 = tpu.memref_slice %arg3[%add3A_4, %dma_start3A_88, %dma_start3A_89] : memref<32x4x128xi32, #tpu.memory_space<hbm>> -> memref<1x4x128xi32, #tpu.memory_space<hbm>>
        %dma_start3A_91 = tpu.memref_squeeze %dma_start3A_90 : memref<1x4x128xi32, #tpu.memory_space<hbm>> -> memref<4x128xi32, #tpu.memory_space<hbm>>
        %dma_start3A_92 = arith.constant 0 : i32
        %dma_start3A_93 = arith.constant 0 : i32
        %dma_start3A_94 = tpu.memref_slice %arg3[%add3A_4, %dma_start3A_92, %dma_start3A_93] : memref<32x4x128xi32, #tpu.memory_space<hbm>> -> memref<1x4x128xi32, #tpu.memory_space<hbm>>
        %dma_start3A_95 = tpu.memref_squeeze %dma_start3A_94 : memref<1x4x128xi32, #tpu.memory_space<hbm>> -> memref<4x128xi32, #tpu.memory_space<hbm>>
        tpu.enqueue_dma source(%dma_start3A_95 : memref<4x128xi32, #tpu.memory_space<hbm>>) target(%arg5 : memref<4x128xi32, #tpu.memory_space<vmem>>) target_semaphore(%run_scoped3A : memref<!tpu.dma_semaphore, #tpu.memory_space<semaphore_mem>>)
        %dma_wait3A_96 = arith.constant 0 : i32
        %dma_wait3A_97 = arith.constant 0 : i32
        %dma_wait3A_98 = tpu.memref_slice %arg3[%add3A_4, %dma_wait3A_96, %dma_wait3A_97] : memref<32x4x128xi32, #tpu.memory_space<hbm>> -> memref<1x4x128xi32, #tpu.memory_space<hbm>>
        %dma_wait3A_99 = tpu.memref_squeeze %dma_wait3A_98 : memref<1x4x128xi32, #tpu.memory_space<hbm>> -> memref<4x128xi32, #tpu.memory_space<hbm>>
        %dma_wait3A_100 = arith.constant 0 : i32
        %dma_wait3A_101 = arith.constant 0 : i32
        %dma_wait3A_102 = tpu.memref_slice %arg3[%add3A_4, %dma_wait3A_100, %dma_wait3A_101] : memref<32x4x128xi32, #tpu.memory_space<hbm>> -> memref<1x4x128xi32, #tpu.memory_space<hbm>>
        %dma_wait3A_103 = tpu.memref_squeeze %dma_wait3A_102 : memref<1x4x128xi32, #tpu.memory_space<hbm>> -> memref<4x128xi32, #tpu.memory_space<hbm>>
        tpu.wait_dma2 semaphore(%run_scoped3A : memref<!tpu.dma_semaphore, #tpu.memory_space<semaphore_mem>>) src(%dma_wait3A_103 : memref<4x128xi32, #tpu.memory_space<hbm>>) dst(%arg5 : memref<4x128xi32, #tpu.memory_space<vmem>>)
        tpu.yield
      }) : () -> ()
      %dma_start3A = arith.constant 0 : i32
      %dma_start3A_8 = arith.constant 0 : i32
      %dma_start3A_9 = arith.constant 0 : i32
      %dma_start3A_10 = tpu.memref_slice %arg6[%dma_start3A_8, %dma_start3A_9] : memref<512x128xf32, #tpu.memory_space<vmem>> -> memref<128x128xf32, #tpu.memory_space<vmem>>
      %dma_start3A_11 = arith.constant 0 : i32
      %dma_start3A_12 = tpu.memref_slice %arg5[%dma_start3A, %dma_start3A_11] : memref<4x128xi32, #tpu.memory_space<vmem>> -> memref<1x128xi32, #tpu.memory_space<vmem>>
      %dma_start3A_13 = tpu.memref_squeeze %dma_start3A_12 : memref<1x128xi32, #tpu.memory_space<vmem>> -> memref<128xi32, #tpu.memory_space<vmem>>
      %dma_start3A_14 = arith.constant 0 : i32
      %dma_start3A_15 = arith.constant 0 : i32
      %dma_start3A_16 = tpu.memref_slice %arg2[%dma_start3A_14, %dma_start3A_15] : memref<160000x128xf32, #tpu.memory_space<hbm>> -> memref<160000x128xf32, #tpu.memory_space<hbm>>
      tpu.enqueue_indirect_dma source(%dma_start3A_16 : memref<160000x128xf32, #tpu.memory_space<hbm>>) target(%dma_start3A_10 : memref<128x128xf32, #tpu.memory_space<vmem>>) offsets(%dma_start3A_13 : memref<128xi32, #tpu.memory_space<vmem>>) semaphore(%arg7 : memref<!tpu.dma_semaphore, #tpu.memory_space<semaphore_mem>>)
      %dma_start3A_17 = arith.constant 1 : i32
      %dma_start3A_18 = arith.constant 128 : i32
      %dma_start3A_19 = arith.constant 0 : i32
      %dma_start3A_20 = tpu.memref_slice %arg6[%dma_start3A_18, %dma_start3A_19] : memref<512x128xf32, #tpu.memory_space<vmem>> -> memref<128x128xf32, #tpu.memory_space<vmem>>
      %dma_start3A_21 = arith.constant 0 : i32
      %dma_start3A_22 = tpu.memref_slice %arg5[%dma_start3A_17, %dma_start3A_21] : memref<4x128xi32, #tpu.memory_space<vmem>> -> memref<1x128xi32, #tpu.memory_space<vmem>>
      %dma_start3A_23 = tpu.memref_squeeze %dma_start3A_22 : memref<1x128xi32, #tpu.memory_space<vmem>> -> memref<128xi32, #tpu.memory_space<vmem>>
      %dma_start3A_24 = arith.constant 0 : i32
      %dma_start3A_25 = arith.constant 0 : i32
      %dma_start3A_26 = tpu.memref_slice %arg2[%dma_start3A_24, %dma_start3A_25] : memref<160000x128xf32, #tpu.memory_space<hbm>> -> memref<160000x128xf32, #tpu.memory_space<hbm>>
      tpu.enqueue_indirect_dma source(%dma_start3A_26 : memref<160000x128xf32, #tpu.memory_space<hbm>>) target(%dma_start3A_20 : memref<128x128xf32, #tpu.memory_space<vmem>>) offsets(%dma_start3A_23 : memref<128xi32, #tpu.memory_space<vmem>>) semaphore(%arg7 : memref<!tpu.dma_semaphore, #tpu.memory_space<semaphore_mem>>)
      %dma_start3A_27 = arith.constant 2 : i32
      %dma_start3A_28 = arith.constant 256 : i32
      %dma_start3A_29 = arith.constant 0 : i32
      %dma_start3A_30 = tpu.memref_slice %arg6[%dma_start3A_28, %dma_start3A_29] : memref<512x128xf32, #tpu.memory_space<vmem>> -> memref<128x128xf32, #tpu.memory_space<vmem>>
      %dma_start3A_31 = arith.constant 0 : i32
      %dma_start3A_32 = tpu.memref_slice %arg5[%dma_start3A_27, %dma_start3A_31] : memref<4x128xi32, #tpu.memory_space<vmem>> -> memref<1x128xi32, #tpu.memory_space<vmem>>
      %dma_start3A_33 = tpu.memref_squeeze %dma_start3A_32 : memref<1x128xi32, #tpu.memory_space<vmem>> -> memref<128xi32, #tpu.memory_space<vmem>>
      %dma_start3A_34 = arith.constant 0 : i32
      %dma_start3A_35 = arith.constant 0 : i32
      %dma_start3A_36 = tpu.memref_slice %arg2[%dma_start3A_34, %dma_start3A_35] : memref<160000x128xf32, #tpu.memory_space<hbm>> -> memref<160000x128xf32, #tpu.memory_space<hbm>>
      tpu.enqueue_indirect_dma source(%dma_start3A_36 : memref<160000x128xf32, #tpu.memory_space<hbm>>) target(%dma_start3A_30 : memref<128x128xf32, #tpu.memory_space<vmem>>) offsets(%dma_start3A_33 : memref<128xi32, #tpu.memory_space<vmem>>) semaphore(%arg7 : memref<!tpu.dma_semaphore, #tpu.memory_space<semaphore_mem>>)
      %dma_start3A_37 = arith.constant 3 : i32
      %dma_start3A_38 = arith.constant 384 : i32
      %dma_start3A_39 = arith.constant 0 : i32
      %dma_start3A_40 = tpu.memref_slice %arg6[%dma_start3A_38, %dma_start3A_39] : memref<512x128xf32, #tpu.memory_space<vmem>> -> memref<128x128xf32, #tpu.memory_space<vmem>>
      %dma_start3A_41 = arith.constant 0 : i32
      %dma_start3A_42 = tpu.memref_slice %arg5[%dma_start3A_37, %dma_start3A_41] : memref<4x128xi32, #tpu.memory_space<vmem>> -> memref<1x128xi32, #tpu.memory_space<vmem>>
      %dma_start3A_43 = tpu.memref_squeeze %dma_start3A_42 : memref<1x128xi32, #tpu.memory_space<vmem>> -> memref<128xi32, #tpu.memory_space<vmem>>
      %dma_start3A_44 = arith.constant 0 : i32
      %dma_start3A_45 = arith.constant 0 : i32
      %dma_start3A_46 = tpu.memref_slice %arg2[%dma_start3A_44, %dma_start3A_45] : memref<160000x128xf32, #tpu.memory_space<hbm>> -> memref<160000x128xf32, #tpu.memory_space<hbm>>
      tpu.enqueue_indirect_dma source(%dma_start3A_46 : memref<160000x128xf32, #tpu.memory_space<hbm>>) target(%dma_start3A_40 : memref<128x128xf32, #tpu.memory_space<vmem>>) offsets(%dma_start3A_43 : memref<128xi32, #tpu.memory_space<vmem>>) semaphore(%arg7 : memref<!tpu.dma_semaphore, #tpu.memory_space<semaphore_mem>>)
      %dma_wait3A = arith.constant 0 : i32
      %dma_wait3A_47 = arith.constant 0 : i32
      %dma_wait3A_48 = arith.constant 0 : i32
      %dma_wait3A_49 = tpu.memref_slice %arg6[%dma_wait3A_47, %dma_wait3A_48] : memref<512x128xf32, #tpu.memory_space<vmem>> -> memref<128x128xf32, #tpu.memory_space<vmem>>
      %dma_wait3A_50 = arith.constant 0 : i32
      %dma_wait3A_51 = tpu.memref_slice %arg5[%dma_wait3A, %dma_wait3A_50] : memref<4x128xi32, #tpu.memory_space<vmem>> -> memref<1x128xi32, #tpu.memory_space<vmem>>
      %dma_wait3A_52 = tpu.memref_squeeze %dma_wait3A_51 : memref<1x128xi32, #tpu.memory_space<vmem>> -> memref<128xi32, #tpu.memory_space<vmem>>
      %dma_wait3A_53 = arith.constant 0 : i32
      %dma_wait3A_54 = arith.constant 0 : i32
      %dma_wait3A_55 = tpu.memref_slice %arg2[%dma_wait3A_53, %dma_wait3A_54] : memref<160000x128xf32, #tpu.memory_space<hbm>> -> memref<160000x128xf32, #tpu.memory_space<hbm>>
      tpu.wait_indirect_dma semaphore(%arg7 : memref<!tpu.dma_semaphore, #tpu.memory_space<semaphore_mem>>) src(%dma_wait3A_55 : memref<160000x128xf32, #tpu.memory_space<hbm>>) dst(%dma_wait3A_49 : memref<128x128xf32, #tpu.memory_space<vmem>>)
      %dma_wait3A_56 = arith.constant 1 : i32
      %dma_wait3A_57 = arith.constant 128 : i32
      %dma_wait3A_58 = arith.constant 0 : i32
      %dma_wait3A_59 = tpu.memref_slice %arg6[%dma_wait3A_57, %dma_wait3A_58] : memref<512x128xf32, #tpu.memory_space<vmem>> -> memref<128x128xf32, #tpu.memory_space<vmem>>
      %dma_wait3A_60 = arith.constant 0 : i32
      %dma_wait3A_61 = tpu.memref_slice %arg5[%dma_wait3A_56, %dma_wait3A_60] : memref<4x128xi32, #tpu.memory_space<vmem>> -> memref<1x128xi32, #tpu.memory_space<vmem>>
      %dma_wait3A_62 = tpu.memref_squeeze %dma_wait3A_61 : memref<1x128xi32, #tpu.memory_space<vmem>> -> memref<128xi32, #tpu.memory_space<vmem>>
      %dma_wait3A_63 = arith.constant 0 : i32
      %dma_wait3A_64 = arith.constant 0 : i32
      %dma_wait3A_65 = tpu.memref_slice %arg2[%dma_wait3A_63, %dma_wait3A_64] : memref<160000x128xf32, #tpu.memory_space<hbm>> -> memref<160000x128xf32, #tpu.memory_space<hbm>>
      tpu.wait_indirect_dma semaphore(%arg7 : memref<!tpu.dma_semaphore, #tpu.memory_space<semaphore_mem>>) src(%dma_wait3A_65 : memref<160000x128xf32, #tpu.memory_space<hbm>>) dst(%dma_wait3A_59 : memref<128x128xf32, #tpu.memory_space<vmem>>)
      %dma_wait3A_66 = arith.constant 2 : i32
      %dma_wait3A_67 = arith.constant 256 : i32
      %dma_wait3A_68 = arith.constant 0 : i32
      %dma_wait3A_69 = tpu.memref_slice %arg6[%dma_wait3A_67, %dma_wait3A_68] : memref<512x128xf32, #tpu.memory_space<vmem>> -> memref<128x128xf32, #tpu.memory_space<vmem>>
      %dma_wait3A_70 = arith.constant 0 : i32
      %dma_wait3A_71 = tpu.memref_slice %arg5[%dma_wait3A_66, %dma_wait3A_70] : memref<4x128xi32, #tpu.memory_space<vmem>> -> memref<1x128xi32, #tpu.memory_space<vmem>>
      %dma_wait3A_72 = tpu.memref_squeeze %dma_wait3A_71 : memref<1x128xi32, #tpu.memory_space<vmem>> -> memref<128xi32, #tpu.memory_space<vmem>>
      %dma_wait3A_73 = arith.constant 0 : i32
      %dma_wait3A_74 = arith.constant 0 : i32
      %dma_wait3A_75 = tpu.memref_slice %arg2[%dma_wait3A_73, %dma_wait3A_74] : memref<160000x128xf32, #tpu.memory_space<hbm>> -> memref<160000x128xf32, #tpu.memory_space<hbm>>
      tpu.wait_indirect_dma semaphore(%arg7 : memref<!tpu.dma_semaphore, #tpu.memory_space<semaphore_mem>>) src(%dma_wait3A_75 : memref<160000x128xf32, #tpu.memory_space<hbm>>) dst(%dma_wait3A_69 : memref<128x128xf32, #tpu.memory_space<vmem>>)
      %dma_wait3A_76 = arith.constant 3 : i32
      %dma_wait3A_77 = arith.constant 384 : i32
      %dma_wait3A_78 = arith.constant 0 : i32
      %dma_wait3A_79 = tpu.memref_slice %arg6[%dma_wait3A_77, %dma_wait3A_78] : memref<512x128xf32, #tpu.memory_space<vmem>> -> memref<128x128xf32, #tpu.memory_space<vmem>>
      %dma_wait3A_80 = arith.constant 0 : i32
      %dma_wait3A_81 = tpu.memref_slice %arg5[%dma_wait3A_76, %dma_wait3A_80] : memref<4x128xi32, #tpu.memory_space<vmem>> -> memref<1x128xi32, #tpu.memory_space<vmem>>
      %dma_wait3A_82 = tpu.memref_squeeze %dma_wait3A_81 : memref<1x128xi32, #tpu.memory_space<vmem>> -> memref<128xi32, #tpu.memory_space<vmem>>
      %dma_wait3A_83 = arith.constant 0 : i32
      %dma_wait3A_84 = arith.constant 0 : i32
      %dma_wait3A_85 = tpu.memref_slice %arg2[%dma_wait3A_83, %dma_wait3A_84] : memref<160000x128xf32, #tpu.memory_space<hbm>> -> memref<160000x128xf32, #tpu.memory_space<hbm>>
      tpu.wait_indirect_dma semaphore(%arg7 : memref<!tpu.dma_semaphore, #tpu.memory_space<semaphore_mem>>) src(%dma_wait3A_85 : memref<160000x128xf32, #tpu.memory_space<hbm>>) dst(%dma_wait3A_79 : memref<128x128xf32, #tpu.memory_space<vmem>>)
      %mul3A_86 = arith.constant 512 : i32
      %mul3A_87 = arith.muli %add3A_4, %mul3A_86 : i32
      "tpu.region"() ({
        %run_scoped3A = tpu.sem_alloc : memref<!tpu.dma_semaphore, #tpu.memory_space<semaphore_mem>>
        %dma_start3A_88 = arith.constant 0 : i32
        %dma_start3A_89 = tpu.memref_slice %arg4[%mul3A_87, %dma_start3A_88] : memref<16384x128xf32, #tpu.memory_space<hbm>> -> memref<512x128xf32, #tpu.memory_space<hbm>>
        %dma_start3A_90 = arith.constant 0 : i32
        %dma_start3A_91 = tpu.memref_slice %arg4[%mul3A_87, %dma_start3A_90] : memref<16384x128xf32, #tpu.memory_space<hbm>> -> memref<512x128xf32, #tpu.memory_space<hbm>>
        tpu.enqueue_dma source(%arg6 : memref<512x128xf32, #tpu.memory_space<vmem>>) target(%dma_start3A_91 : memref<512x128xf32, #tpu.memory_space<hbm>>) target_semaphore(%run_scoped3A : memref<!tpu.dma_semaphore, #tpu.memory_space<semaphore_mem>>)
        %dma_wait3A_92 = arith.constant 0 : i32
        %dma_wait3A_93 = tpu.memref_slice %arg4[%mul3A_87, %dma_wait3A_92] : memref<16384x128xf32, #tpu.memory_space<hbm>> -> memref<512x128xf32, #tpu.memory_space<hbm>>
        %dma_wait3A_94 = arith.constant 0 : i32
        %dma_wait3A_95 = tpu.memref_slice %arg4[%mul3A_87, %dma_wait3A_94] : memref<16384x128xf32, #tpu.memory_space<hbm>> -> memref<512x128xf32, #tpu.memory_space<hbm>>
        tpu.wait_dma2 semaphore(%run_scoped3A : memref<!tpu.dma_semaphore, #tpu.memory_space<semaphore_mem>>) src(%arg6 : memref<512x128xf32, #tpu.memory_space<vmem>>) dst(%dma_wait3A_95 : memref<512x128xf32, #tpu.memory_space<hbm>>)
        tpu.yield
      }) : () -> ()
    } else {
    }
    %scan3A_7 = arith.constant 1 : i32
    return
  }
}

#map = affine_map<(d0, d1) -> (0, 0)>
#map1 = affine_map<(d0, d1) -> (0, 0, 0)>
module attributes {stable_mosaic.version = 14 : i64} {
  func.func @k(%arg0: i32, %arg1: i32, %arg2: memref<160000x128xf32, #tpu.memory_space<hbm>>, %arg3: memref<32x4x128xi32, #tpu.memory_space<hbm>>, %arg4: memref<16384x128xf32, #tpu.memory_space<hbm>>, %arg5: memref<4x128xi32, #tpu.memory_space<vmem>>, %arg6: memref<512x128xf32, #tpu.memory_space<vmem>>, %arg7: memref<!tpu.dma_semaphore, #tpu.memory_space<semaphore_mem>>) attributes {dimension_semantics = [#tpu.dimension_semantics<core_parallel>, #tpu.dimension_semantics<subcore_parallel>], iteration_bounds = array<i64: 2, 16>, scalar_prefetch = 0 : i64, scratch_operands = 3 : i64, tpu.core_type = #tpu.core_type<sc_vector_subcore>, window_params = [{transform_indices = #map}, {transform_indices = #map1}, {transform_indices = #map}]} {
    %mul3A = arith.constant 2 : i32
    %mul3A_0 = arith.muli %arg1, %mul3A : i32
    %add3A = arith.addi %mul3A_0, %arg0 : i32
    %scan3A = arith.constant 0 : i32
    %scan3A_1 = arith.constant 0 : i32
    %mul3A_2 = arith.constant 32 : i32
    %mul3A_3 = arith.muli %mul3A_2, %scan3A_1 : i32
    %add3A_4 = arith.addi %add3A, %mul3A_3 : i32
    %lt3A = arith.constant 32 : i32
    %lt3A_5 = arith.cmpi slt, %add3A_4, %lt3A : i32
    %convert_element_type3A = arith.extui %lt3A_5 : i1 to i32
    %cond3A = arith.constant 0 : i32
    %cond3A_6 = arith.cmpi ne, %convert_element_type3A, %cond3A : i32
    scf.if %cond3A_6 {
      "tpu.region"() ({
        %run_scoped3A = tpu.sem_alloc : memref<!tpu.dma_semaphore, #tpu.memory_space<semaphore_mem>>
        %dma_start3A_88 = arith.constant 0 : i32
        %dma_start3A_89 = arith.constant 0 : i32
        %dma_start3A_90 = tpu.memref_slice %arg3[%add3A_4, %dma_start3A_88, %dma_start3A_89] : memref<32x4x128xi32, #tpu.memory_space<hbm>> -> memref<1x4x128xi32, #tpu.memory_space<hbm>>
        %dma_start3A_91 = tpu.memref_squeeze %dma_start3A_90 : memref<1x4x128xi32, #tpu.memory_space<hbm>> -> memref<4x128xi32, #tpu.memory_space<hbm>>
        %dma_start3A_92 = arith.constant 0 : i32
        %dma_start3A_93 = arith.constant 0 : i32
        %dma_start3A_94 = tpu.memref_slice %arg3[%add3A_4, %dma_start3A_92, %dma_start3A_93] : memref<32x4x128xi32, #tpu.memory_space<hbm>> -> memref<1x4x128xi32, #tpu.memory_space<hbm>>
        %dma_start3A_95 = tpu.memref_squeeze %dma_start3A_94 : memref<1x4x128xi32, #tpu.memory_space<hbm>> -> memref<4x128xi32, #tpu.memory_space<hbm>>
        tpu.enqueue_dma source(%dma_start3A_95 : memref<4x128xi32, #tpu.memory_space<hbm>>) target(%arg5 : memref<4x128xi32, #tpu.memory_space<vmem>>) target_semaphore(%run_scoped3A : memref<!tpu.dma_semaphore, #tpu.memory_space<semaphore_mem>>)
        %dma_wait3A_96 = arith.constant 0 : i32
        %dma_wait3A_97 = arith.constant 0 : i32
        %dma_wait3A_98 = tpu.memref_slice %arg3[%add3A_4, %dma_wait3A_96, %dma_wait3A_97] : memref<32x4x128xi32, #tpu.memory_space<hbm>> -> memref<1x4x128xi32, #tpu.memory_space<hbm>>
        %dma_wait3A_99 = tpu.memref_squeeze %dma_wait3A_98 : memref<1x4x128xi32, #tpu.memory_space<hbm>> -> memref<4x128xi32, #tpu.memory_space<hbm>>
        %dma_wait3A_100 = arith.constant 0 : i32
        %dma_wait3A_101 = arith.constant 0 : i32
        %dma_wait3A_102 = tpu.memref_slice %arg3[%add3A_4, %dma_wait3A_100, %dma_wait3A_101] : memref<32x4x128xi32, #tpu.memory_space<hbm>> -> memref<1x4x128xi32, #tpu.memory_space<hbm>>
        %dma_wait3A_103 = tpu.memref_squeeze %dma_wait3A_102 : memref<1x4x128xi32, #tpu.memory_space<hbm>> -> memref<4x128xi32, #tpu.memory_space<hbm>>
        tpu.wait_dma2 semaphore(%run_scoped3A : memref<!tpu.dma_semaphore, #tpu.memory_space<semaphore_mem>>) src(%dma_wait3A_103 : memref<4x128xi32, #tpu.memory_space<hbm>>) dst(%arg5 : memref<4x128xi32, #tpu.memory_space<vmem>>)
        tpu.yield
      }) : () -> ()
      %dma_start3A = arith.constant 0 : i32
      %dma_start3A_8 = arith.constant 0 : i32
      %dma_start3A_9 = arith.constant 0 : i32
      %dma_start3A_10 = tpu.memref_slice %arg6[%dma_start3A_8, %dma_start3A_9] : memref<512x128xf32, #tpu.memory_space<vmem>> -> memref<128x128xf32, #tpu.memory_space<vmem>>
      %dma_start3A_11 = arith.constant 0 : i32
      %dma_start3A_12 = tpu.memref_slice %arg5[%dma_start3A, %dma_start3A_11] : memref<4x128xi32, #tpu.memory_space<vmem>> -> memref<1x128xi32, #tpu.memory_space<vmem>>
      %dma_start3A_13 = tpu.memref_squeeze %dma_start3A_12 : memref<1x128xi32, #tpu.memory_space<vmem>> -> memref<128xi32, #tpu.memory_space<vmem>>
      %dma_start3A_14 = arith.constant 0 : i32
      %dma_start3A_15 = arith.constant 0 : i32
      %dma_start3A_16 = tpu.memref_slice %arg2[%dma_start3A_14, %dma_start3A_15] : memref<160000x128xf32, #tpu.memory_space<hbm>> -> memref<160000x128xf32, #tpu.memory_space<hbm>>
      tpu.enqueue_indirect_dma source(%dma_start3A_16 : memref<160000x128xf32, #tpu.memory_space<hbm>>) target(%dma_start3A_10 : memref<128x128xf32, #tpu.memory_space<vmem>>) offsets(%dma_start3A_13 : memref<128xi32, #tpu.memory_space<vmem>>) semaphore(%arg7 : memref<!tpu.dma_semaphore, #tpu.memory_space<semaphore_mem>>)
      %dma_start3A_17 = arith.constant 1 : i32
      %dma_start3A_18 = arith.constant 128 : i32
      %dma_start3A_19 = arith.constant 0 : i32
      %dma_start3A_20 = tpu.memref_slice %arg6[%dma_start3A_18, %dma_start3A_19] : memref<512x128xf32, #tpu.memory_space<vmem>> -> memref<128x128xf32, #tpu.memory_space<vmem>>
      %dma_start3A_21 = arith.constant 0 : i32
      %dma_start3A_22 = tpu.memref_slice %arg5[%dma_start3A_17, %dma_start3A_21] : memref<4x128xi32, #tpu.memory_space<vmem>> -> memref<1x128xi32, #tpu.memory_space<vmem>>
      %dma_start3A_23 = tpu.memref_squeeze %dma_start3A_22 : memref<1x128xi32, #tpu.memory_space<vmem>> -> memref<128xi32, #tpu.memory_space<vmem>>
      %dma_start3A_24 = arith.constant 0 : i32
      %dma_start3A_25 = arith.constant 0 : i32
      %dma_start3A_26 = tpu.memref_slice %arg2[%dma_start3A_24, %dma_start3A_25] : memref<160000x128xf32, #tpu.memory_space<hbm>> -> memref<160000x128xf32, #tpu.memory_space<hbm>>
      tpu.enqueue_indirect_dma source(%dma_start3A_26 : memref<160000x128xf32, #tpu.memory_space<hbm>>) target(%dma_start3A_20 : memref<128x128xf32, #tpu.memory_space<vmem>>) offsets(%dma_start3A_23 : memref<128xi32, #tpu.memory_space<vmem>>) semaphore(%arg7 : memref<!tpu.dma_semaphore, #tpu.memory_space<semaphore_mem>>)
      %dma_start3A_27 = arith.constant 2 : i32
      %dma_start3A_28 = arith.constant 256 : i32
      %dma_start3A_29 = arith.constant 0 : i32
      %dma_start3A_30 = tpu.memref_slice %arg6[%dma_start3A_28, %dma_start3A_29] : memref<512x128xf32, #tpu.memory_space<vmem>> -> memref<128x128xf32, #tpu.memory_space<vmem>>
      %dma_start3A_31 = arith.constant 0 : i32
      %dma_start3A_32 = tpu.memref_slice %arg5[%dma_start3A_27, %dma_start3A_31] : memref<4x128xi32, #tpu.memory_space<vmem>> -> memref<1x128xi32, #tpu.memory_space<vmem>>
      %dma_start3A_33 = tpu.memref_squeeze %dma_start3A_32 : memref<1x128xi32, #tpu.memory_space<vmem>> -> memref<128xi32, #tpu.memory_space<vmem>>
      %dma_start3A_34 = arith.constant 0 : i32
      %dma_start3A_35 = arith.constant 0 : i32
      %dma_start3A_36 = tpu.memref_slice %arg2[%dma_start3A_34, %dma_start3A_35] : memref<160000x128xf32, #tpu.memory_space<hbm>> -> memref<160000x128xf32, #tpu.memory_space<hbm>>
      tpu.enqueue_indirect_dma source(%dma_start3A_36 : memref<160000x128xf32, #tpu.memory_space<hbm>>) target(%dma_start3A_30 : memref<128x128xf32, #tpu.memory_space<vmem>>) offsets(%dma_start3A_33 : memref<128xi32, #tpu.memory_space<vmem>>) semaphore(%arg7 : memref<!tpu.dma_semaphore, #tpu.memory_space<semaphore_mem>>)
      %dma_start3A_37 = arith.constant 3 : i32
      %dma_start3A_38 = arith.constant 384 : i32
      %dma_start3A_39 = arith.constant 0 : i32
      %dma_start3A_40 = tpu.memref_slice %arg6[%dma_start3A_38, %dma_start3A_39] : memref<512x128xf32, #tpu.memory_space<vmem>> -> memref<128x128xf32, #tpu.memory_space<vmem>>
      %dma_start3A_41 = arith.constant 0 : i32
      %dma_start3A_42 = tpu.memref_slice %arg5[%dma_start3A_37, %dma_start3A_41] : memref<4x128xi32, #tpu.memory_space<vmem>> -> memref<1x128xi32, #tpu.memory_space<vmem>>
      %dma_start3A_43 = tpu.memref_squeeze %dma_start3A_42 : memref<1x128xi32, #tpu.memory_space<vmem>> -> memref<128xi32, #tpu.memory_space<vmem>>
      %dma_start3A_44 = arith.constant 0 : i32
      %dma_start3A_45 = arith.constant 0 : i32
      %dma_start3A_46 = tpu.memref_slice %arg2[%dma_start3A_44, %dma_start3A_45] : memref<160000x128xf32, #tpu.memory_space<hbm>> -> memref<160000x128xf32, #tpu.memory_space<hbm>>
      tpu.enqueue_indirect_dma source(%dma_start3A_46 : memref<160000x128xf32, #tpu.memory_space<hbm>>) target(%dma_start3A_40 : memref<128x128xf32, #tpu.memory_space<vmem>>) offsets(%dma_start3A_43 : memref<128xi32, #tpu.memory_space<vmem>>) semaphore(%arg7 : memref<!tpu.dma_semaphore, #tpu.memory_space<semaphore_mem>>)
      %dma_wait3A = arith.constant 0 : i32
      %dma_wait3A_47 = arith.constant 0 : i32
      %dma_wait3A_48 = arith.constant 0 : i32
      %dma_wait3A_49 = tpu.memref_slice %arg6[%dma_wait3A_47, %dma_wait3A_48] : memref<512x128xf32, #tpu.memory_space<vmem>> -> memref<128x128xf32, #tpu.memory_space<vmem>>
      %dma_wait3A_50 = arith.constant 0 : i32
      %dma_wait3A_51 = tpu.memref_slice %arg5[%dma_wait3A, %dma_wait3A_50] : memref<4x128xi32, #tpu.memory_space<vmem>> -> memref<1x128xi32, #tpu.memory_space<vmem>>
      %dma_wait3A_52 = tpu.memref_squeeze %dma_wait3A_51 : memref<1x128xi32, #tpu.memory_space<vmem>> -> memref<128xi32, #tpu.memory_space<vmem>>
      %dma_wait3A_53 = arith.constant 0 : i32
      %dma_wait3A_54 = arith.constant 0 : i32
      %dma_wait3A_55 = tpu.memref_slice %arg2[%dma_wait3A_53, %dma_wait3A_54] : memref<160000x128xf32, #tpu.memory_space<hbm>> -> memref<160000x128xf32, #tpu.memory_space<hbm>>
      tpu.wait_indirect_dma semaphore(%arg7 : memref<!tpu.dma_semaphore, #tpu.memory_space<semaphore_mem>>) src(%dma_wait3A_55 : memref<160000x128xf32, #tpu.memory_space<hbm>>) dst(%dma_wait3A_49 : memref<128x128xf32, #tpu.memory_space<vmem>>)
      %dma_wait3A_56 = arith.constant 1 : i32
      %dma_wait3A_57 = arith.constant 128 : i32
      %dma_wait3A_58 = arith.constant 0 : i32
      %dma_wait3A_59 = tpu.memref_slice %arg6[%dma_wait3A_57, %dma_wait3A_58] : memref<512x128xf32, #tpu.memory_space<vmem>> -> memref<128x128xf32, #tpu.memory_space<vmem>>
      %dma_wait3A_60 = arith.constant 0 : i32
      %dma_wait3A_61 = tpu.memref_slice %arg5[%dma_wait3A_56, %dma_wait3A_60] : memref<4x128xi32, #tpu.memory_space<vmem>> -> memref<1x128xi32, #tpu.memory_space<vmem>>
      %dma_wait3A_62 = tpu.memref_squeeze %dma_wait3A_61 : memref<1x128xi32, #tpu.memory_space<vmem>> -> memref<128xi32, #tpu.memory_space<vmem>>
      %dma_wait3A_63 = arith.constant 0 : i32
      %dma_wait3A_64 = arith.constant 0 : i32
      %dma_wait3A_65 = tpu.memref_slice %arg2[%dma_wait3A_63, %dma_wait3A_64] : memref<160000x128xf32, #tpu.memory_space<hbm>> -> memref<160000x128xf32, #tpu.memory_space<hbm>>
      tpu.wait_indirect_dma semaphore(%arg7 : memref<!tpu.dma_semaphore, #tpu.memory_space<semaphore_mem>>) src(%dma_wait3A_65 : memref<160000x128xf32, #tpu.memory_space<hbm>>) dst(%dma_wait3A_59 : memref<128x128xf32, #tpu.memory_space<vmem>>)
      %dma_wait3A_66 = arith.constant 2 : i32
      %dma_wait3A_67 = arith.constant 256 : i32
      %dma_wait3A_68 = arith.constant 0 : i32
      %dma_wait3A_69 = tpu.memref_slice %arg6[%dma_wait3A_67, %dma_wait3A_68] : memref<512x128xf32, #tpu.memory_space<vmem>> -> memref<128x128xf32, #tpu.memory_space<vmem>>
      %dma_wait3A_70 = arith.constant 0 : i32
      %dma_wait3A_71 = tpu.memref_slice %arg5[%dma_wait3A_66, %dma_wait3A_70] : memref<4x128xi32, #tpu.memory_space<vmem>> -> memref<1x128xi32, #tpu.memory_space<vmem>>
      %dma_wait3A_72 = tpu.memref_squeeze %dma_wait3A_71 : memref<1x128xi32, #tpu.memory_space<vmem>> -> memref<128xi32, #tpu.memory_space<vmem>>
      %dma_wait3A_73 = arith.constant 0 : i32
      %dma_wait3A_74 = arith.constant 0 : i32
      %dma_wait3A_75 = tpu.memref_slice %arg2[%dma_wait3A_73, %dma_wait3A_74] : memref<160000x128xf32, #tpu.memory_space<hbm>> -> memref<160000x128xf32, #tpu.memory_space<hbm>>
      tpu.wait_indirect_dma semaphore(%arg7 : memref<!tpu.dma_semaphore, #tpu.memory_space<semaphore_mem>>) src(%dma_wait3A_75 : memref<160000x128xf32, #tpu.memory_space<hbm>>) dst(%dma_wait3A_69 : memref<128x128xf32, #tpu.memory_space<vmem>>)
      %dma_wait3A_76 = arith.constant 3 : i32
      %dma_wait3A_77 = arith.constant 384 : i32
      %dma_wait3A_78 = arith.constant 0 : i32
      %dma_wait3A_79 = tpu.memref_slice %arg6[%dma_wait3A_77, %dma_wait3A_78] : memref<512x128xf32, #tpu.memory_space<vmem>> -> memref<128x128xf32, #tpu.memory_space<vmem>>
      %dma_wait3A_80 = arith.constant 0 : i32
      %dma_wait3A_81 = tpu.memref_slice %arg5[%dma_wait3A_76, %dma_wait3A_80] : memref<4x128xi32, #tpu.memory_space<vmem>> -> memref<1x128xi32, #tpu.memory_space<vmem>>
      %dma_wait3A_82 = tpu.memref_squeeze %dma_wait3A_81 : memref<1x128xi32, #tpu.memory_space<vmem>> -> memref<128xi32, #tpu.memory_space<vmem>>
      %dma_wait3A_83 = arith.constant 0 : i32
      %dma_wait3A_84 = arith.constant 0 : i32
      %dma_wait3A_85 = tpu.memref_slice %arg2[%dma_wait3A_83, %dma_wait3A_84] : memref<160000x128xf32, #tpu.memory_space<hbm>> -> memref<160000x128xf32, #tpu.memory_space<hbm>>
      tpu.wait_indirect_dma semaphore(%arg7 : memref<!tpu.dma_semaphore, #tpu.memory_space<semaphore_mem>>) src(%dma_wait3A_85 : memref<160000x128xf32, #tpu.memory_space<hbm>>) dst(%dma_wait3A_79 : memref<128x128xf32, #tpu.memory_space<vmem>>)
      %mul3A_86 = arith.constant 512 : i32
      %mul3A_87 = arith.muli %add3A_4, %mul3A_86 : i32
      "tpu.region"() ({
        %run_scoped3A = tpu.sem_alloc : memref<!tpu.dma_semaphore, #tpu.memory_space<semaphore_mem>>
        %dma_start3A_88 = arith.constant 0 : i32
        %dma_start3A_89 = tpu.memref_slice %arg4[%mul3A_87, %dma_start3A_88] : memref<16384x128xf32, #tpu.memory_space<hbm>> -> memref<512x128xf32, #tpu.memory_space<hbm>>
        %dma_start3A_90 = arith.constant 0 : i32
        %dma_start3A_91 = tpu.memref_slice %arg4[%mul3A_87, %dma_start3A_90] : memref<16384x128xf32, #tpu.memory_space<hbm>> -> memref<512x128xf32, #tpu.memory_space<hbm>>
        tpu.enqueue_dma source(%arg6 : memref<512x128xf32, #tpu.memory_space<vmem>>) target(%dma_start3A_91 : memref<512x128xf32, #tpu.memory_space<hbm>>) target_semaphore(%run_scoped3A : memref<!tpu.dma_semaphore, #tpu.memory_space<semaphore_mem>>)
        %dma_wait3A_92 = arith.constant 0 : i32
        %dma_wait3A_93 = tpu.memref_slice %arg4[%mul3A_87, %dma_wait3A_92] : memref<16384x128xf32, #tpu.memory_space<hbm>> -> memref<512x128xf32, #tpu.memory_space<hbm>>
        %dma_wait3A_94 = arith.constant 0 : i32
        %dma_wait3A_95 = tpu.memref_slice %arg4[%mul3A_87, %dma_wait3A_94] : memref<16384x128xf32, #tpu.memory_space<hbm>> -> memref<512x128xf32, #tpu.memory_space<hbm>>
        tpu.wait_dma2 semaphore(%run_scoped3A : memref<!tpu.dma_semaphore, #tpu.memory_space<semaphore_mem>>) src(%arg6 : memref<512x128xf32, #tpu.memory_space<vmem>>) dst(%dma_wait3A_95 : memref<512x128xf32, #tpu.memory_space<hbm>>)
        tpu.yield
      }) : () -> ()
    } else {
    }
    %scan3A_7 = arith.constant 1 : i32
    return
  }
}

module attributes {stable_mosaic.version = 14 : i64} {
  func.func @body(%arg0: memref<10000x128xf32, #tpu.memory_space<vmem>>, %arg1: memref<1x16xf32, #tpu.memory_space<vmem>>, %arg2: memref<128x64xf32, #tpu.memory_space<vmem>>, %arg3: memref<1x64xf32, #tpu.memory_space<vmem>>, %arg4: memref<64x64xf32, #tpu.memory_space<vmem>>, %arg5: memref<1x64xf32, #tpu.memory_space<vmem>>, %arg6: memref<16x64xf32, #tpu.memory_space<vmem>>, %arg7: memref<1x64xf32, #tpu.memory_space<vmem>>, %arg8: memref<64x64xf32, #tpu.memory_space<vmem>>, %arg9: memref<1x64xf32, #tpu.memory_space<vmem>>, %arg10: memref<64x64xf32, #tpu.memory_space<vmem>>, %arg11: memref<64x64xf32, #tpu.memory_space<vmem>>, %arg12: memref<64x64xf32, #tpu.memory_space<vmem>>, %arg13: memref<1x64xf32, #tpu.memory_space<vmem>>, %arg14: memref<64x64xf32, #tpu.memory_space<vmem>>, %arg15: memref<1x64xf32, #tpu.memory_space<vmem>>, %arg16: memref<64x64xf32, #tpu.memory_space<vmem>>, %arg17: memref<1x64xf32, #tpu.memory_space<vmem>>, %arg18: memref<10000x64xf32, #tpu.memory_space<vmem>>, %arg19: memref<10000x128xf32, #tpu.memory_space<vmem>>, %arg20: memref<10000x64xf32, #tpu.memory_space<vmem>>, %arg21: memref<1x64xf32, #tpu.memory_space<vmem>>, %arg22: memref<1x64xf32, #tpu.memory_space<vmem>>, %arg23: memref<1x64xf32, #tpu.memory_space<vmem>>, %arg24: memref<1x64xf32, #tpu.memory_space<vmem>>) attributes {dimension_semantics = [], scalar_prefetch = 0 : i64, scratch_operands = 0 : i64, tpu.core_type = #tpu.core_type<tc>} {
    %get3A = arith.constant 0 : index
    %get3A_0 = arith.constant 0 : index
    %get3A_1 = vector.load %arg0[%get3A, %get3A_0] : memref<10000x128xf32, #tpu.memory_space<vmem>>, vector<10000x128xf32>
    %get3A_2 = arith.constant 0 : index
    %get3A_3 = arith.constant 0 : index
    %get3A_4 = vector.load %arg2[%get3A_2, %get3A_3] : memref<128x64xf32, #tpu.memory_space<vmem>>, vector<128x64xf32>
    %dot_general3A = arith.constant dense<0.000000e+00> : vector<10000x64xf32>
    %dot_general3A_5 = tpu.matmul %get3A_1, %get3A_4, %dot_general3A {dimension_numbers = #tpu.dot_dimension_numbers<[1], [0], [0], [1], [0, 0, 1, 1], [], []>, transpose_lhs_hint = false} : vector<10000x128xf32>, vector<128x64xf32>, vector<10000x64xf32> -> vector<10000x64xf32>
    %get3A_6 = arith.constant 0 : index
    %get3A_7 = arith.constant 0 : index
    %get3A_8 = vector.load %arg3[%get3A_6, %get3A_7] : memref<1x64xf32, #tpu.memory_space<vmem>>, vector<1x64xf32>
    %add3A = vector.broadcast %get3A_8 : vector<1x64xf32> to vector<10000x64xf32>
    %add3A_9 = arith.addf %dot_general3A_5, %add3A : vector<10000x64xf32>
    %max3A = arith.constant 0.000000e+00 : f32
    %max3A_10 = vector.broadcast %max3A : f32 to vector<10000x64xf32>
    %max3A_11 = arith.maximumf %add3A_9, %max3A_10 : vector<10000x64xf32>
    %abs3A = math.absf %add3A_9 : vector<10000x64xf32>
    %neg3A = arith.constant 0.000000e+00 : f32
    %neg3A_12 = vector.broadcast %neg3A : f32 to vector<10000x64xf32>
    %neg3A_13 = arith.subf %neg3A_12, %abs3A : vector<10000x64xf32>
    %exp3A = math.exp %neg3A_13 : vector<10000x64xf32>
    %log1p3A = math.log1p %exp3A : vector<10000x64xf32>
    %add3A_14 = arith.addf %max3A_11, %log1p3A : vector<10000x64xf32>
    %get3A_15 = arith.constant 0 : index
    %get3A_16 = arith.constant 0 : index
    %get3A_17 = vector.load %arg4[%get3A_15, %get3A_16] : memref<64x64xf32, #tpu.memory_space<vmem>>, vector<64x64xf32>
    %dot_general3A_18 = arith.constant dense<0.000000e+00> : vector<10000x64xf32>
    %dot_general3A_19 = tpu.matmul %add3A_14, %get3A_17, %dot_general3A_18 {dimension_numbers = #tpu.dot_dimension_numbers<[1], [0], [0], [1], [0, 0, 1, 1], [], []>, transpose_lhs_hint = false} : vector<10000x64xf32>, vector<64x64xf32>, vector<10000x64xf32> -> vector<10000x64xf32>
    %get3A_20 = arith.constant 0 : index
    %get3A_21 = arith.constant 0 : index
    %get3A_22 = vector.load %arg5[%get3A_20, %get3A_21] : memref<1x64xf32, #tpu.memory_space<vmem>>, vector<1x64xf32>
    %add3A_23 = vector.broadcast %get3A_22 : vector<1x64xf32> to vector<10000x64xf32>
    %add3A_24 = arith.addf %dot_general3A_19, %add3A_23 : vector<10000x64xf32>
    %max3A_25 = arith.constant 0.000000e+00 : f32
    %max3A_26 = vector.broadcast %max3A_25 : f32 to vector<10000x64xf32>
    %max3A_27 = arith.maximumf %add3A_24, %max3A_26 : vector<10000x64xf32>
    %abs3A_28 = math.absf %add3A_24 : vector<10000x64xf32>
    %neg3A_29 = arith.constant 0.000000e+00 : f32
    %neg3A_30 = vector.broadcast %neg3A_29 : f32 to vector<10000x64xf32>
    %neg3A_31 = arith.subf %neg3A_30, %abs3A_28 : vector<10000x64xf32>
    %exp3A_32 = math.exp %neg3A_31 : vector<10000x64xf32>
    %log1p3A_33 = math.log1p %exp3A_32 : vector<10000x64xf32>
    %add3A_34 = arith.addf %max3A_27, %log1p3A_33 : vector<10000x64xf32>
    %get3A_35 = arith.constant 0 : index
    %get3A_36 = arith.constant 0 : index
    %get3A_37 = vector.load %arg1[%get3A_35, %get3A_36] : memref<1x16xf32, #tpu.memory_space<vmem>>, vector<1x16xf32>
    %get3A_38 = arith.constant 0 : index
    %get3A_39 = arith.constant 0 : index
    %get3A_40 = vector.load %arg6[%get3A_38, %get3A_39] : memref<16x64xf32, #tpu.memory_space<vmem>>, vector<16x64xf32>
    %dot_general3A_41 = arith.constant dense<0.000000e+00> : vector<1x64xf32>
    %dot_general3A_42 = tpu.matmul %get3A_37, %get3A_40, %dot_general3A_41 {dimension_numbers = #tpu.dot_dimension_numbers<[1], [0], [0], [1], [0, 0, 1, 1], [], []>, transpose_lhs_hint = false} : vector<1x16xf32>, vector<16x64xf32>, vector<1x64xf32> -> vector<1x64xf32>
    %get3A_43 = arith.constant 0 : index
    %get3A_44 = arith.constant 0 : index
    %get3A_45 = vector.load %arg7[%get3A_43, %get3A_44] : memref<1x64xf32, #tpu.memory_space<vmem>>, vector<1x64xf32>
    %add3A_46 = arith.addf %dot_general3A_42, %get3A_45 : vector<1x64xf32>
    %max3A_47 = arith.constant 0.000000e+00 : f32
    %max3A_48 = vector.broadcast %max3A_47 : f32 to vector<1x64xf32>
    %max3A_49 = arith.maximumf %add3A_46, %max3A_48 : vector<1x64xf32>
    %abs3A_50 = math.absf %add3A_46 : vector<1x64xf32>
    %neg3A_51 = arith.constant 0.000000e+00 : f32
    %neg3A_52 = vector.broadcast %neg3A_51 : f32 to vector<1x64xf32>
    %neg3A_53 = arith.subf %neg3A_52, %abs3A_50 : vector<1x64xf32>
    %exp3A_54 = math.exp %neg3A_53 : vector<1x64xf32>
    %log1p3A_55 = math.log1p %exp3A_54 : vector<1x64xf32>
    %add3A_56 = arith.addf %max3A_49, %log1p3A_55 : vector<1x64xf32>
    %get3A_57 = arith.constant 0 : index
    %get3A_58 = arith.constant 0 : index
    %get3A_59 = vector.load %arg8[%get3A_57, %get3A_58] : memref<64x64xf32, #tpu.memory_space<vmem>>, vector<64x64xf32>
    %dot_general3A_60 = arith.constant dense<0.000000e+00> : vector<1x64xf32>
    %dot_general3A_61 = tpu.matmul %add3A_56, %get3A_59, %dot_general3A_60 {dimension_numbers = #tpu.dot_dimension_numbers<[1], [0], [0], [1], [0, 0, 1, 1], [], []>, transpose_lhs_hint = false} : vector<1x64xf32>, vector<64x64xf32>, vector<1x64xf32> -> vector<1x64xf32>
    %get3A_62 = arith.constant 0 : index
    %get3A_63 = arith.constant 0 : index
    %get3A_64 = vector.load %arg9[%get3A_62, %get3A_63] : memref<1x64xf32, #tpu.memory_space<vmem>>, vector<1x64xf32>
    %add3A_65 = arith.addf %dot_general3A_61, %get3A_64 : vector<1x64xf32>
    %max3A_66 = arith.constant 0.000000e+00 : f32
    %max3A_67 = vector.broadcast %max3A_66 : f32 to vector<1x64xf32>
    %max3A_68 = arith.maximumf %add3A_65, %max3A_67 : vector<1x64xf32>
    %abs3A_69 = math.absf %add3A_65 : vector<1x64xf32>
    %neg3A_70 = arith.constant 0.000000e+00 : f32
    %neg3A_71 = vector.broadcast %neg3A_70 : f32 to vector<1x64xf32>
    %neg3A_72 = arith.subf %neg3A_71, %abs3A_69 : vector<1x64xf32>
    %exp3A_73 = math.exp %neg3A_72 : vector<1x64xf32>
    %log1p3A_74 = math.log1p %exp3A_73 : vector<1x64xf32>
    %add3A_75 = arith.addf %max3A_68, %log1p3A_74 : vector<1x64xf32>
    %swap3A = arith.constant 0 : index
    %swap3A_76 = arith.constant 0 : index
    %swap3A_77 = vector.load %arg18[%swap3A, %swap3A_76] : memref<10000x64xf32, #tpu.memory_space<vmem>>, vector<10000x64xf32>
    tpu.vector_store %arg18[%swap3A, %swap3A_76], %add3A_34 {strides = array<i32>} : memref<10000x64xf32, #tpu.memory_space<vmem>>, vector<10000x64xf32>,
    %get3A_78 = arith.constant 0 : index
    %get3A_79 = arith.constant 0 : index
    %get3A_80 = vector.load %arg10[%get3A_78, %get3A_79] : memref<64x64xf32, #tpu.memory_space<vmem>>, vector<64x64xf32>
    %dot_general3A_81 = arith.constant dense<0.000000e+00> : vector<10000x64xf32>
    %dot_general3A_82 = tpu.matmul %add3A_34, %get3A_80, %dot_general3A_81 {dimension_numbers = #tpu.dot_dimension_numbers<[1], [0], [0], [1], [0, 0, 1, 1], [], []>, transpose_lhs_hint = false} : vector<10000x64xf32>, vector<64x64xf32>, vector<10000x64xf32> -> vector<10000x64xf32>
    %swap3A_83 = arith.constant 0 : index
    %swap3A_84 = arith.constant 0 : index
    %swap3A_85 = vector.load %arg19[%swap3A_83, %swap3A_84] : memref<10000x128xf32, #tpu.memory_space<vmem>>, vector<10000x64xf32>
    tpu.vector_store %arg19[%swap3A_83, %swap3A_84], %dot_general3A_82 {strides = array<i32>} : memref<10000x128xf32, #tpu.memory_space<vmem>>, vector<10000x64xf32>,
    %broadcast_in_dim3A = arith.constant 0.000000e+00 : f32
    %broadcast_in_dim3A_86 = vector.broadcast %broadcast_in_dim3A : f32 to vector<10000x64xf32>
    %swap3A_87 = arith.constant 0 : index
    %swap3A_88 = arith.constant 64 : index
    %swap3A_89 = vector.load %arg19[%swap3A_87, %swap3A_88] : memref<10000x128xf32, #tpu.memory_space<vmem>>, vector<10000x64xf32>
    tpu.vector_store %arg19[%swap3A_87, %swap3A_88], %broadcast_in_dim3A_86 {strides = array<i32>} : memref<10000x128xf32, #tpu.memory_space<vmem>>, vector<10000x64xf32>,
    %get3A_90 = arith.constant 0 : index
    %get3A_91 = arith.constant 0 : index
    %get3A_92 = vector.load %arg11[%get3A_90, %get3A_91] : memref<64x64xf32, #tpu.memory_space<vmem>>, vector<64x64xf32>
    %dot_general3A_93 = arith.constant dense<0.000000e+00> : vector<10000x64xf32>
    %dot_general3A_94 = tpu.matmul %add3A_34, %get3A_92, %dot_general3A_93 {dimension_numbers = #tpu.dot_dimension_numbers<[1], [0], [0], [1], [0, 0, 1, 1], [], []>, transpose_lhs_hint = false} : vector<10000x64xf32>, vector<64x64xf32>, vector<10000x64xf32> -> vector<10000x64xf32>
    %swap3A_95 = arith.constant 0 : index
    %swap3A_96 = arith.constant 0 : index
    %swap3A_97 = vector.load %arg20[%swap3A_95, %swap3A_96] : memref<10000x64xf32, #tpu.memory_space<vmem>>, vector<10000x64xf32>
    tpu.vector_store %arg20[%swap3A_95, %swap3A_96], %dot_general3A_94 {strides = array<i32>} : memref<10000x64xf32, #tpu.memory_space<vmem>>, vector<10000x64xf32>,
    %swap3A_98 = arith.constant 0 : index
    %swap3A_99 = arith.constant 0 : index
    %swap3A_100 = vector.load %arg21[%swap3A_98, %swap3A_99] : memref<1x64xf32, #tpu.memory_space<vmem>>, vector<1x64xf32>
    tpu.vector_store %arg21[%swap3A_98, %swap3A_99], %add3A_75 {strides = array<i32>} : memref<1x64xf32, #tpu.memory_space<vmem>>, vector<1x64xf32>,
    %get3A_101 = arith.constant 0 : index
    %get3A_102 = arith.constant 0 : index
    %get3A_103 = vector.load %arg12[%get3A_101, %get3A_102] : memref<64x64xf32, #tpu.memory_space<vmem>>, vector<64x64xf32>
    %dot_general3A_104 = arith.constant dense<0.000000e+00> : vector<1x64xf32>
    %dot_general3A_105 = tpu.matmul %add3A_75, %get3A_103, %dot_general3A_104 {dimension_numbers = #tpu.dot_dimension_numbers<[1], [0], [0], [1], [0, 0, 1, 1], [], []>, transpose_lhs_hint = false} : vector<1x64xf32>, vector<64x64xf32>, vector<1x64xf32> -> vector<1x64xf32>
    %get3A_106 = arith.constant 0 : index
    %get3A_107 = arith.constant 0 : index
    %get3A_108 = vector.load %arg13[%get3A_106, %get3A_107] : memref<1x64xf32, #tpu.memory_space<vmem>>, vector<1x64xf32>
    %add3A_109 = arith.addf %dot_general3A_105, %get3A_108 : vector<1x64xf32>
    %swap3A_110 = arith.constant 0 : index
    %swap3A_111 = arith.constant 0 : index
    %swap3A_112 = vector.load %arg22[%swap3A_110, %swap3A_111] : memref<1x64xf32, #tpu.memory_space<vmem>>, vector<1x64xf32>
    tpu.vector_store %arg22[%swap3A_110, %swap3A_111], %add3A_109 {strides = array<i32>} : memref<1x64xf32, #tpu.memory_space<vmem>>, vector<1x64xf32>,
    %get3A_113 = arith.constant 0 : index
    %get3A_114 = arith.constant 0 : index
    %get3A_115 = vector.load %arg14[%get3A_113, %get3A_114] : memref<64x64xf32, #tpu.memory_space<vmem>>, vector<64x64xf32>
    %dot_general3A_116 = arith.constant dense<0.000000e+00> : vector<1x64xf32>
    %dot_general3A_117 = tpu.matmul %add3A_75, %get3A_115, %dot_general3A_116 {dimension_numbers = #tpu.dot_dimension_numbers<[1], [0], [0], [1], [0, 0, 1, 1], [], []>, transpose_lhs_hint = false} : vector<1x64xf32>, vector<64x64xf32>, vector<1x64xf32> -> vector<1x64xf32>
    %get3A_118 = arith.constant 0 : index
    %get3A_119 = arith.constant 0 : index
    %get3A_120 = vector.load %arg15[%get3A_118, %get3A_119] : memref<1x64xf32, #tpu.memory_space<vmem>>, vector<1x64xf32>
    %add3A_121 = arith.addf %dot_general3A_117, %get3A_120 : vector<1x64xf32>
    %swap3A_122 = arith.constant 0 : index
    %swap3A_123 = arith.constant 0 : index
    %swap3A_124 = vector.load %arg23[%swap3A_122, %swap3A_123] : memref<1x64xf32, #tpu.memory_space<vmem>>, vector<1x64xf32>
    tpu.vector_store %arg23[%swap3A_122, %swap3A_123], %add3A_121 {strides = array<i32>} : memref<1x64xf32, #tpu.memory_space<vmem>>, vector<1x64xf32>,
    %get3A_125 = arith.constant 0 : index
    %get3A_126 = arith.constant 0 : index
    %get3A_127 = vector.load %arg16[%get3A_125, %get3A_126] : memref<64x64xf32, #tpu.memory_space<vmem>>, vector<64x64xf32>
    %dot_general3A_128 = arith.constant dense<0.000000e+00> : vector<1x64xf32>
    %dot_general3A_129 = tpu.matmul %add3A_75, %get3A_127, %dot_general3A_128 {dimension_numbers = #tpu.dot_dimension_numbers<[1], [0], [0], [1], [0, 0, 1, 1], [], []>, transpose_lhs_hint = false} : vector<1x64xf32>, vector<64x64xf32>, vector<1x64xf32> -> vector<1x64xf32>
    %get3A_130 = arith.constant 0 : index
    %get3A_131 = arith.constant 0 : index
    %get3A_132 = vector.load %arg17[%get3A_130, %get3A_131] : memref<1x64xf32, #tpu.memory_space<vmem>>, vector<1x64xf32>
    %add3A_133 = arith.addf %dot_general3A_129, %get3A_132 : vector<1x64xf32>
    %swap3A_134 = arith.constant 0 : index
    %swap3A_135 = arith.constant 0 : index
    %swap3A_136 = vector.load %arg24[%swap3A_134, %swap3A_135] : memref<1x64xf32, #tpu.memory_space<vmem>>, vector<1x64xf32>
    tpu.vector_store %arg24[%swap3A_134, %swap3A_135], %add3A_133 {strides = array<i32>} : memref<1x64xf32, #tpu.memory_space<vmem>>, vector<1x64xf32>,
    return
  }
}

module attributes {stable_mosaic.version = 14 : i64} {
  func.func @body(%arg0: i32, %arg1: memref<6400x4xf32, #tpu.memory_space<vmem>>, %arg2: memref<6400x128xf32, #tpu.memory_space<vmem>>, %arg3: memref<200x64xf32, #tpu.memory_space<vmem>>, %arg4: memref<1x64xf32, #tpu.memory_space<vmem>>, %arg5: memref<4x64xf32, #tpu.memory_space<vmem>>, %arg6: memref<1x64xf32, #tpu.memory_space<vmem>>, %arg7: memref<64x64xf32, #tpu.memory_space<vmem>>, %arg8: memref<1x64xf32, #tpu.memory_space<vmem>>, %arg9: memref<64x64xf32, #tpu.memory_space<vmem>>, %arg10: memref<64x64xf32, #tpu.memory_space<vmem>>, %arg11: memref<1x64xf32, #tpu.memory_space<vmem>>, %arg12: memref<3200x2x64xf32, #tpu.memory_space<vmem>>, %arg13: memref<200x64xf32, #tpu.memory_space<vmem>>, %arg14: memref<1x64xf32, #tpu.memory_space<vmem>>) attributes {dimension_semantics = [#tpu.dimension_semantics<arbitrary>], iteration_bounds = array<i64: 50>, scalar_prefetch = 0 : i64, scratch_operands = 0 : i64, tpu.core_type = #tpu.core_type<tc>, window_params = [{transform_indices = @transform_0, window_bounds = array<i64: 6400, 4>}, {transform_indices = @transform_1, window_bounds = array<i64: 6400, 128>}, {transform_indices = @transform_2, window_bounds = array<i64: 200, 64>}, {pipeline_mode = #tpu.pipeline_mode<synchronous>, transform_indices = @transform_3, window_bounds = array<i64: 1, 64>}, {pipeline_mode = #tpu.pipeline_mode<synchronous>, transform_indices = @transform_4, window_bounds = array<i64: 4, 64>}, {pipeline_mode = #tpu.pipeline_mode<synchronous>, transform_indices = @transform_5, window_bounds = array<i64: 1, 64>}, {pipeline_mode = #tpu.pipeline_mode<synchronous>, transform_indices = @transform_6, window_bounds = array<i64: 64, 64>}, {pipeline_mode = #tpu.pipeline_mode<synchronous>, transform_indices = @transform_7, window_bounds = array<i64: 1, 64>}, {pipeline_mode = #tpu.pipeline_mode<synchronous>, transform_indices = @transform_8, window_bounds = array<i64: 64, 64>}, {pipeline_mode = #tpu.pipeline_mode<synchronous>, transform_indices = @transform_9, window_bounds = array<i64: 64, 64>}, {pipeline_mode = #tpu.pipeline_mode<synchronous>, transform_indices = @transform_10, window_bounds = array<i64: 1, 64>}, {transform_indices = @transform_11, window_bounds = array<i64: 3200, 2, 64>}, {transform_indices = @transform_12, window_bounds = array<i64: 200, 64>}, {pipeline_mode = #tpu.pipeline_mode<synchronous>, transform_indices = @transform_13, window_bounds = array<i64: 1, 64>}]} {
    %get3A = arith.constant 0 : index
    %get3A_0 = arith.constant 0 : index
    %get3A_1 = vector.load %arg1[%get3A, %get3A_0] : memref<6400x4xf32, #tpu.memory_space<vmem>>, vector<6400x4xf32>
    %get3A_2 = arith.constant 0 : index
    %get3A_3 = arith.constant 0 : index
    %get3A_4 = vector.load %arg5[%get3A_2, %get3A_3] : memref<4x64xf32, #tpu.memory_space<vmem>>, vector<4x64xf32>
    %dot_general3A = arith.constant dense<0.000000e+00> : vector<6400x64xf32>
    %dot_general3A_5 = tpu.matmul %get3A_1, %get3A_4, %dot_general3A {dimension_numbers = #tpu.dot_dimension_numbers<[1], [0], [0], [1], [0, 0, 1, 1], [], []>, transpose_lhs_hint = false} : vector<6400x4xf32>, vector<4x64xf32>, vector<6400x64xf32> -> vector<6400x64xf32>
    %get3A_6 = arith.constant 0 : index
    %get3A_7 = arith.constant 0 : index
    %get3A_8 = vector.load %arg6[%get3A_6, %get3A_7] : memref<1x64xf32, #tpu.memory_space<vmem>>, vector<1x64xf32>
    %add3A = vector.broadcast %get3A_8 : vector<1x64xf32> to vector<6400x64xf32>
    %add3A_9 = arith.addf %dot_general3A_5, %add3A : vector<6400x64xf32>
    %max3A = arith.constant 0.000000e+00 : f32
    %max3A_10 = vector.broadcast %max3A : f32 to vector<6400x64xf32>
    %max3A_11 = arith.maximumf %add3A_9, %max3A_10 : vector<6400x64xf32>
    %abs3A = math.absf %add3A_9 : vector<6400x64xf32>
    %neg3A = arith.constant 0.000000e+00 : f32
    %neg3A_12 = vector.broadcast %neg3A : f32 to vector<6400x64xf32>
    %neg3A_13 = arith.subf %neg3A_12, %abs3A : vector<6400x64xf32>
    %exp3A = math.exp %neg3A_13 : vector<6400x64xf32>
    %log1p3A = math.log1p %exp3A : vector<6400x64xf32>
    %add3A_14 = arith.addf %max3A_11, %log1p3A : vector<6400x64xf32>
    %get3A_15 = arith.constant 0 : index
    %get3A_16 = arith.constant 0 : index
    %get3A_17 = vector.load %arg7[%get3A_15, %get3A_16] : memref<64x64xf32, #tpu.memory_space<vmem>>, vector<64x64xf32>
    %dot_general3A_18 = arith.constant dense<0.000000e+00> : vector<6400x64xf32>
    %dot_general3A_19 = tpu.matmul %add3A_14, %get3A_17, %dot_general3A_18 {dimension_numbers = #tpu.dot_dimension_numbers<[1], [0], [0], [1], [0, 0, 1, 1], [], []>, transpose_lhs_hint = false} : vector<6400x64xf32>, vector<64x64xf32>, vector<6400x64xf32> -> vector<6400x64xf32>
    %get3A_20 = arith.constant 0 : index
    %get3A_21 = arith.constant 0 : index
    %get3A_22 = vector.load %arg8[%get3A_20, %get3A_21] : memref<1x64xf32, #tpu.memory_space<vmem>>, vector<1x64xf32>
    %add3A_23 = vector.broadcast %get3A_22 : vector<1x64xf32> to vector<6400x64xf32>
    %add3A_24 = arith.addf %dot_general3A_19, %add3A_23 : vector<6400x64xf32>
    %max3A_25 = arith.constant 0.000000e+00 : f32
    %max3A_26 = vector.broadcast %max3A_25 : f32 to vector<6400x64xf32>
    %max3A_27 = arith.maximumf %add3A_24, %max3A_26 : vector<6400x64xf32>
    %abs3A_28 = math.absf %add3A_24 : vector<6400x64xf32>
    %neg3A_29 = arith.constant 0.000000e+00 : f32
    %neg3A_30 = vector.broadcast %neg3A_29 : f32 to vector<6400x64xf32>
    %neg3A_31 = arith.subf %neg3A_30, %abs3A_28 : vector<6400x64xf32>
    %exp3A_32 = math.exp %neg3A_31 : vector<6400x64xf32>
    %log1p3A_33 = math.log1p %exp3A_32 : vector<6400x64xf32>
    %add3A_34 = arith.addf %max3A_27, %log1p3A_33 : vector<6400x64xf32>
    %get3A_35 = arith.constant 0 : index
    %get3A_36 = arith.constant 0 : index
    %get3A_37 = vector.load %arg9[%get3A_35, %get3A_36] : memref<64x64xf32, #tpu.memory_space<vmem>>, vector<64x64xf32>
    %dot_general3A_38 = arith.constant dense<0.000000e+00> : vector<6400x64xf32>
    %dot_general3A_39 = tpu.matmul %add3A_34, %get3A_37, %dot_general3A_38 {dimension_numbers = #tpu.dot_dimension_numbers<[1], [0], [0], [1], [0, 0, 1, 1], [], []>, transpose_lhs_hint = false} : vector<6400x64xf32>, vector<64x64xf32>, vector<6400x64xf32> -> vector<6400x64xf32>
    %get3A_40 = arith.constant 0 : index
    %get3A_41 = arith.constant 0 : index
    %get3A_42 = vector.load %arg2[%get3A_40, %get3A_41] : memref<6400x128xf32, #tpu.memory_space<vmem>>, vector<6400x64xf32>
    %add3A_43 = arith.addf %dot_general3A_39, %get3A_42 : vector<6400x64xf32>
    %get3A_44 = arith.constant 0 : index
    %get3A_45 = arith.constant 0 : index
    %get3A_46 = vector.load %arg4[%get3A_44, %get3A_45] : memref<1x64xf32, #tpu.memory_space<vmem>>, vector<1x64xf32>
    %add3A_47 = vector.broadcast %get3A_46 : vector<1x64xf32> to vector<6400x64xf32>
    %add3A_48 = arith.addf %add3A_43, %add3A_47 : vector<6400x64xf32>
    %get3A_49 = arith.constant 0 : index
    %get3A_50 = arith.constant 0 : index
    %get3A_51 = vector.load %arg3[%get3A_49, %get3A_50] : memref<200x64xf32, #tpu.memory_space<vmem>>, vector<200x64xf32>
    %broadcast_in_dim3A = vector.shape_cast %get3A_51 : vector<200x64xf32> to vector<200x1x64xf32>
    %broadcast_in_dim3A_52 = vector.shape_cast %broadcast_in_dim3A : vector<200x1x64xf32> to vector<200x1x64xf32>
    %broadcast_in_dim3A_53 = vector.broadcast %broadcast_in_dim3A_52 : vector<200x1x64xf32> to vector<200x32x64xf32>
    %reshape3A = vector.shape_cast %broadcast_in_dim3A_53 : vector<200x32x64xf32> to vector<6400x64xf32>
    %add3A_54 = arith.addf %add3A_48, %reshape3A : vector<6400x64xf32>
    %max3A_55 = arith.constant 0.000000e+00 : f32
    %max3A_56 = vector.broadcast %max3A_55 : f32 to vector<6400x64xf32>
    %max3A_57 = arith.maximumf %add3A_54, %max3A_56 : vector<6400x64xf32>
    %abs3A_58 = math.absf %add3A_54 : vector<6400x64xf32>
    %neg3A_59 = arith.constant 0.000000e+00 : f32
    %neg3A_60 = vector.broadcast %neg3A_59 : f32 to vector<6400x64xf32>
    %neg3A_61 = arith.subf %neg3A_60, %abs3A_58 : vector<6400x64xf32>
    %exp3A_62 = math.exp %neg3A_61 : vector<6400x64xf32>
    %log1p3A_63 = math.log1p %exp3A_62 : vector<6400x64xf32>
    %add3A_64 = arith.addf %max3A_57, %log1p3A_63 : vector<6400x64xf32>
    %get3A_65 = arith.constant 0 : index
    %get3A_66 = arith.constant 0 : index
    %get3A_67 = vector.load %arg10[%get3A_65, %get3A_66] : memref<64x64xf32, #tpu.memory_space<vmem>>, vector<64x64xf32>
    %dot_general3A_68 = arith.constant dense<0.000000e+00> : vector<6400x64xf32>
    %dot_general3A_69 = tpu.matmul %add3A_64, %get3A_67, %dot_general3A_68 {dimension_numbers = #tpu.dot_dimension_numbers<[1], [0], [0], [1], [0, 0, 1, 1], [], []>, transpose_lhs_hint = false} : vector<6400x64xf32>, vector<64x64xf32>, vector<6400x64xf32> -> vector<6400x64xf32>
    %get3A_70 = arith.constant 0 : index
    %get3A_71 = arith.constant 0 : index
    %get3A_72 = vector.load %arg11[%get3A_70, %get3A_71] : memref<1x64xf32, #tpu.memory_space<vmem>>, vector<1x64xf32>
    %add3A_73 = vector.broadcast %get3A_72 : vector<1x64xf32> to vector<6400x64xf32>
    %add3A_74 = arith.addf %dot_general3A_69, %add3A_73 : vector<6400x64xf32>
    %max3A_75 = arith.constant 0.000000e+00 : f32
    %max3A_76 = vector.broadcast %max3A_75 : f32 to vector<6400x64xf32>
    %max3A_77 = arith.maximumf %add3A_74, %max3A_76 : vector<6400x64xf32>
    %abs3A_78 = math.absf %add3A_74 : vector<6400x64xf32>
    %neg3A_79 = arith.constant 0.000000e+00 : f32
    %neg3A_80 = vector.broadcast %neg3A_79 : f32 to vector<6400x64xf32>
    %neg3A_81 = arith.subf %neg3A_80, %abs3A_78 : vector<6400x64xf32>
    %exp3A_82 = math.exp %neg3A_81 : vector<6400x64xf32>
    %log1p3A_83 = math.log1p %exp3A_82 : vector<6400x64xf32>
    %add3A_84 = arith.addf %max3A_77, %log1p3A_83 : vector<6400x64xf32>
    %reshape3A_85 = vector.shape_cast %add3A_84 : vector<6400x64xf32> to vector<3200x2x64xf32>
    %swap3A = arith.constant 0 : index
    %swap3A_86 = arith.constant 0 : index
    %swap3A_87 = arith.constant 0 : index
    %swap3A_88 = vector.load %arg12[%swap3A, %swap3A_86, %swap3A_87] : memref<3200x2x64xf32, #tpu.memory_space<vmem>>, vector<3200x2x64xf32>
    tpu.vector_store %arg12[%swap3A, %swap3A_86, %swap3A_87], %reshape3A_85 {strides = array<i32>} : memref<3200x2x64xf32, #tpu.memory_space<vmem>>, vector<3200x2x64xf32>,
    %reshape3A_89 = vector.shape_cast %add3A_84 : vector<6400x64xf32> to vector<200x32x64xf32>
    %reduce_sum3A = arith.constant dense<0.000000e+00> : vector<200x64xf32>
    %reduce_sum3A_90 = vector.multi_reduction <add>, %reshape3A_89, %reduce_sum3A [1] : vector<200x32x64xf32> to vector<200x64xf32>
    %swap3A_91 = arith.constant 0 : index
    %swap3A_92 = arith.constant 0 : index
    %swap3A_93 = vector.load %arg13[%swap3A_91, %swap3A_92] : memref<200x64xf32, #tpu.memory_space<vmem>>, vector<200x64xf32>
    tpu.vector_store %arg13[%swap3A_91, %swap3A_92], %reduce_sum3A_90 {strides = array<i32>} : memref<200x64xf32, #tpu.memory_space<vmem>>, vector<200x64xf32>,
    %reduce_sum3A_94 = arith.constant dense<0.000000e+00> : vector<64xf32>
    %reduce_sum3A_95 = vector.multi_reduction <add>, %add3A_84, %reduce_sum3A_94 [0] : vector<6400x64xf32> to vector<64xf32>
    %broadcast_in_dim3A_96 = vector.shape_cast %reduce_sum3A_95 : vector<64xf32> to vector<1x64xf32>
    %eq3A = arith.constant 0 : i32
    %eq3A_97 = arith.cmpi eq, %arg0, %eq3A : i32
    %convert_element_type3A = arith.extui %eq3A_97 : i1 to i32
    %cond3A = arith.constant 0 : i32
    %cond3A_98 = arith.cmpi ne, %convert_element_type3A, %cond3A : i32
    scf.if %cond3A_98 {
      %swap3A_103 = arith.constant 0 : index
      %swap3A_104 = arith.constant 0 : index
      %swap3A_105 = vector.load %arg14[%swap3A_103, %swap3A_104] : memref<1x64xf32, #tpu.memory_space<vmem>>, vector<1x64xf32>
      tpu.vector_store %arg14[%swap3A_103, %swap3A_104], %broadcast_in_dim3A_96 {strides = array<i32>} : memref<1x64xf32, #tpu.memory_space<vmem>>, vector<1x64xf32>,
    } else {
    }
    %gt3A = arith.constant 0 : i32
    %gt3A_99 = arith.cmpi sgt, %arg0, %gt3A : i32
    %convert_element_type3A_100 = arith.extui %gt3A_99 : i1 to i32
    %cond3A_101 = arith.constant 0 : i32
    %cond3A_102 = arith.cmpi ne, %convert_element_type3A_100, %cond3A_101 : i32
    scf.if %cond3A_102 {
      %get3A_103 = arith.constant 0 : index
      %get3A_104 = arith.constant 0 : index
      %get3A_105 = vector.load %arg14[%get3A_103, %get3A_104] : memref<1x64xf32, #tpu.memory_space<vmem>>, vector<1x64xf32>
      %add3A_106 = arith.addf %get3A_105, %broadcast_in_dim3A_96 : vector<1x64xf32>
      %swap3A_107 = arith.constant 0 : index
      %swap3A_108 = arith.constant 0 : index
      %swap3A_109 = vector.load %arg14[%swap3A_107, %swap3A_108] : memref<1x64xf32, #tpu.memory_space<vmem>>, vector<1x64xf32>
      tpu.vector_store %arg14[%swap3A_107, %swap3A_108], %add3A_106 {strides = array<i32>} : memref<1x64xf32, #tpu.memory_space<vmem>>, vector<1x64xf32>,
    } else {
    }
    return
  }
  func.func @transform_0(%arg0: i32) -> (i32, i32) {
    %c0_i32 = arith.constant 0 : i32
    %c0_i32_0 = arith.constant 0 : i32
    return %arg0, %c0_i32 : i32, i32
  }
  func.func @transform_1(%arg0: i32) -> (i32, i32) {
    %c0_i32 = arith.constant 0 : i32
    %c0_i32_0 = arith.constant 0 : i32
    return %arg0, %c0_i32 : i32, i32
  }
  func.func @transform_2(%arg0: i32) -> (i32, i32) {
    %c0_i32 = arith.constant 0 : i32
    %c0_i32_0 = arith.constant 0 : i32
    return %arg0, %c0_i32 : i32, i32
  }
  func.func @transform_3(%arg0: i32) -> (i32, i32) {
    %c0_i32 = arith.constant 0 : i32
    %c0_i32_0 = arith.constant 0 : i32
    %c0_i32_1 = arith.constant 0 : i32
    return %c0_i32, %c0_i32_0 : i32, i32
  }
  func.func @transform_4(%arg0: i32) -> (i32, i32) {
    %c0_i32 = arith.constant 0 : i32
    %c0_i32_0 = arith.constant 0 : i32
    %c0_i32_1 = arith.constant 0 : i32
    return %c0_i32, %c0_i32_0 : i32, i32
  }
  func.func @transform_5(%arg0: i32) -> (i32, i32) {
    %c0_i32 = arith.constant 0 : i32
    %c0_i32_0 = arith.constant 0 : i32
    %c0_i32_1 = arith.constant 0 : i32
    return %c0_i32, %c0_i32_0 : i32, i32
  }
  func.func @transform_6(%arg0: i32) -> (i32, i32) {
    %c0_i32 = arith.constant 0 : i32
    %c0_i32_0 = arith.constant 0 : i32
    %c0_i32_1 = arith.constant 0 : i32
    return %c0_i32, %c0_i32_0 : i32, i32
  }
  func.func @transform_7(%arg0: i32) -> (i32, i32) {
    %c0_i32 = arith.constant 0 : i32
    %c0_i32_0 = arith.constant 0 : i32
    %c0_i32_1 = arith.constant 0 : i32
    return %c0_i32, %c0_i32_0 : i32, i32
  }
  func.func @transform_8(%arg0: i32) -> (i32, i32) {
    %c0_i32 = arith.constant 0 : i32
    %c0_i32_0 = arith.constant 0 : i32
    %c0_i32_1 = arith.constant 0 : i32
    return %c0_i32, %c0_i32_0 : i32, i32
  }
  func.func @transform_9(%arg0: i32) -> (i32, i32) {
    %c0_i32 = arith.constant 0 : i32
    %c0_i32_0 = arith.constant 0 : i32
    %c0_i32_1 = arith.constant 0 : i32
    return %c0_i32, %c0_i32_0 : i32, i32
  }
  func.func @transform_10(%arg0: i32) -> (i32, i32) {
    %c0_i32 = arith.constant 0 : i32
    %c0_i32_0 = arith.constant 0 : i32
    %c0_i32_1 = arith.constant 0 : i32
    return %c0_i32, %c0_i32_0 : i32, i32
  }
  func.func @transform_11(%arg0: i32) -> (i32, i32, i32) {
    %c0_i32 = arith.constant 0 : i32
    %c0_i32_0 = arith.constant 0 : i32
    %c0_i32_1 = arith.constant 0 : i32
    return %arg0, %c0_i32, %c0_i32_0 : i32, i32, i32
  }
  func.func @transform_12(%arg0: i32) -> (i32, i32) {
    %c0_i32 = arith.constant 0 : i32
    %c0_i32_0 = arith.constant 0 : i32
    return %arg0, %c0_i32 : i32, i32
  }
  func.func @transform_13(%arg0: i32) -> (i32, i32) {
    %c0_i32 = arith.constant 0 : i32
    %c0_i32_0 = arith.constant 0 : i32
    %c0_i32_1 = arith.constant 0 : i32
    return %c0_i32, %c0_i32_0 : i32, i32
  }
}

module attributes {stable_mosaic.version = 14 : i64} {
  func.func @body(%arg0: i32, %arg1: memref<6400x128xf32, #tpu.memory_space<vmem>>, %arg2: memref<6400x1xf32, #tpu.memory_space<vmem>>, %arg3: memref<1x64xf32, #tpu.memory_space<vmem>>, %arg4: memref<200x200xf32, #tpu.memory_space<vmem>>, %arg5: memref<6400x64xf32, #tpu.memory_space<vmem>>, %arg6: memref<1x64xf32, #tpu.memory_space<vmem>>) attributes {dimension_semantics = [#tpu.dimension_semantics<arbitrary>], iteration_bounds = array<i64: 50>, scalar_prefetch = 0 : i64, scratch_operands = 1 : i64, tpu.core_type = #tpu.core_type<tc>, window_params = [{transform_indices = @transform_0, window_bounds = array<i64: 6400, 128>}, {transform_indices = @transform_1, window_bounds = array<i64: 6400, 1>}, {pipeline_mode = #tpu.pipeline_mode<synchronous>, transform_indices = @transform_2, window_bounds = array<i64: 1, 64>}, {pipeline_mode = #tpu.pipeline_mode<synchronous>, transform_indices = @transform_3, window_bounds = array<i64: 200, 200>}, {transform_indices = @transform_4, window_bounds = array<i64: 6400, 64>}]} {
    %eq3A = arith.constant 0 : i32
    %eq3A_0 = arith.cmpi eq, %arg0, %eq3A : i32
    %convert_element_type3A = arith.extui %eq3A_0 : i1 to i32
    %cond3A = arith.constant 0 : i32
    %cond3A_1 = arith.cmpi ne, %convert_element_type3A, %cond3A : i32
    scf.if %cond3A_1 {
      %broadcast_in_dim3A_61 = arith.constant 0.000000e+00 : f32
      %broadcast_in_dim3A_62 = vector.broadcast %broadcast_in_dim3A_61 : f32 to vector<1x64xf32>
      %swap3A_63 = arith.constant 0 : index
      %swap3A_64 = arith.constant 0 : index
      %swap3A_65 = vector.load %arg6[%swap3A_63, %swap3A_64] : memref<1x64xf32, #tpu.memory_space<vmem>>, vector<1x64xf32>
      tpu.vector_store %arg6[%swap3A_63, %swap3A_64], %broadcast_in_dim3A_62 {strides = array<i32>} : memref<1x64xf32, #tpu.memory_space<vmem>>, vector<1x64xf32>,
    } else {
    }
    %get3A = arith.constant 0 : index
    %get3A_2 = arith.constant 0 : index
    %get3A_3 = vector.load %arg2[%get3A, %get3A_2] : memref<6400x1xf32, #tpu.memory_space<vmem>>, vector<6400x1xf32>
    %gt3A = arith.constant 5.000000e-01 : f32
    %gt3A_4 = vector.broadcast %gt3A : f32 to vector<6400x1xf32>
    %gt3A_5 = arith.cmpf ogt, %get3A_3, %gt3A_4 : vector<6400x1xf32>
    %get3A_6 = arith.constant 0 : index
    %get3A_7 = arith.constant 64 : index
    %get3A_8 = vector.load %arg1[%get3A_6, %get3A_7] : memref<6400x128xf32, #tpu.memory_space<vmem>>, vector<6400x64xf32>
    %get3A_9 = arith.constant 0 : index
    %get3A_10 = arith.constant 0 : index
    %get3A_11 = vector.load %arg1[%get3A_9, %get3A_10] : memref<6400x128xf32, #tpu.memory_space<vmem>>, vector<6400x64xf32>
    %broadcast_in_dim3A = vector.shape_cast %gt3A_5 : vector<6400x1xi1> to vector<6400x1xi1>
    %broadcast_in_dim3A_12 = vector.broadcast %broadcast_in_dim3A : vector<6400x1xi1> to vector<6400x64xi1>
    %select_n3A = arith.select %broadcast_in_dim3A_12, %get3A_8, %get3A_11 : vector<6400x64xi1>, vector<6400x64xf32>
    %get3A_13 = arith.constant 0 : index
    %get3A_14 = arith.constant 0 : index
    %get3A_15 = vector.load %arg3[%get3A_13, %get3A_14] : memref<1x64xf32, #tpu.memory_space<vmem>>, vector<1x64xf32>
    %mul3A = arith.constant 3.125000e-06 : f32
    %mul3A_16 = vector.broadcast %mul3A : f32 to vector<1x64xf32>
    %mul3A_17 = arith.mulf %get3A_15, %mul3A_16 : vector<1x64xf32>
    %sub3A = vector.broadcast %mul3A_17 : vector<1x64xf32> to vector<6400x64xf32>
    %sub3A_18 = arith.subf %select_n3A, %sub3A : vector<6400x64xf32>
    %reshape3A = vector.shape_cast %sub3A_18 : vector<6400x64xf32> to vector<200x32x64xf32>
    %broadcast_in_dim3A_19 = arith.constant 0.000000e+00 : f32
    %broadcast_in_dim3A_20 = vector.broadcast %broadcast_in_dim3A_19 : f32 to vector<200x1x64xf32>
    %slice3A = vector.extract_strided_slice %reshape3A {offsets = [0, 0, 0], sizes = [200, 31, 64], strides = [1, 1, 1]} : vector<200x32x64xf32> to vector<200x31x64xf32>
    %concatenate3A = tpu.concatenate %broadcast_in_dim3A_20, %slice3A in 1 : vector<200x1x64xf32>, vector<200x31x64xf32> -> vector<200x32x64xf32>
    %add3A = arith.addf %reshape3A, %concatenate3A : vector<200x32x64xf32>
    %broadcast_in_dim3A_21 = arith.constant 0.000000e+00 : f32
    %broadcast_in_dim3A_22 = vector.broadcast %broadcast_in_dim3A_21 : f32 to vector<200x2x64xf32>
    %slice3A_23 = vector.extract_strided_slice %add3A {offsets = [0, 0, 0], sizes = [200, 30, 64], strides = [1, 1, 1]} : vector<200x32x64xf32> to vector<200x30x64xf32>
    %concatenate3A_24 = tpu.concatenate %broadcast_in_dim3A_22, %slice3A_23 in 1 : vector<200x2x64xf32>, vector<200x30x64xf32> -> vector<200x32x64xf32>
    %add3A_25 = arith.addf %add3A, %concatenate3A_24 : vector<200x32x64xf32>
    %broadcast_in_dim3A_26 = arith.constant 0.000000e+00 : f32
    %broadcast_in_dim3A_27 = vector.broadcast %broadcast_in_dim3A_26 : f32 to vector<200x4x64xf32>
    %slice3A_28 = vector.extract_strided_slice %add3A_25 {offsets = [0, 0, 0], sizes = [200, 28, 64], strides = [1, 1, 1]} : vector<200x32x64xf32> to vector<200x28x64xf32>
    %concatenate3A_29 = tpu.concatenate %broadcast_in_dim3A_27, %slice3A_28 in 1 : vector<200x4x64xf32>, vector<200x28x64xf32> -> vector<200x32x64xf32>
    %add3A_30 = arith.addf %add3A_25, %concatenate3A_29 : vector<200x32x64xf32>
    %broadcast_in_dim3A_31 = arith.constant 0.000000e+00 : f32
    %broadcast_in_dim3A_32 = vector.broadcast %broadcast_in_dim3A_31 : f32 to vector<200x8x64xf32>
    %slice3A_33 = vector.extract_strided_slice %add3A_30 {offsets = [0, 0, 0], sizes = [200, 24, 64], strides = [1, 1, 1]} : vector<200x32x64xf32> to vector<200x24x64xf32>
    %concatenate3A_34 = tpu.concatenate %broadcast_in_dim3A_32, %slice3A_33 in 1 : vector<200x8x64xf32>, vector<200x24x64xf32> -> vector<200x32x64xf32>
    %add3A_35 = arith.addf %add3A_30, %concatenate3A_34 : vector<200x32x64xf32>
    %broadcast_in_dim3A_36 = arith.constant 0.000000e+00 : f32
    %broadcast_in_dim3A_37 = vector.broadcast %broadcast_in_dim3A_36 : f32 to vector<200x16x64xf32>
    %slice3A_38 = vector.extract_strided_slice %add3A_35 {offsets = [0, 0, 0], sizes = [200, 16, 64], strides = [1, 1, 1]} : vector<200x32x64xf32> to vector<200x16x64xf32>
    %concatenate3A_39 = tpu.concatenate %broadcast_in_dim3A_37, %slice3A_38 in 1 : vector<200x16x64xf32>, vector<200x16x64xf32> -> vector<200x32x64xf32>
    %add3A_40 = arith.addf %add3A_35, %concatenate3A_39 : vector<200x32x64xf32>
    %get3A_41 = arith.constant 0 : index
    %get3A_42 = arith.constant 0 : index
    %get3A_43 = vector.load %arg4[%get3A_41, %get3A_42] : memref<200x200xf32, #tpu.memory_space<vmem>>, vector<200x200xf32>
    %reduce_sum3A = arith.constant dense<0.000000e+00> : vector<200x64xf32>
    %reduce_sum3A_44 = vector.multi_reduction <add>, %reshape3A, %reduce_sum3A [1] : vector<200x32x64xf32> to vector<200x64xf32>
    %dot_general3A = arith.constant dense<0.000000e+00> : vector<200x64xf32>
    %dot_general3A_45 = tpu.matmul %get3A_43, %reduce_sum3A_44, %dot_general3A {dimension_numbers = #tpu.dot_dimension_numbers<[1], [0], [0], [1], [0, 0, 1, 1], [], []>, transpose_lhs_hint = false} : vector<200x200xf32>, vector<200x64xf32>, vector<200x64xf32> -> vector<200x64xf32>
    %broadcast_in_dim3A_46 = vector.shape_cast %dot_general3A_45 : vector<200x64xf32> to vector<200x1x64xf32>
    %add3A_47 = vector.broadcast %broadcast_in_dim3A_46 : vector<200x1x64xf32> to vector<200x32x64xf32>
    %add3A_48 = arith.addf %add3A_40, %add3A_47 : vector<200x32x64xf32>
    %reshape3A_49 = vector.shape_cast %add3A_48 : vector<200x32x64xf32> to vector<6400x64xf32>
    %get3A_50 = arith.constant 0 : index
    %get3A_51 = arith.constant 0 : index
    %get3A_52 = vector.load %arg6[%get3A_50, %get3A_51] : memref<1x64xf32, #tpu.memory_space<vmem>>, vector<1x64xf32>
    %add3A_53 = vector.broadcast %get3A_52 : vector<1x64xf32> to vector<6400x64xf32>
    %add3A_54 = arith.addf %reshape3A_49, %add3A_53 : vector<6400x64xf32>
    %swap3A = arith.constant 0 : index
    %swap3A_55 = arith.constant 0 : index
    %swap3A_56 = vector.load %arg5[%swap3A, %swap3A_55] : memref<6400x64xf32, #tpu.memory_space<vmem>>, vector<6400x64xf32>
    tpu.vector_store %arg5[%swap3A, %swap3A_55], %add3A_54 {strides = array<i32>} : memref<6400x64xf32, #tpu.memory_space<vmem>>, vector<6400x64xf32>,
    %slice3A_57 = vector.extract_strided_slice %add3A_54 {offsets = [6399, 0], sizes = [1, 64], strides = [1, 1]} : vector<6400x64xf32> to vector<1x64xf32>
    %swap3A_58 = arith.constant 0 : index
    %swap3A_59 = arith.constant 0 : index
    %swap3A_60 = vector.load %arg6[%swap3A_58, %swap3A_59] : memref<1x64xf32, #tpu.memory_space<vmem>>, vector<1x64xf32>
    tpu.vector_store %arg6[%swap3A_58, %swap3A_59], %slice3A_57 {strides = array<i32>} : memref<1x64xf32, #tpu.memory_space<vmem>>, vector<1x64xf32>,
    return
  }
  func.func @transform_0(%arg0: i32) -> (i32, i32) {
    %c0_i32 = arith.constant 0 : i32
    %c0_i32_0 = arith.constant 0 : i32
    return %arg0, %c0_i32 : i32, i32
  }
  func.func @transform_1(%arg0: i32) -> (i32, i32) {
    %c0_i32 = arith.constant 0 : i32
    %c0_i32_0 = arith.constant 0 : i32
    return %arg0, %c0_i32 : i32, i32
  }
  func.func @transform_2(%arg0: i32) -> (i32, i32) {
    %c0_i32 = arith.constant 0 : i32
    %c0_i32_0 = arith.constant 0 : i32
    %c0_i32_1 = arith.constant 0 : i32
    return %c0_i32, %c0_i32_0 : i32, i32
  }
  func.func @transform_3(%arg0: i32) -> (i32, i32) {
    %c0_i32 = arith.constant 0 : i32
    %c0_i32_0 = arith.constant 0 : i32
    %c0_i32_1 = arith.constant 0 : i32
    return %c0_i32, %c0_i32_0 : i32, i32
  }
  func.func @transform_4(%arg0: i32) -> (i32, i32) {
    %c0_i32 = arith.constant 0 : i32
    %c0_i32_0 = arith.constant 0 : i32
    return %arg0, %c0_i32 : i32, i32
  }
}

module attributes {stable_mosaic.version = 14 : i64} {
  func.func @body(%arg0: i32, %arg1: memref<2000x64xf32, #tpu.memory_space<vmem>>, %arg2: memref<2000x64xf32, #tpu.memory_space<vmem>>, %arg3: memref<2000x64xf32, #tpu.memory_space<vmem>>, %arg4: memref<2000x128xf32, #tpu.memory_space<vmem>>, %arg5: memref<2000x128xf32, #tpu.memory_space<vmem>>, %arg6: memref<2000x1xf32, #tpu.memory_space<vmem>>, %arg7: memref<2000x1xf32, #tpu.memory_space<vmem>>, %arg8: memref<2000x1xf32, #tpu.memory_space<vmem>>, %arg9: memref<2000x1xf32, #tpu.memory_space<vmem>>, %arg10: memref<2000x1xf32, #tpu.memory_space<vmem>>, %arg11: memref<1x64xf32, #tpu.memory_space<vmem>>, %arg12: memref<64x64xf32, #tpu.memory_space<vmem>>, %arg13: memref<64x64xf32, #tpu.memory_space<vmem>>, %arg14: memref<64x64xf32, #tpu.memory_space<vmem>>, %arg15: memref<64x64xf32, #tpu.memory_space<vmem>>, %arg16: memref<64x64xf32, #tpu.memory_space<vmem>>, %arg17: memref<1x64xf32, #tpu.memory_space<vmem>>, %arg18: memref<1x64xf32, #tpu.memory_space<vmem>>, %arg19: memref<1x64xf32, #tpu.memory_space<vmem>>, %arg20: memref<64x64xf32, #tpu.memory_space<vmem>>, %arg21: memref<64x64xf32, #tpu.memory_space<vmem>>, %arg22: memref<64x64xf32, #tpu.memory_space<vmem>>, %arg23: memref<1x64xf32, #tpu.memory_space<vmem>>, %arg24: memref<1x64xf32, #tpu.memory_space<vmem>>, %arg25: memref<64x64xf32, #tpu.memory_space<vmem>>, %arg26: memref<64x64xf32, #tpu.memory_space<vmem>>, %arg27: memref<64x64xf32, #tpu.memory_space<vmem>>, %arg28: memref<64x64xf32, #tpu.memory_space<vmem>>, %arg29: memref<64x64xf32, #tpu.memory_space<vmem>>, %arg30: memref<64x64xf32, #tpu.memory_space<vmem>>, %arg31: memref<1x64xf32, #tpu.memory_space<vmem>>, %arg32: memref<64x64xf32, #tpu.memory_space<vmem>>, %arg33: memref<64x64xf32, #tpu.memory_space<vmem>>, %arg34: memref<1x64xf32, #tpu.memory_space<vmem>>, %arg35: memref<64x64xf32, #tpu.memory_space<vmem>>, %arg36: memref<64x64xf32, #tpu.memory_space<vmem>>, %arg37: memref<1x64xf32, #tpu.memory_space<vmem>>, %arg38: memref<2000x64xf32, #tpu.memory_space<vmem>>, %arg39: memref<2000x128xf32, #tpu.memory_space<vmem>>, %arg40: memref<2000x64xf32, #tpu.memory_space<vmem>>, %arg41: memref<1x64xf32, #tpu.memory_space<vmem>>, %arg42: memref<1x64xf32, #tpu.memory_space<vmem>>, %arg43: memref<1x64xf32, #tpu.memory_space<vmem>>, %arg44: memref<1x64xf32, #tpu.memory_space<vmem>>, %arg45: memref<1x64xf32, #tpu.memory_space<vmem>>) attributes {dimension_semantics = [#tpu.dimension_semantics<arbitrary>], iteration_bounds = array<i64: 5>, scalar_prefetch = 0 : i64, scratch_operands = 0 : i64, tpu.core_type = #tpu.core_type<tc>, window_params = [{transform_indices = @transform_0, window_bounds = array<i64: 2000, 64>}, {transform_indices = @transform_1, window_bounds = array<i64: 2000, 64>}, {transform_indices = @transform_2, window_bounds = array<i64: 2000, 64>}, {transform_indices = @transform_3, window_bounds = array<i64: 2000, 128>}, {transform_indices = @transform_4, window_bounds = array<i64: 2000, 128>}, {transform_indices = @transform_5, window_bounds = array<i64: 2000, 1>}, {transform_indices = @transform_6, window_bounds = array<i64: 2000, 1>}, {transform_indices = @transform_7, window_bounds = array<i64: 2000, 1>}, {transform_indices = @transform_8, window_bounds = array<i64: 2000, 1>}, {transform_indices = @transform_9, window_bounds = array<i64: 2000, 1>}, {pipeline_mode = #tpu.pipeline_mode<synchronous>, transform_indices = @transform_10, window_bounds = array<i64: 1, 64>}, {pipeline_mode = #tpu.pipeline_mode<synchronous>, transform_indices = @transform_11, window_bounds = array<i64: 64, 64>}, {pipeline_mode = #tpu.pipeline_mode<synchronous>, transform_indices = @transform_12, window_bounds = array<i64: 64, 64>}, {pipeline_mode = #tpu.pipeline_mode<synchronous>, transform_indices = @transform_13, window_bounds = array<i64: 64, 64>}, {pipeline_mode = #tpu.pipeline_mode<synchronous>, transform_indices = @transform_14, window_bounds = array<i64: 64, 64>}, {pipeline_mode = #tpu.pipeline_mode<synchronous>, transform_indices = @transform_15, window_bounds = array<i64: 64, 64>}, {pipeline_mode = #tpu.pipeline_mode<synchronous>, transform_indices = @transform_16, window_bounds = array<i64: 1, 64>}, {pipeline_mode = #tpu.pipeline_mode<synchronous>, transform_indices = @transform_17, window_bounds = array<i64: 1, 64>}, {pipeline_mode = #tpu.pipeline_mode<synchronous>, transform_indices = @transform_18, window_bounds = array<i64: 1, 64>}, {pipeline_mode = #tpu.pipeline_mode<synchronous>, transform_indices = @transform_19, window_bounds = array<i64: 64, 64>}, {pipeline_mode = #tpu.pipeline_mode<synchronous>, transform_indices = @transform_20, window_bounds = array<i64: 64, 64>}, {pipeline_mode = #tpu.pipeline_mode<synchronous>, transform_indices = @transform_21, window_bounds = array<i64: 64, 64>}, {pipeline_mode = #tpu.pipeline_mode<synchronous>, transform_indices = @transform_22, window_bounds = array<i64: 1, 64>}, {pipeline_mode = #tpu.pipeline_mode<synchronous>, transform_indices = @transform_23, window_bounds = array<i64: 1, 64>}, {pipeline_mode = #tpu.pipeline_mode<synchronous>, transform_indices = @transform_24, window_bounds = array<i64: 64, 64>}, {pipeline_mode = #tpu.pipeline_mode<synchronous>, transform_indices = @transform_25, window_bounds = array<i64: 64, 64>}, {pipeline_mode = #tpu.pipeline_mode<synchronous>, transform_indices = @transform_26, window_bounds = array<i64: 64, 64>}, {pipeline_mode = #tpu.pipeline_mode<synchronous>, transform_indices = @transform_27, window_bounds = array<i64: 64, 64>}, {pipeline_mode = #tpu.pipeline_mode<synchronous>, transform_indices = @transform_28, window_bounds = array<i64: 64, 64>}, {pipeline_mode = #tpu.pipeline_mode<synchronous>, transform_indices = @transform_29, window_bounds = array<i64: 64, 64>}, {pipeline_mode = #tpu.pipeline_mode<synchronous>, transform_indices = @transform_30, window_bounds = array<i64: 1, 64>}, {pipeline_mode = #tpu.pipeline_mode<synchronous>, transform_indices = @transform_31, window_bounds = array<i64: 64, 64>}, {pipeline_mode = #tpu.pipeline_mode<synchronous>, transform_indices = @transform_32, window_bounds = array<i64: 64, 64>}, {pipeline_mode = #tpu.pipeline_mode<synchronous>, transform_indices = @transform_33, window_bounds = array<i64: 1, 64>}, {pipeline_mode = #tpu.pipeline_mode<synchronous>, transform_indices = @transform_34, window_bounds = array<i64: 64, 64>}, {pipeline_mode = #tpu.pipeline_mode<synchronous>, transform_indices = @transform_35, window_bounds = array<i64: 64, 64>}, {pipeline_mode = #tpu.pipeline_mode<synchronous>, transform_indices = @transform_36, window_bounds = array<i64: 1, 64>}, {transform_indices = @transform_37, window_bounds = array<i64: 2000, 64>}, {transform_indices = @transform_38, window_bounds = array<i64: 2000, 128>}, {transform_indices = @transform_39, window_bounds = array<i64: 2000, 64>}, {pipeline_mode = #tpu.pipeline_mode<synchronous>, transform_indices = @transform_40, window_bounds = array<i64: 1, 64>}, {pipeline_mode = #tpu.pipeline_mode<synchronous>, transform_indices = @transform_41, window_bounds = array<i64: 1, 64>}, {pipeline_mode = #tpu.pipeline_mode<synchronous>, transform_indices = @transform_42, window_bounds = array<i64: 1, 64>}, {pipeline_mode = #tpu.pipeline_mode<synchronous>, transform_indices = @transform_43, window_bounds = array<i64: 1, 64>}, {pipeline_mode = #tpu.pipeline_mode<synchronous>, transform_indices = @transform_44, window_bounds = array<i64: 1, 64>}]} {
    %get3A = arith.constant 0 : index
    %get3A_0 = arith.constant 0 : index
    %get3A_1 = vector.load %arg6[%get3A, %get3A_0] : memref<2000x1xf32, #tpu.memory_space<vmem>>, vector<2000x1xf32>
    %gt3A = arith.constant 5.000000e-01 : f32
    %gt3A_2 = vector.broadcast %gt3A : f32 to vector<2000x1xf32>
    %gt3A_3 = arith.cmpf ogt, %get3A_1, %gt3A_2 : vector<2000x1xf32>
    %get3A_4 = arith.constant 0 : index
    %get3A_5 = arith.constant 64 : index
    %get3A_6 = vector.load %arg4[%get3A_4, %get3A_5] : memref<2000x128xf32, #tpu.memory_space<vmem>>, vector<2000x64xf32>
    %get3A_7 = arith.constant 0 : index
    %get3A_8 = arith.constant 0 : index
    %get3A_9 = vector.load %arg4[%get3A_7, %get3A_8] : memref<2000x128xf32, #tpu.memory_space<vmem>>, vector<2000x64xf32>
    %broadcast_in_dim3A = vector.shape_cast %gt3A_3 : vector<2000x1xi1> to vector<2000x1xi1>
    %broadcast_in_dim3A_10 = vector.broadcast %broadcast_in_dim3A : vector<2000x1xi1> to vector<2000x64xi1>
    %select_n3A = arith.select %broadcast_in_dim3A_10, %get3A_6, %get3A_9 : vector<2000x64xi1>, vector<2000x64xf32>
    %get3A_11 = arith.constant 0 : index
    %get3A_12 = arith.constant 0 : index
    %get3A_13 = vector.load %arg8[%get3A_11, %get3A_12] : memref<2000x1xf32, #tpu.memory_space<vmem>>, vector<2000x1xf32>
    %mul3A = vector.broadcast %get3A_13 : vector<2000x1xf32> to vector<2000x64xf32>
    %mul3A_14 = arith.mulf %select_n3A, %mul3A : vector<2000x64xf32>
    %get3A_15 = arith.constant 0 : index
    %get3A_16 = arith.constant 0 : index
    %get3A_17 = vector.load %arg7[%get3A_15, %get3A_16] : memref<2000x1xf32, #tpu.memory_space<vmem>>, vector<2000x1xf32>
    %gt3A_18 = arith.constant 5.000000e-01 : f32
    %gt3A_19 = vector.broadcast %gt3A_18 : f32 to vector<2000x1xf32>
    %gt3A_20 = arith.cmpf ogt, %get3A_17, %gt3A_19 : vector<2000x1xf32>
    %get3A_21 = arith.constant 0 : index
    %get3A_22 = arith.constant 64 : index
    %get3A_23 = vector.load %arg5[%get3A_21, %get3A_22] : memref<2000x128xf32, #tpu.memory_space<vmem>>, vector<2000x64xf32>
    %get3A_24 = arith.constant 0 : index
    %get3A_25 = arith.constant 0 : index
    %get3A_26 = vector.load %arg5[%get3A_24, %get3A_25] : memref<2000x128xf32, #tpu.memory_space<vmem>>, vector<2000x64xf32>
    %broadcast_in_dim3A_27 = vector.shape_cast %gt3A_20 : vector<2000x1xi1> to vector<2000x1xi1>
    %broadcast_in_dim3A_28 = vector.broadcast %broadcast_in_dim3A_27 : vector<2000x1xi1> to vector<2000x64xi1>
    %select_n3A_29 = arith.select %broadcast_in_dim3A_28, %get3A_23, %get3A_26 : vector<2000x64xi1>, vector<2000x64xf32>
    %get3A_30 = arith.constant 0 : index
    %get3A_31 = arith.constant 0 : index
    %get3A_32 = vector.load %arg9[%get3A_30, %get3A_31] : memref<2000x1xf32, #tpu.memory_space<vmem>>, vector<2000x1xf32>
    %mul3A_33 = vector.broadcast %get3A_32 : vector<2000x1xf32> to vector<2000x64xf32>
    %mul3A_34 = arith.mulf %select_n3A_29, %mul3A_33 : vector<2000x64xf32>
    %sub3A = arith.subf %mul3A_14, %mul3A_34 : vector<2000x64xf32>
    %get3A_35 = arith.constant 0 : index
    %get3A_36 = arith.constant 0 : index
    %get3A_37 = vector.load %arg10[%get3A_35, %get3A_36] : memref<2000x1xf32, #tpu.memory_space<vmem>>, vector<2000x1xf32>
    %get3A_38 = arith.constant 0 : index
    %get3A_39 = arith.constant 0 : index
    %get3A_40 = vector.load %arg18[%get3A_38, %get3A_39] : memref<1x64xf32, #tpu.memory_space<vmem>>, vector<1x64xf32>
    %mul3A_41 = arith.constant 3.125000e-06 : f32
    %mul3A_42 = vector.broadcast %mul3A_41 : f32 to vector<1x64xf32>
    %mul3A_43 = arith.mulf %get3A_40, %mul3A_42 : vector<1x64xf32>
    %mul3A_44 = vector.broadcast %get3A_37 : vector<2000x1xf32> to vector<2000x64xf32>
    %mul3A_45 = vector.broadcast %mul3A_43 : vector<1x64xf32> to vector<2000x64xf32>
    %mul3A_46 = arith.mulf %mul3A_44, %mul3A_45 : vector<2000x64xf32>
    %add3A = arith.addf %sub3A, %mul3A_46 : vector<2000x64xf32>
    %get3A_47 = arith.constant 0 : index
    %get3A_48 = arith.constant 0 : index
    %get3A_49 = vector.load %arg1[%get3A_47, %get3A_48] : memref<2000x64xf32, #tpu.memory_space<vmem>>, vector<2000x64xf32>
    %get3A_50 = arith.constant 0 : index
    %get3A_51 = arith.constant 0 : index
    %get3A_52 = vector.load %arg12[%get3A_50, %get3A_51] : memref<64x64xf32, #tpu.memory_space<vmem>>, vector<64x64xf32>
    %dot_general3A = arith.constant dense<0.000000e+00> : vector<2000x64xf32>
    %dot_general3A_53 = tpu.matmul %get3A_49, %get3A_52, %dot_general3A {dimension_numbers = #tpu.dot_dimension_numbers<[1], [0], [0], [1], [0, 0, 1, 1], [], []>, transpose_lhs_hint = false} : vector<2000x64xf32>, vector<64x64xf32>, vector<2000x64xf32> -> vector<2000x64xf32>
    %get3A_54 = arith.constant 0 : index
    %get3A_55 = arith.constant 0 : index
    %get3A_56 = vector.load %arg2[%get3A_54, %get3A_55] : memref<2000x64xf32, #tpu.memory_space<vmem>>, vector<2000x64xf32>
    %get3A_57 = arith.constant 0 : index
    %get3A_58 = arith.constant 0 : index
    %get3A_59 = vector.load %arg13[%get3A_57, %get3A_58] : memref<64x64xf32, #tpu.memory_space<vmem>>, vector<64x64xf32>
    %dot_general3A_60 = arith.constant dense<0.000000e+00> : vector<2000x64xf32>
    %dot_general3A_61 = tpu.matmul %get3A_56, %get3A_59, %dot_general3A_60 {dimension_numbers = #tpu.dot_dimension_numbers<[1], [0], [0], [1], [0, 0, 1, 1], [], []>, transpose_lhs_hint = false} : vector<2000x64xf32>, vector<64x64xf32>, vector<2000x64xf32> -> vector<2000x64xf32>
    %add3A_62 = arith.addf %dot_general3A_53, %dot_general3A_61 : vector<2000x64xf32>
    %get3A_63 = arith.constant 0 : index
    %get3A_64 = arith.constant 0 : index
    %get3A_65 = vector.load %arg3[%get3A_63, %get3A_64] : memref<2000x64xf32, #tpu.memory_space<vmem>>, vector<2000x64xf32>
    %get3A_66 = arith.constant 0 : index
    %get3A_67 = arith.constant 0 : index
    %get3A_68 = vector.load %arg14[%get3A_66, %get3A_67] : memref<64x64xf32, #tpu.memory_space<vmem>>, vector<64x64xf32>
    %dot_general3A_69 = arith.constant dense<0.000000e+00> : vector<2000x64xf32>
    %dot_general3A_70 = tpu.matmul %get3A_65, %get3A_68, %dot_general3A_69 {dimension_numbers = #tpu.dot_dimension_numbers<[1], [0], [0], [1], [0, 0, 1, 1], [], []>, transpose_lhs_hint = false} : vector<2000x64xf32>, vector<64x64xf32>, vector<2000x64xf32> -> vector<2000x64xf32>
    %add3A_71 = arith.addf %add3A_62, %dot_general3A_70 : vector<2000x64xf32>
    %get3A_72 = arith.constant 0 : index
    %get3A_73 = arith.constant 0 : index
    %get3A_74 = vector.load %arg15[%get3A_72, %get3A_73] : memref<64x64xf32, #tpu.memory_space<vmem>>, vector<64x64xf32>
    %dot_general3A_75 = arith.constant dense<0.000000e+00> : vector<2000x64xf32>
    %dot_general3A_76 = tpu.matmul %add3A, %get3A_74, %dot_general3A_75 {dimension_numbers = #tpu.dot_dimension_numbers<[1], [0], [0], [1], [0, 0, 1, 1], [], []>, transpose_lhs_hint = false} : vector<2000x64xf32>, vector<64x64xf32>, vector<2000x64xf32> -> vector<2000x64xf32>
    %add3A_77 = arith.addf %add3A_71, %dot_general3A_76 : vector<2000x64xf32>
    %get3A_78 = arith.constant 0 : index
    %get3A_79 = arith.constant 0 : index
    %get3A_80 = vector.load %arg11[%get3A_78, %get3A_79] : memref<1x64xf32, #tpu.memory_space<vmem>>, vector<1x64xf32>
    %add3A_81 = vector.broadcast %get3A_80 : vector<1x64xf32> to vector<2000x64xf32>
    %add3A_82 = arith.addf %add3A_77, %add3A_81 : vector<2000x64xf32>
    %max3A = arith.constant 0.000000e+00 : f32
    %max3A_83 = vector.broadcast %max3A : f32 to vector<2000x64xf32>
    %max3A_84 = arith.maximumf %add3A_82, %max3A_83 : vector<2000x64xf32>
    %abs3A = math.absf %add3A_82 : vector<2000x64xf32>
    %neg3A = arith.constant 0.000000e+00 : f32
    %neg3A_85 = vector.broadcast %neg3A : f32 to vector<2000x64xf32>
    %neg3A_86 = arith.subf %neg3A_85, %abs3A : vector<2000x64xf32>
    %exp3A = math.exp %neg3A_86 : vector<2000x64xf32>
    %log1p3A = math.log1p %exp3A : vector<2000x64xf32>
    %add3A_87 = arith.addf %max3A_84, %log1p3A : vector<2000x64xf32>
    %get3A_88 = arith.constant 0 : index
    %get3A_89 = arith.constant 0 : index
    %get3A_90 = vector.load %arg16[%get3A_88, %get3A_89] : memref<64x64xf32, #tpu.memory_space<vmem>>, vector<64x64xf32>
    %dot_general3A_91 = arith.constant dense<0.000000e+00> : vector<2000x64xf32>
    %dot_general3A_92 = tpu.matmul %add3A_87, %get3A_90, %dot_general3A_91 {dimension_numbers = #tpu.dot_dimension_numbers<[1], [0], [0], [1], [0, 0, 1, 1], [], []>, transpose_lhs_hint = false} : vector<2000x64xf32>, vector<64x64xf32>, vector<2000x64xf32> -> vector<2000x64xf32>
    %get3A_93 = arith.constant 0 : index
    %get3A_94 = arith.constant 0 : index
    %get3A_95 = vector.load %arg17[%get3A_93, %get3A_94] : memref<1x64xf32, #tpu.memory_space<vmem>>, vector<1x64xf32>
    %add3A_96 = vector.broadcast %get3A_95 : vector<1x64xf32> to vector<2000x64xf32>
    %add3A_97 = arith.addf %dot_general3A_92, %add3A_96 : vector<2000x64xf32>
    %max3A_98 = arith.constant 0.000000e+00 : f32
    %max3A_99 = vector.broadcast %max3A_98 : f32 to vector<2000x64xf32>
    %max3A_100 = arith.maximumf %add3A_97, %max3A_99 : vector<2000x64xf32>
    %abs3A_101 = math.absf %add3A_97 : vector<2000x64xf32>
    %neg3A_102 = arith.constant 0.000000e+00 : f32
    %neg3A_103 = vector.broadcast %neg3A_102 : f32 to vector<2000x64xf32>
    %neg3A_104 = arith.subf %neg3A_103, %abs3A_101 : vector<2000x64xf32>
    %exp3A_105 = math.exp %neg3A_104 : vector<2000x64xf32>
    %log1p3A_106 = math.log1p %exp3A_105 : vector<2000x64xf32>
    %add3A_107 = arith.addf %max3A_100, %log1p3A_106 : vector<2000x64xf32>
    %swap3A = arith.constant 0 : index
    %swap3A_108 = arith.constant 0 : index
    %swap3A_109 = vector.load %arg38[%swap3A, %swap3A_108] : memref<2000x64xf32, #tpu.memory_space<vmem>>, vector<2000x64xf32>
    tpu.vector_store %arg38[%swap3A, %swap3A_108], %add3A_107 {strides = array<i32>} : memref<2000x64xf32, #tpu.memory_space<vmem>>, vector<2000x64xf32>,
    %get3A_110 = arith.constant 0 : index
    %get3A_111 = arith.constant 0 : index
    %get3A_112 = vector.load %arg25[%get3A_110, %get3A_111] : memref<64x64xf32, #tpu.memory_space<vmem>>, vector<64x64xf32>
    %dot_general3A_113 = arith.constant dense<0.000000e+00> : vector<2000x64xf32>
    %dot_general3A_114 = tpu.matmul %add3A_107, %get3A_112, %dot_general3A_113 {dimension_numbers = #tpu.dot_dimension_numbers<[1], [0], [0], [1], [0, 0, 1, 1], [], []>, transpose_lhs_hint = false} : vector<2000x64xf32>, vector<64x64xf32>, vector<2000x64xf32> -> vector<2000x64xf32>
    %get3A_115 = arith.constant 0 : index
    %get3A_116 = arith.constant 0 : index
    %get3A_117 = vector.load %arg2[%get3A_115, %get3A_116] : memref<2000x64xf32, #tpu.memory_space<vmem>>, vector<2000x64xf32>
    %get3A_118 = arith.constant 0 : index
    %get3A_119 = arith.constant 0 : index
    %get3A_120 = vector.load %arg26[%get3A_118, %get3A_119] : memref<64x64xf32, #tpu.memory_space<vmem>>, vector<64x64xf32>
    %dot_general3A_121 = arith.constant dense<0.000000e+00> : vector<2000x64xf32>
    %dot_general3A_122 = tpu.matmul %get3A_117, %get3A_120, %dot_general3A_121 {dimension_numbers = #tpu.dot_dimension_numbers<[1], [0], [0], [1], [0, 0, 1, 1], [], []>, transpose_lhs_hint = false} : vector<2000x64xf32>, vector<64x64xf32>, vector<2000x64xf32> -> vector<2000x64xf32>
    %add3A_123 = arith.addf %dot_general3A_114, %dot_general3A_122 : vector<2000x64xf32>
    %swap3A_124 = arith.constant 0 : index
    %swap3A_125 = arith.constant 0 : index
    %swap3A_126 = vector.load %arg39[%swap3A_124, %swap3A_125] : memref<2000x128xf32, #tpu.memory_space<vmem>>, vector<2000x64xf32>
    tpu.vector_store %arg39[%swap3A_124, %swap3A_125], %add3A_123 {strides = array<i32>} : memref<2000x128xf32, #tpu.memory_space<vmem>>, vector<2000x64xf32>,
    %broadcast_in_dim3A_127 = arith.constant 0.000000e+00 : f32
    %broadcast_in_dim3A_128 = vector.broadcast %broadcast_in_dim3A_127 : f32 to vector<2000x64xf32>
    %swap3A_129 = arith.constant 0 : index
    %swap3A_130 = arith.constant 64 : index
    %swap3A_131 = vector.load %arg39[%swap3A_129, %swap3A_130] : memref<2000x128xf32, #tpu.memory_space<vmem>>, vector<2000x64xf32>
    tpu.vector_store %arg39[%swap3A_129, %swap3A_130], %broadcast_in_dim3A_128 {strides = array<i32>} : memref<2000x128xf32, #tpu.memory_space<vmem>>, vector<2000x64xf32>,
    %get3A_132 = arith.constant 0 : index
    %get3A_133 = arith.constant 0 : index
    %get3A_134 = vector.load %arg27[%get3A_132, %get3A_133] : memref<64x64xf32, #tpu.memory_space<vmem>>, vector<64x64xf32>
    %dot_general3A_135 = arith.constant dense<0.000000e+00> : vector<2000x64xf32>
    %dot_general3A_136 = tpu.matmul %add3A_107, %get3A_134, %dot_general3A_135 {dimension_numbers = #tpu.dot_dimension_numbers<[1], [0], [0], [1], [0, 0, 1, 1], [], []>, transpose_lhs_hint = false} : vector<2000x64xf32>, vector<64x64xf32>, vector<2000x64xf32> -> vector<2000x64xf32>
    %get3A_137 = arith.constant 0 : index
    %get3A_138 = arith.constant 0 : index
    %get3A_139 = vector.load %arg2[%get3A_137, %get3A_138] : memref<2000x64xf32, #tpu.memory_space<vmem>>, vector<2000x64xf32>
    %get3A_140 = arith.constant 0 : index
    %get3A_141 = arith.constant 0 : index
    %get3A_142 = vector.load %arg28[%get3A_140, %get3A_141] : memref<64x64xf32, #tpu.memory_space<vmem>>, vector<64x64xf32>
    %dot_general3A_143 = arith.constant dense<0.000000e+00> : vector<2000x64xf32>
    %dot_general3A_144 = tpu.matmul %get3A_139, %get3A_142, %dot_general3A_143 {dimension_numbers = #tpu.dot_dimension_numbers<[1], [0], [0], [1], [0, 0, 1, 1], [], []>, transpose_lhs_hint = false} : vector<2000x64xf32>, vector<64x64xf32>, vector<2000x64xf32> -> vector<2000x64xf32>
    %add3A_145 = arith.addf %dot_general3A_136, %dot_general3A_144 : vector<2000x64xf32>
    %swap3A_146 = arith.constant 0 : index
    %swap3A_147 = arith.constant 0 : index
    %swap3A_148 = vector.load %arg40[%swap3A_146, %swap3A_147] : memref<2000x64xf32, #tpu.memory_space<vmem>>, vector<2000x64xf32>
    tpu.vector_store %arg40[%swap3A_146, %swap3A_147], %add3A_145 {strides = array<i32>} : memref<2000x64xf32, #tpu.memory_space<vmem>>, vector<2000x64xf32>,
    %reduce_sum3A = arith.constant dense<0.000000e+00> : vector<64xf32>
    %reduce_sum3A_149 = vector.multi_reduction <add>, %add3A_107, %reduce_sum3A [0] : vector<2000x64xf32> to vector<64xf32>
    %broadcast_in_dim3A_150 = vector.shape_cast %reduce_sum3A_149 : vector<64xf32> to vector<1x64xf32>
    %eq3A = arith.constant 0 : i32
    %eq3A_151 = arith.cmpi eq, %arg0, %eq3A : i32
    %convert_element_type3A = arith.extui %eq3A_151 : i1 to i32
    %cond3A = arith.constant 0 : i32
    %cond3A_152 = arith.cmpi ne, %convert_element_type3A, %cond3A : i32
    scf.if %cond3A_152 {
      %swap3A_163 = arith.constant 0 : index
      %swap3A_164 = arith.constant 0 : index
      %swap3A_165 = vector.load %arg41[%swap3A_163, %swap3A_164] : memref<1x64xf32, #tpu.memory_space<vmem>>, vector<1x64xf32>
      tpu.vector_store %arg41[%swap3A_163, %swap3A_164], %broadcast_in_dim3A_150 {strides = array<i32>} : memref<1x64xf32, #tpu.memory_space<vmem>>, vector<1x64xf32>,
    } else {
    }
    %gt3A_153 = arith.constant 0 : i32
    %gt3A_154 = arith.cmpi sgt, %arg0, %gt3A_153 : i32
    %convert_element_type3A_155 = arith.extui %gt3A_154 : i1 to i32
    %cond3A_156 = arith.constant 0 : i32
    %cond3A_157 = arith.cmpi ne, %convert_element_type3A_155, %cond3A_156 : i32
    scf.if %cond3A_157 {
      %get3A_163 = arith.constant 0 : index
      %get3A_164 = arith.constant 0 : index
      %get3A_165 = vector.load %arg41[%get3A_163, %get3A_164] : memref<1x64xf32, #tpu.memory_space<vmem>>, vector<1x64xf32>
      %add3A_166 = arith.addf %get3A_165, %broadcast_in_dim3A_150 : vector<1x64xf32>
      %swap3A_167 = arith.constant 0 : index
      %swap3A_168 = arith.constant 0 : index
      %swap3A_169 = vector.load %arg41[%swap3A_167, %swap3A_168] : memref<1x64xf32, #tpu.memory_space<vmem>>, vector<1x64xf32>
      tpu.vector_store %arg41[%swap3A_167, %swap3A_168], %add3A_166 {strides = array<i32>} : memref<1x64xf32, #tpu.memory_space<vmem>>, vector<1x64xf32>,
    } else {
    }
    %eq3A_158 = arith.constant 4 : i32
    %eq3A_159 = arith.cmpi eq, %arg0, %eq3A_158 : i32
    %convert_element_type3A_160 = arith.extui %eq3A_159 : i1 to i32
    %cond3A_161 = arith.constant 0 : i32
    %cond3A_162 = arith.cmpi ne, %convert_element_type3A_160, %cond3A_161 : i32
    scf.if %cond3A_162 {
      %get3A_163 = arith.constant 0 : index
      %get3A_164 = arith.constant 0 : index
      %get3A_165 = vector.load %arg19[%get3A_163, %get3A_164] : memref<1x64xf32, #tpu.memory_space<vmem>>, vector<1x64xf32>
      %get3A_166 = arith.constant 0 : index
      %get3A_167 = arith.constant 0 : index
      %get3A_168 = vector.load %arg41[%get3A_166, %get3A_167] : memref<1x64xf32, #tpu.memory_space<vmem>>, vector<1x64xf32>
      %get3A_169 = arith.constant 0 : index
      %get3A_170 = arith.constant 0 : index
      %get3A_171 = vector.load %arg20[%get3A_169, %get3A_170] : memref<64x64xf32, #tpu.memory_space<vmem>>, vector<64x64xf32>
      %dot_general3A_172 = arith.constant dense<0.000000e+00> : vector<1x64xf32>
      %dot_general3A_173 = tpu.matmul %get3A_168, %get3A_171, %dot_general3A_172 {dimension_numbers = #tpu.dot_dimension_numbers<[1], [0], [0], [1], [0, 0, 1, 1], [], []>, transpose_lhs_hint = false} : vector<1x64xf32>, vector<64x64xf32>, vector<1x64xf32> -> vector<1x64xf32>
      %add3A_174 = arith.addf %get3A_165, %dot_general3A_173 : vector<1x64xf32>
      %get3A_175 = arith.constant 0 : index
      %get3A_176 = arith.constant 0 : index
      %get3A_177 = vector.load %arg18[%get3A_175, %get3A_176] : memref<1x64xf32, #tpu.memory_space<vmem>>, vector<1x64xf32>
      %get3A_178 = arith.constant 0 : index
      %get3A_179 = arith.constant 0 : index
      %get3A_180 = vector.load %arg21[%get3A_178, %get3A_179] : memref<64x64xf32, #tpu.memory_space<vmem>>, vector<64x64xf32>
      %dot_general3A_181 = arith.constant dense<0.000000e+00> : vector<1x64xf32>
      %dot_general3A_182 = tpu.matmul %get3A_177, %get3A_180, %dot_general3A_181 {dimension_numbers = #tpu.dot_dimension_numbers<[1], [0], [0], [1], [0, 0, 1, 1], [], []>, transpose_lhs_hint = false} : vector<1x64xf32>, vector<64x64xf32>, vector<1x64xf32> -> vector<1x64xf32>
      %add3A_183 = arith.addf %add3A_174, %dot_general3A_182 : vector<1x64xf32>
      %max3A_184 = arith.constant 0.000000e+00 : f32
      %max3A_185 = vector.broadcast %max3A_184 : f32 to vector<1x64xf32>
      %max3A_186 = arith.maximumf %add3A_183, %max3A_185 : vector<1x64xf32>
      %abs3A_187 = math.absf %add3A_183 : vector<1x64xf32>
      %neg3A_188 = arith.constant 0.000000e+00 : f32
      %neg3A_189 = vector.broadcast %neg3A_188 : f32 to vector<1x64xf32>
      %neg3A_190 = arith.subf %neg3A_189, %abs3A_187 : vector<1x64xf32>
      %exp3A_191 = math.exp %neg3A_190 : vector<1x64xf32>
      %log1p3A_192 = math.log1p %exp3A_191 : vector<1x64xf32>
      %add3A_193 = arith.addf %max3A_186, %log1p3A_192 : vector<1x64xf32>
      %get3A_194 = arith.constant 0 : index
      %get3A_195 = arith.constant 0 : index
      %get3A_196 = vector.load %arg22[%get3A_194, %get3A_195] : memref<64x64xf32, #tpu.memory_space<vmem>>, vector<64x64xf32>
      %dot_general3A_197 = arith.constant dense<0.000000e+00> : vector<1x64xf32>
      %dot_general3A_198 = tpu.matmul %add3A_193, %get3A_196, %dot_general3A_197 {dimension_numbers = #tpu.dot_dimension_numbers<[1], [0], [0], [1], [0, 0, 1, 1], [], []>, transpose_lhs_hint = false} : vector<1x64xf32>, vector<64x64xf32>, vector<1x64xf32> -> vector<1x64xf32>
      %get3A_199 = arith.constant 0 : index
      %get3A_200 = arith.constant 0 : index
      %get3A_201 = vector.load %arg23[%get3A_199, %get3A_200] : memref<1x64xf32, #tpu.memory_space<vmem>>, vector<1x64xf32>
      %add3A_202 = arith.addf %dot_general3A_198, %get3A_201 : vector<1x64xf32>
      %max3A_203 = arith.constant 0.000000e+00 : f32
      %max3A_204 = vector.broadcast %max3A_203 : f32 to vector<1x64xf32>
      %max3A_205 = arith.maximumf %add3A_202, %max3A_204 : vector<1x64xf32>
      %abs3A_206 = math.absf %add3A_202 : vector<1x64xf32>
      %neg3A_207 = arith.constant 0.000000e+00 : f32
      %neg3A_208 = vector.broadcast %neg3A_207 : f32 to vector<1x64xf32>
      %neg3A_209 = arith.subf %neg3A_208, %abs3A_206 : vector<1x64xf32>
      %exp3A_210 = math.exp %neg3A_209 : vector<1x64xf32>
      %log1p3A_211 = math.log1p %exp3A_210 : vector<1x64xf32>
      %add3A_212 = arith.addf %max3A_205, %log1p3A_211 : vector<1x64xf32>
      %swap3A_213 = arith.constant 0 : index
      %swap3A_214 = arith.constant 0 : index
      %swap3A_215 = vector.load %arg42[%swap3A_213, %swap3A_214] : memref<1x64xf32, #tpu.memory_space<vmem>>, vector<1x64xf32>
      tpu.vector_store %arg42[%swap3A_213, %swap3A_214], %add3A_212 {strides = array<i32>} : memref<1x64xf32, #tpu.memory_space<vmem>>, vector<1x64xf32>,
      %get3A_216 = arith.constant 0 : index
      %get3A_217 = arith.constant 0 : index
      %get3A_218 = vector.load %arg29[%get3A_216, %get3A_217] : memref<64x64xf32, #tpu.memory_space<vmem>>, vector<64x64xf32>
      %dot_general3A_219 = arith.constant dense<0.000000e+00> : vector<1x64xf32>
      %dot_general3A_220 = tpu.matmul %add3A_212, %get3A_218, %dot_general3A_219 {dimension_numbers = #tpu.dot_dimension_numbers<[1], [0], [0], [1], [0, 0, 1, 1], [], []>, transpose_lhs_hint = false} : vector<1x64xf32>, vector<64x64xf32>, vector<1x64xf32> -> vector<1x64xf32>
      %get3A_221 = arith.constant 0 : index
      %get3A_222 = arith.constant 0 : index
      %get3A_223 = vector.load %arg24[%get3A_221, %get3A_222] : memref<1x64xf32, #tpu.memory_space<vmem>>, vector<1x64xf32>
      %get3A_224 = arith.constant 0 : index
      %get3A_225 = arith.constant 0 : index
      %get3A_226 = vector.load %arg30[%get3A_224, %get3A_225] : memref<64x64xf32, #tpu.memory_space<vmem>>, vector<64x64xf32>
      %dot_general3A_227 = arith.constant dense<0.000000e+00> : vector<1x64xf32>
      %dot_general3A_228 = tpu.matmul %get3A_223, %get3A_226, %dot_general3A_227 {dimension_numbers = #tpu.dot_dimension_numbers<[1], [0], [0], [1], [0, 0, 1, 1], [], []>, transpose_lhs_hint = false} : vector<1x64xf32>, vector<64x64xf32>, vector<1x64xf32> -> vector<1x64xf32>
      %add3A_229 = arith.addf %dot_general3A_220, %dot_general3A_228 : vector<1x64xf32>
      %get3A_230 = arith.constant 0 : index
      %get3A_231 = arith.constant 0 : index
      %get3A_232 = vector.load %arg31[%get3A_230, %get3A_231] : memref<1x64xf32, #tpu.memory_space<vmem>>, vector<1x64xf32>
      %add3A_233 = arith.addf %add3A_229, %get3A_232 : vector<1x64xf32>
      %swap3A_234 = arith.constant 0 : index
      %swap3A_235 = arith.constant 0 : index
      %swap3A_236 = vector.load %arg43[%swap3A_234, %swap3A_235] : memref<1x64xf32, #tpu.memory_space<vmem>>, vector<1x64xf32>
      tpu.vector_store %arg43[%swap3A_234, %swap3A_235], %add3A_233 {strides = array<i32>} : memref<1x64xf32, #tpu.memory_space<vmem>>, vector<1x64xf32>,
      %get3A_237 = arith.constant 0 : index
      %get3A_238 = arith.constant 0 : index
      %get3A_239 = vector.load %arg32[%get3A_237, %get3A_238] : memref<64x64xf32, #tpu.memory_space<vmem>>, vector<64x64xf32>
      %dot_general3A_240 = arith.constant dense<0.000000e+00> : vector<1x64xf32>
      %dot_general3A_241 = tpu.matmul %add3A_212, %get3A_239, %dot_general3A_240 {dimension_numbers = #tpu.dot_dimension_numbers<[1], [0], [0], [1], [0, 0, 1, 1], [], []>, transpose_lhs_hint = false} : vector<1x64xf32>, vector<64x64xf32>, vector<1x64xf32> -> vector<1x64xf32>
      %get3A_242 = arith.constant 0 : index
      %get3A_243 = arith.constant 0 : index
      %get3A_244 = vector.load %arg24[%get3A_242, %get3A_243] : memref<1x64xf32, #tpu.memory_space<vmem>>, vector<1x64xf32>
      %get3A_245 = arith.constant 0 : index
      %get3A_246 = arith.constant 0 : index
      %get3A_247 = vector.load %arg33[%get3A_245, %get3A_246] : memref<64x64xf32, #tpu.memory_space<vmem>>, vector<64x64xf32>
      %dot_general3A_248 = arith.constant dense<0.000000e+00> : vector<1x64xf32>
      %dot_general3A_249 = tpu.matmul %get3A_244, %get3A_247, %dot_general3A_248 {dimension_numbers = #tpu.dot_dimension_numbers<[1], [0], [0], [1], [0, 0, 1, 1], [], []>, transpose_lhs_hint = false} : vector<1x64xf32>, vector<64x64xf32>, vector<1x64xf32> -> vector<1x64xf32>
      %add3A_250 = arith.addf %dot_general3A_241, %dot_general3A_249 : vector<1x64xf32>
      %get3A_251 = arith.constant 0 : index
      %get3A_252 = arith.constant 0 : index
      %get3A_253 = vector.load %arg34[%get3A_251, %get3A_252] : memref<1x64xf32, #tpu.memory_space<vmem>>, vector<1x64xf32>
      %add3A_254 = arith.addf %add3A_250, %get3A_253 : vector<1x64xf32>
      %swap3A_255 = arith.constant 0 : index
      %swap3A_256 = arith.constant 0 : index
      %swap3A_257 = vector.load %arg44[%swap3A_255, %swap3A_256] : memref<1x64xf32, #tpu.memory_space<vmem>>, vector<1x64xf32>
      tpu.vector_store %arg44[%swap3A_255, %swap3A_256], %add3A_254 {strides = array<i32>} : memref<1x64xf32, #tpu.memory_space<vmem>>, vector<1x64xf32>,
      %get3A_258 = arith.constant 0 : index
      %get3A_259 = arith.constant 0 : index
      %get3A_260 = vector.load %arg35[%get3A_258, %get3A_259] : memref<64x64xf32, #tpu.memory_space<vmem>>, vector<64x64xf32>
      %dot_general3A_261 = arith.constant dense<0.000000e+00> : vector<1x64xf32>
      %dot_general3A_262 = tpu.matmul %add3A_212, %get3A_260, %dot_general3A_261 {dimension_numbers = #tpu.dot_dimension_numbers<[1], [0], [0], [1], [0, 0, 1, 1], [], []>, transpose_lhs_hint = false} : vector<1x64xf32>, vector<64x64xf32>, vector<1x64xf32> -> vector<1x64xf32>
      %get3A_263 = arith.constant 0 : index
      %get3A_264 = arith.constant 0 : index
      %get3A_265 = vector.load %arg24[%get3A_263, %get3A_264] : memref<1x64xf32, #tpu.memory_space<vmem>>, vector<1x64xf32>
      %get3A_266 = arith.constant 0 : index
      %get3A_267 = arith.constant 0 : index
      %get3A_268 = vector.load %arg36[%get3A_266, %get3A_267] : memref<64x64xf32, #tpu.memory_space<vmem>>, vector<64x64xf32>
      %dot_general3A_269 = arith.constant dense<0.000000e+00> : vector<1x64xf32>
      %dot_general3A_270 = tpu.matmul %get3A_265, %get3A_268, %dot_general3A_269 {dimension_numbers = #tpu.dot_dimension_numbers<[1], [0], [0], [1], [0, 0, 1, 1], [], []>, transpose_lhs_hint = false} : vector<1x64xf32>, vector<64x64xf32>, vector<1x64xf32> -> vector<1x64xf32>
      %add3A_271 = arith.addf %dot_general3A_262, %dot_general3A_270 : vector<1x64xf32>
      %get3A_272 = arith.constant 0 : index
      %get3A_273 = arith.constant 0 : index
      %get3A_274 = vector.load %arg37[%get3A_272, %get3A_273] : memref<1x64xf32, #tpu.memory_space<vmem>>, vector<1x64xf32>
      %add3A_275 = arith.addf %add3A_271, %get3A_274 : vector<1x64xf32>
      %swap3A_276 = arith.constant 0 : index
      %swap3A_277 = arith.constant 0 : index
      %swap3A_278 = vector.load %arg45[%swap3A_276, %swap3A_277] : memref<1x64xf32, #tpu.memory_space<vmem>>, vector<1x64xf32>
      tpu.vector_store %arg45[%swap3A_276, %swap3A_277], %add3A_275 {strides = array<i32>} : memref<1x64xf32, #tpu.memory_space<vmem>>, vector<1x64xf32>,
    } else {
    }
    return
  }
  func.func @transform_0(%arg0: i32) -> (i32, i32) {
    %c0_i32 = arith.constant 0 : i32
    %c0_i32_0 = arith.constant 0 : i32
    return %arg0, %c0_i32 : i32, i32
  }
  func.func @transform_1(%arg0: i32) -> (i32, i32) {
    %c0_i32 = arith.constant 0 : i32
    %c0_i32_0 = arith.constant 0 : i32
    return %arg0, %c0_i32 : i32, i32
  }
  func.func @transform_2(%arg0: i32) -> (i32, i32) {
    %c0_i32 = arith.constant 0 : i32
    %c0_i32_0 = arith.constant 0 : i32
    return %arg0, %c0_i32 : i32, i32
  }
  func.func @transform_3(%arg0: i32) -> (i32, i32) {
    %c0_i32 = arith.constant 0 : i32
    %c0_i32_0 = arith.constant 0 : i32
    return %arg0, %c0_i32 : i32, i32
  }
  func.func @transform_4(%arg0: i32) -> (i32, i32) {
    %c0_i32 = arith.constant 0 : i32
    %c0_i32_0 = arith.constant 0 : i32
    return %arg0, %c0_i32 : i32, i32
  }
  func.func @transform_5(%arg0: i32) -> (i32, i32) {
    %c0_i32 = arith.constant 0 : i32
    %c0_i32_0 = arith.constant 0 : i32
    return %arg0, %c0_i32 : i32, i32
  }
  func.func @transform_6(%arg0: i32) -> (i32, i32) {
    %c0_i32 = arith.constant 0 : i32
    %c0_i32_0 = arith.constant 0 : i32
    return %arg0, %c0_i32 : i32, i32
  }
  func.func @transform_7(%arg0: i32) -> (i32, i32) {
    %c0_i32 = arith.constant 0 : i32
    %c0_i32_0 = arith.constant 0 : i32
    return %arg0, %c0_i32 : i32, i32
  }
  func.func @transform_8(%arg0: i32) -> (i32, i32) {
    %c0_i32 = arith.constant 0 : i32
    %c0_i32_0 = arith.constant 0 : i32
    return %arg0, %c0_i32 : i32, i32
  }
  func.func @transform_9(%arg0: i32) -> (i32, i32) {
    %c0_i32 = arith.constant 0 : i32
    %c0_i32_0 = arith.constant 0 : i32
    return %arg0, %c0_i32 : i32, i32
  }
  func.func @transform_10(%arg0: i32) -> (i32, i32) {
    %c0_i32 = arith.constant 0 : i32
    %c0_i32_0 = arith.constant 0 : i32
    %c0_i32_1 = arith.constant 0 : i32
    return %c0_i32, %c0_i32_0 : i32, i32
  }
  func.func @transform_11(%arg0: i32) -> (i32, i32) {
    %c0_i32 = arith.constant 0 : i32
    %c0_i32_0 = arith.constant 0 : i32
    %c0_i32_1 = arith.constant 0 : i32
    return %c0_i32, %c0_i32_0 : i32, i32
  }
  func.func @transform_12(%arg0: i32) -> (i32, i32) {
    %c0_i32 = arith.constant 0 : i32
    %c0_i32_0 = arith.constant 0 : i32
    %c0_i32_1 = arith.constant 0 : i32
    return %c0_i32, %c0_i32_0 : i32, i32
  }
  func.func @transform_13(%arg0: i32) -> (i32, i32) {
    %c0_i32 = arith.constant 0 : i32
    %c0_i32_0 = arith.constant 0 : i32
    %c0_i32_1 = arith.constant 0 : i32
    return %c0_i32, %c0_i32_0 : i32, i32
  }
  func.func @transform_14(%arg0: i32) -> (i32, i32) {
    %c0_i32 = arith.constant 0 : i32
    %c0_i32_0 = arith.constant 0 : i32
    %c0_i32_1 = arith.constant 0 : i32
    return %c0_i32, %c0_i32_0 : i32, i32
  }
  func.func @transform_15(%arg0: i32) -> (i32, i32) {
    %c0_i32 = arith.constant 0 : i32
    %c0_i32_0 = arith.constant 0 : i32
    %c0_i32_1 = arith.constant 0 : i32
    return %c0_i32, %c0_i32_0 : i32, i32
  }
  func.func @transform_16(%arg0: i32) -> (i32, i32) {
    %c0_i32 = arith.constant 0 : i32
    %c0_i32_0 = arith.constant 0 : i32
    %c0_i32_1 = arith.constant 0 : i32
    return %c0_i32, %c0_i32_0 : i32, i32
  }
  func.func @transform_17(%arg0: i32) -> (i32, i32) {
    %c0_i32 = arith.constant 0 : i32
    %c0_i32_0 = arith.constant 0 : i32
    %c0_i32_1 = arith.constant 0 : i32
    return %c0_i32, %c0_i32_0 : i32, i32
  }
  func.func @transform_18(%arg0: i32) -> (i32, i32) {
    %c0_i32 = arith.constant 0 : i32
    %c0_i32_0 = arith.constant 0 : i32
    %c0_i32_1 = arith.constant 0 : i32
    return %c0_i32, %c0_i32_0 : i32, i32
  }
  func.func @transform_19(%arg0: i32) -> (i32, i32) {
    %c0_i32 = arith.constant 0 : i32
    %c0_i32_0 = arith.constant 0 : i32
    %c0_i32_1 = arith.constant 0 : i32
    return %c0_i32, %c0_i32_0 : i32, i32
  }
  func.func @transform_20(%arg0: i32) -> (i32, i32) {
    %c0_i32 = arith.constant 0 : i32
    %c0_i32_0 = arith.constant 0 : i32
    %c0_i32_1 = arith.constant 0 : i32
    return %c0_i32, %c0_i32_0 : i32, i32
  }
  func.func @transform_21(%arg0: i32) -> (i32, i32) {
    %c0_i32 = arith.constant 0 : i32
    %c0_i32_0 = arith.constant 0 : i32
    %c0_i32_1 = arith.constant 0 : i32
    return %c0_i32, %c0_i32_0 : i32, i32
  }
  func.func @transform_22(%arg0: i32) -> (i32, i32) {
    %c0_i32 = arith.constant 0 : i32
    %c0_i32_0 = arith.constant 0 : i32
    %c0_i32_1 = arith.constant 0 : i32
    return %c0_i32, %c0_i32_0 : i32, i32
  }
  func.func @transform_23(%arg0: i32) -> (i32, i32) {
    %c0_i32 = arith.constant 0 : i32
    %c0_i32_0 = arith.constant 0 : i32
    %c0_i32_1 = arith.constant 0 : i32
    return %c0_i32, %c0_i32_0 : i32, i32
  }
  func.func @transform_24(%arg0: i32) -> (i32, i32) {
    %c0_i32 = arith.constant 0 : i32
    %c0_i32_0 = arith.constant 0 : i32
    %c0_i32_1 = arith.constant 0 : i32
    return %c0_i32, %c0_i32_0 : i32, i32
  }
  func.func @transform_25(%arg0: i32) -> (i32, i32) {
    %c0_i32 = arith.constant 0 : i32
    %c0_i32_0 = arith.constant 0 : i32
    %c0_i32_1 = arith.constant 0 : i32
    return %c0_i32, %c0_i32_0 : i32, i32
  }
  func.func @transform_26(%arg0: i32) -> (i32, i32) {
    %c0_i32 = arith.constant 0 : i32
    %c0_i32_0 = arith.constant 0 : i32
    %c0_i32_1 = arith.constant 0 : i32
    return %c0_i32, %c0_i32_0 : i32, i32
  }
  func.func @transform_27(%arg0: i32) -> (i32, i32) {
    %c0_i32 = arith.constant 0 : i32
    %c0_i32_0 = arith.constant 0 : i32
    %c0_i32_1 = arith.constant 0 : i32
    return %c0_i32, %c0_i32_0 : i32, i32
  }
  func.func @transform_28(%arg0: i32) -> (i32, i32) {
    %c0_i32 = arith.constant 0 : i32
    %c0_i32_0 = arith.constant 0 : i32
    %c0_i32_1 = arith.constant 0 : i32
    return %c0_i32, %c0_i32_0 : i32, i32
  }
  func.func @transform_29(%arg0: i32) -> (i32, i32) {
    %c0_i32 = arith.constant 0 : i32
    %c0_i32_0 = arith.constant 0 : i32
    %c0_i32_1 = arith.constant 0 : i32
    return %c0_i32, %c0_i32_0 : i32, i32
  }
  func.func @transform_30(%arg0: i32) -> (i32, i32) {
    %c0_i32 = arith.constant 0 : i32
    %c0_i32_0 = arith.constant 0 : i32
    %c0_i32_1 = arith.constant 0 : i32
    return %c0_i32, %c0_i32_0 : i32, i32
  }
  func.func @transform_31(%arg0: i32) -> (i32, i32) {
    %c0_i32 = arith.constant 0 : i32
    %c0_i32_0 = arith.constant 0 : i32
    %c0_i32_1 = arith.constant 0 : i32
    return %c0_i32, %c0_i32_0 : i32, i32
  }
  func.func @transform_32(%arg0: i32) -> (i32, i32) {
    %c0_i32 = arith.constant 0 : i32
    %c0_i32_0 = arith.constant 0 : i32
    %c0_i32_1 = arith.constant 0 : i32
    return %c0_i32, %c0_i32_0 : i32, i32
  }
  func.func @transform_33(%arg0: i32) -> (i32, i32) {
    %c0_i32 = arith.constant 0 : i32
    %c0_i32_0 = arith.constant 0 : i32
    %c0_i32_1 = arith.constant 0 : i32
    return %c0_i32, %c0_i32_0 : i32, i32
  }
  func.func @transform_34(%arg0: i32) -> (i32, i32) {
    %c0_i32 = arith.constant 0 : i32
    %c0_i32_0 = arith.constant 0 : i32
    %c0_i32_1 = arith.constant 0 : i32
    return %c0_i32, %c0_i32_0 : i32, i32
  }
  func.func @transform_35(%arg0: i32) -> (i32, i32) {
    %c0_i32 = arith.constant 0 : i32
    %c0_i32_0 = arith.constant 0 : i32
    %c0_i32_1 = arith.constant 0 : i32
    return %c0_i32, %c0_i32_0 : i32, i32
  }
  func.func @transform_36(%arg0: i32) -> (i32, i32) {
    %c0_i32 = arith.constant 0 : i32
    %c0_i32_0 = arith.constant 0 : i32
    %c0_i32_1 = arith.constant 0 : i32
    return %c0_i32, %c0_i32_0 : i32, i32
  }
  func.func @transform_37(%arg0: i32) -> (i32, i32) {
    %c0_i32 = arith.constant 0 : i32
    %c0_i32_0 = arith.constant 0 : i32
    return %arg0, %c0_i32 : i32, i32
  }
  func.func @transform_38(%arg0: i32) -> (i32, i32) {
    %c0_i32 = arith.constant 0 : i32
    %c0_i32_0 = arith.constant 0 : i32
    return %arg0, %c0_i32 : i32, i32
  }
  func.func @transform_39(%arg0: i32) -> (i32, i32) {
    %c0_i32 = arith.constant 0 : i32
    %c0_i32_0 = arith.constant 0 : i32
    return %arg0, %c0_i32 : i32, i32
  }
  func.func @transform_40(%arg0: i32) -> (i32, i32) {
    %c0_i32 = arith.constant 0 : i32
    %c0_i32_0 = arith.constant 0 : i32
    %c0_i32_1 = arith.constant 0 : i32
    return %c0_i32, %c0_i32_0 : i32, i32
  }
  func.func @transform_41(%arg0: i32) -> (i32, i32) {
    %c0_i32 = arith.constant 0 : i32
    %c0_i32_0 = arith.constant 0 : i32
    %c0_i32_1 = arith.constant 0 : i32
    return %c0_i32, %c0_i32_0 : i32, i32
  }
  func.func @transform_42(%arg0: i32) -> (i32, i32) {
    %c0_i32 = arith.constant 0 : i32
    %c0_i32_0 = arith.constant 0 : i32
    %c0_i32_1 = arith.constant 0 : i32
    return %c0_i32, %c0_i32_0 : i32, i32
  }
  func.func @transform_43(%arg0: i32) -> (i32, i32) {
    %c0_i32 = arith.constant 0 : i32
    %c0_i32_0 = arith.constant 0 : i32
    %c0_i32_1 = arith.constant 0 : i32
    return %c0_i32, %c0_i32_0 : i32, i32
  }
  func.func @transform_44(%arg0: i32) -> (i32, i32) {
    %c0_i32 = arith.constant 0 : i32
    %c0_i32_0 = arith.constant 0 : i32
    %c0_i32_1 = arith.constant 0 : i32
    return %c0_i32, %c0_i32_0 : i32, i32
  }
}

module attributes {stable_mosaic.version = 14 : i64} {
  func.func @body(%arg0: i32, %arg1: memref<6400x4xf32, #tpu.memory_space<vmem>>, %arg2: memref<6400x128xf32, #tpu.memory_space<vmem>>, %arg3: memref<200x64xf32, #tpu.memory_space<vmem>>, %arg4: memref<1x64xf32, #tpu.memory_space<vmem>>, %arg5: memref<4x64xf32, #tpu.memory_space<vmem>>, %arg6: memref<1x64xf32, #tpu.memory_space<vmem>>, %arg7: memref<64x64xf32, #tpu.memory_space<vmem>>, %arg8: memref<1x64xf32, #tpu.memory_space<vmem>>, %arg9: memref<64x64xf32, #tpu.memory_space<vmem>>, %arg10: memref<64x64xf32, #tpu.memory_space<vmem>>, %arg11: memref<1x64xf32, #tpu.memory_space<vmem>>, %arg12: memref<6400x64xf32, #tpu.memory_space<vmem>>, %arg13: memref<64x64xf32, #tpu.memory_space<vmem>>, %arg14: memref<3200x2x64xf32, #tpu.memory_space<vmem>>, %arg15: memref<200x64xf32, #tpu.memory_space<vmem>>, %arg16: memref<1x64xf32, #tpu.memory_space<vmem>>) attributes {dimension_semantics = [#tpu.dimension_semantics<arbitrary>], iteration_bounds = array<i64: 50>, scalar_prefetch = 0 : i64, scratch_operands = 0 : i64, tpu.core_type = #tpu.core_type<tc>, window_params = [{transform_indices = @transform_0, window_bounds = array<i64: 6400, 4>}, {transform_indices = @transform_1, window_bounds = array<i64: 6400, 128>}, {transform_indices = @transform_2, window_bounds = array<i64: 200, 64>}, {pipeline_mode = #tpu.pipeline_mode<synchronous>, transform_indices = @transform_3, window_bounds = array<i64: 1, 64>}, {pipeline_mode = #tpu.pipeline_mode<synchronous>, transform_indices = @transform_4, window_bounds = array<i64: 4, 64>}, {pipeline_mode = #tpu.pipeline_mode<synchronous>, transform_indices = @transform_5, window_bounds = array<i64: 1, 64>}, {pipeline_mode = #tpu.pipeline_mode<synchronous>, transform_indices = @transform_6, window_bounds = array<i64: 64, 64>}, {pipeline_mode = #tpu.pipeline_mode<synchronous>, transform_indices = @transform_7, window_bounds = array<i64: 1, 64>}, {pipeline_mode = #tpu.pipeline_mode<synchronous>, transform_indices = @transform_8, window_bounds = array<i64: 64, 64>}, {pipeline_mode = #tpu.pipeline_mode<synchronous>, transform_indices = @transform_9, window_bounds = array<i64: 64, 64>}, {pipeline_mode = #tpu.pipeline_mode<synchronous>, transform_indices = @transform_10, window_bounds = array<i64: 1, 64>}, {transform_indices = @transform_11, window_bounds = array<i64: 6400, 64>}, {pipeline_mode = #tpu.pipeline_mode<synchronous>, transform_indices = @transform_12, window_bounds = array<i64: 64, 64>}, {transform_indices = @transform_13, window_bounds = array<i64: 3200, 2, 64>}, {transform_indices = @transform_14, window_bounds = array<i64: 200, 64>}, {pipeline_mode = #tpu.pipeline_mode<synchronous>, transform_indices = @transform_15, window_bounds = array<i64: 1, 64>}]} {
    %get3A = arith.constant 0 : index
    %get3A_0 = arith.constant 0 : index
    %get3A_1 = vector.load %arg1[%get3A, %get3A_0] : memref<6400x4xf32, #tpu.memory_space<vmem>>, vector<6400x4xf32>
    %get3A_2 = arith.constant 0 : index
    %get3A_3 = arith.constant 0 : index
    %get3A_4 = vector.load %arg5[%get3A_2, %get3A_3] : memref<4x64xf32, #tpu.memory_space<vmem>>, vector<4x64xf32>
    %dot_general3A = arith.constant dense<0.000000e+00> : vector<6400x64xf32>
    %dot_general3A_5 = tpu.matmul %get3A_1, %get3A_4, %dot_general3A {dimension_numbers = #tpu.dot_dimension_numbers<[1], [0], [0], [1], [0, 0, 1, 1], [], []>, transpose_lhs_hint = false} : vector<6400x4xf32>, vector<4x64xf32>, vector<6400x64xf32> -> vector<6400x64xf32>
    %get3A_6 = arith.constant 0 : index
    %get3A_7 = arith.constant 0 : index
    %get3A_8 = vector.load %arg6[%get3A_6, %get3A_7] : memref<1x64xf32, #tpu.memory_space<vmem>>, vector<1x64xf32>
    %add3A = vector.broadcast %get3A_8 : vector<1x64xf32> to vector<6400x64xf32>
    %add3A_9 = arith.addf %dot_general3A_5, %add3A : vector<6400x64xf32>
    %max3A = arith.constant 0.000000e+00 : f32
    %max3A_10 = vector.broadcast %max3A : f32 to vector<6400x64xf32>
    %max3A_11 = arith.maximumf %add3A_9, %max3A_10 : vector<6400x64xf32>
    %abs3A = math.absf %add3A_9 : vector<6400x64xf32>
    %neg3A = arith.constant 0.000000e+00 : f32
    %neg3A_12 = vector.broadcast %neg3A : f32 to vector<6400x64xf32>
    %neg3A_13 = arith.subf %neg3A_12, %abs3A : vector<6400x64xf32>
    %exp3A = math.exp %neg3A_13 : vector<6400x64xf32>
    %log1p3A = math.log1p %exp3A : vector<6400x64xf32>
    %add3A_14 = arith.addf %max3A_11, %log1p3A : vector<6400x64xf32>
    %get3A_15 = arith.constant 0 : index
    %get3A_16 = arith.constant 0 : index
    %get3A_17 = vector.load %arg7[%get3A_15, %get3A_16] : memref<64x64xf32, #tpu.memory_space<vmem>>, vector<64x64xf32>
    %dot_general3A_18 = arith.constant dense<0.000000e+00> : vector<6400x64xf32>
    %dot_general3A_19 = tpu.matmul %add3A_14, %get3A_17, %dot_general3A_18 {dimension_numbers = #tpu.dot_dimension_numbers<[1], [0], [0], [1], [0, 0, 1, 1], [], []>, transpose_lhs_hint = false} : vector<6400x64xf32>, vector<64x64xf32>, vector<6400x64xf32> -> vector<6400x64xf32>
    %get3A_20 = arith.constant 0 : index
    %get3A_21 = arith.constant 0 : index
    %get3A_22 = vector.load %arg8[%get3A_20, %get3A_21] : memref<1x64xf32, #tpu.memory_space<vmem>>, vector<1x64xf32>
    %add3A_23 = vector.broadcast %get3A_22 : vector<1x64xf32> to vector<6400x64xf32>
    %add3A_24 = arith.addf %dot_general3A_19, %add3A_23 : vector<6400x64xf32>
    %max3A_25 = arith.constant 0.000000e+00 : f32
    %max3A_26 = vector.broadcast %max3A_25 : f32 to vector<6400x64xf32>
    %max3A_27 = arith.maximumf %add3A_24, %max3A_26 : vector<6400x64xf32>
    %abs3A_28 = math.absf %add3A_24 : vector<6400x64xf32>
    %neg3A_29 = arith.constant 0.000000e+00 : f32
    %neg3A_30 = vector.broadcast %neg3A_29 : f32 to vector<6400x64xf32>
    %neg3A_31 = arith.subf %neg3A_30, %abs3A_28 : vector<6400x64xf32>
    %exp3A_32 = math.exp %neg3A_31 : vector<6400x64xf32>
    %log1p3A_33 = math.log1p %exp3A_32 : vector<6400x64xf32>
    %add3A_34 = arith.addf %max3A_27, %log1p3A_33 : vector<6400x64xf32>
    %get3A_35 = arith.constant 0 : index
    %get3A_36 = arith.constant 0 : index
    %get3A_37 = vector.load %arg9[%get3A_35, %get3A_36] : memref<64x64xf32, #tpu.memory_space<vmem>>, vector<64x64xf32>
    %dot_general3A_38 = arith.constant dense<0.000000e+00> : vector<6400x64xf32>
    %dot_general3A_39 = tpu.matmul %add3A_34, %get3A_37, %dot_general3A_38 {dimension_numbers = #tpu.dot_dimension_numbers<[1], [0], [0], [1], [0, 0, 1, 1], [], []>, transpose_lhs_hint = false} : vector<6400x64xf32>, vector<64x64xf32>, vector<6400x64xf32> -> vector<6400x64xf32>
    %get3A_40 = arith.constant 0 : index
    %get3A_41 = arith.constant 0 : index
    %get3A_42 = vector.load %arg2[%get3A_40, %get3A_41] : memref<6400x128xf32, #tpu.memory_space<vmem>>, vector<6400x64xf32>
    %add3A_43 = arith.addf %dot_general3A_39, %get3A_42 : vector<6400x64xf32>
    %get3A_44 = arith.constant 0 : index
    %get3A_45 = arith.constant 0 : index
    %get3A_46 = vector.load %arg4[%get3A_44, %get3A_45] : memref<1x64xf32, #tpu.memory_space<vmem>>, vector<1x64xf32>
    %add3A_47 = vector.broadcast %get3A_46 : vector<1x64xf32> to vector<6400x64xf32>
    %add3A_48 = arith.addf %add3A_43, %add3A_47 : vector<6400x64xf32>
    %get3A_49 = arith.constant 0 : index
    %get3A_50 = arith.constant 0 : index
    %get3A_51 = vector.load %arg12[%get3A_49, %get3A_50] : memref<6400x64xf32, #tpu.memory_space<vmem>>, vector<6400x64xf32>
    %get3A_52 = arith.constant 0 : index
    %get3A_53 = arith.constant 0 : index
    %get3A_54 = vector.load %arg13[%get3A_52, %get3A_53] : memref<64x64xf32, #tpu.memory_space<vmem>>, vector<64x64xf32>
    %dot_general3A_55 = arith.constant dense<0.000000e+00> : vector<6400x64xf32>
    %dot_general3A_56 = tpu.matmul %get3A_51, %get3A_54, %dot_general3A_55 {dimension_numbers = #tpu.dot_dimension_numbers<[1], [0], [0], [1], [0, 0, 1, 1], [], []>, transpose_lhs_hint = false} : vector<6400x64xf32>, vector<64x64xf32>, vector<6400x64xf32> -> vector<6400x64xf32>
    %add3A_57 = arith.addf %add3A_48, %dot_general3A_56 : vector<6400x64xf32>
    %get3A_58 = arith.constant 0 : index
    %get3A_59 = arith.constant 0 : index
    %get3A_60 = vector.load %arg3[%get3A_58, %get3A_59] : memref<200x64xf32, #tpu.memory_space<vmem>>, vector<200x64xf32>
    %broadcast_in_dim3A = vector.shape_cast %get3A_60 : vector<200x64xf32> to vector<200x1x64xf32>
    %broadcast_in_dim3A_61 = vector.shape_cast %broadcast_in_dim3A : vector<200x1x64xf32> to vector<200x1x64xf32>
    %broadcast_in_dim3A_62 = vector.broadcast %broadcast_in_dim3A_61 : vector<200x1x64xf32> to vector<200x32x64xf32>
    %reshape3A = vector.shape_cast %broadcast_in_dim3A_62 : vector<200x32x64xf32> to vector<6400x64xf32>
    %add3A_63 = arith.addf %add3A_57, %reshape3A : vector<6400x64xf32>
    %max3A_64 = arith.constant 0.000000e+00 : f32
    %max3A_65 = vector.broadcast %max3A_64 : f32 to vector<6400x64xf32>
    %max3A_66 = arith.maximumf %add3A_63, %max3A_65 : vector<6400x64xf32>
    %abs3A_67 = math.absf %add3A_63 : vector<6400x64xf32>
    %neg3A_68 = arith.constant 0.000000e+00 : f32
    %neg3A_69 = vector.broadcast %neg3A_68 : f32 to vector<6400x64xf32>
    %neg3A_70 = arith.subf %neg3A_69, %abs3A_67 : vector<6400x64xf32>
    %exp3A_71 = math.exp %neg3A_70 : vector<6400x64xf32>
    %log1p3A_72 = math.log1p %exp3A_71 : vector<6400x64xf32>
    %add3A_73 = arith.addf %max3A_66, %log1p3A_72 : vector<6400x64xf32>
    %get3A_74 = arith.constant 0 : index
    %get3A_75 = arith.constant 0 : index
    %get3A_76 = vector.load %arg10[%get3A_74, %get3A_75] : memref<64x64xf32, #tpu.memory_space<vmem>>, vector<64x64xf32>
    %dot_general3A_77 = arith.constant dense<0.000000e+00> : vector<6400x64xf32>
    %dot_general3A_78 = tpu.matmul %add3A_73, %get3A_76, %dot_general3A_77 {dimension_numbers = #tpu.dot_dimension_numbers<[1], [0], [0], [1], [0, 0, 1, 1], [], []>, transpose_lhs_hint = false} : vector<6400x64xf32>, vector<64x64xf32>, vector<6400x64xf32> -> vector<6400x64xf32>
    %get3A_79 = arith.constant 0 : index
    %get3A_80 = arith.constant 0 : index
    %get3A_81 = vector.load %arg11[%get3A_79, %get3A_80] : memref<1x64xf32, #tpu.memory_space<vmem>>, vector<1x64xf32>
    %add3A_82 = vector.broadcast %get3A_81 : vector<1x64xf32> to vector<6400x64xf32>
    %add3A_83 = arith.addf %dot_general3A_78, %add3A_82 : vector<6400x64xf32>
    %max3A_84 = arith.constant 0.000000e+00 : f32
    %max3A_85 = vector.broadcast %max3A_84 : f32 to vector<6400x64xf32>
    %max3A_86 = arith.maximumf %add3A_83, %max3A_85 : vector<6400x64xf32>
    %abs3A_87 = math.absf %add3A_83 : vector<6400x64xf32>
    %neg3A_88 = arith.constant 0.000000e+00 : f32
    %neg3A_89 = vector.broadcast %neg3A_88 : f32 to vector<6400x64xf32>
    %neg3A_90 = arith.subf %neg3A_89, %abs3A_87 : vector<6400x64xf32>
    %exp3A_91 = math.exp %neg3A_90 : vector<6400x64xf32>
    %log1p3A_92 = math.log1p %exp3A_91 : vector<6400x64xf32>
    %add3A_93 = arith.addf %max3A_86, %log1p3A_92 : vector<6400x64xf32>
    %reshape3A_94 = vector.shape_cast %add3A_93 : vector<6400x64xf32> to vector<3200x2x64xf32>
    %swap3A = arith.constant 0 : index
    %swap3A_95 = arith.constant 0 : index
    %swap3A_96 = arith.constant 0 : index
    %swap3A_97 = vector.load %arg14[%swap3A, %swap3A_95, %swap3A_96] : memref<3200x2x64xf32, #tpu.memory_space<vmem>>, vector<3200x2x64xf32>
    tpu.vector_store %arg14[%swap3A, %swap3A_95, %swap3A_96], %reshape3A_94 {strides = array<i32>} : memref<3200x2x64xf32, #tpu.memory_space<vmem>>, vector<3200x2x64xf32>,
    %reshape3A_98 = vector.shape_cast %add3A_93 : vector<6400x64xf32> to vector<200x32x64xf32>
    %reduce_sum3A = arith.constant dense<0.000000e+00> : vector<200x64xf32>
    %reduce_sum3A_99 = vector.multi_reduction <add>, %reshape3A_98, %reduce_sum3A [1] : vector<200x32x64xf32> to vector<200x64xf32>
    %swap3A_100 = arith.constant 0 : index
    %swap3A_101 = arith.constant 0 : index
    %swap3A_102 = vector.load %arg15[%swap3A_100, %swap3A_101] : memref<200x64xf32, #tpu.memory_space<vmem>>, vector<200x64xf32>
    tpu.vector_store %arg15[%swap3A_100, %swap3A_101], %reduce_sum3A_99 {strides = array<i32>} : memref<200x64xf32, #tpu.memory_space<vmem>>, vector<200x64xf32>,
    %reduce_sum3A_103 = arith.constant dense<0.000000e+00> : vector<64xf32>
    %reduce_sum3A_104 = vector.multi_reduction <add>, %add3A_93, %reduce_sum3A_103 [0] : vector<6400x64xf32> to vector<64xf32>
    %broadcast_in_dim3A_105 = vector.shape_cast %reduce_sum3A_104 : vector<64xf32> to vector<1x64xf32>
    %eq3A = arith.constant 0 : i32
    %eq3A_106 = arith.cmpi eq, %arg0, %eq3A : i32
    %convert_element_type3A = arith.extui %eq3A_106 : i1 to i32
    %cond3A = arith.constant 0 : i32
    %cond3A_107 = arith.cmpi ne, %convert_element_type3A, %cond3A : i32
    scf.if %cond3A_107 {
      %swap3A_112 = arith.constant 0 : index
      %swap3A_113 = arith.constant 0 : index
      %swap3A_114 = vector.load %arg16[%swap3A_112, %swap3A_113] : memref<1x64xf32, #tpu.memory_space<vmem>>, vector<1x64xf32>
      tpu.vector_store %arg16[%swap3A_112, %swap3A_113], %broadcast_in_dim3A_105 {strides = array<i32>} : memref<1x64xf32, #tpu.memory_space<vmem>>, vector<1x64xf32>,
    } else {
    }
    %gt3A = arith.constant 0 : i32
    %gt3A_108 = arith.cmpi sgt, %arg0, %gt3A : i32
    %convert_element_type3A_109 = arith.extui %gt3A_108 : i1 to i32
    %cond3A_110 = arith.constant 0 : i32
    %cond3A_111 = arith.cmpi ne, %convert_element_type3A_109, %cond3A_110 : i32
    scf.if %cond3A_111 {
      %get3A_112 = arith.constant 0 : index
      %get3A_113 = arith.constant 0 : index
      %get3A_114 = vector.load %arg16[%get3A_112, %get3A_113] : memref<1x64xf32, #tpu.memory_space<vmem>>, vector<1x64xf32>
      %add3A_115 = arith.addf %get3A_114, %broadcast_in_dim3A_105 : vector<1x64xf32>
      %swap3A_116 = arith.constant 0 : index
      %swap3A_117 = arith.constant 0 : index
      %swap3A_118 = vector.load %arg16[%swap3A_116, %swap3A_117] : memref<1x64xf32, #tpu.memory_space<vmem>>, vector<1x64xf32>
      tpu.vector_store %arg16[%swap3A_116, %swap3A_117], %add3A_115 {strides = array<i32>} : memref<1x64xf32, #tpu.memory_space<vmem>>, vector<1x64xf32>,
    } else {
    }
    return
  }
  func.func @transform_0(%arg0: i32) -> (i32, i32) {
    %c0_i32 = arith.constant 0 : i32
    %c0_i32_0 = arith.constant 0 : i32
    return %arg0, %c0_i32 : i32, i32
  }
  func.func @transform_1(%arg0: i32) -> (i32, i32) {
    %c0_i32 = arith.constant 0 : i32
    %c0_i32_0 = arith.constant 0 : i32
    return %arg0, %c0_i32 : i32, i32
  }
  func.func @transform_2(%arg0: i32) -> (i32, i32) {
    %c0_i32 = arith.constant 0 : i32
    %c0_i32_0 = arith.constant 0 : i32
    return %arg0, %c0_i32 : i32, i32
  }
  func.func @transform_3(%arg0: i32) -> (i32, i32) {
    %c0_i32 = arith.constant 0 : i32
    %c0_i32_0 = arith.constant 0 : i32
    %c0_i32_1 = arith.constant 0 : i32
    return %c0_i32, %c0_i32_0 : i32, i32
  }
  func.func @transform_4(%arg0: i32) -> (i32, i32) {
    %c0_i32 = arith.constant 0 : i32
    %c0_i32_0 = arith.constant 0 : i32
    %c0_i32_1 = arith.constant 0 : i32
    return %c0_i32, %c0_i32_0 : i32, i32
  }
  func.func @transform_5(%arg0: i32) -> (i32, i32) {
    %c0_i32 = arith.constant 0 : i32
    %c0_i32_0 = arith.constant 0 : i32
    %c0_i32_1 = arith.constant 0 : i32
    return %c0_i32, %c0_i32_0 : i32, i32
  }
  func.func @transform_6(%arg0: i32) -> (i32, i32) {
    %c0_i32 = arith.constant 0 : i32
    %c0_i32_0 = arith.constant 0 : i32
    %c0_i32_1 = arith.constant 0 : i32
    return %c0_i32, %c0_i32_0 : i32, i32
  }
  func.func @transform_7(%arg0: i32) -> (i32, i32) {
    %c0_i32 = arith.constant 0 : i32
    %c0_i32_0 = arith.constant 0 : i32
    %c0_i32_1 = arith.constant 0 : i32
    return %c0_i32, %c0_i32_0 : i32, i32
  }
  func.func @transform_8(%arg0: i32) -> (i32, i32) {
    %c0_i32 = arith.constant 0 : i32
    %c0_i32_0 = arith.constant 0 : i32
    %c0_i32_1 = arith.constant 0 : i32
    return %c0_i32, %c0_i32_0 : i32, i32
  }
  func.func @transform_9(%arg0: i32) -> (i32, i32) {
    %c0_i32 = arith.constant 0 : i32
    %c0_i32_0 = arith.constant 0 : i32
    %c0_i32_1 = arith.constant 0 : i32
    return %c0_i32, %c0_i32_0 : i32, i32
  }
  func.func @transform_10(%arg0: i32) -> (i32, i32) {
    %c0_i32 = arith.constant 0 : i32
    %c0_i32_0 = arith.constant 0 : i32
    %c0_i32_1 = arith.constant 0 : i32
    return %c0_i32, %c0_i32_0 : i32, i32
  }
  func.func @transform_11(%arg0: i32) -> (i32, i32) {
    %c0_i32 = arith.constant 0 : i32
    %c0_i32_0 = arith.constant 0 : i32
    return %arg0, %c0_i32 : i32, i32
  }
  func.func @transform_12(%arg0: i32) -> (i32, i32) {
    %c0_i32 = arith.constant 0 : i32
    %c0_i32_0 = arith.constant 0 : i32
    %c0_i32_1 = arith.constant 0 : i32
    return %c0_i32, %c0_i32_0 : i32, i32
  }
  func.func @transform_13(%arg0: i32) -> (i32, i32, i32) {
    %c0_i32 = arith.constant 0 : i32
    %c0_i32_0 = arith.constant 0 : i32
    %c0_i32_1 = arith.constant 0 : i32
    return %arg0, %c0_i32, %c0_i32_0 : i32, i32, i32
  }
  func.func @transform_14(%arg0: i32) -> (i32, i32) {
    %c0_i32 = arith.constant 0 : i32
    %c0_i32_0 = arith.constant 0 : i32
    return %arg0, %c0_i32 : i32, i32
  }
  func.func @transform_15(%arg0: i32) -> (i32, i32) {
    %c0_i32 = arith.constant 0 : i32
    %c0_i32_0 = arith.constant 0 : i32
    %c0_i32_1 = arith.constant 0 : i32
    return %c0_i32, %c0_i32_0 : i32, i32
  }
}

module attributes {stable_mosaic.version = 14 : i64} {
  func.func @body(%arg0: i32, %arg1: memref<2000x64xf32, #tpu.memory_space<vmem>>, %arg2: memref<2000x64xf32, #tpu.memory_space<vmem>>, %arg3: memref<2000x64xf32, #tpu.memory_space<vmem>>, %arg4: memref<2000x128xf32, #tpu.memory_space<vmem>>, %arg5: memref<2000x128xf32, #tpu.memory_space<vmem>>, %arg6: memref<2000x1xf32, #tpu.memory_space<vmem>>, %arg7: memref<2000x1xf32, #tpu.memory_space<vmem>>, %arg8: memref<2000x1xf32, #tpu.memory_space<vmem>>, %arg9: memref<2000x1xf32, #tpu.memory_space<vmem>>, %arg10: memref<2000x1xf32, #tpu.memory_space<vmem>>, %arg11: memref<1x64xf32, #tpu.memory_space<vmem>>, %arg12: memref<64x64xf32, #tpu.memory_space<vmem>>, %arg13: memref<64x64xf32, #tpu.memory_space<vmem>>, %arg14: memref<64x64xf32, #tpu.memory_space<vmem>>, %arg15: memref<64x64xf32, #tpu.memory_space<vmem>>, %arg16: memref<64x64xf32, #tpu.memory_space<vmem>>, %arg17: memref<1x64xf32, #tpu.memory_space<vmem>>, %arg18: memref<1x64xf32, #tpu.memory_space<vmem>>, %arg19: memref<1x64xf32, #tpu.memory_space<vmem>>, %arg20: memref<64x64xf32, #tpu.memory_space<vmem>>, %arg21: memref<64x64xf32, #tpu.memory_space<vmem>>, %arg22: memref<64x64xf32, #tpu.memory_space<vmem>>, %arg23: memref<1x64xf32, #tpu.memory_space<vmem>>, %arg24: memref<1x64xf32, #tpu.memory_space<vmem>>, %arg25: memref<64x64xf32, #tpu.memory_space<vmem>>, %arg26: memref<1x64xf32, #tpu.memory_space<vmem>>, %arg27: memref<64x64xf32, #tpu.memory_space<vmem>>, %arg28: memref<1x64xf32, #tpu.memory_space<vmem>>, %arg29: memref<64x512xf32, #tpu.memory_space<vmem>>, %arg30: memref<1x512xf32, #tpu.memory_space<vmem>>, %arg31: memref<1x64xf32, #tpu.memory_space<vmem>>, %arg32: memref<1x512xf32, #tpu.memory_space<vmem>>) attributes {dimension_semantics = [#tpu.dimension_semantics<arbitrary>], iteration_bounds = array<i64: 5>, scalar_prefetch = 0 : i64, scratch_operands = 0 : i64, tpu.core_type = #tpu.core_type<tc>, window_params = [{transform_indices = @transform_0, window_bounds = array<i64: 2000, 64>}, {transform_indices = @transform_1, window_bounds = array<i64: 2000, 64>}, {transform_indices = @transform_2, window_bounds = array<i64: 2000, 64>}, {transform_indices = @transform_3, window_bounds = array<i64: 2000, 128>}, {transform_indices = @transform_4, window_bounds = array<i64: 2000, 128>}, {transform_indices = @transform_5, window_bounds = array<i64: 2000, 1>}, {transform_indices = @transform_6, window_bounds = array<i64: 2000, 1>}, {transform_indices = @transform_7, window_bounds = array<i64: 2000, 1>}, {transform_indices = @transform_8, window_bounds = array<i64: 2000, 1>}, {transform_indices = @transform_9, window_bounds = array<i64: 2000, 1>}, {pipeline_mode = #tpu.pipeline_mode<synchronous>, transform_indices = @transform_10, window_bounds = array<i64: 1, 64>}, {pipeline_mode = #tpu.pipeline_mode<synchronous>, transform_indices = @transform_11, window_bounds = array<i64: 64, 64>}, {pipeline_mode = #tpu.pipeline_mode<synchronous>, transform_indices = @transform_12, window_bounds = array<i64: 64, 64>}, {pipeline_mode = #tpu.pipeline_mode<synchronous>, transform_indices = @transform_13, window_bounds = array<i64: 64, 64>}, {pipeline_mode = #tpu.pipeline_mode<synchronous>, transform_indices = @transform_14, window_bounds = array<i64: 64, 64>}, {pipeline_mode = #tpu.pipeline_mode<synchronous>, transform_indices = @transform_15, window_bounds = array<i64: 64, 64>}, {pipeline_mode = #tpu.pipeline_mode<synchronous>, transform_indices = @transform_16, window_bounds = array<i64: 1, 64>}, {pipeline_mode = #tpu.pipeline_mode<synchronous>, transform_indices = @transform_17, window_bounds = array<i64: 1, 64>}, {pipeline_mode = #tpu.pipeline_mode<synchronous>, transform_indices = @transform_18, window_bounds = array<i64: 1, 64>}, {pipeline_mode = #tpu.pipeline_mode<synchronous>, transform_indices = @transform_19, window_bounds = array<i64: 64, 64>}, {pipeline_mode = #tpu.pipeline_mode<synchronous>, transform_indices = @transform_20, window_bounds = array<i64: 64, 64>}, {pipeline_mode = #tpu.pipeline_mode<synchronous>, transform_indices = @transform_21, window_bounds = array<i64: 64, 64>}, {pipeline_mode = #tpu.pipeline_mode<synchronous>, transform_indices = @transform_22, window_bounds = array<i64: 1, 64>}, {pipeline_mode = #tpu.pipeline_mode<synchronous>, transform_indices = @transform_23, window_bounds = array<i64: 1, 64>}, {pipeline_mode = #tpu.pipeline_mode<synchronous>, transform_indices = @transform_24, window_bounds = array<i64: 64, 64>}, {pipeline_mode = #tpu.pipeline_mode<synchronous>, transform_indices = @transform_25, window_bounds = array<i64: 1, 64>}, {pipeline_mode = #tpu.pipeline_mode<synchronous>, transform_indices = @transform_26, window_bounds = array<i64: 64, 64>}, {pipeline_mode = #tpu.pipeline_mode<synchronous>, transform_indices = @transform_27, window_bounds = array<i64: 1, 64>}, {pipeline_mode = #tpu.pipeline_mode<synchronous>, transform_indices = @transform_28, window_bounds = array<i64: 64, 512>}, {pipeline_mode = #tpu.pipeline_mode<synchronous>, transform_indices = @transform_29, window_bounds = array<i64: 1, 512>}, {pipeline_mode = #tpu.pipeline_mode<synchronous>, transform_indices = @transform_30, window_bounds = array<i64: 1, 64>}, {pipeline_mode = #tpu.pipeline_mode<synchronous>, transform_indices = @transform_31, window_bounds = array<i64: 1, 512>}]} {
    %get3A = arith.constant 0 : index
    %get3A_0 = arith.constant 0 : index
    %get3A_1 = vector.load %arg6[%get3A, %get3A_0] : memref<2000x1xf32, #tpu.memory_space<vmem>>, vector<2000x1xf32>
    %gt3A = arith.constant 5.000000e-01 : f32
    %gt3A_2 = vector.broadcast %gt3A : f32 to vector<2000x1xf32>
    %gt3A_3 = arith.cmpf ogt, %get3A_1, %gt3A_2 : vector<2000x1xf32>
    %get3A_4 = arith.constant 0 : index
    %get3A_5 = arith.constant 64 : index
    %get3A_6 = vector.load %arg4[%get3A_4, %get3A_5] : memref<2000x128xf32, #tpu.memory_space<vmem>>, vector<2000x64xf32>
    %get3A_7 = arith.constant 0 : index
    %get3A_8 = arith.constant 0 : index
    %get3A_9 = vector.load %arg4[%get3A_7, %get3A_8] : memref<2000x128xf32, #tpu.memory_space<vmem>>, vector<2000x64xf32>
    %broadcast_in_dim3A = vector.shape_cast %gt3A_3 : vector<2000x1xi1> to vector<2000x1xi1>
    %broadcast_in_dim3A_10 = vector.broadcast %broadcast_in_dim3A : vector<2000x1xi1> to vector<2000x64xi1>
    %select_n3A = arith.select %broadcast_in_dim3A_10, %get3A_6, %get3A_9 : vector<2000x64xi1>, vector<2000x64xf32>
    %get3A_11 = arith.constant 0 : index
    %get3A_12 = arith.constant 0 : index
    %get3A_13 = vector.load %arg8[%get3A_11, %get3A_12] : memref<2000x1xf32, #tpu.memory_space<vmem>>, vector<2000x1xf32>
    %mul3A = vector.broadcast %get3A_13 : vector<2000x1xf32> to vector<2000x64xf32>
    %mul3A_14 = arith.mulf %select_n3A, %mul3A : vector<2000x64xf32>
    %get3A_15 = arith.constant 0 : index
    %get3A_16 = arith.constant 0 : index
    %get3A_17 = vector.load %arg7[%get3A_15, %get3A_16] : memref<2000x1xf32, #tpu.memory_space<vmem>>, vector<2000x1xf32>
    %gt3A_18 = arith.constant 5.000000e-01 : f32
    %gt3A_19 = vector.broadcast %gt3A_18 : f32 to vector<2000x1xf32>
    %gt3A_20 = arith.cmpf ogt, %get3A_17, %gt3A_19 : vector<2000x1xf32>
    %get3A_21 = arith.constant 0 : index
    %get3A_22 = arith.constant 64 : index
    %get3A_23 = vector.load %arg5[%get3A_21, %get3A_22] : memref<2000x128xf32, #tpu.memory_space<vmem>>, vector<2000x64xf32>
    %get3A_24 = arith.constant 0 : index
    %get3A_25 = arith.constant 0 : index
    %get3A_26 = vector.load %arg5[%get3A_24, %get3A_25] : memref<2000x128xf32, #tpu.memory_space<vmem>>, vector<2000x64xf32>
    %broadcast_in_dim3A_27 = vector.shape_cast %gt3A_20 : vector<2000x1xi1> to vector<2000x1xi1>
    %broadcast_in_dim3A_28 = vector.broadcast %broadcast_in_dim3A_27 : vector<2000x1xi1> to vector<2000x64xi1>
    %select_n3A_29 = arith.select %broadcast_in_dim3A_28, %get3A_23, %get3A_26 : vector<2000x64xi1>, vector<2000x64xf32>
    %get3A_30 = arith.constant 0 : index
    %get3A_31 = arith.constant 0 : index
    %get3A_32 = vector.load %arg9[%get3A_30, %get3A_31] : memref<2000x1xf32, #tpu.memory_space<vmem>>, vector<2000x1xf32>
    %mul3A_33 = vector.broadcast %get3A_32 : vector<2000x1xf32> to vector<2000x64xf32>
    %mul3A_34 = arith.mulf %select_n3A_29, %mul3A_33 : vector<2000x64xf32>
    %sub3A = arith.subf %mul3A_14, %mul3A_34 : vector<2000x64xf32>
    %get3A_35 = arith.constant 0 : index
    %get3A_36 = arith.constant 0 : index
    %get3A_37 = vector.load %arg10[%get3A_35, %get3A_36] : memref<2000x1xf32, #tpu.memory_space<vmem>>, vector<2000x1xf32>
    %get3A_38 = arith.constant 0 : index
    %get3A_39 = arith.constant 0 : index
    %get3A_40 = vector.load %arg18[%get3A_38, %get3A_39] : memref<1x64xf32, #tpu.memory_space<vmem>>, vector<1x64xf32>
    %mul3A_41 = arith.constant 3.125000e-06 : f32
    %mul3A_42 = vector.broadcast %mul3A_41 : f32 to vector<1x64xf32>
    %mul3A_43 = arith.mulf %get3A_40, %mul3A_42 : vector<1x64xf32>
    %mul3A_44 = vector.broadcast %get3A_37 : vector<2000x1xf32> to vector<2000x64xf32>
    %mul3A_45 = vector.broadcast %mul3A_43 : vector<1x64xf32> to vector<2000x64xf32>
    %mul3A_46 = arith.mulf %mul3A_44, %mul3A_45 : vector<2000x64xf32>
    %add3A = arith.addf %sub3A, %mul3A_46 : vector<2000x64xf32>
    %get3A_47 = arith.constant 0 : index
    %get3A_48 = arith.constant 0 : index
    %get3A_49 = vector.load %arg1[%get3A_47, %get3A_48] : memref<2000x64xf32, #tpu.memory_space<vmem>>, vector<2000x64xf32>
    %get3A_50 = arith.constant 0 : index
    %get3A_51 = arith.constant 0 : index
    %get3A_52 = vector.load %arg12[%get3A_50, %get3A_51] : memref<64x64xf32, #tpu.memory_space<vmem>>, vector<64x64xf32>
    %dot_general3A = arith.constant dense<0.000000e+00> : vector<2000x64xf32>
    %dot_general3A_53 = tpu.matmul %get3A_49, %get3A_52, %dot_general3A {dimension_numbers = #tpu.dot_dimension_numbers<[1], [0], [0], [1], [0, 0, 1, 1], [], []>, transpose_lhs_hint = false} : vector<2000x64xf32>, vector<64x64xf32>, vector<2000x64xf32> -> vector<2000x64xf32>
    %get3A_54 = arith.constant 0 : index
    %get3A_55 = arith.constant 0 : index
    %get3A_56 = vector.load %arg2[%get3A_54, %get3A_55] : memref<2000x64xf32, #tpu.memory_space<vmem>>, vector<2000x64xf32>
    %get3A_57 = arith.constant 0 : index
    %get3A_58 = arith.constant 0 : index
    %get3A_59 = vector.load %arg13[%get3A_57, %get3A_58] : memref<64x64xf32, #tpu.memory_space<vmem>>, vector<64x64xf32>
    %dot_general3A_60 = arith.constant dense<0.000000e+00> : vector<2000x64xf32>
    %dot_general3A_61 = tpu.matmul %get3A_56, %get3A_59, %dot_general3A_60 {dimension_numbers = #tpu.dot_dimension_numbers<[1], [0], [0], [1], [0, 0, 1, 1], [], []>, transpose_lhs_hint = false} : vector<2000x64xf32>, vector<64x64xf32>, vector<2000x64xf32> -> vector<2000x64xf32>
    %add3A_62 = arith.addf %dot_general3A_53, %dot_general3A_61 : vector<2000x64xf32>
    %get3A_63 = arith.constant 0 : index
    %get3A_64 = arith.constant 0 : index
    %get3A_65 = vector.load %arg3[%get3A_63, %get3A_64] : memref<2000x64xf32, #tpu.memory_space<vmem>>, vector<2000x64xf32>
    %get3A_66 = arith.constant 0 : index
    %get3A_67 = arith.constant 0 : index
    %get3A_68 = vector.load %arg14[%get3A_66, %get3A_67] : memref<64x64xf32, #tpu.memory_space<vmem>>, vector<64x64xf32>
    %dot_general3A_69 = arith.constant dense<0.000000e+00> : vector<2000x64xf32>
    %dot_general3A_70 = tpu.matmul %get3A_65, %get3A_68, %dot_general3A_69 {dimension_numbers = #tpu.dot_dimension_numbers<[1], [0], [0], [1], [0, 0, 1, 1], [], []>, transpose_lhs_hint = false} : vector<2000x64xf32>, vector<64x64xf32>, vector<2000x64xf32> -> vector<2000x64xf32>
    %add3A_71 = arith.addf %add3A_62, %dot_general3A_70 : vector<2000x64xf32>
    %get3A_72 = arith.constant 0 : index
    %get3A_73 = arith.constant 0 : index
    %get3A_74 = vector.load %arg15[%get3A_72, %get3A_73] : memref<64x64xf32, #tpu.memory_space<vmem>>, vector<64x64xf32>
    %dot_general3A_75 = arith.constant dense<0.000000e+00> : vector<2000x64xf32>
    %dot_general3A_76 = tpu.matmul %add3A, %get3A_74, %dot_general3A_75 {dimension_numbers = #tpu.dot_dimension_numbers<[1], [0], [0], [1], [0, 0, 1, 1], [], []>, transpose_lhs_hint = false} : vector<2000x64xf32>, vector<64x64xf32>, vector<2000x64xf32> -> vector<2000x64xf32>
    %add3A_77 = arith.addf %add3A_71, %dot_general3A_76 : vector<2000x64xf32>
    %get3A_78 = arith.constant 0 : index
    %get3A_79 = arith.constant 0 : index
    %get3A_80 = vector.load %arg11[%get3A_78, %get3A_79] : memref<1x64xf32, #tpu.memory_space<vmem>>, vector<1x64xf32>
    %add3A_81 = vector.broadcast %get3A_80 : vector<1x64xf32> to vector<2000x64xf32>
    %add3A_82 = arith.addf %add3A_77, %add3A_81 : vector<2000x64xf32>
    %max3A = arith.constant 0.000000e+00 : f32
    %max3A_83 = vector.broadcast %max3A : f32 to vector<2000x64xf32>
    %max3A_84 = arith.maximumf %add3A_82, %max3A_83 : vector<2000x64xf32>
    %abs3A = math.absf %add3A_82 : vector<2000x64xf32>
    %neg3A = arith.constant 0.000000e+00 : f32
    %neg3A_85 = vector.broadcast %neg3A : f32 to vector<2000x64xf32>
    %neg3A_86 = arith.subf %neg3A_85, %abs3A : vector<2000x64xf32>
    %exp3A = math.exp %neg3A_86 : vector<2000x64xf32>
    %log1p3A = math.log1p %exp3A : vector<2000x64xf32>
    %add3A_87 = arith.addf %max3A_84, %log1p3A : vector<2000x64xf32>
    %get3A_88 = arith.constant 0 : index
    %get3A_89 = arith.constant 0 : index
    %get3A_90 = vector.load %arg16[%get3A_88, %get3A_89] : memref<64x64xf32, #tpu.memory_space<vmem>>, vector<64x64xf32>
    %dot_general3A_91 = arith.constant dense<0.000000e+00> : vector<2000x64xf32>
    %dot_general3A_92 = tpu.matmul %add3A_87, %get3A_90, %dot_general3A_91 {dimension_numbers = #tpu.dot_dimension_numbers<[1], [0], [0], [1], [0, 0, 1, 1], [], []>, transpose_lhs_hint = false} : vector<2000x64xf32>, vector<64x64xf32>, vector<2000x64xf32> -> vector<2000x64xf32>
    %get3A_93 = arith.constant 0 : index
    %get3A_94 = arith.constant 0 : index
    %get3A_95 = vector.load %arg17[%get3A_93, %get3A_94] : memref<1x64xf32, #tpu.memory_space<vmem>>, vector<1x64xf32>
    %add3A_96 = vector.broadcast %get3A_95 : vector<1x64xf32> to vector<2000x64xf32>
    %add3A_97 = arith.addf %dot_general3A_92, %add3A_96 : vector<2000x64xf32>
    %max3A_98 = arith.constant 0.000000e+00 : f32
    %max3A_99 = vector.broadcast %max3A_98 : f32 to vector<2000x64xf32>
    %max3A_100 = arith.maximumf %add3A_97, %max3A_99 : vector<2000x64xf32>
    %abs3A_101 = math.absf %add3A_97 : vector<2000x64xf32>
    %neg3A_102 = arith.constant 0.000000e+00 : f32
    %neg3A_103 = vector.broadcast %neg3A_102 : f32 to vector<2000x64xf32>
    %neg3A_104 = arith.subf %neg3A_103, %abs3A_101 : vector<2000x64xf32>
    %exp3A_105 = math.exp %neg3A_104 : vector<2000x64xf32>
    %log1p3A_106 = math.log1p %exp3A_105 : vector<2000x64xf32>
    %add3A_107 = arith.addf %max3A_100, %log1p3A_106 : vector<2000x64xf32>
    %reduce_sum3A = arith.constant dense<0.000000e+00> : vector<64xf32>
    %reduce_sum3A_108 = vector.multi_reduction <add>, %add3A_107, %reduce_sum3A [0] : vector<2000x64xf32> to vector<64xf32>
    %broadcast_in_dim3A_109 = vector.shape_cast %reduce_sum3A_108 : vector<64xf32> to vector<1x64xf32>
    %eq3A = arith.constant 0 : i32
    %eq3A_110 = arith.cmpi eq, %arg0, %eq3A : i32
    %convert_element_type3A = arith.extui %eq3A_110 : i1 to i32
    %cond3A = arith.constant 0 : i32
    %cond3A_111 = arith.cmpi ne, %convert_element_type3A, %cond3A : i32
    scf.if %cond3A_111 {
      %swap3A = arith.constant 0 : index
      %swap3A_122 = arith.constant 0 : index
      %swap3A_123 = vector.load %arg31[%swap3A, %swap3A_122] : memref<1x64xf32, #tpu.memory_space<vmem>>, vector<1x64xf32>
      tpu.vector_store %arg31[%swap3A, %swap3A_122], %broadcast_in_dim3A_109 {strides = array<i32>} : memref<1x64xf32, #tpu.memory_space<vmem>>, vector<1x64xf32>,
    } else {
    }
    %gt3A_112 = arith.constant 0 : i32
    %gt3A_113 = arith.cmpi sgt, %arg0, %gt3A_112 : i32
    %convert_element_type3A_114 = arith.extui %gt3A_113 : i1 to i32
    %cond3A_115 = arith.constant 0 : i32
    %cond3A_116 = arith.cmpi ne, %convert_element_type3A_114, %cond3A_115 : i32
    scf.if %cond3A_116 {
      %get3A_122 = arith.constant 0 : index
      %get3A_123 = arith.constant 0 : index
      %get3A_124 = vector.load %arg31[%get3A_122, %get3A_123] : memref<1x64xf32, #tpu.memory_space<vmem>>, vector<1x64xf32>
      %add3A_125 = arith.addf %get3A_124, %broadcast_in_dim3A_109 : vector<1x64xf32>
      %swap3A = arith.constant 0 : index
      %swap3A_126 = arith.constant 0 : index
      %swap3A_127 = vector.load %arg31[%swap3A, %swap3A_126] : memref<1x64xf32, #tpu.memory_space<vmem>>, vector<1x64xf32>
      tpu.vector_store %arg31[%swap3A, %swap3A_126], %add3A_125 {strides = array<i32>} : memref<1x64xf32, #tpu.memory_space<vmem>>, vector<1x64xf32>,
    } else {
    }
    %eq3A_117 = arith.constant 4 : i32
    %eq3A_118 = arith.cmpi eq, %arg0, %eq3A_117 : i32
    %convert_element_type3A_119 = arith.extui %eq3A_118 : i1 to i32
    %cond3A_120 = arith.constant 0 : i32
    %cond3A_121 = arith.cmpi ne, %convert_element_type3A_119, %cond3A_120 : i32
    scf.if %cond3A_121 {
      %get3A_122 = arith.constant 0 : index
      %get3A_123 = arith.constant 0 : index
      %get3A_124 = vector.load %arg19[%get3A_122, %get3A_123] : memref<1x64xf32, #tpu.memory_space<vmem>>, vector<1x64xf32>
      %get3A_125 = arith.constant 0 : index
      %get3A_126 = arith.constant 0 : index
      %get3A_127 = vector.load %arg31[%get3A_125, %get3A_126] : memref<1x64xf32, #tpu.memory_space<vmem>>, vector<1x64xf32>
      %get3A_128 = arith.constant 0 : index
      %get3A_129 = arith.constant 0 : index
      %get3A_130 = vector.load %arg20[%get3A_128, %get3A_129] : memref<64x64xf32, #tpu.memory_space<vmem>>, vector<64x64xf32>
      %dot_general3A_131 = arith.constant dense<0.000000e+00> : vector<1x64xf32>
      %dot_general3A_132 = tpu.matmul %get3A_127, %get3A_130, %dot_general3A_131 {dimension_numbers = #tpu.dot_dimension_numbers<[1], [0], [0], [1], [0, 0, 1, 1], [], []>, transpose_lhs_hint = false} : vector<1x64xf32>, vector<64x64xf32>, vector<1x64xf32> -> vector<1x64xf32>
      %add3A_133 = arith.addf %get3A_124, %dot_general3A_132 : vector<1x64xf32>
      %get3A_134 = arith.constant 0 : index
      %get3A_135 = arith.constant 0 : index
      %get3A_136 = vector.load %arg18[%get3A_134, %get3A_135] : memref<1x64xf32, #tpu.memory_space<vmem>>, vector<1x64xf32>
      %get3A_137 = arith.constant 0 : index
      %get3A_138 = arith.constant 0 : index
      %get3A_139 = vector.load %arg21[%get3A_137, %get3A_138] : memref<64x64xf32, #tpu.memory_space<vmem>>, vector<64x64xf32>
      %dot_general3A_140 = arith.constant dense<0.000000e+00> : vector<1x64xf32>
      %dot_general3A_141 = tpu.matmul %get3A_136, %get3A_139, %dot_general3A_140 {dimension_numbers = #tpu.dot_dimension_numbers<[1], [0], [0], [1], [0, 0, 1, 1], [], []>, transpose_lhs_hint = false} : vector<1x64xf32>, vector<64x64xf32>, vector<1x64xf32> -> vector<1x64xf32>
      %add3A_142 = arith.addf %add3A_133, %dot_general3A_141 : vector<1x64xf32>
      %max3A_143 = arith.constant 0.000000e+00 : f32
      %max3A_144 = vector.broadcast %max3A_143 : f32 to vector<1x64xf32>
      %max3A_145 = arith.maximumf %add3A_142, %max3A_144 : vector<1x64xf32>
      %abs3A_146 = math.absf %add3A_142 : vector<1x64xf32>
      %neg3A_147 = arith.constant 0.000000e+00 : f32
      %neg3A_148 = vector.broadcast %neg3A_147 : f32 to vector<1x64xf32>
      %neg3A_149 = arith.subf %neg3A_148, %abs3A_146 : vector<1x64xf32>
      %exp3A_150 = math.exp %neg3A_149 : vector<1x64xf32>
      %log1p3A_151 = math.log1p %exp3A_150 : vector<1x64xf32>
      %add3A_152 = arith.addf %max3A_145, %log1p3A_151 : vector<1x64xf32>
      %get3A_153 = arith.constant 0 : index
      %get3A_154 = arith.constant 0 : index
      %get3A_155 = vector.load %arg22[%get3A_153, %get3A_154] : memref<64x64xf32, #tpu.memory_space<vmem>>, vector<64x64xf32>
      %dot_general3A_156 = arith.constant dense<0.000000e+00> : vector<1x64xf32>
      %dot_general3A_157 = tpu.matmul %add3A_152, %get3A_155, %dot_general3A_156 {dimension_numbers = #tpu.dot_dimension_numbers<[1], [0], [0], [1], [0, 0, 1, 1], [], []>, transpose_lhs_hint = false} : vector<1x64xf32>, vector<64x64xf32>, vector<1x64xf32> -> vector<1x64xf32>
      %get3A_158 = arith.constant 0 : index
      %get3A_159 = arith.constant 0 : index
      %get3A_160 = vector.load %arg23[%get3A_158, %get3A_159] : memref<1x64xf32, #tpu.memory_space<vmem>>, vector<1x64xf32>
      %add3A_161 = arith.addf %dot_general3A_157, %get3A_160 : vector<1x64xf32>
      %max3A_162 = arith.constant 0.000000e+00 : f32
      %max3A_163 = vector.broadcast %max3A_162 : f32 to vector<1x64xf32>
      %max3A_164 = arith.maximumf %add3A_161, %max3A_163 : vector<1x64xf32>
      %abs3A_165 = math.absf %add3A_161 : vector<1x64xf32>
      %neg3A_166 = arith.constant 0.000000e+00 : f32
      %neg3A_167 = vector.broadcast %neg3A_166 : f32 to vector<1x64xf32>
      %neg3A_168 = arith.subf %neg3A_167, %abs3A_165 : vector<1x64xf32>
      %exp3A_169 = math.exp %neg3A_168 : vector<1x64xf32>
      %log1p3A_170 = math.log1p %exp3A_169 : vector<1x64xf32>
      %add3A_171 = arith.addf %max3A_164, %log1p3A_170 : vector<1x64xf32>
      %get3A_172 = arith.constant 0 : index
      %get3A_173 = arith.constant 0 : index
      %get3A_174 = vector.load %arg25[%get3A_172, %get3A_173] : memref<64x64xf32, #tpu.memory_space<vmem>>, vector<64x64xf32>
      %dot_general3A_175 = arith.constant dense<0.000000e+00> : vector<1x64xf32>
      %dot_general3A_176 = tpu.matmul %add3A_171, %get3A_174, %dot_general3A_175 {dimension_numbers = #tpu.dot_dimension_numbers<[1], [0], [0], [1], [0, 0, 1, 1], [], []>, transpose_lhs_hint = false} : vector<1x64xf32>, vector<64x64xf32>, vector<1x64xf32> -> vector<1x64xf32>
      %get3A_177 = arith.constant 0 : index
      %get3A_178 = arith.constant 0 : index
      %get3A_179 = vector.load %arg26[%get3A_177, %get3A_178] : memref<1x64xf32, #tpu.memory_space<vmem>>, vector<1x64xf32>
      %add3A_180 = arith.addf %dot_general3A_176, %get3A_179 : vector<1x64xf32>
      %max3A_181 = arith.constant 0.000000e+00 : f32
      %max3A_182 = vector.broadcast %max3A_181 : f32 to vector<1x64xf32>
      %max3A_183 = arith.maximumf %add3A_180, %max3A_182 : vector<1x64xf32>
      %abs3A_184 = math.absf %add3A_180 : vector<1x64xf32>
      %neg3A_185 = arith.constant 0.000000e+00 : f32
      %neg3A_186 = vector.broadcast %neg3A_185 : f32 to vector<1x64xf32>
      %neg3A_187 = arith.subf %neg3A_186, %abs3A_184 : vector<1x64xf32>
      %exp3A_188 = math.exp %neg3A_187 : vector<1x64xf32>
      %log1p3A_189 = math.log1p %exp3A_188 : vector<1x64xf32>
      %add3A_190 = arith.addf %max3A_183, %log1p3A_189 : vector<1x64xf32>
      %get3A_191 = arith.constant 0 : index
      %get3A_192 = arith.constant 0 : index
      %get3A_193 = vector.load %arg27[%get3A_191, %get3A_192] : memref<64x64xf32, #tpu.memory_space<vmem>>, vector<64x64xf32>
      %dot_general3A_194 = arith.constant dense<0.000000e+00> : vector<1x64xf32>
      %dot_general3A_195 = tpu.matmul %add3A_190, %get3A_193, %dot_general3A_194 {dimension_numbers = #tpu.dot_dimension_numbers<[1], [0], [0], [1], [0, 0, 1, 1], [], []>, transpose_lhs_hint = false} : vector<1x64xf32>, vector<64x64xf32>, vector<1x64xf32> -> vector<1x64xf32>
      %get3A_196 = arith.constant 0 : index
      %get3A_197 = arith.constant 0 : index
      %get3A_198 = vector.load %arg28[%get3A_196, %get3A_197] : memref<1x64xf32, #tpu.memory_space<vmem>>, vector<1x64xf32>
      %add3A_199 = arith.addf %dot_general3A_195, %get3A_198 : vector<1x64xf32>
      %max3A_200 = arith.constant 0.000000e+00 : f32
      %max3A_201 = vector.broadcast %max3A_200 : f32 to vector<1x64xf32>
      %max3A_202 = arith.maximumf %add3A_199, %max3A_201 : vector<1x64xf32>
      %abs3A_203 = math.absf %add3A_199 : vector<1x64xf32>
      %neg3A_204 = arith.constant 0.000000e+00 : f32
      %neg3A_205 = vector.broadcast %neg3A_204 : f32 to vector<1x64xf32>
      %neg3A_206 = arith.subf %neg3A_205, %abs3A_203 : vector<1x64xf32>
      %exp3A_207 = math.exp %neg3A_206 : vector<1x64xf32>
      %log1p3A_208 = math.log1p %exp3A_207 : vector<1x64xf32>
      %add3A_209 = arith.addf %max3A_202, %log1p3A_208 : vector<1x64xf32>
      %get3A_210 = arith.constant 0 : index
      %get3A_211 = arith.constant 0 : index
      %get3A_212 = vector.load %arg29[%get3A_210, %get3A_211] : memref<64x512xf32, #tpu.memory_space<vmem>>, vector<64x512xf32>
      %dot_general3A_213 = arith.constant dense<0.000000e+00> : vector<1x512xf32>
      %dot_general3A_214 = tpu.matmul %add3A_209, %get3A_212, %dot_general3A_213 {dimension_numbers = #tpu.dot_dimension_numbers<[1], [0], [0], [1], [0, 0, 1, 1], [], []>, transpose_lhs_hint = false} : vector<1x64xf32>, vector<64x512xf32>, vector<1x512xf32> -> vector<1x512xf32>
      %get3A_215 = arith.constant 0 : index
      %get3A_216 = arith.constant 0 : index
      %get3A_217 = vector.load %arg30[%get3A_215, %get3A_216] : memref<1x512xf32, #tpu.memory_space<vmem>>, vector<1x512xf32>
      %add3A_218 = arith.addf %dot_general3A_214, %get3A_217 : vector<1x512xf32>
      %swap3A = arith.constant 0 : index
      %swap3A_219 = arith.constant 0 : index
      %swap3A_220 = vector.load %arg32[%swap3A, %swap3A_219] : memref<1x512xf32, #tpu.memory_space<vmem>>, vector<1x512xf32>
      tpu.vector_store %arg32[%swap3A, %swap3A_219], %add3A_218 {strides = array<i32>} : memref<1x512xf32, #tpu.memory_space<vmem>>, vector<1x512xf32>,
    } else {
    }
    return
  }
  func.func @transform_0(%arg0: i32) -> (i32, i32) {
    %c0_i32 = arith.constant 0 : i32
    %c0_i32_0 = arith.constant 0 : i32
    return %arg0, %c0_i32 : i32, i32
  }
  func.func @transform_1(%arg0: i32) -> (i32, i32) {
    %c0_i32 = arith.constant 0 : i32
    %c0_i32_0 = arith.constant 0 : i32
    return %arg0, %c0_i32 : i32, i32
  }
  func.func @transform_2(%arg0: i32) -> (i32, i32) {
    %c0_i32 = arith.constant 0 : i32
    %c0_i32_0 = arith.constant 0 : i32
    return %arg0, %c0_i32 : i32, i32
  }
  func.func @transform_3(%arg0: i32) -> (i32, i32) {
    %c0_i32 = arith.constant 0 : i32
    %c0_i32_0 = arith.constant 0 : i32
    return %arg0, %c0_i32 : i32, i32
  }
  func.func @transform_4(%arg0: i32) -> (i32, i32) {
    %c0_i32 = arith.constant 0 : i32
    %c0_i32_0 = arith.constant 0 : i32
    return %arg0, %c0_i32 : i32, i32
  }
  func.func @transform_5(%arg0: i32) -> (i32, i32) {
    %c0_i32 = arith.constant 0 : i32
    %c0_i32_0 = arith.constant 0 : i32
    return %arg0, %c0_i32 : i32, i32
  }
  func.func @transform_6(%arg0: i32) -> (i32, i32) {
    %c0_i32 = arith.constant 0 : i32
    %c0_i32_0 = arith.constant 0 : i32
    return %arg0, %c0_i32 : i32, i32
  }
  func.func @transform_7(%arg0: i32) -> (i32, i32) {
    %c0_i32 = arith.constant 0 : i32
    %c0_i32_0 = arith.constant 0 : i32
    return %arg0, %c0_i32 : i32, i32
  }
  func.func @transform_8(%arg0: i32) -> (i32, i32) {
    %c0_i32 = arith.constant 0 : i32
    %c0_i32_0 = arith.constant 0 : i32
    return %arg0, %c0_i32 : i32, i32
  }
  func.func @transform_9(%arg0: i32) -> (i32, i32) {
    %c0_i32 = arith.constant 0 : i32
    %c0_i32_0 = arith.constant 0 : i32
    return %arg0, %c0_i32 : i32, i32
  }
  func.func @transform_10(%arg0: i32) -> (i32, i32) {
    %c0_i32 = arith.constant 0 : i32
    %c0_i32_0 = arith.constant 0 : i32
    %c0_i32_1 = arith.constant 0 : i32
    return %c0_i32, %c0_i32_0 : i32, i32
  }
  func.func @transform_11(%arg0: i32) -> (i32, i32) {
    %c0_i32 = arith.constant 0 : i32
    %c0_i32_0 = arith.constant 0 : i32
    %c0_i32_1 = arith.constant 0 : i32
    return %c0_i32, %c0_i32_0 : i32, i32
  }
  func.func @transform_12(%arg0: i32) -> (i32, i32) {
    %c0_i32 = arith.constant 0 : i32
    %c0_i32_0 = arith.constant 0 : i32
    %c0_i32_1 = arith.constant 0 : i32
    return %c0_i32, %c0_i32_0 : i32, i32
  }
  func.func @transform_13(%arg0: i32) -> (i32, i32) {
    %c0_i32 = arith.constant 0 : i32
    %c0_i32_0 = arith.constant 0 : i32
    %c0_i32_1 = arith.constant 0 : i32
    return %c0_i32, %c0_i32_0 : i32, i32
  }
  func.func @transform_14(%arg0: i32) -> (i32, i32) {
    %c0_i32 = arith.constant 0 : i32
    %c0_i32_0 = arith.constant 0 : i32
    %c0_i32_1 = arith.constant 0 : i32
    return %c0_i32, %c0_i32_0 : i32, i32
  }
  func.func @transform_15(%arg0: i32) -> (i32, i32) {
    %c0_i32 = arith.constant 0 : i32
    %c0_i32_0 = arith.constant 0 : i32
    %c0_i32_1 = arith.constant 0 : i32
    return %c0_i32, %c0_i32_0 : i32, i32
  }
  func.func @transform_16(%arg0: i32) -> (i32, i32) {
    %c0_i32 = arith.constant 0 : i32
    %c0_i32_0 = arith.constant 0 : i32
    %c0_i32_1 = arith.constant 0 : i32
    return %c0_i32, %c0_i32_0 : i32, i32
  }
  func.func @transform_17(%arg0: i32) -> (i32, i32) {
    %c0_i32 = arith.constant 0 : i32
    %c0_i32_0 = arith.constant 0 : i32
    %c0_i32_1 = arith.constant 0 : i32
    return %c0_i32, %c0_i32_0 : i32, i32
  }
  func.func @transform_18(%arg0: i32) -> (i32, i32) {
    %c0_i32 = arith.constant 0 : i32
    %c0_i32_0 = arith.constant 0 : i32
    %c0_i32_1 = arith.constant 0 : i32
    return %c0_i32, %c0_i32_0 : i32, i32
  }
  func.func @transform_19(%arg0: i32) -> (i32, i32) {
    %c0_i32 = arith.constant 0 : i32
    %c0_i32_0 = arith.constant 0 : i32
    %c0_i32_1 = arith.constant 0 : i32
    return %c0_i32, %c0_i32_0 : i32, i32
  }
  func.func @transform_20(%arg0: i32) -> (i32, i32) {
    %c0_i32 = arith.constant 0 : i32
    %c0_i32_0 = arith.constant 0 : i32
    %c0_i32_1 = arith.constant 0 : i32
    return %c0_i32, %c0_i32_0 : i32, i32
  }
  func.func @transform_21(%arg0: i32) -> (i32, i32) {
    %c0_i32 = arith.constant 0 : i32
    %c0_i32_0 = arith.constant 0 : i32
    %c0_i32_1 = arith.constant 0 : i32
    return %c0_i32, %c0_i32_0 : i32, i32
  }
  func.func @transform_22(%arg0: i32) -> (i32, i32) {
    %c0_i32 = arith.constant 0 : i32
    %c0_i32_0 = arith.constant 0 : i32
    %c0_i32_1 = arith.constant 0 : i32
    return %c0_i32, %c0_i32_0 : i32, i32
  }
  func.func @transform_23(%arg0: i32) -> (i32, i32) {
    %c0_i32 = arith.constant 0 : i32
    %c0_i32_0 = arith.constant 0 : i32
    %c0_i32_1 = arith.constant 0 : i32
    return %c0_i32, %c0_i32_0 : i32, i32
  }
  func.func @transform_24(%arg0: i32) -> (i32, i32) {
    %c0_i32 = arith.constant 0 : i32
    %c0_i32_0 = arith.constant 0 : i32
    %c0_i32_1 = arith.constant 0 : i32
    return %c0_i32, %c0_i32_0 : i32, i32
  }
  func.func @transform_25(%arg0: i32) -> (i32, i32) {
    %c0_i32 = arith.constant 0 : i32
    %c0_i32_0 = arith.constant 0 : i32
    %c0_i32_1 = arith.constant 0 : i32
    return %c0_i32, %c0_i32_0 : i32, i32
  }
  func.func @transform_26(%arg0: i32) -> (i32, i32) {
    %c0_i32 = arith.constant 0 : i32
    %c0_i32_0 = arith.constant 0 : i32
    %c0_i32_1 = arith.constant 0 : i32
    return %c0_i32, %c0_i32_0 : i32, i32
  }
  func.func @transform_27(%arg0: i32) -> (i32, i32) {
    %c0_i32 = arith.constant 0 : i32
    %c0_i32_0 = arith.constant 0 : i32
    %c0_i32_1 = arith.constant 0 : i32
    return %c0_i32, %c0_i32_0 : i32, i32
  }
  func.func @transform_28(%arg0: i32) -> (i32, i32) {
    %c0_i32 = arith.constant 0 : i32
    %c0_i32_0 = arith.constant 0 : i32
    %c0_i32_1 = arith.constant 0 : i32
    return %c0_i32, %c0_i32_0 : i32, i32
  }
  func.func @transform_29(%arg0: i32) -> (i32, i32) {
    %c0_i32 = arith.constant 0 : i32
    %c0_i32_0 = arith.constant 0 : i32
    %c0_i32_1 = arith.constant 0 : i32
    return %c0_i32, %c0_i32_0 : i32, i32
  }
  func.func @transform_30(%arg0: i32) -> (i32, i32) {
    %c0_i32 = arith.constant 0 : i32
    %c0_i32_0 = arith.constant 0 : i32
    %c0_i32_1 = arith.constant 0 : i32
    return %c0_i32, %c0_i32_0 : i32, i32
  }
  func.func @transform_31(%arg0: i32) -> (i32, i32) {
    %c0_i32 = arith.constant 0 : i32
    %c0_i32_0 = arith.constant 0 : i32
    %c0_i32_1 = arith.constant 0 : i32
    return %c0_i32, %c0_i32_0 : i32, i32
  }
}

</mosaic_0001>

<sc_bundles>
// kernel: kernel.17.cloned.1.call-start
scs
__scs_entry_jumppad:
0x0: {  	(pc) =	sbr.rel $0x88, $3  }
0x1: {  	(tag) =	ssettag $0x0;
	lr =	simm.s32 $0x1  }
0x2: {  	[smem:$0x3F73] =	sst lr;
	_ =	strace $0xD0000000  }
0x3: {  	_ = 	snop  }
0x4: {  	_ = 	snop  }
0x5: {  	_ = 	snop  }
0x6: {  	_ = 	snop  }
0x7: {  	_ = 	snop  }
__scs_overlays_trampoline_lowered:
0x8: {  	[smem:$0x3F82] =	sst s0  }
0x9: {  	[smem:$0x3F83] =	sst s1  }
0xa: {  	[smem:$0x3F84] =	sst s2  }
0xb: {  	[smem:$0x3F85] =	sst s3  }
0xc: {  	[smem:$0x3F86] =	sst s4  }
0xd: {  	[smem:$0x3F87] =	sst s5  }
0xe: {  	[smem:$0x3F88] =	sst s6  }
0xf: {  	[smem:$0x3F89] =	sst s7  }
0x10: {  	[smem:$0x3F8A] =	sst s8  }
0x11: {  	[smem:$0x3F8B] =	sst s9;
	s0 =	simm.s32 @!p0 $0x0  }
0x12: {  	s1 =	sld [smem:$0x3F71];
	s0 =	simm.s32 @p0 $0x1  }
0x13: {  	[smem:$0x3F8C] =	sst s0;
	s0 =	simm.s32 @!p1 $0x0  }
0x14: {  	s2 =	sld [smem:$0x3F70];
	s0 =	simm.s32 @p1 $0x1  }
0x15: {  	[smem:$0x3F8D] =	sst s0;
	s0 =	simm.s32 @!p2 $0x0  }
0x16: {  	s3 =	sld [smem:$0x3FDB];
	s0 =	simm.s32 @p2 $0x1  }
0x17: {  	s4 =	simm.s32 $0x1BF5;
	[smem:$0x3F8F] =	sst s0  }
0x18: {  	s0 =	sld [smem:$0x3F72];
	_ =	swait.ge [sflag:s4], $0x0  }
0x19: {  	s7 =	sld [smem:$0x3F73]  }
0x1a: {  	s8 =	sadd.s32 $0xFFFFE003, lr  }
0x1b: {  	s9 =	sadd.s32 $0xFFFFFEF7, lr;
	s5 =	simm.s32 $0xFFFFFFFF;
	p2 =	slt.u32 s8, $0xFFFFF086  }
0x1c: {  	p1 =	slt.u32 s9, $0xF7A;
	s5 =	simm.s32 @!p2 $0x0  }
0x1d: {  	s5 =	simm.s32 @p1 $0x1;
	p0 =	seq.s32 s7, s2  }
0x1e: {  	s7 =	smul.u32 @!p0 $0xF7A, s2;
	p2 =	seq.s32 @!p0 s5, $0x0  }
0x1f: {  	s9 =	smul.u32 $0xF7A, s1;
	s8 =	simm.s32 @!p0 $0x1BF5;
	p2 =	por !p2, p0  }
0x20: {  	[sflag:s8] =	ssyncset.s32 @!p0 $0xFFFFF086;
	s6 =	sadd.s32 @!p0 s3, s7;
	s7 =	simm.s32 @!p0 $0x108  }
0x21: {  	s3 =	sadd.s32 s3, s9;
	s6 =	sadd.s32 @!p0 $0x88, s6;
	s7 =	simm.s32 @p2 $0x1082  }
0x22: {  	[simem:s7], [sflag:s8] =	dma.local @!p0 [hbm:s6], $0xF7A  }
0x23: {  	s9 =	sor.u32 $0xD0000000, s2;
	s6 =	simm.s32 $0x108;
	_ =	swait.ge @!p0 [sflag:s8], $0x0  }
0x24: {  	s3 =	sadd.s32 $0x88, s3;
	s6 =	simm.s32 @!p1 $0x1082;
	[sflag:s4] =	ssyncset.s32 $0xFFFFF086  }
0x25: {  	[simem:s6], [sflag:s4] =	dma.local [hbm:s3], $0xF7A  }
0x26: {  	[smem:$0x3F73] =	sst s1;
	(tag) =	ssettag s2;
	_ =	strace s9  }
0x27: {  	s1 =	sld [smem:$0x3F83]  }
0x28: {  	s2 =	sld [smem:$0x3F84]  }
0x29: {  	s4 =	sld [smem:$0x3F86]  }
0x2a: {  	p0 =	seq.s32 s5, $0x0;
	s5 =	sld [smem:$0x3F87]  }
0x2b: {  	s6 =	sld [smem:$0x3F88]  }
0x2c: {  	s7 =	sld [smem:$0x3F89]  }
0x2d: {  	s3 =	simm.s32 $0x108;
	s8 =	sld [smem:$0x3F8A]  }
0x2e: {  	s3 =	simm.s32 @!p0 $0x1082;
	s9 =	sld [smem:$0x3F8B]  }
0x2f: {  	lr =	sadd.s32 s0, s3;
	s0 =	sld [smem:$0x3F82]  }
0x30: {  	s3 =	sld [smem:$0x3F85]  }
0x31: {  	[smem:$0x3F8E] =	sst s10  }
0x32: {  	s10 =	sld [smem:$0x3F8C];
	_ =	sdelay $0x3  }
0x33: {  	p0 =	seq.s32 s10, $0x1;
	s10 =	sld [smem:$0x3F8E];
	_ =	sdelay $0x3  }
0x34: {  	[smem:$0x3F8E] =	sst s10  }
0x35: {  	s10 =	sld [smem:$0x3F8D];
	_ =	sdelay $0x3  }
0x36: {  	p1 =	seq.s32 s10, $0x1;
	s10 =	sld [smem:$0x3F8E];
	_ =	sdelay $0x3  }
0x37: {  	[smem:$0x3F8E] =	sst s10  }
0x38: {  	s10 =	sld [smem:$0x3F8F]  }
0x39: {  	_ = 	snop;
	(pc) =	sbr.ind lr, $3  }
0x3a: {  	_ = 	snop  }
0x3b: {  	_ = 	snop  }
0x3c: {  	p2 =	seq.s32 s10, $0x1;
	s10 =	sld [smem:$0x3F8E]  }
0x3d: {  	_ =	shalt  }
0x3e: {  	_ =	shalt  }
0x3f: {  	_ =	shalt  }
0x40: {  	_ =	shalt  }
0x41: {  	_ =	shalt  }
0x42: {  	_ =	shalt  }
0x43: {  	_ =	shalt  }
0x44: {  	_ =	shalt  }
0x45: {  	_ =	shalt  }
0x46: {  	_ =	shalt  }
0x47: {  	_ =	shalt  }
0x48: {  	_ =	shalt  }
0x49: {  	_ =	shalt  }
0x4a: {  	_ =	shalt  }
0x4b: {  	_ =	shalt  }
0x4c: {  	_ =	shalt  }
0x4d: {  	_ =	shalt  }
0x4e: {  	_ =	shalt  }
0x4f: {  	_ =	shalt  }
0x50: {  	_ =	shalt  }
0x51: {  	_ =	shalt  }
0x52: {  	_ =	shalt  }
0x53: {  	_ =	shalt  }
0x54: {  	_ =	shalt  }
0x55: {  	_ =	shalt  }
0x56: {  	_ =	shalt  }
0x57: {  	_ =	shalt  }
0x58: {  	_ =	shalt  }
0x59: {  	_ =	shalt  }
0x5a: {  	_ =	shalt  }
0x5b: {  	_ =	shalt  }
0x5c: {  	_ =	shalt  }
0x5d: {  	_ =	shalt  }
0x5e: {  	_ =	shalt  }
0x5f: {  	_ =	shalt  }
0x60: {  	_ =	shalt  }
0x61: {  	_ =	shalt  }
0x62: {  	_ =	shalt  }
0x63: {  	_ =	shalt  }
0x64: {  	_ =	shalt  }
0x65: {  	_ =	shalt  }
0x66: {  	_ =	shalt  }
0x67: {  	_ =	shalt  }
0x68: {  	_ =	shalt  }
0x69: {  	_ =	shalt  }
0x6a: {  	_ =	shalt  }
0x6b: {  	_ =	shalt  }
0x6c: {  	_ =	shalt  }
0x6d: {  	_ =	shalt  }
0x6e: {  	_ =	shalt  }
0x6f: {  	_ =	shalt  }
0x70: {  	_ =	shalt  }
0x71: {  	_ =	shalt  }
0x72: {  	_ =	shalt  }
0x73: {  	_ =	shalt  }
0x74: {  	_ =	shalt  }
0x75: {  	_ =	shalt  }
0x76: {  	_ =	shalt  }
0x77: {  	_ =	shalt  }
0x78: {  	_ =	shalt  }
0x79: {  	_ =	shalt  }
0x7a: {  	_ =	shalt  }
0x7b: {  	_ =	shalt  }
0x7c: {  	_ =	shalt  }
0x7d: {  	_ =	shalt  }
0x7e: {  	_ =	shalt  }
0x7f: {  	_ =	shalt  }
0x80: {  	_ =	shalt  }
0x81: {  	_ =	shalt  }
0x82: {  	_ =	shalt  }
0x83: {  	_ =	shalt  }
0x84: {  	_ =	shalt  }
0x85: {  	_ =	shalt  }
0x86: {  	_ =	shalt  }
0x87: {  	_ =	shalt  }
.Lfunc_end0:
.L_simem_size_0:
called_computation_lowered:
.L_overlay_start_0:
0x88: {  	s2 =	sld [smem:$0x3FD9]  }
0x89: {  	s3 =	sld [smem:$0x3FFE];
	_ =	sdelay $0x1  }
0x8a: {  	s1 =	srdreg.scid  }
0x8b: {  	s0 =	sand.u32 $0x1, s1  }
0x8c: {  	s16 =	sshll.u32 s0, $0xA;
	s2 =	sadd.s32 s3, s2  }
0x8d: {  	s2 =	sadd.s32 s2, s16  }
0x8e: {  	[smem:$0x3F9A] =	sst s2  }
0x8f: {  	_ = 	snop  }
0x90: {  	(tm) =	ssettm $0x1  }
0x91: {  	s17 =	sld [smem:$0x3FFB];
	_ =	sdelay $0x3  }
0x92: {  	_ =	strace s17  }
0x93: {  	s2 =	sld [smem:$0x3FFC];
	_ =	sdelay $0x3  }
0x94: {  	_ =	strace s2  }
0x95: {  	s2 =	sld [smem:$0x3FFD];
	_ =	sdelay $0x3  }
0x96: {  	_ =	strace s2  }
0x97: {  	_ =	strace $0x8FFFFFFF  }
0x98: {  	s18 =	sld [smem:$0x3FDB];
	_ =	sdelay $0x1  }
0x99: {  	s19 =	simm.s32 $_scs_section_size  }
0x9a: {  	s4 =	simm.s32 $_size__tile_overlayer_lowered;
	s5 =	simm.s32 $_tile_overlayer_lowered  }
0x9b: {  	s22 =	simm.s32 $0x1BFF;
	s21 =	sshll.u32 s5, $0x1;
	s2 =	sadd.s32 s19, s18  }
0x9c: {  	s6 =	simm.s32 $0x0;
	s20 =	sshll.u32 s4, $0x1;
	s4 =	sadd.s32 s21, s2  }
0x9d: {  	[timem:s6], [sflag:s22] =	dma.local [hbm:s4], s20  }
0x9e: {  	_ =	swait.ge [sflag:s22], s20  }
0x9f: {  	s3 =	ssub.s32 $0x0, s20;
	[sflag:s22] =	ssyncset.done $0x0  }
0xa0: {  	[sflag:s22] =	ssyncadd.s32 s3;
	_ =	sdelay $0x1  }
0xa1: {  	s23 =	simm.s32 $0x1B8B  }
0xa2: {  	_ =	swait.ge [sflag:s23], $0x1  }
0xa3: {  	[sflag:s23] =	ssyncset.done $0x0  }
0xa4: {  	s25 =	simm.s32 $0x1B8E;
	s24 =	sld [smem:$0x3FFE];
	[sflag:s23] =	ssyncadd.s32 $0xFFFFFFFF  }
0xa5: {  	s26 =	simm.s32 $execute0_lowered;
	[smem:$0x3FD2] =	sst s25  }
0xa6: {  	s4 =	sshll.u32 s26, $0x1;
	_ =	strace $0x80000046;
	[dreg:$0x1] =	wrdreg $0xFFFFFFFF  }
0xa7: {  	s28 =	simm.s32 $_size_execute0_lowered;
	s2 =	sadd.s32 s2, s4;
	[dreg:$0x0] =	wrdreg $0x0  }
0xa8: {  	s4 =	sshll.u32 s28, $0x1;
	[dreg:$0x2] =	wrdreg s2  }
0xa9: {  	[dreg:$0x3] =	wrdreg s4  }
0xaa: {  	[dreg:$0x4] =	wrdreg $0xC0  }
0xab: {  	_ =	task [dreg:s6], $0x5FFFF  }
0xac: {  	[dreg:$0x1] =	wrdreg $0xFFFFFFFF  }
0xad: {  	[dreg:$0x0] =	wrdreg $0x60  }
0xae: {  	[dreg:$0x2] =	wrdreg s24  }
0xaf: {  	[dreg:$0x3] =	wrdreg $0x9  }
0xb0: {  	_ =	task.clear_ibuf [dreg:s6], $0x4FFFF;
	_ =	strace $0x90000046  }
0xb1: {  	s29 =	simm.s32 $0x9;
	_ =	strace $0x80000048  }
0xb2: {  	_ =	swait.ge [sflag:s29], $0x1  }
0xb3: {  	[sflag:s29] =	ssyncadd.s32 $0xFFFFFFFF  }
0xb4: {  	_ =	strace $0x90000048  }
0xb5: {  	_ =	sfence  }
0xb6: {  	s30 =	sld [smem:$0x0];
	_ =	sdelay $0x2  }
0xb7: {  	s31 =	sshll.u32 s1, $0xD;
	s1 =	sshrl.u32 s1, $0x2  }
0xb8: {  	s3 =	sand.u32 $0x4000, s31;
	s1 =	sadd.s32 s1, s30  }
0xb9: {  	s0 =	sor.u32 s3, s0;
	s1 =	sshll.u32 s1, $0x11  }
0xba: {  	s0 =	sor.u32 s1, s0  }
0xbb: {  	s0 =	sadd.s32 $0x8F2B, s0  }
0xbc: {  	[sflag:s0] =	ssyncadd.remote.s32 $0x1  }
0xbd: {  	_ =	sfence.sel $0xFFFF  }
0xbe: {  	[dreg:$0x0] =	wrdreg $0xFFFFFFFF;
	(pc) =	sbr.abs _section_cstart, $3  }
0xbf: {  	[dreg:$0x1] =	wrdreg $0xFFFFFFFF  }
0xc0: {  	_ =	task.clear_ibuf [dreg:s6], $0x2FFFF;
	_ =	strace $0x9FFFFFFF  }
0xc1: {  	(tm) =	ssettm $0x7FFFFFFF  }
tec
execute0_lowered:
.L_overlay_start_1:
0x0: {  	(tag) =	ssettag $0x1  }
0x1: {  	s4 =	rddreg [dreg:$0x0]  }
0x2: {  	s0 =	rddreg [dreg:$0x1];
	s2 =	simm.s32 $0x0;
	s1 =	stileid.u32  }
0x3: {  	s5 =	srdreg.scid;
	[smem:$0x7FF] =	sst s2;
	s3 =	sadd.s32 $0x44800, s4  }
0x4: {  	s6 =	sshll.u32 s1, $0x7;
	s7 =	sand.u32 $0x1, s5;
	s28 =	sshll.u32 s1, $0xE  }
0x5: {  	s31 =	sshll.u32 s1, $0x1;
	_ =	strace $0x80000047;
	s26 =	sadd.s32 s6, s4  }
0x6: {  	s8 =	ssub.s32 $0x2, s7;
	s6 =	sadd.s32 s28, s4;
	s9 =	sshll.u32 s7, $0x6  }
0x7: {  	s30 =	sshll.u32 s7, $0xD;
	s7 =	sor.u32 s7, s31;
	s29 =	sshrl.u32 s8, $0x1  }
0x8: {  	s5 =	sadd.s32 s9, s26;
	s6 =	sadd.s32 s30, s6;
	s4 =	ssub.s32 s8, s29  }
0x9: {  	s5 =	sadd.s32 $0x3AA00, s5;
	s6 =	sadd.s32 $0xBA400, s6;
	s4 =	smax.u32 s4, $0x1  }
.LBB2_1:
0xa: {  	s8 =	sadd.s32 $0x0, s7  }
0xb: {  	p0 =	sgt.u32 s8, $0x270  }
0xc: {  	s8 =	simm.s32 @!p0 $0x0;
	s9 =	simm.s32 @!p0 $0x3  }
0xd: {  	[tilespmem:s8], [sflag:$0x3] =	stream.linear.gather @!p0 [hbm4b:s5+s8], $0x200, $0x38;
	[tilespmem:$0x10200] =	vst v63  }
0xe: {  	_ =	swait.ge @!p0 [sflag:s9], $0x200  }
0xf: {  	[sflag:s9] =	ssyncset.done @!p0 $0x0;
	p0 =	por p0, p0  }
0x10: {  	[sflag:s9] =	ssyncadd.s32 @!p0 $0xFFFFFE00;
	s9 =	simm.s32 @!p0 $0x80;
	s10 =	simm.s32 @!p0 $0x200  }
0x11: {  	[tilespmem:s10], [sflag:$0x1] =	stream.indirect.gather @!p0 [hbm4b:s3+s9], $0x80, s8, s9, $0xb8;
	[tilespmem:$0x10200] =	vst v63  }
0x12: {  	s11 =	simm.s32 @!p0 $0x4200  }
0x13: {  	[tilespmem:s11], [sflag:$0x1] =	stream.indirect.gather @!p0 [hbm4b:s3+s9], $0x80, s9, s9, $0xb8;
	[tilespmem:$0x10200] =	vst v63  }
0x14: {  	s12 =	simm.s32 @!p0 $0x8200;
	s11 =	simm.s32 @!p0 $0x100  }
0x15: {  	[tilespmem:s12], [sflag:$0x1] =	stream.indirect.gather @!p0 [hbm4b:s3+s9], $0x80, s11, s9, $0xb8;
	[tilespmem:$0x10200] =	vst v63  }
0x16: {  	s13 =	simm.s32 @!p0 $0x1;
	s11 =	simm.s32 @!p0 $0x180;
	s12 =	simm.s32 @!p0 $0xC200  }
0x17: {  	[tilespmem:s12], [sflag:$0x1] =	stream.indirect.gather @!p0 [hbm4b:s3+s9], $0x80, s11, s9, $0xb8;
	[tilespmem:$0x10200] =	vst v63  }
0x18: {  	_ =	swait.ge @!p0 [sflag:s13], $0x4000  }
0x19: {  	[sflag:s13] =	ssyncset.done @!p0 $0x0  }
0x1a: {  	[sflag:s13] =	ssyncadd.s32 @!p0 $0xFFFFC000  }
0x1b: {  	_ =	swait.ge @!p0 [sflag:s13], $0x4000  }
0x1c: {  	[sflag:s13] =	ssyncset.done @!p0 $0x0  }
0x1d: {  	[sflag:s13] =	ssyncadd.s32 @!p0 $0xFFFFC000  }
0x1e: {  	_ =	swait.ge @!p0 [sflag:s13], $0x4000  }
0x1f: {  	[sflag:s13] =	ssyncset.done @!p0 $0x0  }
0x20: {  	[sflag:s13] =	ssyncadd.s32 @!p0 $0xFFFFC000  }
0x21: {  	_ =	swait.ge @!p0 [sflag:s13], $0x4000  }
0x22: {  	[sflag:s13] =	ssyncset.done @!p0 $0x0  }
0x23: {  	s31 =	sadd.s32 $0x20, s7;
	s11 =	simm.s32 @!p0 $0x2;
	[sflag:s13] =	ssyncadd.s32 @!p0 $0xFFFFC000  }
0x24: {  	[hbm4b:s6+s8] =	stream.linear.scatter @!p0 [tilespmem:s10], [sflag:$0x2], $0x10000, $0x38;
	[tilespmem:$0x10200] =	vst v63  }
0x25: {  	p2 =	sgt.u32 s31, $0x270;
	s9 =	simm.s32 $0x40;
	_ =	swait.ge @!p0 [sflag:s11], $0x10000  }
0x26: {  	s8 =	sadd.s32 $0x40000, s6;
	s10 =	sadd.s32 $0x800, s5;
	[sflag:s11] =	ssyncset.done @!p0 $0x0  }
.LBB2_2:
0x27: {  	s12 =	simm.s32 @!p2 $0x0;
	s13 =	simm.s32 @!p2 $0x3;
	[sflag:s11] =	ssyncadd.s32 @!p0 $0xFFFF0000  }
0x28: {  	[tilespmem:s12], [sflag:$0x3] =	stream.linear.gather @!p2 [hbm4b:s10+s12], $0x200, $0x38;
	[tilespmem:$0x10200] =	vst v63  }
0x29: {  	s14 =	smov.u32 s9;
	s9 =	sadd.s32 $0x20, s9;
	_ =	swait.ge @!p2 [sflag:s13], $0x200  }
0x2a: {  	p0 =	por p2, p2;
	p1 =	sne.s32 s9, $0x280;
	[sflag:s13] =	ssyncset.done @!p2 $0x0  }
0x2b: {  	s11 =	simm.s32 @!p0 $0x80;
	[sflag:s13] =	ssyncadd.s32 @!p0 $0xFFFFFE00;
	s13 =	simm.s32 @!p0 $0x200  }
0x2c: {  	[tilespmem:s13], [sflag:$0x1] =	stream.indirect.gather @!p0 [hbm4b:s3+s11], $0x80, s12, s11, $0xb8;
	[tilespmem:$0x10200] =	vst v63  }
0x2d: {  	s15 =	simm.s32 @!p0 $0x4200  }
0x2e: {  	[tilespmem:s15], [sflag:$0x1] =	stream.indirect.gather @!p0 [hbm4b:s3+s11], $0x80, s11, s11, $0xb8;
	[tilespmem:$0x10200] =	vst v63  }
0x2f: {  	s16 =	simm.s32 @!p0 $0x8200;
	s15 =	simm.s32 @!p0 $0x100  }
0x30: {  	[tilespmem:s16], [sflag:$0x1] =	stream.indirect.gather @!p0 [hbm4b:s3+s11], $0x80, s15, s11, $0xb8;
	[tilespmem:$0x10200] =	vst v63  }
0x31: {  	s17 =	simm.s32 @!p0 $0x1;
	s15 =	simm.s32 @!p0 $0x180;
	s16 =	simm.s32 @!p0 $0xC200  }
0x32: {  	[tilespmem:s16], [sflag:$0x1] =	stream.indirect.gather @!p0 [hbm4b:s3+s11], $0x80, s15, s11, $0xb8;
	[tilespmem:$0x10200] =	vst v63  }
0x33: {  	_ =	swait.ge @!p0 [sflag:s17], $0x4000  }
0x34: {  	[sflag:s17] =	ssyncset.done @!p0 $0x0  }
0x35: {  	[sflag:s17] =	ssyncadd.s32 @!p0 $0xFFFFC000  }
0x36: {  	_ =	swait.ge @!p0 [sflag:s17], $0x4000  }
0x37: {  	[sflag:s17] =	ssyncset.done @!p0 $0x0  }
0x38: {  	[sflag:s17] =	ssyncadd.s32 @!p0 $0xFFFFC000  }
0x39: {  	_ =	swait.ge @!p0 [sflag:s17], $0x4000  }
0x3a: {  	[sflag:s17] =	ssyncset.done @!p0 $0x0  }
0x3b: {  	[sflag:s17] =	ssyncadd.s32 @!p0 $0xFFFFC000  }
0x3c: {  	_ =	swait.ge @!p0 [sflag:s17], $0x4000  }
.Ltmp0:
0x3d: {  	[sflag:s17] =	ssyncset.done @!p0 $0x0;
	(pc) =	sbr.rel @p1 .LBB2_2-.Ltmp0, $4  }
0x3e: {  	s11 =	simm.s32 @!p0 $0x2;
	[sflag:s17] =	ssyncadd.s32 @!p0 $0xFFFFC000  }
0x3f: {  	[hbm4b:s8+s12] =	stream.linear.scatter @!p0 [tilespmem:s13], [sflag:$0x2], $0x10000, $0x38;
	[tilespmem:$0x10200] =	vst v63  }
0x40: {  	s12 =	sadd.s32 s14, s7;
	s8 =	sadd.s32 $0x40000, s8;
	_ =	swait.ge @!p0 [sflag:s11], $0x10000  }
0x41: {  	s10 =	sadd.s32 $0x800, s10;
	p2 =	sgt.u32 s12, $0x270;
	[sflag:s11] =	ssyncset.done @!p0 $0x0  }
0x42: {  	s9 =	simm.s32 @!p2 $0x0;
	s12 =	simm.s32 @!p2 $0x3;
	[sflag:s11] =	ssyncadd.s32 @!p0 $0xFFFF0000  }
0x43: {  	[tilespmem:s9], [sflag:$0x3] =	stream.linear.gather @!p2 [hbm4b:s10+s9], $0x200, $0x38;
	[tilespmem:$0x10200] =	vst v63  }
0x44: {  	_ =	swait.ge @!p2 [sflag:s12], $0x200  }
0x45: {  	p0 =	por p2, p2;
	[sflag:s12] =	ssyncset.done @!p2 $0x0  }
0x46: {  	s10 =	simm.s32 @!p0 $0x80;
	s11 =	simm.s32 @!p0 $0x200;
	[sflag:s12] =	ssyncadd.s32 @!p0 $0xFFFFFE00  }
0x47: {  	[tilespmem:s11], [sflag:$0x1] =	stream.indirect.gather @!p0 [hbm4b:s3+s10], $0x80, s9, s10, $0xb8;
	[tilespmem:$0x10200] =	vst v63  }
0x48: {  	s12 =	simm.s32 @!p0 $0x4200  }
0x49: {  	[tilespmem:s12], [sflag:$0x1] =	stream.indirect.gather @!p0 [hbm4b:s3+s10], $0x80, s10, s10, $0xb8;
	[tilespmem:$0x10200] =	vst v63  }
0x4a: {  	s13 =	simm.s32 @!p0 $0x8200;
	s12 =	simm.s32 @!p0 $0x100  }
0x4b: {  	[tilespmem:s13], [sflag:$0x1] =	stream.indirect.gather @!p0 [hbm4b:s3+s10], $0x80, s12, s10, $0xb8;
	[tilespmem:$0x10200] =	vst v63  }
0x4c: {  	s14 =	simm.s32 @!p0 $0x1;
	s12 =	simm.s32 @!p0 $0x180;
	s13 =	simm.s32 @!p0 $0xC200  }
0x4d: {  	[tilespmem:s13], [sflag:$0x1] =	stream.indirect.gather @!p0 [hbm4b:s3+s10], $0x80, s12, s10, $0xb8;
	[tilespmem:$0x10200] =	vst v63  }
0x4e: {  	_ =	swait.ge @!p0 [sflag:s14], $0x4000  }
0x4f: {  	[sflag:s14] =	ssyncset.done @!p0 $0x0  }
0x50: {  	[sflag:s14] =	ssyncadd.s32 @!p0 $0xFFFFC000  }
0x51: {  	_ =	swait.ge @!p0 [sflag:s14], $0x4000  }
0x52: {  	[sflag:s14] =	ssyncset.done @!p0 $0x0  }
0x53: {  	[sflag:s14] =	ssyncadd.s32 @!p0 $0xFFFFC000  }
0x54: {  	_ =	swait.ge @!p0 [sflag:s14], $0x4000  }
0x55: {  	[sflag:s14] =	ssyncset.done @!p0 $0x0  }
0x56: {  	[sflag:s14] =	ssyncadd.s32 @!p0 $0xFFFFC000  }
0x57: {  	s2 =	sadd.s32 $0x1, s2;
	_ =	swait.ge @!p0 [sflag:s14], $0x4000  }
0x58: {  	p1 =	sne.s32 s2, s4;
	[sflag:s14] =	ssyncset.done @!p0 $0x0  }
.Ltmp1:
0x59: {  	s10 =	simm.s32 @!p0 $0x2;
	[sflag:s14] =	ssyncadd.s32 @!p0 $0xFFFFC000;
	(pc) =	sbr.rel @p1 .LBB2_1-.Ltmp1, $4  }
0x5a: {  	[hbm4b:s8+s9] =	stream.linear.scatter @!p0 [tilespmem:s11], [sflag:$0x2], $0x10000, $0x38;
	[tilespmem:$0x10200] =	vst v63  }
0x5b: {  	_ =	swait.ge @!p0 [sflag:s10], $0x10000  }
0x5c: {  	[sflag:s10] =	ssyncset.done @!p0 $0x0  }
0x5d: {  	[sflag:s10] =	ssyncadd.s32 @!p0 $0xFFFF0000  }
0x5e: {  	_ =	sfence.sel $0x180000  }
0x5f: {  	[bflag:$0x0] =	sbarrier.arrive $0xFFFF  }
0x60: {  	p0 =	sne.s32 s1, $0x0;
	_ =	strace $0x90000047  }
0x61: {  	s0 =	sadd.s32 @!p0 $0x100000, s0;
	[bflag:$0x2] =	sbarrier.arrive $0xFFFF  }
0x62: {  	[sflag:s0] =	ssyncadd.tile.s32 @!p0 $0x1;
	_ =	shalt  }
.Lfunc_end2:
_tile_overlayer_lowered:
.L_overlay_start_2:
0x63: {  	(tag) =	ssettag $0x2  }
0x64: {  	s0 =	rddreg [dreg:$0x0];
	s2 =	stileid.u32  }
0x65: {  	s1 =	rddreg [dreg:$0x1];
	p0 =	sne.s32 s2, $0x0  }
0x66: {  	s3 =	rddreg [dreg:$0x2];
	[bflag:$0x3] =	sbarrier.arrive $0xFFFF;
	s2 =	simm.s32 @!p0 $0x1C02  }
0x67: {  	[timem:s3], [sflag:s2] =	dma.local @!p0 [hbm:s0], s1  }
0x68: {  	s0 =	simm.s32 @!p0 $0x2  }
0x69: {  	_ =	swait.ge @!p0 [sflag:s0], s1  }
0x6a: {  	s1 =	ssub.s32 @!p0 $0x0, s1;
	[sflag:s0] =	ssyncset.done @!p0 $0x0  }
0x6b: {  	[sflag:s0] =	ssyncadd.s32 @!p0 s1  }
0x6c: {  	[bflag:$0x3] =	sbarrier.arrive $0xFFFF  }
0x6d: {  	_ =	shalt  }

// kernel: kernel.20.cloned.1.call-start
scs
__scs_entry_jumppad:
0x0: {  	(pc) =	sbr.rel $0x88, $3  }
0x1: {  	(tag) =	ssettag $0x0;
	lr =	simm.s32 $0x1  }
0x2: {  	[smem:$0x3F73] =	sst lr;
	_ =	strace $0xD0000000  }
0x3: {  	_ = 	snop  }
0x4: {  	_ = 	snop  }
0x5: {  	_ = 	snop  }
0x6: {  	_ = 	snop  }
0x7: {  	_ = 	snop  }
__scs_overlays_trampoline_lowered:
0x8: {  	[smem:$0x3F82] =	sst s0  }
0x9: {  	[smem:$0x3F83] =	sst s1  }
0xa: {  	[smem:$0x3F84] =	sst s2  }
0xb: {  	[smem:$0x3F85] =	sst s3  }
0xc: {  	[smem:$0x3F86] =	sst s4  }
0xd: {  	[smem:$0x3F87] =	sst s5  }
0xe: {  	[smem:$0x3F88] =	sst s6  }
0xf: {  	[smem:$0x3F89] =	sst s7  }
0x10: {  	[smem:$0x3F8A] =	sst s8  }
0x11: {  	[smem:$0x3F8B] =	sst s9;
	s0 =	simm.s32 @!p0 $0x0  }
0x12: {  	s1 =	sld [smem:$0x3F71];
	s0 =	simm.s32 @p0 $0x1  }
0x13: {  	[smem:$0x3F8C] =	sst s0;
	s0 =	simm.s32 @!p1 $0x0  }
0x14: {  	s2 =	sld [smem:$0x3F70];
	s0 =	simm.s32 @p1 $0x1  }
0x15: {  	[smem:$0x3F8D] =	sst s0;
	s0 =	simm.s32 @!p2 $0x0  }
0x16: {  	s3 =	sld [smem:$0x3FDB];
	s0 =	simm.s32 @p2 $0x1  }
0x17: {  	s4 =	simm.s32 $0x1BF5;
	[smem:$0x3F8F] =	sst s0  }
0x18: {  	s0 =	sld [smem:$0x3F72];
	_ =	swait.ge [sflag:s4], $0x0  }
0x19: {  	s7 =	sld [smem:$0x3F73]  }
0x1a: {  	s8 =	sadd.s32 $0xFFFFE003, lr  }
0x1b: {  	s9 =	sadd.s32 $0xFFFFFEF7, lr;
	s5 =	simm.s32 $0xFFFFFFFF;
	p2 =	slt.u32 s8, $0xFFFFF086  }
0x1c: {  	p1 =	slt.u32 s9, $0xF7A;
	s5 =	simm.s32 @!p2 $0x0  }
0x1d: {  	s5 =	simm.s32 @p1 $0x1;
	p0 =	seq.s32 s7, s2  }
0x1e: {  	s7 =	smul.u32 @!p0 $0xF7A, s2;
	p2 =	seq.s32 @!p0 s5, $0x0  }
0x1f: {  	s9 =	smul.u32 $0xF7A, s1;
	s8 =	simm.s32 @!p0 $0x1BF5;
	p2 =	por !p2, p0  }
0x20: {  	[sflag:s8] =	ssyncset.s32 @!p0 $0xFFFFF086;
	s6 =	sadd.s32 @!p0 s3, s7;
	s7 =	simm.s32 @!p0 $0x108  }
0x21: {  	s3 =	sadd.s32 s3, s9;
	s6 =	sadd.s32 @!p0 $0x88, s6;
	s7 =	simm.s32 @p2 $0x1082  }
0x22: {  	[simem:s7], [sflag:s8] =	dma.local @!p0 [hbm:s6], $0xF7A  }
0x23: {  	s9 =	sor.u32 $0xD0000000, s2;
	s6 =	simm.s32 $0x108;
	_ =	swait.ge @!p0 [sflag:s8], $0x0  }
0x24: {  	s3 =	sadd.s32 $0x88, s3;
	s6 =	simm.s32 @!p1 $0x1082;
	[sflag:s4] =	ssyncset.s32 $0xFFFFF086  }
0x25: {  	[simem:s6], [sflag:s4] =	dma.local [hbm:s3], $0xF7A  }
0x26: {  	[smem:$0x3F73] =	sst s1;
	(tag) =	ssettag s2;
	_ =	strace s9  }
0x27: {  	s1 =	sld [smem:$0x3F83]  }
0x28: {  	s2 =	sld [smem:$0x3F84]  }
0x29: {  	s4 =	sld [smem:$0x3F86]  }
0x2a: {  	p0 =	seq.s32 s5, $0x0;
	s5 =	sld [smem:$0x3F87]  }
0x2b: {  	s6 =	sld [smem:$0x3F88]  }
0x2c: {  	s7 =	sld [smem:$0x3F89]  }
0x2d: {  	s3 =	simm.s32 $0x108;
	s8 =	sld [smem:$0x3F8A]  }
0x2e: {  	s3 =	simm.s32 @!p0 $0x1082;
	s9 =	sld [smem:$0x3F8B]  }
0x2f: {  	lr =	sadd.s32 s0, s3;
	s0 =	sld [smem:$0x3F82]  }
0x30: {  	s3 =	sld [smem:$0x3F85]  }
0x31: {  	[smem:$0x3F8E] =	sst s10  }
0x32: {  	s10 =	sld [smem:$0x3F8C];
	_ =	sdelay $0x3  }
0x33: {  	p0 =	seq.s32 s10, $0x1;
	s10 =	sld [smem:$0x3F8E];
	_ =	sdelay $0x3  }
0x34: {  	[smem:$0x3F8E] =	sst s10  }
0x35: {  	s10 =	sld [smem:$0x3F8D];
	_ =	sdelay $0x3  }
0x36: {  	p1 =	seq.s32 s10, $0x1;
	s10 =	sld [smem:$0x3F8E];
	_ =	sdelay $0x3  }
0x37: {  	[smem:$0x3F8E] =	sst s10  }
0x38: {  	s10 =	sld [smem:$0x3F8F]  }
0x39: {  	_ = 	snop;
	(pc) =	sbr.ind lr, $3  }
0x3a: {  	_ = 	snop  }
0x3b: {  	_ = 	snop  }
0x3c: {  	p2 =	seq.s32 s10, $0x1;
	s10 =	sld [smem:$0x3F8E]  }
0x3d: {  	_ =	shalt  }
0x3e: {  	_ =	shalt  }
0x3f: {  	_ =	shalt  }
0x40: {  	_ =	shalt  }
0x41: {  	_ =	shalt  }
0x42: {  	_ =	shalt  }
0x43: {  	_ =	shalt  }
0x44: {  	_ =	shalt  }
0x45: {  	_ =	shalt  }
0x46: {  	_ =	shalt  }
0x47: {  	_ =	shalt  }
0x48: {  	_ =	shalt  }
0x49: {  	_ =	shalt  }
0x4a: {  	_ =	shalt  }
0x4b: {  	_ =	shalt  }
0x4c: {  	_ =	shalt  }
0x4d: {  	_ =	shalt  }
0x4e: {  	_ =	shalt  }
0x4f: {  	_ =	shalt  }
0x50: {  	_ =	shalt  }
0x51: {  	_ =	shalt  }
0x52: {  	_ =	shalt  }
0x53: {  	_ =	shalt  }
0x54: {  	_ =	shalt  }
0x55: {  	_ =	shalt  }
0x56: {  	_ =	shalt  }
0x57: {  	_ =	shalt  }
0x58: {  	_ =	shalt  }
0x59: {  	_ =	shalt  }
0x5a: {  	_ =	shalt  }
0x5b: {  	_ =	shalt  }
0x5c: {  	_ =	shalt  }
0x5d: {  	_ =	shalt  }
0x5e: {  	_ =	shalt  }
0x5f: {  	_ =	shalt  }
0x60: {  	_ =	shalt  }
0x61: {  	_ =	shalt  }
0x62: {  	_ =	shalt  }
0x63: {  	_ =	shalt  }
0x64: {  	_ =	shalt  }
0x65: {  	_ =	shalt  }
0x66: {  	_ =	shalt  }
0x67: {  	_ =	shalt  }
0x68: {  	_ =	shalt  }
0x69: {  	_ =	shalt  }
0x6a: {  	_ =	shalt  }
0x6b: {  	_ =	shalt  }
0x6c: {  	_ =	shalt  }
0x6d: {  	_ =	shalt  }
0x6e: {  	_ =	shalt  }
0x6f: {  	_ =	shalt  }
0x70: {  	_ =	shalt  }
0x71: {  	_ =	shalt  }
0x72: {  	_ =	shalt  }
0x73: {  	_ =	shalt  }
0x74: {  	_ =	shalt  }
0x75: {  	_ =	shalt  }
0x76: {  	_ =	shalt  }
0x77: {  	_ =	shalt  }
0x78: {  	_ =	shalt  }
0x79: {  	_ =	shalt  }
0x7a: {  	_ =	shalt  }
0x7b: {  	_ =	shalt  }
0x7c: {  	_ =	shalt  }
0x7d: {  	_ =	shalt  }
0x7e: {  	_ =	shalt  }
0x7f: {  	_ =	shalt  }
0x80: {  	_ =	shalt  }
0x81: {  	_ =	shalt  }
0x82: {  	_ =	shalt  }
0x83: {  	_ =	shalt  }
0x84: {  	_ =	shalt  }
0x85: {  	_ =	shalt  }
0x86: {  	_ =	shalt  }
0x87: {  	_ =	shalt  }
.Lfunc_end0:
.L_simem_size_0:
called_computation.1_lowered:
.L_overlay_start_0:
0x88: {  	s2 =	sld [smem:$0x3FD9]  }
0x89: {  	s3 =	sld [smem:$0x3FFE];
	_ =	sdelay $0x1  }
0x8a: {  	s1 =	srdreg.scid  }
0x8b: {  	s0 =	sand.u32 $0x1, s1  }
0x8c: {  	s16 =	sshll.u32 s0, $0xA;
	s2 =	sadd.s32 s3, s2  }
0x8d: {  	s2 =	sadd.s32 s2, s16  }
0x8e: {  	[smem:$0x3F9A] =	sst s2  }
0x8f: {  	_ = 	snop  }
0x90: {  	(tm) =	ssettm $0x1  }
0x91: {  	s17 =	sld [smem:$0x3FFB];
	_ =	sdelay $0x3  }
0x92: {  	_ =	strace s17  }
0x93: {  	s2 =	sld [smem:$0x3FFC];
	_ =	sdelay $0x3  }
0x94: {  	_ =	strace s2  }
0x95: {  	s2 =	sld [smem:$0x3FFD];
	_ =	sdelay $0x3  }
0x96: {  	_ =	strace s2  }
0x97: {  	_ =	strace $0x8FFFFFFF  }
0x98: {  	s18 =	sld [smem:$0x3FDB];
	_ =	sdelay $0x1  }
0x99: {  	s19 =	simm.s32 $_scs_section_size  }
0x9a: {  	s4 =	simm.s32 $_size__tile_overlayer_lowered;
	s5 =	simm.s32 $_tile_overlayer_lowered  }
0x9b: {  	s22 =	simm.s32 $0x1BFF;
	s21 =	sshll.u32 s5, $0x1;
	s2 =	sadd.s32 s19, s18  }
0x9c: {  	s6 =	simm.s32 $0x0;
	s20 =	sshll.u32 s4, $0x1;
	s4 =	sadd.s32 s21, s2  }
0x9d: {  	[timem:s6], [sflag:s22] =	dma.local [hbm:s4], s20  }
0x9e: {  	_ =	swait.ge [sflag:s22], s20  }
0x9f: {  	s3 =	ssub.s32 $0x0, s20;
	[sflag:s22] =	ssyncset.done $0x0  }
0xa0: {  	[sflag:s22] =	ssyncadd.s32 s3;
	_ =	sdelay $0x1  }
0xa1: {  	s23 =	simm.s32 $0x1B8B  }
0xa2: {  	_ =	swait.ge [sflag:s23], $0x1  }
0xa3: {  	[sflag:s23] =	ssyncset.done $0x0  }
0xa4: {  	s25 =	simm.s32 $0x1B8E;
	s24 =	sld [smem:$0x3FFE];
	[sflag:s23] =	ssyncadd.s32 $0xFFFFFFFF  }
0xa5: {  	s26 =	simm.s32 $execute0_lowered;
	[smem:$0x3FD2] =	sst s25  }
0xa6: {  	s4 =	sshll.u32 s26, $0x1;
	_ =	strace $0x80000049;
	[dreg:$0x1] =	wrdreg $0xFFFFFFFF  }
0xa7: {  	s28 =	simm.s32 $_size_execute0_lowered;
	s2 =	sadd.s32 s2, s4;
	[dreg:$0x0] =	wrdreg $0x0  }
0xa8: {  	s4 =	sshll.u32 s28, $0x1;
	[dreg:$0x2] =	wrdreg s2  }
0xa9: {  	[dreg:$0x3] =	wrdreg s4  }
0xaa: {  	[dreg:$0x4] =	wrdreg $0xC0  }
0xab: {  	_ =	task [dreg:s6], $0x5FFFF  }
0xac: {  	[dreg:$0x1] =	wrdreg $0xFFFFFFFF  }
0xad: {  	[dreg:$0x0] =	wrdreg $0x60  }
0xae: {  	[dreg:$0x2] =	wrdreg s24  }
0xaf: {  	[dreg:$0x3] =	wrdreg $0x9  }
0xb0: {  	_ =	task.clear_ibuf [dreg:s6], $0x4FFFF;
	_ =	strace $0x90000049  }
0xb1: {  	s29 =	simm.s32 $0x9;
	_ =	strace $0x8000004B  }
0xb2: {  	_ =	swait.ge [sflag:s29], $0x1  }
0xb3: {  	[sflag:s29] =	ssyncadd.s32 $0xFFFFFFFF  }
0xb4: {  	_ =	strace $0x9000004B  }
0xb5: {  	_ =	sfence  }
0xb6: {  	s30 =	sld [smem:$0x0];
	_ =	sdelay $0x2  }
0xb7: {  	s31 =	sshll.u32 s1, $0xD;
	s1 =	sshrl.u32 s1, $0x2  }
0xb8: {  	s3 =	sand.u32 $0x4000, s31;
	s1 =	sadd.s32 s1, s30  }
0xb9: {  	s0 =	sor.u32 s3, s0;
	s1 =	sshll.u32 s1, $0x11  }
0xba: {  	s0 =	sor.u32 s1, s0  }
0xbb: {  	s0 =	sadd.s32 $0x8F2B, s0  }
0xbc: {  	[sflag:s0] =	ssyncadd.remote.s32 $0x1  }
0xbd: {  	_ =	sfence.sel $0xFFFF  }
0xbe: {  	[dreg:$0x0] =	wrdreg $0xFFFFFFFF;
	(pc) =	sbr.abs _section_cstart, $3  }
0xbf: {  	[dreg:$0x1] =	wrdreg $0xFFFFFFFF  }
0xc0: {  	_ =	task.clear_ibuf [dreg:s6], $0x2FFFF;
	_ =	strace $0x9FFFFFFF  }
0xc1: {  	(tm) =	ssettm $0x7FFFFFFF  }
tec
execute0_lowered:
.L_overlay_start_1:
0x0: {  	(tag) =	ssettag $0x1  }
0x1: {  	s4 =	rddreg [dreg:$0x0]  }
0x2: {  	s0 =	rddreg [dreg:$0x1];
	s2 =	simm.s32 $0x0;
	s1 =	stileid.u32  }
0x3: {  	s5 =	srdreg.scid;
	[smem:$0x7FF] =	sst s2;
	s3 =	sadd.s32 $0x32B400, s4  }
0x4: {  	s6 =	sshll.u32 s1, $0x7;
	s7 =	sand.u32 $0x1, s5;
	s28 =	sshll.u32 s1, $0xE  }
0x5: {  	s31 =	sshll.u32 s1, $0x1;
	_ =	strace $0x8000004A;
	s26 =	sadd.s32 s6, s4  }
0x6: {  	s8 =	ssub.s32 $0x2, s7;
	s6 =	sadd.s32 s28, s4;
	s9 =	sshll.u32 s7, $0x6  }
0x7: {  	s30 =	sshll.u32 s7, $0xD;
	s7 =	sor.u32 s7, s31;
	s29 =	sshrl.u32 s8, $0x1  }
0x8: {  	s5 =	sadd.s32 s9, s26;
	s6 =	sadd.s32 s30, s6;
	s4 =	ssub.s32 s8, s29  }
0x9: {  	s5 =	sadd.s32 $0x27400, s5;
	s6 =	sadd.s32 $0xF60400, s6;
	s4 =	smax.u32 s4, $0x1  }
.LBB2_1:
0xa: {  	s8 =	sadd.s32 $0x0, s7  }
0xb: {  	p0 =	sgt.u32 s8, $0x270  }
0xc: {  	s8 =	simm.s32 @!p0 $0x0;
	s9 =	simm.s32 @!p0 $0x3  }
0xd: {  	[tilespmem:s8], [sflag:$0x3] =	stream.linear.gather @!p0 [hbm4b:s5+s8], $0x200, $0x38;
	[tilespmem:$0x10200] =	vst v63  }
0xe: {  	_ =	swait.ge @!p0 [sflag:s9], $0x200  }
0xf: {  	[sflag:s9] =	ssyncset.done @!p0 $0x0;
	p0 =	por p0, p0  }
0x10: {  	[sflag:s9] =	ssyncadd.s32 @!p0 $0xFFFFFE00;
	s9 =	simm.s32 @!p0 $0x80;
	s10 =	simm.s32 @!p0 $0x200  }
0x11: {  	[tilespmem:s10], [sflag:$0x1] =	stream.indirect.gather @!p0 [hbm4b:s3+s9], $0x80, s8, s9, $0xb8;
	[tilespmem:$0x10200] =	vst v63  }
0x12: {  	s11 =	simm.s32 @!p0 $0x4200  }
0x13: {  	[tilespmem:s11], [sflag:$0x1] =	stream.indirect.gather @!p0 [hbm4b:s3+s9], $0x80, s9, s9, $0xb8;
	[tilespmem:$0x10200] =	vst v63  }
0x14: {  	s12 =	simm.s32 @!p0 $0x8200;
	s11 =	simm.s32 @!p0 $0x100  }
0x15: {  	[tilespmem:s12], [sflag:$0x1] =	stream.indirect.gather @!p0 [hbm4b:s3+s9], $0x80, s11, s9, $0xb8;
	[tilespmem:$0x10200] =	vst v63  }
0x16: {  	s13 =	simm.s32 @!p0 $0x1;
	s11 =	simm.s32 @!p0 $0x180;
	s12 =	simm.s32 @!p0 $0xC200  }
0x17: {  	[tilespmem:s12], [sflag:$0x1] =	stream.indirect.gather @!p0 [hbm4b:s3+s9], $0x80, s11, s9, $0xb8;
	[tilespmem:$0x10200] =	vst v63  }
0x18: {  	_ =	swait.ge @!p0 [sflag:s13], $0x4000  }
0x19: {  	[sflag:s13] =	ssyncset.done @!p0 $0x0  }
0x1a: {  	[sflag:s13] =	ssyncadd.s32 @!p0 $0xFFFFC000  }
0x1b: {  	_ =	swait.ge @!p0 [sflag:s13], $0x4000  }
0x1c: {  	[sflag:s13] =	ssyncset.done @!p0 $0x0  }
0x1d: {  	[sflag:s13] =	ssyncadd.s32 @!p0 $0xFFFFC000  }
0x1e: {  	_ =	swait.ge @!p0 [sflag:s13], $0x4000  }
0x1f: {  	[sflag:s13] =	ssyncset.done @!p0 $0x0  }
0x20: {  	[sflag:s13] =	ssyncadd.s32 @!p0 $0xFFFFC000  }
0x21: {  	_ =	swait.ge @!p0 [sflag:s13], $0x4000  }
0x22: {  	[sflag:s13] =	ssyncset.done @!p0 $0x0  }
0x23: {  	s31 =	sadd.s32 $0x20, s7;
	s11 =	simm.s32 @!p0 $0x2;
	[sflag:s13] =	ssyncadd.s32 @!p0 $0xFFFFC000  }
0x24: {  	[hbm4b:s6+s8] =	stream.linear.scatter @!p0 [tilespmem:s10], [sflag:$0x2], $0x10000, $0x38;
	[tilespmem:$0x10200] =	vst v63  }
0x25: {  	p2 =	sgt.u32 s31, $0x270;
	s9 =	simm.s32 $0x40;
	_ =	swait.ge @!p0 [sflag:s11], $0x10000  }
0x26: {  	s8 =	sadd.s32 $0x40000, s6;
	s10 =	sadd.s32 $0x800, s5;
	[sflag:s11] =	ssyncset.done @!p0 $0x0  }
.LBB2_2:
0x27: {  	s12 =	simm.s32 @!p2 $0x0;
	s13 =	simm.s32 @!p2 $0x3;
	[sflag:s11] =	ssyncadd.s32 @!p0 $0xFFFF0000  }
0x28: {  	[tilespmem:s12], [sflag:$0x3] =	stream.linear.gather @!p2 [hbm4b:s10+s12], $0x200, $0x38;
	[tilespmem:$0x10200] =	vst v63  }
0x29: {  	s14 =	smov.u32 s9;
	s9 =	sadd.s32 $0x20, s9;
	_ =	swait.ge @!p2 [sflag:s13], $0x200  }
0x2a: {  	p0 =	por p2, p2;
	p1 =	sne.s32 s9, $0x280;
	[sflag:s13] =	ssyncset.done @!p2 $0x0  }
0x2b: {  	s11 =	simm.s32 @!p0 $0x80;
	[sflag:s13] =	ssyncadd.s32 @!p0 $0xFFFFFE00;
	s13 =	simm.s32 @!p0 $0x200  }
0x2c: {  	[tilespmem:s13], [sflag:$0x1] =	stream.indirect.gather @!p0 [hbm4b:s3+s11], $0x80, s12, s11, $0xb8;
	[tilespmem:$0x10200] =	vst v63  }
0x2d: {  	s15 =	simm.s32 @!p0 $0x4200  }
0x2e: {  	[tilespmem:s15], [sflag:$0x1] =	stream.indirect.gather @!p0 [hbm4b:s3+s11], $0x80, s11, s11, $0xb8;
	[tilespmem:$0x10200] =	vst v63  }
0x2f: {  	s16 =	simm.s32 @!p0 $0x8200;
	s15 =	simm.s32 @!p0 $0x100  }
0x30: {  	[tilespmem:s16], [sflag:$0x1] =	stream.indirect.gather @!p0 [hbm4b:s3+s11], $0x80, s15, s11, $0xb8;
	[tilespmem:$0x10200] =	vst v63  }
0x31: {  	s17 =	simm.s32 @!p0 $0x1;
	s15 =	simm.s32 @!p0 $0x180;
	s16 =	simm.s32 @!p0 $0xC200  }
0x32: {  	[tilespmem:s16], [sflag:$0x1] =	stream.indirect.gather @!p0 [hbm4b:s3+s11], $0x80, s15, s11, $0xb8;
	[tilespmem:$0x10200] =	vst v63  }
0x33: {  	_ =	swait.ge @!p0 [sflag:s17], $0x4000  }
0x34: {  	[sflag:s17] =	ssyncset.done @!p0 $0x0  }
0x35: {  	[sflag:s17] =	ssyncadd.s32 @!p0 $0xFFFFC000  }
0x36: {  	_ =	swait.ge @!p0 [sflag:s17], $0x4000  }
0x37: {  	[sflag:s17] =	ssyncset.done @!p0 $0x0  }
0x38: {  	[sflag:s17] =	ssyncadd.s32 @!p0 $0xFFFFC000  }
0x39: {  	_ =	swait.ge @!p0 [sflag:s17], $0x4000  }
0x3a: {  	[sflag:s17] =	ssyncset.done @!p0 $0x0  }
0x3b: {  	[sflag:s17] =	ssyncadd.s32 @!p0 $0xFFFFC000  }
0x3c: {  	_ =	swait.ge @!p0 [sflag:s17], $0x4000  }
.Ltmp0:
0x3d: {  	[sflag:s17] =	ssyncset.done @!p0 $0x0;
	(pc) =	sbr.rel @p1 .LBB2_2-.Ltmp0, $4  }
0x3e: {  	s11 =	simm.s32 @!p0 $0x2;
	[sflag:s17] =	ssyncadd.s32 @!p0 $0xFFFFC000  }
0x3f: {  	[hbm4b:s8+s12] =	stream.linear.scatter @!p0 [tilespmem:s13], [sflag:$0x2], $0x10000, $0x38;
	[tilespmem:$0x10200] =	vst v63  }
0x40: {  	s12 =	sadd.s32 s14, s7;
	s8 =	sadd.s32 $0x40000, s8;
	_ =	swait.ge @!p0 [sflag:s11], $0x10000  }
0x41: {  	s10 =	sadd.s32 $0x800, s10;
	p2 =	sgt.u32 s12, $0x270;
	[sflag:s11] =	ssyncset.done @!p0 $0x0  }
0x42: {  	s9 =	simm.s32 @!p2 $0x0;
	s12 =	simm.s32 @!p2 $0x3;
	[sflag:s11] =	ssyncadd.s32 @!p0 $0xFFFF0000  }
0x43: {  	[tilespmem:s9], [sflag:$0x3] =	stream.linear.gather @!p2 [hbm4b:s10+s9], $0x200, $0x38;
	[tilespmem:$0x10200] =	vst v63  }
0x44: {  	_ =	swait.ge @!p2 [sflag:s12], $0x200  }
0x45: {  	p0 =	por p2, p2;
	[sflag:s12] =	ssyncset.done @!p2 $0x0  }
0x46: {  	s10 =	simm.s32 @!p0 $0x80;
	s11 =	simm.s32 @!p0 $0x200;
	[sflag:s12] =	ssyncadd.s32 @!p0 $0xFFFFFE00  }
0x47: {  	[tilespmem:s11], [sflag:$0x1] =	stream.indirect.gather @!p0 [hbm4b:s3+s10], $0x80, s9, s10, $0xb8;
	[tilespmem:$0x10200] =	vst v63  }
0x48: {  	s12 =	simm.s32 @!p0 $0x4200  }
0x49: {  	[tilespmem:s12], [sflag:$0x1] =	stream.indirect.gather @!p0 [hbm4b:s3+s10], $0x80, s10, s10, $0xb8;
	[tilespmem:$0x10200] =	vst v63  }
0x4a: {  	s13 =	simm.s32 @!p0 $0x8200;
	s12 =	simm.s32 @!p0 $0x100  }
0x4b: {  	[tilespmem:s13], [sflag:$0x1] =	stream.indirect.gather @!p0 [hbm4b:s3+s10], $0x80, s12, s10, $0xb8;
	[tilespmem:$0x10200] =	vst v63  }
0x4c: {  	s14 =	simm.s32 @!p0 $0x1;
	s12 =	simm.s32 @!p0 $0x180;
	s13 =	simm.s32 @!p0 $0xC200  }
0x4d: {  	[tilespmem:s13], [sflag:$0x1] =	stream.indirect.gather @!p0 [hbm4b:s3+s10], $0x80, s12, s10, $0xb8;
	[tilespmem:$0x10200] =	vst v63  }
0x4e: {  	_ =	swait.ge @!p0 [sflag:s14], $0x4000  }
0x4f: {  	[sflag:s14] =	ssyncset.done @!p0 $0x0  }
0x50: {  	[sflag:s14] =	ssyncadd.s32 @!p0 $0xFFFFC000  }
0x51: {  	_ =	swait.ge @!p0 [sflag:s14], $0x4000  }
0x52: {  	[sflag:s14] =	ssyncset.done @!p0 $0x0  }
0x53: {  	[sflag:s14] =	ssyncadd.s32 @!p0 $0xFFFFC000  }
0x54: {  	_ =	swait.ge @!p0 [sflag:s14], $0x4000  }
0x55: {  	[sflag:s14] =	ssyncset.done @!p0 $0x0  }
0x56: {  	[sflag:s14] =	ssyncadd.s32 @!p0 $0xFFFFC000  }
0x57: {  	s2 =	sadd.s32 $0x1, s2;
	_ =	swait.ge @!p0 [sflag:s14], $0x4000  }
0x58: {  	p1 =	sne.s32 s2, s4;
	[sflag:s14] =	ssyncset.done @!p0 $0x0  }
.Ltmp1:
0x59: {  	s10 =	simm.s32 @!p0 $0x2;
	[sflag:s14] =	ssyncadd.s32 @!p0 $0xFFFFC000;
	(pc) =	sbr.rel @p1 .LBB2_1-.Ltmp1, $4  }
0x5a: {  	[hbm4b:s8+s9] =	stream.linear.scatter @!p0 [tilespmem:s11], [sflag:$0x2], $0x10000, $0x38;
	[tilespmem:$0x10200] =	vst v63  }
0x5b: {  	_ =	swait.ge @!p0 [sflag:s10], $0x10000  }
0x5c: {  	[sflag:s10] =	ssyncset.done @!p0 $0x0  }
0x5d: {  	[sflag:s10] =	ssyncadd.s32 @!p0 $0xFFFF0000  }
0x5e: {  	_ =	sfence.sel $0x180000  }
0x5f: {  	[bflag:$0x0] =	sbarrier.arrive $0xFFFF  }
0x60: {  	p0 =	sne.s32 s1, $0x0;
	_ =	strace $0x9000004A  }
0x61: {  	s0 =	sadd.s32 @!p0 $0x100000, s0;
	[bflag:$0x2] =	sbarrier.arrive $0xFFFF  }
0x62: {  	[sflag:s0] =	ssyncadd.tile.s32 @!p0 $0x1;
	_ =	shalt  }
.Lfunc_end2:
_tile_overlayer_lowered:
.L_overlay_start_2:
0x63: {  	(tag) =	ssettag $0x2  }
0x64: {  	s0 =	rddreg [dreg:$0x0];
	s2 =	stileid.u32  }
0x65: {  	s1 =	rddreg [dreg:$0x1];
	p0 =	sne.s32 s2, $0x0  }
0x66: {  	s3 =	rddreg [dreg:$0x2];
	[bflag:$0x3] =	sbarrier.arrive $0xFFFF;
	s2 =	simm.s32 @!p0 $0x1C02  }
0x67: {  	[timem:s3], [sflag:s2] =	dma.local @!p0 [hbm:s0], s1  }
0x68: {  	s0 =	simm.s32 @!p0 $0x2  }
0x69: {  	_ =	swait.ge @!p0 [sflag:s0], s1  }
0x6a: {  	s1 =	ssub.s32 @!p0 $0x0, s1;
	[sflag:s0] =	ssyncset.done @!p0 $0x0  }
0x6b: {  	[sflag:s0] =	ssyncadd.s32 @!p0 s1  }
0x6c: {  	[bflag:$0x3] =	sbarrier.arrive $0xFFFF  }
0x6d: {  	_ =	shalt  }

// kernel: kernel.23.cloned.1.call-start
scs
__scs_entry_jumppad:
0x0: {  	(pc) =	sbr.rel $0x88, $3  }
0x1: {  	(tag) =	ssettag $0x0;
	lr =	simm.s32 $0x1  }
0x2: {  	[smem:$0x3F73] =	sst lr;
	_ =	strace $0xD0000000  }
0x3: {  	_ = 	snop  }
0x4: {  	_ = 	snop  }
0x5: {  	_ = 	snop  }
0x6: {  	_ = 	snop  }
0x7: {  	_ = 	snop  }
__scs_overlays_trampoline_lowered:
0x8: {  	[smem:$0x3F82] =	sst s0  }
0x9: {  	[smem:$0x3F83] =	sst s1  }
0xa: {  	[smem:$0x3F84] =	sst s2  }
0xb: {  	[smem:$0x3F85] =	sst s3  }
0xc: {  	[smem:$0x3F86] =	sst s4  }
0xd: {  	[smem:$0x3F87] =	sst s5  }
0xe: {  	[smem:$0x3F88] =	sst s6  }
0xf: {  	[smem:$0x3F89] =	sst s7  }
0x10: {  	[smem:$0x3F8A] =	sst s8  }
0x11: {  	[smem:$0x3F8B] =	sst s9;
	s0 =	simm.s32 @!p0 $0x0  }
0x12: {  	s1 =	sld [smem:$0x3F71];
	s0 =	simm.s32 @p0 $0x1  }
0x13: {  	[smem:$0x3F8C] =	sst s0;
	s0 =	simm.s32 @!p1 $0x0  }
0x14: {  	s2 =	sld [smem:$0x3F70];
	s0 =	simm.s32 @p1 $0x1  }
0x15: {  	[smem:$0x3F8D] =	sst s0;
	s0 =	simm.s32 @!p2 $0x0  }
0x16: {  	s3 =	sld [smem:$0x3FDB];
	s0 =	simm.s32 @p2 $0x1  }
0x17: {  	s4 =	simm.s32 $0x1BF5;
	[smem:$0x3F8F] =	sst s0  }
0x18: {  	s0 =	sld [smem:$0x3F72];
	_ =	swait.ge [sflag:s4], $0x0  }
0x19: {  	s7 =	sld [smem:$0x3F73]  }
0x1a: {  	s8 =	sadd.s32 $0xFFFFE003, lr  }
0x1b: {  	s9 =	sadd.s32 $0xFFFFFEF7, lr;
	s5 =	simm.s32 $0xFFFFFFFF;
	p2 =	slt.u32 s8, $0xFFFFF086  }
0x1c: {  	p1 =	slt.u32 s9, $0xF7A;
	s5 =	simm.s32 @!p2 $0x0  }
0x1d: {  	s5 =	simm.s32 @p1 $0x1;
	p0 =	seq.s32 s7, s2  }
0x1e: {  	s7 =	smul.u32 @!p0 $0xF7A, s2;
	p2 =	seq.s32 @!p0 s5, $0x0  }
0x1f: {  	s9 =	smul.u32 $0xF7A, s1;
	s8 =	simm.s32 @!p0 $0x1BF5;
	p2 =	por !p2, p0  }
0x20: {  	[sflag:s8] =	ssyncset.s32 @!p0 $0xFFFFF086;
	s6 =	sadd.s32 @!p0 s3, s7;
	s7 =	simm.s32 @!p0 $0x108  }
0x21: {  	s3 =	sadd.s32 s3, s9;
	s6 =	sadd.s32 @!p0 $0x88, s6;
	s7 =	simm.s32 @p2 $0x1082  }
0x22: {  	[simem:s7], [sflag:s8] =	dma.local @!p0 [hbm:s6], $0xF7A  }
0x23: {  	s9 =	sor.u32 $0xD0000000, s2;
	s6 =	simm.s32 $0x108;
	_ =	swait.ge @!p0 [sflag:s8], $0x0  }
0x24: {  	s3 =	sadd.s32 $0x88, s3;
	s6 =	simm.s32 @!p1 $0x1082;
	[sflag:s4] =	ssyncset.s32 $0xFFFFF086  }
0x25: {  	[simem:s6], [sflag:s4] =	dma.local [hbm:s3], $0xF7A  }
0x26: {  	[smem:$0x3F73] =	sst s1;
	(tag) =	ssettag s2;
	_ =	strace s9  }
0x27: {  	s1 =	sld [smem:$0x3F83]  }
0x28: {  	s2 =	sld [smem:$0x3F84]  }
0x29: {  	s4 =	sld [smem:$0x3F86]  }
0x2a: {  	p0 =	seq.s32 s5, $0x0;
	s5 =	sld [smem:$0x3F87]  }
0x2b: {  	s6 =	sld [smem:$0x3F88]  }
0x2c: {  	s7 =	sld [smem:$0x3F89]  }
0x2d: {  	s3 =	simm.s32 $0x108;
	s8 =	sld [smem:$0x3F8A]  }
0x2e: {  	s3 =	simm.s32 @!p0 $0x1082;
	s9 =	sld [smem:$0x3F8B]  }
0x2f: {  	lr =	sadd.s32 s0, s3;
	s0 =	sld [smem:$0x3F82]  }
0x30: {  	s3 =	sld [smem:$0x3F85]  }
0x31: {  	[smem:$0x3F8E] =	sst s10  }
0x32: {  	s10 =	sld [smem:$0x3F8C];
	_ =	sdelay $0x3  }
0x33: {  	p0 =	seq.s32 s10, $0x1;
	s10 =	sld [smem:$0x3F8E];
	_ =	sdelay $0x3  }
0x34: {  	[smem:$0x3F8E] =	sst s10  }
0x35: {  	s10 =	sld [smem:$0x3F8D];
	_ =	sdelay $0x3  }
0x36: {  	p1 =	seq.s32 s10, $0x1;
	s10 =	sld [smem:$0x3F8E];
	_ =	sdelay $0x3  }
0x37: {  	[smem:$0x3F8E] =	sst s10  }
0x38: {  	s10 =	sld [smem:$0x3F8F]  }
0x39: {  	_ = 	snop;
	(pc) =	sbr.ind lr, $3  }
0x3a: {  	_ = 	snop  }
0x3b: {  	_ = 	snop  }
0x3c: {  	p2 =	seq.s32 s10, $0x1;
	s10 =	sld [smem:$0x3F8E]  }
0x3d: {  	_ =	shalt  }
0x3e: {  	_ =	shalt  }
0x3f: {  	_ =	shalt  }
0x40: {  	_ =	shalt  }
0x41: {  	_ =	shalt  }
0x42: {  	_ =	shalt  }
0x43: {  	_ =	shalt  }
0x44: {  	_ =	shalt  }
0x45: {  	_ =	shalt  }
0x46: {  	_ =	shalt  }
0x47: {  	_ =	shalt  }
0x48: {  	_ =	shalt  }
0x49: {  	_ =	shalt  }
0x4a: {  	_ =	shalt  }
0x4b: {  	_ =	shalt  }
0x4c: {  	_ =	shalt  }
0x4d: {  	_ =	shalt  }
0x4e: {  	_ =	shalt  }
0x4f: {  	_ =	shalt  }
0x50: {  	_ =	shalt  }
0x51: {  	_ =	shalt  }
0x52: {  	_ =	shalt  }
0x53: {  	_ =	shalt  }
0x54: {  	_ =	shalt  }
0x55: {  	_ =	shalt  }
0x56: {  	_ =	shalt  }
0x57: {  	_ =	shalt  }
0x58: {  	_ =	shalt  }
0x59: {  	_ =	shalt  }
0x5a: {  	_ =	shalt  }
0x5b: {  	_ =	shalt  }
0x5c: {  	_ =	shalt  }
0x5d: {  	_ =	shalt  }
0x5e: {  	_ =	shalt  }
0x5f: {  	_ =	shalt  }
0x60: {  	_ =	shalt  }
0x61: {  	_ =	shalt  }
0x62: {  	_ =	shalt  }
0x63: {  	_ =	shalt  }
0x64: {  	_ =	shalt  }
0x65: {  	_ =	shalt  }
0x66: {  	_ =	shalt  }
0x67: {  	_ =	shalt  }
0x68: {  	_ =	shalt  }
0x69: {  	_ =	shalt  }
0x6a: {  	_ =	shalt  }
0x6b: {  	_ =	shalt  }
0x6c: {  	_ =	shalt  }
0x6d: {  	_ =	shalt  }
0x6e: {  	_ =	shalt  }
0x6f: {  	_ =	shalt  }
0x70: {  	_ =	shalt  }
0x71: {  	_ =	shalt  }
0x72: {  	_ =	shalt  }
0x73: {  	_ =	shalt  }
0x74: {  	_ =	shalt  }
0x75: {  	_ =	shalt  }
0x76: {  	_ =	shalt  }
0x77: {  	_ =	shalt  }
0x78: {  	_ =	shalt  }
0x79: {  	_ =	shalt  }
0x7a: {  	_ =	shalt  }
0x7b: {  	_ =	shalt  }
0x7c: {  	_ =	shalt  }
0x7d: {  	_ =	shalt  }
0x7e: {  	_ =	shalt  }
0x7f: {  	_ =	shalt  }
0x80: {  	_ =	shalt  }
0x81: {  	_ =	shalt  }
0x82: {  	_ =	shalt  }
0x83: {  	_ =	shalt  }
0x84: {  	_ =	shalt  }
0x85: {  	_ =	shalt  }
0x86: {  	_ =	shalt  }
0x87: {  	_ =	shalt  }
.Lfunc_end0:
.L_simem_size_0:
called_computation.2_lowered:
.L_overlay_start_0:
0x88: {  	s2 =	sld [smem:$0x3FD9]  }
0x89: {  	s3 =	sld [smem:$0x3FFE];
	_ =	sdelay $0x1  }
0x8a: {  	s1 =	srdreg.scid  }
0x8b: {  	s0 =	sand.u32 $0x1, s1  }
0x8c: {  	s17 =	sshll.u32 s0, $0xA;
	s2 =	sadd.s32 s3, s2  }
0x8d: {  	s2 =	sadd.s32 s2, s17  }
0x8e: {  	[smem:$0x3F9A] =	sst s2  }
0x8f: {  	_ = 	snop  }
0x90: {  	(tm) =	ssettm $0x1  }
0x91: {  	s18 =	sld [smem:$0x3FFB];
	_ =	sdelay $0x3  }
0x92: {  	_ =	strace s18  }
0x93: {  	s2 =	sld [smem:$0x3FFC];
	_ =	sdelay $0x3  }
0x94: {  	_ =	strace s2  }
0x95: {  	s2 =	sld [smem:$0x3FFD];
	_ =	sdelay $0x3  }
0x96: {  	_ =	strace s2  }
0x97: {  	_ =	strace $0x8FFFFFFF  }
0x98: {  	s19 =	sld [smem:$0x3FDB];
	_ =	sdelay $0x1  }
0x99: {  	s20 =	simm.s32 $_scs_section_size  }
0x9a: {  	s4 =	simm.s32 $_size__tile_overlayer_lowered;
	s5 =	simm.s32 $_tile_overlayer_lowered  }
0x9b: {  	s6 =	simm.s32 $0x1BFF;
	s21 =	sshll.u32 s5, $0x1;
	s3 =	sadd.s32 s20, s19  }
0x9c: {  	s22 =	simm.s32 $0x0;
	s4 =	sshll.u32 s4, $0x1;
	s5 =	sadd.s32 s21, s3  }
0x9d: {  	[timem:s22], [sflag:s6] =	dma.local [hbm:s5], s4  }
0x9e: {  	_ =	swait.ge [sflag:s6], s4  }
0x9f: {  	s4 =	ssub.s32 $0x0, s4;
	[sflag:s6] =	ssyncset.done $0x0  }
0xa0: {  	[sflag:s6] =	ssyncadd.s32 s4;
	_ =	sdelay $0x1  }
0xa1: {  	s23 =	simm.s32 $0x1B8B  }
0xa2: {  	_ =	swait.ge [sflag:s23], $0x1  }
0xa3: {  	[sflag:s23] =	ssyncset.done $0x0  }
0xa4: {  	[sflag:s23] =	ssyncadd.s32 $0xFFFFFFFF  }
0xa5: {  	s4 =	sld [smem:$0x0]  }
0xa6: {  	s5 =	sand.u32 $0xFFFFFFFE, s1  }
0xa7: {  	p0 =	sne.s32 s1, s5  }
0xa8: {  	s5 =	sshll.u32 @p0 s5, $0xE  }
0xa9: {  	s5 =	sadd.s32 @p0 $0x11B8D, s5;
	s6 =	sshll.u32 @p0 s4, $0x11  }
0xaa: {  	s5 =	sor.u32 @p0 s6, s5  }
0xab: {  	[sflag:s5] =	ssyncadd.remote.s32 @p0 $0x1;
	_ =	sdelay $0x1  }
0xac: {  	s5 =	simm.s32 @p0 $0x1B8D  }
0xad: {  	_ =	swait.eq @p0 [sflag:s5], $0x1  }
0xae: {  	[sflag:s5] =	ssyncadd.s32 @p0 $0xFFFFFFFF  }
0xaf: {  	s6 =	sshll.u32 @!p0 s1, $0xE  }
0xb0: {  	s6 =	sor.u32 @!p0 $0x4000, s6;
	s5 =	simm.s32 @!p0 $0x1B8D  }
0xb1: {  	s4 =	sshll.u32 @!p0 s4, $0x11;
	s6 =	sadd.s32 @!p0 $0x11B8D, s6;
	_ =	swait.eq @!p0 [sflag:s5], $0x1  }
0xb2: {  	s4 =	sor.u32 @!p0 s4, s6;
	[sflag:s5] =	ssyncadd.s32 @!p0 $0xFFFFFFFF  }
0xb3: {  	s25 =	simm.s32 $0x1B8E;
	s24 =	sld [smem:$0x3FFE];
	[sflag:s4] =	ssyncadd.remote.s32 @!p0 $0x1  }
0xb4: {  	s26 =	simm.s32 $execute0_lowered;
	[smem:$0x3FD2] =	sst s25  }
0xb5: {  	s5 =	sshll.u32 s26, $0x1;
	_ =	strace $0x8000004F;
	[dreg:$0x1] =	wrdreg $0xFFFFFFFF  }
0xb6: {  	s28 =	simm.s32 $_size_execute0_lowered;
	s3 =	sadd.s32 s3, s5;
	[dreg:$0x0] =	wrdreg $0x0  }
0xb7: {  	s5 =	sshll.u32 s28, $0x1;
	[dreg:$0x2] =	wrdreg s3  }
0xb8: {  	[dreg:$0x3] =	wrdreg s5  }
0xb9: {  	[dreg:$0x4] =	wrdreg $0xC0  }
0xba: {  	_ =	task [dreg:s22], $0x5FFFF  }
0xbb: {  	[dreg:$0x1] =	wrdreg $0xFFFFFFFF  }
0xbc: {  	[dreg:$0x0] =	wrdreg $0x60  }
0xbd: {  	[dreg:$0x2] =	wrdreg s24  }
0xbe: {  	[dreg:$0x3] =	wrdreg $0x9  }
0xbf: {  	_ =	task.clear_ibuf [dreg:s22], $0x4FFFF;
	_ =	strace $0x9000004F  }
0xc0: {  	s29 =	simm.s32 $0x9;
	_ =	strace $0x80000051  }
0xc1: {  	_ =	swait.ge [sflag:s29], $0x1  }
0xc2: {  	[sflag:s29] =	ssyncadd.s32 $0xFFFFFFFF  }
0xc3: {  	_ =	strace $0x90000051  }
0xc4: {  	_ =	sfence  }
0xc5: {  	s30 =	sld [smem:$0x0];
	_ =	sdelay $0x2  }
0xc6: {  	s31 =	sshll.u32 s1, $0xD;
	s1 =	sshrl.u32 s1, $0x2  }
0xc7: {  	s4 =	sand.u32 $0x4000, s31;
	s1 =	sadd.s32 s1, s30  }
0xc8: {  	s0 =	sor.u32 s4, s0;
	s1 =	sshll.u32 s1, $0x11  }
0xc9: {  	s0 =	sor.u32 s1, s0  }
0xca: {  	s0 =	sadd.s32 $0x8F2B, s0  }
0xcb: {  	[sflag:s0] =	ssyncadd.remote.s32 $0x1  }
0xcc: {  	_ =	sfence.sel $0xFFFF  }
0xcd: {  	[dreg:$0x0] =	wrdreg $0xFFFFFFFF;
	(pc) =	sbr.abs _section_cstart, $3  }
0xce: {  	[dreg:$0x1] =	wrdreg $0xFFFFFFFF  }
0xcf: {  	_ =	task.clear_ibuf [dreg:s22], $0x2FFFF;
	_ =	strace $0x9FFFFFFF  }
0xd0: {  	(tm) =	ssettm $0x7FFFFFFF  }
0xd1: {  	_ =	shalt  }
tec
execute0_lowered:
.L_overlay_start_1:
0x0: {  	(tag) =	ssettag $0x1  }
0x1: {  	s1 =	srdreg.scid;
	s0 =	stileid.u32  }
0x2: {  	s14 =	sand.u32 $0x1, s1;
	s29 =	sshll.u32 s0, $0x1  }
0x3: {  	s15 =	rddreg [dreg:$0x0];
	s16 =	sor.u32 s14, s29  }
0x4: {  	s2 =	simm.s32 $0x0;
	s1 =	rddreg [dreg:$0x1];
	s3 =	sshll.u32 s16, $0x6  }
0x5: {  	[smem:$0x7FF] =	sst s2;
	s3 =	sadd.s32 s3, s15  }
0x6: {  	_ =	strace $0x80000050;
	s4 =	sadd.s32 $0x34C00, s3;
	s3 =	simm.s32 $0x2  }
0x7: {  	[tilespmem:s2], [sflag:$0x2] =	stream.linear.gather [hbm4b:s4+s2], $0x200, $0x38;
	[tilespmem:$0x10200] =	vst v63  }
0x8: {  	_ =	swait.ge [sflag:s3], $0x200  }
0x9: {  	s6 =	simm.s32 $0x80;
	[sflag:s3] =	ssyncset.done $0x0  }
0xa: {  	s7 =	simm.s32 $0x200;
	s5 =	sadd.s32 $0xF60400, s15;
	[sflag:s3] =	ssyncadd.s32 $0xFFFFFE00  }
0xb: {  	[tilespmem:s7], [sflag:$0x1] =	stream.indirect.gather [hbm4b:s5+s6], $0x80, s2, s6, $0xb8;
	[tilespmem:$0x10200] =	vst v63  }
0xc: {  	s8 =	simm.s32 $0x4200  }
0xd: {  	[tilespmem:s8], [sflag:$0x1] =	stream.indirect.gather [hbm4b:s5+s6], $0x80, s6, s6, $0xb8;
	[tilespmem:$0x10200] =	vst v63  }
0xe: {  	s9 =	simm.s32 $0x100;
	s10 =	simm.s32 $0x8200  }
0xf: {  	[tilespmem:s10], [sflag:$0x1] =	stream.indirect.gather [hbm4b:s5+s6], $0x80, s9, s6, $0xb8;
	[tilespmem:$0x10200] =	vst v63  }
0x10: {  	s11 =	simm.s32 $0x180;
	s12 =	simm.s32 $0xC200;
	s13 =	simm.s32 $0x1  }
0x11: {  	[tilespmem:s12], [sflag:$0x1] =	stream.indirect.gather [hbm4b:s5+s6], $0x80, s11, s6, $0xb8;
	[tilespmem:$0x10200] =	vst v63  }
0x12: {  	_ =	swait.ge [sflag:s13], $0x4000  }
0x13: {  	[sflag:s13] =	ssyncset.done $0x0  }
0x14: {  	[sflag:s13] =	ssyncadd.s32 $0xFFFFC000  }
0x15: {  	_ =	swait.ge [sflag:s13], $0x4000  }
0x16: {  	[sflag:s13] =	ssyncset.done $0x0  }
0x17: {  	s14 =	ssub.s32 $0x2, s14;
	[sflag:s13] =	ssyncadd.s32 $0xFFFFC000  }
0x18: {  	s17 =	sshrl.u32 s14, $0x1;
	_ =	swait.ge [sflag:s13], $0x4000  }
0x19: {  	s30 =	ssub.s32 s14, s17;
	[sflag:s13] =	ssyncset.done $0x0  }
0x1a: {  	s31 =	smax.u32 s30, $0x1;
	[sflag:s13] =	ssyncadd.s32 $0xFFFFC000  }
0x1b: {  	s16 =	sshll.u32 s16, $0xD;
	p0 =	sne.s32 s31, $0x1;
	_ =	swait.ge [sflag:s13], $0x4000  }
.Ltmp0:
0x1c: {  	s15 =	sadd.s32 s16, s15;
	[sflag:s13] =	ssyncset.done $0x0;
	(pc) =	sbr.rel @!p0 .LBB2_2-.Ltmp0, $4  }
0x1d: {  	s14 =	sadd.s32 $0x1211400, s15;
	[sflag:s13] =	ssyncadd.s32 $0xFFFFC000  }
0x1e: {  	[hbm4b:s14+s2] =	stream.linear.scatter [tilespmem:s7], [sflag:$0x2], $0x10000, $0x38;
	[tilespmem:$0x10200] =	vst v63  }
0x1f: {  	_ =	swait.ge [sflag:s3], $0x10000  }
0x20: {  	s15 =	sadd.s32 $0xFFFFFFFF, s31;
	[sflag:s3] =	ssyncset.done $0x0  }
.LBB2_1:
0x21: {  	p0 =	sne.s32 s15, $0x1;
	s15 =	sadd.s32 $0xFFFFFFFF, s15;
	[sflag:s3] =	ssyncadd.s32 $0xFFFF0000  }
0x22: {  	[tilespmem:s2], [sflag:$0x2] =	stream.linear.gather [hbm4b:s4+s2], $0x200, $0x38;
	[tilespmem:$0x10200] =	vst v63  }
0x23: {  	_ =	swait.ge [sflag:s3], $0x200  }
0x24: {  	[sflag:s3] =	ssyncset.done $0x0  }
0x25: {  	[sflag:s3] =	ssyncadd.s32 $0xFFFFFE00  }
0x26: {  	[tilespmem:s7], [sflag:$0x1] =	stream.indirect.gather [hbm4b:s5+s6], $0x80, s2, s6, $0xb8;
	[tilespmem:$0x10200] =	vst v63  }
0x27: {  	_ = 	snop  }
0x28: {  	[tilespmem:s8], [sflag:$0x1] =	stream.indirect.gather [hbm4b:s5+s6], $0x80, s6, s6, $0xb8;
	[tilespmem:$0x10200] =	vst v63  }
0x29: {  	_ = 	snop  }
0x2a: {  	[tilespmem:s10], [sflag:$0x1] =	stream.indirect.gather [hbm4b:s5+s6], $0x80, s9, s6, $0xb8;
	[tilespmem:$0x10200] =	vst v63  }
0x2b: {  	_ = 	snop  }
0x2c: {  	[tilespmem:s12], [sflag:$0x1] =	stream.indirect.gather [hbm4b:s5+s6], $0x80, s11, s6, $0xb8;
	[tilespmem:$0x10200] =	vst v63  }
0x2d: {  	_ =	swait.ge [sflag:s13], $0x4000  }
0x2e: {  	[sflag:s13] =	ssyncset.done $0x0  }
0x2f: {  	[sflag:s13] =	ssyncadd.s32 $0xFFFFC000  }
0x30: {  	_ =	swait.ge [sflag:s13], $0x4000  }
0x31: {  	[sflag:s13] =	ssyncset.done $0x0  }
0x32: {  	[sflag:s13] =	ssyncadd.s32 $0xFFFFC000  }
0x33: {  	_ =	swait.ge [sflag:s13], $0x4000  }
0x34: {  	[sflag:s13] =	ssyncset.done $0x0  }
0x35: {  	[sflag:s13] =	ssyncadd.s32 $0xFFFFC000  }
0x36: {  	_ =	swait.ge [sflag:s13], $0x4000  }
.Ltmp1:
0x37: {  	[sflag:s13] =	ssyncset.done $0x0;
	(pc) =	sbr.rel @p0 .LBB2_1-.Ltmp1, $4  }
0x38: {  	[sflag:s13] =	ssyncadd.s32 $0xFFFFC000  }
0x39: {  	[hbm4b:s14+s2] =	stream.linear.scatter [tilespmem:s7], [sflag:$0x2], $0x10000, $0x38;
	[tilespmem:$0x10200] =	vst v63  }
0x3a: {  	_ =	swait.ge [sflag:s3], $0x10000  }
0x3b: {  	[sflag:s3] =	ssyncset.done $0x0  }
.LBB2_2:
0x3c: {  	[sflag:s3] =	ssyncadd.s32 $0xFFFF0000  }
0x3d: {  	_ =	sfence.sel $0x180000  }
0x3e: {  	[bflag:$0x0] =	sbarrier.arrive $0xFFFF  }
0x3f: {  	p0 =	sne.s32 s0, $0x0;
	_ =	strace $0x90000050  }
0x40: {  	s0 =	sadd.s32 @!p0 $0x100000, s1;
	[bflag:$0x2] =	sbarrier.arrive $0xFFFF  }
0x41: {  	[sflag:s0] =	ssyncadd.tile.s32 @!p0 $0x1;
	_ =	shalt  }
.Lfunc_end2:
_tile_overlayer_lowered:
.L_overlay_start_2:
0x42: {  	(tag) =	ssettag $0x2  }
0x43: {  	s0 =	rddreg [dreg:$0x0];
	s2 =	stileid.u32  }
0x44: {  	s1 =	rddreg [dreg:$0x1];
	p0 =	sne.s32 s2, $0x0  }
0x45: {  	s3 =	rddreg [dreg:$0x2];
	[bflag:$0x3] =	sbarrier.arrive $0xFFFF;
	s2 =	simm.s32 @!p0 $0x1C02  }
0x46: {  	[timem:s3], [sflag:s2] =	dma.local @!p0 [hbm:s0], s1  }
0x47: {  	s0 =	simm.s32 @!p0 $0x2  }
0x48: {  	_ =	swait.ge @!p0 [sflag:s0], s1  }
0x49: {  	s1 =	ssub.s32 @!p0 $0x0, s1;
	[sflag:s0] =	ssyncset.done @!p0 $0x0  }
0x4a: {  	[sflag:s0] =	ssyncadd.s32 @!p0 s1  }
0x4b: {  	[bflag:$0x3] =	sbarrier.arrive $0xFFFF  }
0x4c: {  	_ =	shalt  }

// kernel: kernel.26.cloned.1.call-start
scs
__scs_entry_jumppad:
0x0: {  	(pc) =	sbr.rel $0x88, $3  }
0x1: {  	(tag) =	ssettag $0x0;
	lr =	simm.s32 $0x1  }
0x2: {  	[smem:$0x3F73] =	sst lr;
	_ =	strace $0xD0000000  }
0x3: {  	_ = 	snop  }
0x4: {  	_ = 	snop  }
0x5: {  	_ = 	snop  }
0x6: {  	_ = 	snop  }
0x7: {  	_ = 	snop  }
__scs_overlays_trampoline_lowered:
0x8: {  	[smem:$0x3F82] =	sst s0  }
0x9: {  	[smem:$0x3F83] =	sst s1  }
0xa: {  	[smem:$0x3F84] =	sst s2  }
0xb: {  	[smem:$0x3F85] =	sst s3  }
0xc: {  	[smem:$0x3F86] =	sst s4  }
0xd: {  	[smem:$0x3F87] =	sst s5  }
0xe: {  	[smem:$0x3F88] =	sst s6  }
0xf: {  	[smem:$0x3F89] =	sst s7  }
0x10: {  	[smem:$0x3F8A] =	sst s8  }
0x11: {  	[smem:$0x3F8B] =	sst s9;
	s0 =	simm.s32 @!p0 $0x0  }
0x12: {  	s1 =	sld [smem:$0x3F71];
	s0 =	simm.s32 @p0 $0x1  }
0x13: {  	[smem:$0x3F8C] =	sst s0;
	s0 =	simm.s32 @!p1 $0x0  }
0x14: {  	s2 =	sld [smem:$0x3F70];
	s0 =	simm.s32 @p1 $0x1  }
0x15: {  	[smem:$0x3F8D] =	sst s0;
	s0 =	simm.s32 @!p2 $0x0  }
0x16: {  	s3 =	sld [smem:$0x3FDB];
	s0 =	simm.s32 @p2 $0x1  }
0x17: {  	s4 =	simm.s32 $0x1BF5;
	[smem:$0x3F8F] =	sst s0  }
0x18: {  	s0 =	sld [smem:$0x3F72];
	_ =	swait.ge [sflag:s4], $0x0  }
0x19: {  	s7 =	sld [smem:$0x3F73]  }
0x1a: {  	s8 =	sadd.s32 $0xFFFFE003, lr  }
0x1b: {  	s9 =	sadd.s32 $0xFFFFFEF7, lr;
	s5 =	simm.s32 $0xFFFFFFFF;
	p2 =	slt.u32 s8, $0xFFFFF086  }
0x1c: {  	p1 =	slt.u32 s9, $0xF7A;
	s5 =	simm.s32 @!p2 $0x0  }
0x1d: {  	s5 =	simm.s32 @p1 $0x1;
	p0 =	seq.s32 s7, s2  }
0x1e: {  	s7 =	smul.u32 @!p0 $0xF7A, s2;
	p2 =	seq.s32 @!p0 s5, $0x0  }
0x1f: {  	s9 =	smul.u32 $0xF7A, s1;
	s8 =	simm.s32 @!p0 $0x1BF5;
	p2 =	por !p2, p0  }
0x20: {  	[sflag:s8] =	ssyncset.s32 @!p0 $0xFFFFF086;
	s6 =	sadd.s32 @!p0 s3, s7;
	s7 =	simm.s32 @!p0 $0x108  }
0x21: {  	s3 =	sadd.s32 s3, s9;
	s6 =	sadd.s32 @!p0 $0x88, s6;
	s7 =	simm.s32 @p2 $0x1082  }
0x22: {  	[simem:s7], [sflag:s8] =	dma.local @!p0 [hbm:s6], $0xF7A  }
0x23: {  	s9 =	sor.u32 $0xD0000000, s2;
	s6 =	simm.s32 $0x108;
	_ =	swait.ge @!p0 [sflag:s8], $0x0  }
0x24: {  	s3 =	sadd.s32 $0x88, s3;
	s6 =	simm.s32 @!p1 $0x1082;
	[sflag:s4] =	ssyncset.s32 $0xFFFFF086  }
0x25: {  	[simem:s6], [sflag:s4] =	dma.local [hbm:s3], $0xF7A  }
0x26: {  	[smem:$0x3F73] =	sst s1;
	(tag) =	ssettag s2;
	_ =	strace s9  }
0x27: {  	s1 =	sld [smem:$0x3F83]  }
0x28: {  	s2 =	sld [smem:$0x3F84]  }
0x29: {  	s4 =	sld [smem:$0x3F86]  }
0x2a: {  	p0 =	seq.s32 s5, $0x0;
	s5 =	sld [smem:$0x3F87]  }
0x2b: {  	s6 =	sld [smem:$0x3F88]  }
0x2c: {  	s7 =	sld [smem:$0x3F89]  }
0x2d: {  	s3 =	simm.s32 $0x108;
	s8 =	sld [smem:$0x3F8A]  }
0x2e: {  	s3 =	simm.s32 @!p0 $0x1082;
	s9 =	sld [smem:$0x3F8B]  }
0x2f: {  	lr =	sadd.s32 s0, s3;
	s0 =	sld [smem:$0x3F82]  }
0x30: {  	s3 =	sld [smem:$0x3F85]  }
0x31: {  	[smem:$0x3F8E] =	sst s10  }
0x32: {  	s10 =	sld [smem:$0x3F8C];
	_ =	sdelay $0x3  }
0x33: {  	p0 =	seq.s32 s10, $0x1;
	s10 =	sld [smem:$0x3F8E];
	_ =	sdelay $0x3  }
0x34: {  	[smem:$0x3F8E] =	sst s10  }
0x35: {  	s10 =	sld [smem:$0x3F8D];
	_ =	sdelay $0x3  }
0x36: {  	p1 =	seq.s32 s10, $0x1;
	s10 =	sld [smem:$0x3F8E];
	_ =	sdelay $0x3  }
0x37: {  	[smem:$0x3F8E] =	sst s10  }
0x38: {  	s10 =	sld [smem:$0x3F8F]  }
0x39: {  	_ = 	snop;
	(pc) =	sbr.ind lr, $3  }
0x3a: {  	_ = 	snop  }
0x3b: {  	_ = 	snop  }
0x3c: {  	p2 =	seq.s32 s10, $0x1;
	s10 =	sld [smem:$0x3F8E]  }
0x3d: {  	_ =	shalt  }
0x3e: {  	_ =	shalt  }
0x3f: {  	_ =	shalt  }
0x40: {  	_ =	shalt  }
0x41: {  	_ =	shalt  }
0x42: {  	_ =	shalt  }
0x43: {  	_ =	shalt  }
0x44: {  	_ =	shalt  }
0x45: {  	_ =	shalt  }
0x46: {  	_ =	shalt  }
0x47: {  	_ =	shalt  }
0x48: {  	_ =	shalt  }
0x49: {  	_ =	shalt  }
0x4a: {  	_ =	shalt  }
0x4b: {  	_ =	shalt  }
0x4c: {  	_ =	shalt  }
0x4d: {  	_ =	shalt  }
0x4e: {  	_ =	shalt  }
0x4f: {  	_ =	shalt  }
0x50: {  	_ =	shalt  }
0x51: {  	_ =	shalt  }
0x52: {  	_ =	shalt  }
0x53: {  	_ =	shalt  }
0x54: {  	_ =	shalt  }
0x55: {  	_ =	shalt  }
0x56: {  	_ =	shalt  }
0x57: {  	_ =	shalt  }
0x58: {  	_ =	shalt  }
0x59: {  	_ =	shalt  }
0x5a: {  	_ =	shalt  }
0x5b: {  	_ =	shalt  }
0x5c: {  	_ =	shalt  }
0x5d: {  	_ =	shalt  }
0x5e: {  	_ =	shalt  }
0x5f: {  	_ =	shalt  }
0x60: {  	_ =	shalt  }
0x61: {  	_ =	shalt  }
0x62: {  	_ =	shalt  }
0x63: {  	_ =	shalt  }
0x64: {  	_ =	shalt  }
0x65: {  	_ =	shalt  }
0x66: {  	_ =	shalt  }
0x67: {  	_ =	shalt  }
0x68: {  	_ =	shalt  }
0x69: {  	_ =	shalt  }
0x6a: {  	_ =	shalt  }
0x6b: {  	_ =	shalt  }
0x6c: {  	_ =	shalt  }
0x6d: {  	_ =	shalt  }
0x6e: {  	_ =	shalt  }
0x6f: {  	_ =	shalt  }
0x70: {  	_ =	shalt  }
0x71: {  	_ =	shalt  }
0x72: {  	_ =	shalt  }
0x73: {  	_ =	shalt  }
0x74: {  	_ =	shalt  }
0x75: {  	_ =	shalt  }
0x76: {  	_ =	shalt  }
0x77: {  	_ =	shalt  }
0x78: {  	_ =	shalt  }
0x79: {  	_ =	shalt  }
0x7a: {  	_ =	shalt  }
0x7b: {  	_ =	shalt  }
0x7c: {  	_ =	shalt  }
0x7d: {  	_ =	shalt  }
0x7e: {  	_ =	shalt  }
0x7f: {  	_ =	shalt  }
0x80: {  	_ =	shalt  }
0x81: {  	_ =	shalt  }
0x82: {  	_ =	shalt  }
0x83: {  	_ =	shalt  }
0x84: {  	_ =	shalt  }
0x85: {  	_ =	shalt  }
0x86: {  	_ =	shalt  }
0x87: {  	_ =	shalt  }
.Lfunc_end0:
.L_simem_size_0:
called_computation.3_lowered:
.L_overlay_start_0:
0x88: {  	s2 =	sld [smem:$0x3FD9]  }
0x89: {  	s3 =	sld [smem:$0x3FFE];
	_ =	sdelay $0x1  }
0x8a: {  	s1 =	srdreg.scid  }
0x8b: {  	s0 =	sand.u32 $0x1, s1  }
0x8c: {  	s16 =	sshll.u32 s0, $0xA;
	s2 =	sadd.s32 s3, s2  }
0x8d: {  	s2 =	sadd.s32 s2, s16  }
0x8e: {  	[smem:$0x3F9A] =	sst s2  }
0x8f: {  	_ = 	snop  }
0x90: {  	(tm) =	ssettm $0x1  }
0x91: {  	s17 =	sld [smem:$0x3FFB];
	_ =	sdelay $0x3  }
0x92: {  	_ =	strace s17  }
0x93: {  	s2 =	sld [smem:$0x3FFC];
	_ =	sdelay $0x3  }
0x94: {  	_ =	strace s2  }
0x95: {  	s2 =	sld [smem:$0x3FFD];
	_ =	sdelay $0x3  }
0x96: {  	_ =	strace s2  }
0x97: {  	_ =	strace $0x8FFFFFFF  }
0x98: {  	s18 =	sld [smem:$0x3FDB];
	_ =	sdelay $0x1  }
0x99: {  	s19 =	simm.s32 $_scs_section_size  }
0x9a: {  	s4 =	simm.s32 $_size__tile_overlayer_lowered;
	s5 =	simm.s32 $_tile_overlayer_lowered  }
0x9b: {  	s22 =	simm.s32 $0x1BFF;
	s21 =	sshll.u32 s5, $0x1;
	s2 =	sadd.s32 s19, s18  }
0x9c: {  	s6 =	simm.s32 $0x0;
	s20 =	sshll.u32 s4, $0x1;
	s4 =	sadd.s32 s21, s2  }
0x9d: {  	[timem:s6], [sflag:s22] =	dma.local [hbm:s4], s20  }
0x9e: {  	_ =	swait.ge [sflag:s22], s20  }
0x9f: {  	s3 =	ssub.s32 $0x0, s20;
	[sflag:s22] =	ssyncset.done $0x0  }
0xa0: {  	[sflag:s22] =	ssyncadd.s32 s3;
	_ =	sdelay $0x1  }
0xa1: {  	s23 =	simm.s32 $0x1B8B  }
0xa2: {  	_ =	swait.ge [sflag:s23], $0x1  }
0xa3: {  	[sflag:s23] =	ssyncset.done $0x0  }
0xa4: {  	s25 =	simm.s32 $0x1B8E;
	s24 =	sld [smem:$0x3FFE];
	[sflag:s23] =	ssyncadd.s32 $0xFFFFFFFF  }
0xa5: {  	s26 =	simm.s32 $execute0_lowered;
	[smem:$0x3FD2] =	sst s25  }
0xa6: {  	s4 =	sshll.u32 s26, $0x1;
	_ =	strace $0x8000004C;
	[dreg:$0x1] =	wrdreg $0xFFFFFFFF  }
0xa7: {  	s28 =	simm.s32 $_size_execute0_lowered;
	s2 =	sadd.s32 s2, s4;
	[dreg:$0x0] =	wrdreg $0x0  }
0xa8: {  	s4 =	sshll.u32 s28, $0x1;
	[dreg:$0x2] =	wrdreg s2  }
0xa9: {  	[dreg:$0x3] =	wrdreg s4  }
0xaa: {  	[dreg:$0x4] =	wrdreg $0xC0  }
0xab: {  	_ =	task [dreg:s6], $0x5FFFF  }
0xac: {  	[dreg:$0x1] =	wrdreg $0xFFFFFFFF  }
0xad: {  	[dreg:$0x0] =	wrdreg $0x60  }
0xae: {  	[dreg:$0x2] =	wrdreg s24  }
0xaf: {  	[dreg:$0x3] =	wrdreg $0xA  }
0xb0: {  	_ =	task.clear_ibuf [dreg:s6], $0x4FFFF;
	_ =	strace $0x9000004C  }
0xb1: {  	s29 =	simm.s32 $0xA;
	_ =	strace $0x8000004E  }
0xb2: {  	_ =	swait.ge [sflag:s29], $0x1  }
0xb3: {  	[sflag:s29] =	ssyncadd.s32 $0xFFFFFFFF  }
0xb4: {  	_ =	strace $0x9000004E  }
0xb5: {  	_ =	sfence  }
0xb6: {  	s30 =	sld [smem:$0x0];
	_ =	sdelay $0x2  }
0xb7: {  	s31 =	sshll.u32 s1, $0xD;
	s1 =	sshrl.u32 s1, $0x2  }
0xb8: {  	s3 =	sand.u32 $0x4000, s31;
	s1 =	sadd.s32 s1, s30  }
0xb9: {  	s0 =	sor.u32 s3, s0;
	s1 =	sshll.u32 s1, $0x11  }
0xba: {  	s0 =	sor.u32 s1, s0  }
0xbb: {  	s0 =	sadd.s32 $0x8F2B, s0  }
0xbc: {  	[sflag:s0] =	ssyncadd.remote.s32 $0x1  }
0xbd: {  	_ =	sfence.sel $0xFFFF  }
0xbe: {  	[dreg:$0x0] =	wrdreg $0xFFFFFFFF;
	(pc) =	sbr.abs _section_cstart, $3  }
0xbf: {  	[dreg:$0x1] =	wrdreg $0xFFFFFFFF  }
0xc0: {  	_ =	task.clear_ibuf [dreg:s6], $0x2FFFF;
	_ =	strace $0x9FFFFFFF  }
0xc1: {  	(tm) =	ssettm $0x7FFFFFFF  }
tec
execute0_lowered:
.L_overlay_start_1:
0x0: {  	(tag) =	ssettag $0x1  }
0x1: {  	s1 =	srdreg.scid;
	s0 =	stileid.u32  }
0x2: {  	s14 =	sand.u32 $0x1, s1;
	s29 =	sshll.u32 s0, $0x1  }
0x3: {  	s15 =	rddreg [dreg:$0x0];
	s16 =	sor.u32 s14, s29  }
0x4: {  	s2 =	simm.s32 $0x0;
	s1 =	rddreg [dreg:$0x1];
	s3 =	sshll.u32 s16, $0x6  }
0x5: {  	[smem:$0x7FF] =	sst s2;
	s3 =	sadd.s32 s3, s15  }
0x6: {  	_ =	strace $0x8000004D;
	s4 =	sadd.s32 $0x32A00, s3;
	s3 =	simm.s32 $0x2  }
0x7: {  	[tilespmem:s2], [sflag:$0x2] =	stream.linear.gather [hbm4b:s4+s2], $0x200, $0x38;
	[tilespmem:$0x10200] =	vst v63  }
0x8: {  	_ =	swait.ge [sflag:s3], $0x200  }
0x9: {  	s6 =	simm.s32 $0x80;
	[sflag:s3] =	ssyncset.done $0x0  }
0xa: {  	s7 =	simm.s32 $0x200;
	s5 =	sadd.s32 $0xF60400, s15;
	[sflag:s3] =	ssyncadd.s32 $0xFFFFFE00  }
0xb: {  	[tilespmem:s7], [sflag:$0x1] =	stream.indirect.gather [hbm4b:s5+s6], $0x80, s2, s6, $0xb8;
	[tilespmem:$0x10200] =	vst v63  }
0xc: {  	s8 =	simm.s32 $0x4200  }
0xd: {  	[tilespmem:s8], [sflag:$0x1] =	stream.indirect.gather [hbm4b:s5+s6], $0x80, s6, s6, $0xb8;
	[tilespmem:$0x10200] =	vst v63  }
0xe: {  	s9 =	simm.s32 $0x100;
	s10 =	simm.s32 $0x8200  }
0xf: {  	[tilespmem:s10], [sflag:$0x1] =	stream.indirect.gather [hbm4b:s5+s6], $0x80, s9, s6, $0xb8;
	[tilespmem:$0x10200] =	vst v63  }
0x10: {  	s11 =	simm.s32 $0x180;
	s12 =	simm.s32 $0xC200;
	s13 =	simm.s32 $0x1  }
0x11: {  	[tilespmem:s12], [sflag:$0x1] =	stream.indirect.gather [hbm4b:s5+s6], $0x80, s11, s6, $0xb8;
	[tilespmem:$0x10200] =	vst v63  }
0x12: {  	_ =	swait.ge [sflag:s13], $0x4000  }
0x13: {  	[sflag:s13] =	ssyncset.done $0x0  }
0x14: {  	[sflag:s13] =	ssyncadd.s32 $0xFFFFC000  }
0x15: {  	_ =	swait.ge [sflag:s13], $0x4000  }
0x16: {  	[sflag:s13] =	ssyncset.done $0x0  }
0x17: {  	s14 =	ssub.s32 $0x2, s14;
	[sflag:s13] =	ssyncadd.s32 $0xFFFFC000  }
0x18: {  	s17 =	sshrl.u32 s14, $0x1;
	_ =	swait.ge [sflag:s13], $0x4000  }
0x19: {  	s30 =	ssub.s32 s14, s17;
	[sflag:s13] =	ssyncset.done $0x0  }
0x1a: {  	s31 =	smax.u32 s30, $0x1;
	[sflag:s13] =	ssyncadd.s32 $0xFFFFC000  }
0x1b: {  	s16 =	sshll.u32 s16, $0xD;
	p0 =	sne.s32 s31, $0x1;
	_ =	swait.ge [sflag:s13], $0x4000  }
.Ltmp0:
0x1c: {  	s15 =	sadd.s32 s16, s15;
	[sflag:s13] =	ssyncset.done $0x0;
	(pc) =	sbr.rel @!p0 .LBB2_2-.Ltmp0, $4  }
0x1d: {  	s14 =	sadd.s32 $0x11D1400, s15;
	[sflag:s13] =	ssyncadd.s32 $0xFFFFC000  }
0x1e: {  	[hbm4b:s14+s2] =	stream.linear.scatter [tilespmem:s7], [sflag:$0x2], $0x10000, $0x38;
	[tilespmem:$0x10200] =	vst v63  }
0x1f: {  	_ =	swait.ge [sflag:s3], $0x10000  }
0x20: {  	s15 =	sadd.s32 $0xFFFFFFFF, s31;
	[sflag:s3] =	ssyncset.done $0x0  }
.LBB2_1:
0x21: {  	p0 =	sne.s32 s15, $0x1;
	s15 =	sadd.s32 $0xFFFFFFFF, s15;
	[sflag:s3] =	ssyncadd.s32 $0xFFFF0000  }
0x22: {  	[tilespmem:s2], [sflag:$0x2] =	stream.linear.gather [hbm4b:s4+s2], $0x200, $0x38;
	[tilespmem:$0x10200] =	vst v63  }
0x23: {  	_ =	swait.ge [sflag:s3], $0x200  }
0x24: {  	[sflag:s3] =	ssyncset.done $0x0  }
0x25: {  	[sflag:s3] =	ssyncadd.s32 $0xFFFFFE00  }
0x26: {  	[tilespmem:s7], [sflag:$0x1] =	stream.indirect.gather [hbm4b:s5+s6], $0x80, s2, s6, $0xb8;
	[tilespmem:$0x10200] =	vst v63  }
0x27: {  	_ = 	snop  }
0x28: {  	[tilespmem:s8], [sflag:$0x1] =	stream.indirect.gather [hbm4b:s5+s6], $0x80, s6, s6, $0xb8;
	[tilespmem:$0x10200] =	vst v63  }
0x29: {  	_ = 	snop  }
0x2a: {  	[tilespmem:s10], [sflag:$0x1] =	stream.indirect.gather [hbm4b:s5+s6], $0x80, s9, s6, $0xb8;
	[tilespmem:$0x10200] =	vst v63  }
0x2b: {  	_ = 	snop  }
0x2c: {  	[tilespmem:s12], [sflag:$0x1] =	stream.indirect.gather [hbm4b:s5+s6], $0x80, s11, s6, $0xb8;
	[tilespmem:$0x10200] =	vst v63  }
0x2d: {  	_ =	swait.ge [sflag:s13], $0x4000  }
0x2e: {  	[sflag:s13] =	ssyncset.done $0x0  }
0x2f: {  	[sflag:s13] =	ssyncadd.s32 $0xFFFFC000  }
0x30: {  	_ =	swait.ge [sflag:s13], $0x4000  }
0x31: {  	[sflag:s13] =	ssyncset.done $0x0  }
0x32: {  	[sflag:s13] =	ssyncadd.s32 $0xFFFFC000  }
0x33: {  	_ =	swait.ge [sflag:s13], $0x4000  }
0x34: {  	[sflag:s13] =	ssyncset.done $0x0  }
0x35: {  	[sflag:s13] =	ssyncadd.s32 $0xFFFFC000  }
0x36: {  	_ =	swait.ge [sflag:s13], $0x4000  }
.Ltmp1:
0x37: {  	[sflag:s13] =	ssyncset.done $0x0;
	(pc) =	sbr.rel @p0 .LBB2_1-.Ltmp1, $4  }
0x38: {  	[sflag:s13] =	ssyncadd.s32 $0xFFFFC000  }
0x39: {  	[hbm4b:s14+s2] =	stream.linear.scatter [tilespmem:s7], [sflag:$0x2], $0x10000, $0x38;
	[tilespmem:$0x10200] =	vst v63  }
0x3a: {  	_ =	swait.ge [sflag:s3], $0x10000  }
0x3b: {  	[sflag:s3] =	ssyncset.done $0x0  }
.LBB2_2:
0x3c: {  	[sflag:s3] =	ssyncadd.s32 $0xFFFF0000  }
0x3d: {  	_ =	sfence.sel $0x180000  }
0x3e: {  	[bflag:$0x0] =	sbarrier.arrive $0xFFFF  }
0x3f: {  	p0 =	sne.s32 s0, $0x0;
	_ =	strace $0x9000004D  }
0x40: {  	s0 =	sadd.s32 @!p0 $0x100000, s1;
	[bflag:$0x2] =	sbarrier.arrive $0xFFFF  }
0x41: {  	[sflag:s0] =	ssyncadd.tile.s32 @!p0 $0x1;
	_ =	shalt  }
.Lfunc_end2:
_tile_overlayer_lowered:
.L_overlay_start_2:
0x42: {  	(tag) =	ssettag $0x2  }
0x43: {  	s0 =	rddreg [dreg:$0x0];
	s2 =	stileid.u32  }
0x44: {  	s1 =	rddreg [dreg:$0x1];
	p0 =	sne.s32 s2, $0x0  }
0x45: {  	s3 =	rddreg [dreg:$0x2];
	[bflag:$0x3] =	sbarrier.arrive $0xFFFF;
	s2 =	simm.s32 @!p0 $0x1C02  }
0x46: {  	[timem:s3], [sflag:s2] =	dma.local @!p0 [hbm:s0], s1  }
0x47: {  	s0 =	simm.s32 @!p0 $0x2  }
0x48: {  	_ =	swait.ge @!p0 [sflag:s0], s1  }
0x49: {  	s1 =	ssub.s32 @!p0 $0x0, s1;
	[sflag:s0] =	ssyncset.done @!p0 $0x0  }
0x4a: {  	[sflag:s0] =	ssyncadd.s32 @!p0 s1  }
0x4b: {  	[bflag:$0x3] =	sbarrier.arrive $0xFFFF  }
0x4c: {  	_ =	shalt  }

// kernel: kernel.29.cloned.1.call-start
scs
__scs_entry_jumppad:
0x0: {  	(pc) =	sbr.rel $0x88, $3  }
0x1: {  	(tag) =	ssettag $0x0;
	lr =	simm.s32 $0x1  }
0x2: {  	[smem:$0x3F73] =	sst lr;
	_ =	strace $0xD0000000  }
0x3: {  	_ = 	snop  }
0x4: {  	_ = 	snop  }
0x5: {  	_ = 	snop  }
0x6: {  	_ = 	snop  }
0x7: {  	_ = 	snop  }
__scs_overlays_trampoline_lowered:
0x8: {  	[smem:$0x3F82] =	sst s0  }
0x9: {  	[smem:$0x3F83] =	sst s1  }
0xa: {  	[smem:$0x3F84] =	sst s2  }
0xb: {  	[smem:$0x3F85] =	sst s3  }
0xc: {  	[smem:$0x3F86] =	sst s4  }
0xd: {  	[smem:$0x3F87] =	sst s5  }
0xe: {  	[smem:$0x3F88] =	sst s6  }
0xf: {  	[smem:$0x3F89] =	sst s7  }
0x10: {  	[smem:$0x3F8A] =	sst s8  }
0x11: {  	[smem:$0x3F8B] =	sst s9;
	s0 =	simm.s32 @!p0 $0x0  }
0x12: {  	s1 =	sld [smem:$0x3F71];
	s0 =	simm.s32 @p0 $0x1  }
0x13: {  	[smem:$0x3F8C] =	sst s0;
	s0 =	simm.s32 @!p1 $0x0  }
0x14: {  	s2 =	sld [smem:$0x3F70];
	s0 =	simm.s32 @p1 $0x1  }
0x15: {  	[smem:$0x3F8D] =	sst s0;
	s0 =	simm.s32 @!p2 $0x0  }
0x16: {  	s3 =	sld [smem:$0x3FDB];
	s0 =	simm.s32 @p2 $0x1  }
0x17: {  	s4 =	simm.s32 $0x1BF5;
	[smem:$0x3F8F] =	sst s0  }
0x18: {  	s0 =	sld [smem:$0x3F72];
	_ =	swait.ge [sflag:s4], $0x0  }
0x19: {  	s7 =	sld [smem:$0x3F73]  }
0x1a: {  	s8 =	sadd.s32 $0xFFFFE003, lr  }
0x1b: {  	s9 =	sadd.s32 $0xFFFFFEF7, lr;
	s5 =	simm.s32 $0xFFFFFFFF;
	p2 =	slt.u32 s8, $0xFFFFF086  }
0x1c: {  	p1 =	slt.u32 s9, $0xF7A;
	s5 =	simm.s32 @!p2 $0x0  }
0x1d: {  	s5 =	simm.s32 @p1 $0x1;
	p0 =	seq.s32 s7, s2  }
0x1e: {  	s7 =	smul.u32 @!p0 $0xF7A, s2;
	p2 =	seq.s32 @!p0 s5, $0x0  }
0x1f: {  	s9 =	smul.u32 $0xF7A, s1;
	s8 =	simm.s32 @!p0 $0x1BF5;
	p2 =	por !p2, p0  }
0x20: {  	[sflag:s8] =	ssyncset.s32 @!p0 $0xFFFFF086;
	s6 =	sadd.s32 @!p0 s3, s7;
	s7 =	simm.s32 @!p0 $0x108  }
0x21: {  	s3 =	sadd.s32 s3, s9;
	s6 =	sadd.s32 @!p0 $0x88, s6;
	s7 =	simm.s32 @p2 $0x1082  }
0x22: {  	[simem:s7], [sflag:s8] =	dma.local @!p0 [hbm:s6], $0xF7A  }
0x23: {  	s9 =	sor.u32 $0xD0000000, s2;
	s6 =	simm.s32 $0x108;
	_ =	swait.ge @!p0 [sflag:s8], $0x0  }
0x24: {  	s3 =	sadd.s32 $0x88, s3;
	s6 =	simm.s32 @!p1 $0x1082;
	[sflag:s4] =	ssyncset.s32 $0xFFFFF086  }
0x25: {  	[simem:s6], [sflag:s4] =	dma.local [hbm:s3], $0xF7A  }
0x26: {  	[smem:$0x3F73] =	sst s1;
	(tag) =	ssettag s2;
	_ =	strace s9  }
0x27: {  	s1 =	sld [smem:$0x3F83]  }
0x28: {  	s2 =	sld [smem:$0x3F84]  }
0x29: {  	s4 =	sld [smem:$0x3F86]  }
0x2a: {  	p0 =	seq.s32 s5, $0x0;
	s5 =	sld [smem:$0x3F87]  }
0x2b: {  	s6 =	sld [smem:$0x3F88]  }
0x2c: {  	s7 =	sld [smem:$0x3F89]  }
0x2d: {  	s3 =	simm.s32 $0x108;
	s8 =	sld [smem:$0x3F8A]  }
0x2e: {  	s3 =	simm.s32 @!p0 $0x1082;
	s9 =	sld [smem:$0x3F8B]  }
0x2f: {  	lr =	sadd.s32 s0, s3;
	s0 =	sld [smem:$0x3F82]  }
0x30: {  	s3 =	sld [smem:$0x3F85]  }
0x31: {  	[smem:$0x3F8E] =	sst s10  }
0x32: {  	s10 =	sld [smem:$0x3F8C];
	_ =	sdelay $0x3  }
0x33: {  	p0 =	seq.s32 s10, $0x1;
	s10 =	sld [smem:$0x3F8E];
	_ =	sdelay $0x3  }
0x34: {  	[smem:$0x3F8E] =	sst s10  }
0x35: {  	s10 =	sld [smem:$0x3F8D];
	_ =	sdelay $0x3  }
0x36: {  	p1 =	seq.s32 s10, $0x1;
	s10 =	sld [smem:$0x3F8E];
	_ =	sdelay $0x3  }
0x37: {  	[smem:$0x3F8E] =	sst s10  }
0x38: {  	s10 =	sld [smem:$0x3F8F]  }
0x39: {  	_ = 	snop;
	(pc) =	sbr.ind lr, $3  }
0x3a: {  	_ = 	snop  }
0x3b: {  	_ = 	snop  }
0x3c: {  	p2 =	seq.s32 s10, $0x1;
	s10 =	sld [smem:$0x3F8E]  }
0x3d: {  	_ =	shalt  }
0x3e: {  	_ =	shalt  }
0x3f: {  	_ =	shalt  }
0x40: {  	_ =	shalt  }
0x41: {  	_ =	shalt  }
0x42: {  	_ =	shalt  }
0x43: {  	_ =	shalt  }
0x44: {  	_ =	shalt  }
0x45: {  	_ =	shalt  }
0x46: {  	_ =	shalt  }
0x47: {  	_ =	shalt  }
0x48: {  	_ =	shalt  }
0x49: {  	_ =	shalt  }
0x4a: {  	_ =	shalt  }
0x4b: {  	_ =	shalt  }
0x4c: {  	_ =	shalt  }
0x4d: {  	_ =	shalt  }
0x4e: {  	_ =	shalt  }
0x4f: {  	_ =	shalt  }
0x50: {  	_ =	shalt  }
0x51: {  	_ =	shalt  }
0x52: {  	_ =	shalt  }
0x53: {  	_ =	shalt  }
0x54: {  	_ =	shalt  }
0x55: {  	_ =	shalt  }
0x56: {  	_ =	shalt  }
0x57: {  	_ =	shalt  }
0x58: {  	_ =	shalt  }
0x59: {  	_ =	shalt  }
0x5a: {  	_ =	shalt  }
0x5b: {  	_ =	shalt  }
0x5c: {  	_ =	shalt  }
0x5d: {  	_ =	shalt  }
0x5e: {  	_ =	shalt  }
0x5f: {  	_ =	shalt  }
0x60: {  	_ =	shalt  }
0x61: {  	_ =	shalt  }
0x62: {  	_ =	shalt  }
0x63: {  	_ =	shalt  }
0x64: {  	_ =	shalt  }
0x65: {  	_ =	shalt  }
0x66: {  	_ =	shalt  }
0x67: {  	_ =	shalt  }
0x68: {  	_ =	shalt  }
0x69: {  	_ =	shalt  }
0x6a: {  	_ =	shalt  }
0x6b: {  	_ =	shalt  }
0x6c: {  	_ =	shalt  }
0x6d: {  	_ =	shalt  }
0x6e: {  	_ =	shalt  }
0x6f: {  	_ =	shalt  }
0x70: {  	_ =	shalt  }
0x71: {  	_ =	shalt  }
0x72: {  	_ =	shalt  }
0x73: {  	_ =	shalt  }
0x74: {  	_ =	shalt  }
0x75: {  	_ =	shalt  }
0x76: {  	_ =	shalt  }
0x77: {  	_ =	shalt  }
0x78: {  	_ =	shalt  }
0x79: {  	_ =	shalt  }
0x7a: {  	_ =	shalt  }
0x7b: {  	_ =	shalt  }
0x7c: {  	_ =	shalt  }
0x7d: {  	_ =	shalt  }
0x7e: {  	_ =	shalt  }
0x7f: {  	_ =	shalt  }
0x80: {  	_ =	shalt  }
0x81: {  	_ =	shalt  }
0x82: {  	_ =	shalt  }
0x83: {  	_ =	shalt  }
0x84: {  	_ =	shalt  }
0x85: {  	_ =	shalt  }
0x86: {  	_ =	shalt  }
0x87: {  	_ =	shalt  }
.Lfunc_end0:
.L_simem_size_0:
called_computation.4_lowered:
.L_overlay_start_0:
0x88: {  	s2 =	sld [smem:$0x3FD9]  }
0x89: {  	s3 =	sld [smem:$0x3FFE];
	_ =	sdelay $0x1  }
0x8a: {  	s1 =	srdreg.scid  }
0x8b: {  	s0 =	sand.u32 $0x1, s1  }
0x8c: {  	s16 =	sshll.u32 s0, $0xA;
	s2 =	sadd.s32 s3, s2  }
0x8d: {  	s2 =	sadd.s32 s2, s16  }
0x8e: {  	[smem:$0x3F9A] =	sst s2  }
0x8f: {  	_ = 	snop  }
0x90: {  	(tm) =	ssettm $0x1  }
0x91: {  	s17 =	sld [smem:$0x3FFB];
	_ =	sdelay $0x3  }
0x92: {  	_ =	strace s17  }
0x93: {  	s2 =	sld [smem:$0x3FFC];
	_ =	sdelay $0x3  }
0x94: {  	_ =	strace s2  }
0x95: {  	s2 =	sld [smem:$0x3FFD];
	_ =	sdelay $0x3  }
0x96: {  	_ =	strace s2  }
0x97: {  	_ =	strace $0x8FFFFFFF  }
0x98: {  	s18 =	sld [smem:$0x3FDB];
	_ =	sdelay $0x1  }
0x99: {  	s19 =	simm.s32 $_scs_section_size  }
0x9a: {  	s4 =	simm.s32 $_size__tile_overlayer_lowered;
	s5 =	simm.s32 $_tile_overlayer_lowered  }
0x9b: {  	s22 =	simm.s32 $0x1BFF;
	s21 =	sshll.u32 s5, $0x1;
	s2 =	sadd.s32 s19, s18  }
0x9c: {  	s6 =	simm.s32 $0x0;
	s20 =	sshll.u32 s4, $0x1;
	s4 =	sadd.s32 s21, s2  }
0x9d: {  	[timem:s6], [sflag:s22] =	dma.local [hbm:s4], s20  }
0x9e: {  	_ =	swait.ge [sflag:s22], s20  }
0x9f: {  	s3 =	ssub.s32 $0x0, s20;
	[sflag:s22] =	ssyncset.done $0x0  }
0xa0: {  	[sflag:s22] =	ssyncadd.s32 s3;
	_ =	sdelay $0x1  }
0xa1: {  	s23 =	simm.s32 $0x1B8B  }
0xa2: {  	_ =	swait.ge [sflag:s23], $0x1  }
0xa3: {  	[sflag:s23] =	ssyncset.done $0x0  }
0xa4: {  	s25 =	simm.s32 $0x1B8E;
	s24 =	sld [smem:$0x3FFE];
	[sflag:s23] =	ssyncadd.s32 $0xFFFFFFFF  }
0xa5: {  	s26 =	simm.s32 $execute0_lowered;
	[smem:$0x3FD2] =	sst s25  }
0xa6: {  	s4 =	sshll.u32 s26, $0x1;
	_ =	strace $0x80000052;
	[dreg:$0x1] =	wrdreg $0xFFFFFFFF  }
0xa7: {  	s28 =	simm.s32 $_size_execute0_lowered;
	s2 =	sadd.s32 s2, s4;
	[dreg:$0x0] =	wrdreg $0x0  }
0xa8: {  	s4 =	sshll.u32 s28, $0x1;
	[dreg:$0x2] =	wrdreg s2  }
0xa9: {  	[dreg:$0x3] =	wrdreg s4  }
0xaa: {  	[dreg:$0x4] =	wrdreg $0xC0  }
0xab: {  	_ =	task [dreg:s6], $0x5FFFF  }
0xac: {  	[dreg:$0x1] =	wrdreg $0xFFFFFFFF  }
0xad: {  	[dreg:$0x0] =	wrdreg $0x60  }
0xae: {  	[dreg:$0x2] =	wrdreg s24  }
0xaf: {  	[dreg:$0x3] =	wrdreg $0x9  }
0xb0: {  	_ =	task.clear_ibuf [dreg:s6], $0x4FFFF;
	_ =	strace $0x90000052  }
0xb1: {  	s29 =	simm.s32 $0x9;
	_ =	strace $0x80000054  }
0xb2: {  	_ =	swait.ge [sflag:s29], $0x1  }
0xb3: {  	[sflag:s29] =	ssyncadd.s32 $0xFFFFFFFF  }
0xb4: {  	_ =	strace $0x90000054  }
0xb5: {  	_ =	sfence  }
0xb6: {  	s30 =	sld [smem:$0x0];
	_ =	sdelay $0x2  }
0xb7: {  	s31 =	sshll.u32 s1, $0xD;
	s1 =	sshrl.u32 s1, $0x2  }
0xb8: {  	s3 =	sand.u32 $0x4000, s31;
	s1 =	sadd.s32 s1, s30  }
0xb9: {  	s0 =	sor.u32 s3, s0;
	s1 =	sshll.u32 s1, $0x11  }
0xba: {  	s0 =	sor.u32 s1, s0  }
0xbb: {  	s0 =	sadd.s32 $0x8F2B, s0  }
0xbc: {  	[sflag:s0] =	ssyncadd.remote.s32 $0x1  }
0xbd: {  	_ =	sfence.sel $0xFFFF  }
0xbe: {  	[dreg:$0x0] =	wrdreg $0xFFFFFFFF;
	(pc) =	sbr.abs _section_cstart, $3  }
0xbf: {  	[dreg:$0x1] =	wrdreg $0xFFFFFFFF  }
0xc0: {  	_ =	task.clear_ibuf [dreg:s6], $0x2FFFF;
	_ =	strace $0x9FFFFFFF  }
0xc1: {  	(tm) =	ssettm $0x7FFFFFFF  }
tec
execute0_lowered:
.L_overlay_start_1:
0x0: {  	(tag) =	ssettag $0x1  }
0x1: {  	s4 =	rddreg [dreg:$0x0]  }
0x2: {  	s0 =	rddreg [dreg:$0x1];
	s2 =	simm.s32 $0x0;
	s1 =	stileid.u32  }
0x3: {  	s5 =	srdreg.scid;
	[smem:$0x7FF] =	sst s2;
	s3 =	sadd.s32 $0x44800, s4  }
0x4: {  	s6 =	sshll.u32 s1, $0x7;
	s7 =	sand.u32 $0x1, s5;
	s28 =	sshll.u32 s1, $0xE  }
0x5: {  	s31 =	sshll.u32 s1, $0x1;
	_ =	strace $0x80000053;
	s26 =	sadd.s32 s6, s4  }
0x6: {  	s8 =	ssub.s32 $0x2, s7;
	s6 =	sadd.s32 s28, s4;
	s9 =	sshll.u32 s7, $0x6  }
0x7: {  	s30 =	sshll.u32 s7, $0xD;
	s7 =	sor.u32 s7, s31;
	s29 =	sshrl.u32 s8, $0x1  }
0x8: {  	s5 =	sadd.s32 s9, s26;
	s6 =	sadd.s32 s30, s6;
	s4 =	ssub.s32 s8, s29  }
0x9: {  	s5 =	sadd.s32 $0x3AA00, s5;
	s6 =	sadd.s32 $0xBA000, s6;
	s4 =	smax.u32 s4, $0x1  }
.LBB2_1:
0xa: {  	s8 =	sadd.s32 $0x0, s7  }
0xb: {  	p0 =	sgt.u32 s8, $0x270  }
0xc: {  	s8 =	simm.s32 @!p0 $0x0;
	s9 =	simm.s32 @!p0 $0x3  }
0xd: {  	[tilespmem:s8], [sflag:$0x3] =	stream.linear.gather @!p0 [hbm4b:s5+s8], $0x200, $0x38;
	[tilespmem:$0x10200] =	vst v63  }
0xe: {  	_ =	swait.ge @!p0 [sflag:s9], $0x200  }
0xf: {  	[sflag:s9] =	ssyncset.done @!p0 $0x0;
	p0 =	por p0, p0  }
0x10: {  	[sflag:s9] =	ssyncadd.s32 @!p0 $0xFFFFFE00;
	s9 =	simm.s32 @!p0 $0x80;
	s10 =	simm.s32 @!p0 $0x200  }
0x11: {  	[tilespmem:s10], [sflag:$0x1] =	stream.indirect.gather @!p0 [hbm4b:s3+s9], $0x80, s8, s9, $0xb8;
	[tilespmem:$0x10200] =	vst v63  }
0x12: {  	s11 =	simm.s32 @!p0 $0x4200  }
0x13: {  	[tilespmem:s11], [sflag:$0x1] =	stream.indirect.gather @!p0 [hbm4b:s3+s9], $0x80, s9, s9, $0xb8;
	[tilespmem:$0x10200] =	vst v63  }
0x14: {  	s12 =	simm.s32 @!p0 $0x8200;
	s11 =	simm.s32 @!p0 $0x100  }
0x15: {  	[tilespmem:s12], [sflag:$0x1] =	stream.indirect.gather @!p0 [hbm4b:s3+s9], $0x80, s11, s9, $0xb8;
	[tilespmem:$0x10200] =	vst v63  }
0x16: {  	s13 =	simm.s32 @!p0 $0x1;
	s11 =	simm.s32 @!p0 $0x180;
	s12 =	simm.s32 @!p0 $0xC200  }
0x17: {  	[tilespmem:s12], [sflag:$0x1] =	stream.indirect.gather @!p0 [hbm4b:s3+s9], $0x80, s11, s9, $0xb8;
	[tilespmem:$0x10200] =	vst v63  }
0x18: {  	_ =	swait.ge @!p0 [sflag:s13], $0x4000  }
0x19: {  	[sflag:s13] =	ssyncset.done @!p0 $0x0  }
0x1a: {  	[sflag:s13] =	ssyncadd.s32 @!p0 $0xFFFFC000  }
0x1b: {  	_ =	swait.ge @!p0 [sflag:s13], $0x4000  }
0x1c: {  	[sflag:s13] =	ssyncset.done @!p0 $0x0  }
0x1d: {  	[sflag:s13] =	ssyncadd.s32 @!p0 $0xFFFFC000  }
0x1e: {  	_ =	swait.ge @!p0 [sflag:s13], $0x4000  }
0x1f: {  	[sflag:s13] =	ssyncset.done @!p0 $0x0  }
0x20: {  	[sflag:s13] =	ssyncadd.s32 @!p0 $0xFFFFC000  }
0x21: {  	_ =	swait.ge @!p0 [sflag:s13], $0x4000  }
0x22: {  	[sflag:s13] =	ssyncset.done @!p0 $0x0  }
0x23: {  	s31 =	sadd.s32 $0x20, s7;
	s11 =	simm.s32 @!p0 $0x2;
	[sflag:s13] =	ssyncadd.s32 @!p0 $0xFFFFC000  }
0x24: {  	[hbm4b:s6+s8] =	stream.linear.scatter @!p0 [tilespmem:s10], [sflag:$0x2], $0x10000, $0x38;
	[tilespmem:$0x10200] =	vst v63  }
0x25: {  	p2 =	sgt.u32 s31, $0x270;
	s9 =	simm.s32 $0x40;
	_ =	swait.ge @!p0 [sflag:s11], $0x10000  }
0x26: {  	s8 =	sadd.s32 $0x40000, s6;
	s10 =	sadd.s32 $0x800, s5;
	[sflag:s11] =	ssyncset.done @!p0 $0x0  }
.LBB2_2:
0x27: {  	s12 =	simm.s32 @!p2 $0x0;
	s13 =	simm.s32 @!p2 $0x3;
	[sflag:s11] =	ssyncadd.s32 @!p0 $0xFFFF0000  }
0x28: {  	[tilespmem:s12], [sflag:$0x3] =	stream.linear.gather @!p2 [hbm4b:s10+s12], $0x200, $0x38;
	[tilespmem:$0x10200] =	vst v63  }
0x29: {  	s14 =	smov.u32 s9;
	s9 =	sadd.s32 $0x20, s9;
	_ =	swait.ge @!p2 [sflag:s13], $0x200  }
0x2a: {  	p0 =	por p2, p2;
	p1 =	sne.s32 s9, $0x280;
	[sflag:s13] =	ssyncset.done @!p2 $0x0  }
0x2b: {  	s11 =	simm.s32 @!p0 $0x80;
	[sflag:s13] =	ssyncadd.s32 @!p0 $0xFFFFFE00;
	s13 =	simm.s32 @!p0 $0x200  }
0x2c: {  	[tilespmem:s13], [sflag:$0x1] =	stream.indirect.gather @!p0 [hbm4b:s3+s11], $0x80, s12, s11, $0xb8;
	[tilespmem:$0x10200] =	vst v63  }
0x2d: {  	s15 =	simm.s32 @!p0 $0x4200  }
0x2e: {  	[tilespmem:s15], [sflag:$0x1] =	stream.indirect.gather @!p0 [hbm4b:s3+s11], $0x80, s11, s11, $0xb8;
	[tilespmem:$0x10200] =	vst v63  }
0x2f: {  	s16 =	simm.s32 @!p0 $0x8200;
	s15 =	simm.s32 @!p0 $0x100  }
0x30: {  	[tilespmem:s16], [sflag:$0x1] =	stream.indirect.gather @!p0 [hbm4b:s3+s11], $0x80, s15, s11, $0xb8;
	[tilespmem:$0x10200] =	vst v63  }
0x31: {  	s17 =	simm.s32 @!p0 $0x1;
	s15 =	simm.s32 @!p0 $0x180;
	s16 =	simm.s32 @!p0 $0xC200  }
0x32: {  	[tilespmem:s16], [sflag:$0x1] =	stream.indirect.gather @!p0 [hbm4b:s3+s11], $0x80, s15, s11, $0xb8;
	[tilespmem:$0x10200] =	vst v63  }
0x33: {  	_ =	swait.ge @!p0 [sflag:s17], $0x4000  }
0x34: {  	[sflag:s17] =	ssyncset.done @!p0 $0x0  }
0x35: {  	[sflag:s17] =	ssyncadd.s32 @!p0 $0xFFFFC000  }
0x36: {  	_ =	swait.ge @!p0 [sflag:s17], $0x4000  }
0x37: {  	[sflag:s17] =	ssyncset.done @!p0 $0x0  }
0x38: {  	[sflag:s17] =	ssyncadd.s32 @!p0 $0xFFFFC000  }
0x39: {  	_ =	swait.ge @!p0 [sflag:s17], $0x4000  }
0x3a: {  	[sflag:s17] =	ssyncset.done @!p0 $0x0  }
0x3b: {  	[sflag:s17] =	ssyncadd.s32 @!p0 $0xFFFFC000  }
0x3c: {  	_ =	swait.ge @!p0 [sflag:s17], $0x4000  }
.Ltmp0:
0x3d: {  	[sflag:s17] =	ssyncset.done @!p0 $0x0;
	(pc) =	sbr.rel @p1 .LBB2_2-.Ltmp0, $4  }
0x3e: {  	s11 =	simm.s32 @!p0 $0x2;
	[sflag:s17] =	ssyncadd.s32 @!p0 $0xFFFFC000  }
0x3f: {  	[hbm4b:s8+s12] =	stream.linear.scatter @!p0 [tilespmem:s13], [sflag:$0x2], $0x10000, $0x38;
	[tilespmem:$0x10200] =	vst v63  }
0x40: {  	s12 =	sadd.s32 s14, s7;
	s8 =	sadd.s32 $0x40000, s8;
	_ =	swait.ge @!p0 [sflag:s11], $0x10000  }
0x41: {  	s10 =	sadd.s32 $0x800, s10;
	p2 =	sgt.u32 s12, $0x270;
	[sflag:s11] =	ssyncset.done @!p0 $0x0  }
0x42: {  	s9 =	simm.s32 @!p2 $0x0;
	s12 =	simm.s32 @!p2 $0x3;
	[sflag:s11] =	ssyncadd.s32 @!p0 $0xFFFF0000  }
0x43: {  	[tilespmem:s9], [sflag:$0x3] =	stream.linear.gather @!p2 [hbm4b:s10+s9], $0x200, $0x38;
	[tilespmem:$0x10200] =	vst v63  }
0x44: {  	_ =	swait.ge @!p2 [sflag:s12], $0x200  }
0x45: {  	p0 =	por p2, p2;
	[sflag:s12] =	ssyncset.done @!p2 $0x0  }
0x46: {  	s10 =	simm.s32 @!p0 $0x80;
	s11 =	simm.s32 @!p0 $0x200;
	[sflag:s12] =	ssyncadd.s32 @!p0 $0xFFFFFE00  }
0x47: {  	[tilespmem:s11], [sflag:$0x1] =	stream.indirect.gather @!p0 [hbm4b:s3+s10], $0x80, s9, s10, $0xb8;
	[tilespmem:$0x10200] =	vst v63  }
0x48: {  	s12 =	simm.s32 @!p0 $0x4200  }
0x49: {  	[tilespmem:s12], [sflag:$0x1] =	stream.indirect.gather @!p0 [hbm4b:s3+s10], $0x80, s10, s10, $0xb8;
	[tilespmem:$0x10200] =	vst v63  }
0x4a: {  	s13 =	simm.s32 @!p0 $0x8200;
	s12 =	simm.s32 @!p0 $0x100  }
0x4b: {  	[tilespmem:s13], [sflag:$0x1] =	stream.indirect.gather @!p0 [hbm4b:s3+s10], $0x80, s12, s10, $0xb8;
	[tilespmem:$0x10200] =	vst v63  }
0x4c: {  	s14 =	simm.s32 @!p0 $0x1;
	s12 =	simm.s32 @!p0 $0x180;
	s13 =	simm.s32 @!p0 $0xC200  }
0x4d: {  	[tilespmem:s13], [sflag:$0x1] =	stream.indirect.gather @!p0 [hbm4b:s3+s10], $0x80, s12, s10, $0xb8;
	[tilespmem:$0x10200] =	vst v63  }
0x4e: {  	_ =	swait.ge @!p0 [sflag:s14], $0x4000  }
0x4f: {  	[sflag:s14] =	ssyncset.done @!p0 $0x0  }
0x50: {  	[sflag:s14] =	ssyncadd.s32 @!p0 $0xFFFFC000  }
0x51: {  	_ =	swait.ge @!p0 [sflag:s14], $0x4000  }
0x52: {  	[sflag:s14] =	ssyncset.done @!p0 $0x0  }
0x53: {  	[sflag:s14] =	ssyncadd.s32 @!p0 $0xFFFFC000  }
0x54: {  	_ =	swait.ge @!p0 [sflag:s14], $0x4000  }
0x55: {  	[sflag:s14] =	ssyncset.done @!p0 $0x0  }
0x56: {  	[sflag:s14] =	ssyncadd.s32 @!p0 $0xFFFFC000  }
0x57: {  	s2 =	sadd.s32 $0x1, s2;
	_ =	swait.ge @!p0 [sflag:s14], $0x4000  }
0x58: {  	p1 =	sne.s32 s2, s4;
	[sflag:s14] =	ssyncset.done @!p0 $0x0  }
.Ltmp1:
0x59: {  	s10 =	simm.s32 @!p0 $0x2;
	[sflag:s14] =	ssyncadd.s32 @!p0 $0xFFFFC000;
	(pc) =	sbr.rel @p1 .LBB2_1-.Ltmp1, $4  }
0x5a: {  	[hbm4b:s8+s9] =	stream.linear.scatter @!p0 [tilespmem:s11], [sflag:$0x2], $0x10000, $0x38;
	[tilespmem:$0x10200] =	vst v63  }
0x5b: {  	_ =	swait.ge @!p0 [sflag:s10], $0x10000  }
0x5c: {  	[sflag:s10] =	ssyncset.done @!p0 $0x0  }
0x5d: {  	[sflag:s10] =	ssyncadd.s32 @!p0 $0xFFFF0000  }
0x5e: {  	_ =	sfence.sel $0x180000  }
0x5f: {  	[bflag:$0x0] =	sbarrier.arrive $0xFFFF  }
0x60: {  	p0 =	sne.s32 s1, $0x0;
	_ =	strace $0x90000053  }
0x61: {  	s0 =	sadd.s32 @!p0 $0x100000, s0;
	[bflag:$0x2] =	sbarrier.arrive $0xFFFF  }
0x62: {  	[sflag:s0] =	ssyncadd.tile.s32 @!p0 $0x1;
	_ =	shalt  }
.Lfunc_end2:
_tile_overlayer_lowered:
.L_overlay_start_2:
0x63: {  	(tag) =	ssettag $0x2  }
0x64: {  	s0 =	rddreg [dreg:$0x0];
	s2 =	stileid.u32  }
0x65: {  	s1 =	rddreg [dreg:$0x1];
	p0 =	sne.s32 s2, $0x0  }
0x66: {  	s3 =	rddreg [dreg:$0x2];
	[bflag:$0x3] =	sbarrier.arrive $0xFFFF;
	s2 =	simm.s32 @!p0 $0x1C02  }
0x67: {  	[timem:s3], [sflag:s2] =	dma.local @!p0 [hbm:s0], s1  }
0x68: {  	s0 =	simm.s32 @!p0 $0x2  }
0x69: {  	_ =	swait.ge @!p0 [sflag:s0], s1  }
0x6a: {  	s1 =	ssub.s32 @!p0 $0x0, s1;
	[sflag:s0] =	ssyncset.done @!p0 $0x0  }
0x6b: {  	[sflag:s0] =	ssyncadd.s32 @!p0 s1  }
0x6c: {  	[bflag:$0x3] =	sbarrier.arrive $0xFFFF  }
0x6d: {  	_ =	shalt  }

// kernel: kernel.32.cloned.1.call-start
scs
__scs_entry_jumppad:
0x0: {  	(pc) =	sbr.rel $0x88, $3  }
0x1: {  	(tag) =	ssettag $0x0;
	lr =	simm.s32 $0x1  }
0x2: {  	[smem:$0x3F73] =	sst lr;
	_ =	strace $0xD0000000  }
0x3: {  	_ = 	snop  }
0x4: {  	_ = 	snop  }
0x5: {  	_ = 	snop  }
0x6: {  	_ = 	snop  }
0x7: {  	_ = 	snop  }
__scs_overlays_trampoline_lowered:
0x8: {  	[smem:$0x3F82] =	sst s0  }
0x9: {  	[smem:$0x3F83] =	sst s1  }
0xa: {  	[smem:$0x3F84] =	sst s2  }
0xb: {  	[smem:$0x3F85] =	sst s3  }
0xc: {  	[smem:$0x3F86] =	sst s4  }
0xd: {  	[smem:$0x3F87] =	sst s5  }
0xe: {  	[smem:$0x3F88] =	sst s6  }
0xf: {  	[smem:$0x3F89] =	sst s7  }
0x10: {  	[smem:$0x3F8A] =	sst s8  }
0x11: {  	[smem:$0x3F8B] =	sst s9;
	s0 =	simm.s32 @!p0 $0x0  }
0x12: {  	s1 =	sld [smem:$0x3F71];
	s0 =	simm.s32 @p0 $0x1  }
0x13: {  	[smem:$0x3F8C] =	sst s0;
	s0 =	simm.s32 @!p1 $0x0  }
0x14: {  	s2 =	sld [smem:$0x3F70];
	s0 =	simm.s32 @p1 $0x1  }
0x15: {  	[smem:$0x3F8D] =	sst s0;
	s0 =	simm.s32 @!p2 $0x0  }
0x16: {  	s3 =	sld [smem:$0x3FDB];
	s0 =	simm.s32 @p2 $0x1  }
0x17: {  	s4 =	simm.s32 $0x1BF5;
	[smem:$0x3F8F] =	sst s0  }
0x18: {  	s0 =	sld [smem:$0x3F72];
	_ =	swait.ge [sflag:s4], $0x0  }
0x19: {  	s7 =	sld [smem:$0x3F73]  }
0x1a: {  	s8 =	sadd.s32 $0xFFFFE003, lr  }
0x1b: {  	s9 =	sadd.s32 $0xFFFFFEF7, lr;
	s5 =	simm.s32 $0xFFFFFFFF;
	p2 =	slt.u32 s8, $0xFFFFF086  }
0x1c: {  	p1 =	slt.u32 s9, $0xF7A;
	s5 =	simm.s32 @!p2 $0x0  }
0x1d: {  	s5 =	simm.s32 @p1 $0x1;
	p0 =	seq.s32 s7, s2  }
0x1e: {  	s7 =	smul.u32 @!p0 $0xF7A, s2;
	p2 =	seq.s32 @!p0 s5, $0x0  }
0x1f: {  	s9 =	smul.u32 $0xF7A, s1;
	s8 =	simm.s32 @!p0 $0x1BF5;
	p2 =	por !p2, p0  }
0x20: {  	[sflag:s8] =	ssyncset.s32 @!p0 $0xFFFFF086;
	s6 =	sadd.s32 @!p0 s3, s7;
	s7 =	simm.s32 @!p0 $0x108  }
0x21: {  	s3 =	sadd.s32 s3, s9;
	s6 =	sadd.s32 @!p0 $0x88, s6;
	s7 =	simm.s32 @p2 $0x1082  }
0x22: {  	[simem:s7], [sflag:s8] =	dma.local @!p0 [hbm:s6], $0xF7A  }
0x23: {  	s9 =	sor.u32 $0xD0000000, s2;
	s6 =	simm.s32 $0x108;
	_ =	swait.ge @!p0 [sflag:s8], $0x0  }
0x24: {  	s3 =	sadd.s32 $0x88, s3;
	s6 =	simm.s32 @!p1 $0x1082;
	[sflag:s4] =	ssyncset.s32 $0xFFFFF086  }
0x25: {  	[simem:s6], [sflag:s4] =	dma.local [hbm:s3], $0xF7A  }
0x26: {  	[smem:$0x3F73] =	sst s1;
	(tag) =	ssettag s2;
	_ =	strace s9  }
0x27: {  	s1 =	sld [smem:$0x3F83]  }
0x28: {  	s2 =	sld [smem:$0x3F84]  }
0x29: {  	s4 =	sld [smem:$0x3F86]  }
0x2a: {  	p0 =	seq.s32 s5, $0x0;
	s5 =	sld [smem:$0x3F87]  }
0x2b: {  	s6 =	sld [smem:$0x3F88]  }
0x2c: {  	s7 =	sld [smem:$0x3F89]  }
0x2d: {  	s3 =	simm.s32 $0x108;
	s8 =	sld [smem:$0x3F8A]  }
0x2e: {  	s3 =	simm.s32 @!p0 $0x1082;
	s9 =	sld [smem:$0x3F8B]  }
0x2f: {  	lr =	sadd.s32 s0, s3;
	s0 =	sld [smem:$0x3F82]  }
0x30: {  	s3 =	sld [smem:$0x3F85]  }
0x31: {  	[smem:$0x3F8E] =	sst s10  }
0x32: {  	s10 =	sld [smem:$0x3F8C];
	_ =	sdelay $0x3  }
0x33: {  	p0 =	seq.s32 s10, $0x1;
	s10 =	sld [smem:$0x3F8E];
	_ =	sdelay $0x3  }
0x34: {  	[smem:$0x3F8E] =	sst s10  }
0x35: {  	s10 =	sld [smem:$0x3F8D];
	_ =	sdelay $0x3  }
0x36: {  	p1 =	seq.s32 s10, $0x1;
	s10 =	sld [smem:$0x3F8E];
	_ =	sdelay $0x3  }
0x37: {  	[smem:$0x3F8E] =	sst s10  }
0x38: {  	s10 =	sld [smem:$0x3F8F]  }
0x39: {  	_ = 	snop;
	(pc) =	sbr.ind lr, $3  }
0x3a: {  	_ = 	snop  }
0x3b: {  	_ = 	snop  }
0x3c: {  	p2 =	seq.s32 s10, $0x1;
	s10 =	sld [smem:$0x3F8E]  }
0x3d: {  	_ =	shalt  }
0x3e: {  	_ =	shalt  }
0x3f: {  	_ =	shalt  }
0x40: {  	_ =	shalt  }
0x41: {  	_ =	shalt  }
0x42: {  	_ =	shalt  }
0x43: {  	_ =	shalt  }
0x44: {  	_ =	shalt  }
0x45: {  	_ =	shalt  }
0x46: {  	_ =	shalt  }
0x47: {  	_ =	shalt  }
0x48: {  	_ =	shalt  }
0x49: {  	_ =	shalt  }
0x4a: {  	_ =	shalt  }
0x4b: {  	_ =	shalt  }
0x4c: {  	_ =	shalt  }
0x4d: {  	_ =	shalt  }
0x4e: {  	_ =	shalt  }
0x4f: {  	_ =	shalt  }
0x50: {  	_ =	shalt  }
0x51: {  	_ =	shalt  }
0x52: {  	_ =	shalt  }
0x53: {  	_ =	shalt  }
0x54: {  	_ =	shalt  }
0x55: {  	_ =	shalt  }
0x56: {  	_ =	shalt  }
0x57: {  	_ =	shalt  }
0x58: {  	_ =	shalt  }
0x59: {  	_ =	shalt  }
0x5a: {  	_ =	shalt  }
0x5b: {  	_ =	shalt  }
0x5c: {  	_ =	shalt  }
0x5d: {  	_ =	shalt  }
0x5e: {  	_ =	shalt  }
0x5f: {  	_ =	shalt  }
0x60: {  	_ =	shalt  }
0x61: {  	_ =	shalt  }
0x62: {  	_ =	shalt  }
0x63: {  	_ =	shalt  }
0x64: {  	_ =	shalt  }
0x65: {  	_ =	shalt  }
0x66: {  	_ =	shalt  }
0x67: {  	_ =	shalt  }
0x68: {  	_ =	shalt  }
0x69: {  	_ =	shalt  }
0x6a: {  	_ =	shalt  }
0x6b: {  	_ =	shalt  }
0x6c: {  	_ =	shalt  }
0x6d: {  	_ =	shalt  }
0x6e: {  	_ =	shalt  }
0x6f: {  	_ =	shalt  }
0x70: {  	_ =	shalt  }
0x71: {  	_ =	shalt  }
0x72: {  	_ =	shalt  }
0x73: {  	_ =	shalt  }
0x74: {  	_ =	shalt  }
0x75: {  	_ =	shalt  }
0x76: {  	_ =	shalt  }
0x77: {  	_ =	shalt  }
0x78: {  	_ =	shalt  }
0x79: {  	_ =	shalt  }
0x7a: {  	_ =	shalt  }
0x7b: {  	_ =	shalt  }
0x7c: {  	_ =	shalt  }
0x7d: {  	_ =	shalt  }
0x7e: {  	_ =	shalt  }
0x7f: {  	_ =	shalt  }
0x80: {  	_ =	shalt  }
0x81: {  	_ =	shalt  }
0x82: {  	_ =	shalt  }
0x83: {  	_ =	shalt  }
0x84: {  	_ =	shalt  }
0x85: {  	_ =	shalt  }
0x86: {  	_ =	shalt  }
0x87: {  	_ =	shalt  }
.Lfunc_end0:
.L_simem_size_0:
called_computation.5_lowered:
.L_overlay_start_0:
0x88: {  	s2 =	sld [smem:$0x3FD9]  }
0x89: {  	s3 =	sld [smem:$0x3FFE];
	_ =	sdelay $0x1  }
0x8a: {  	s1 =	srdreg.scid  }
0x8b: {  	s0 =	sand.u32 $0x1, s1  }
0x8c: {  	s16 =	sshll.u32 s0, $0xA;
	s2 =	sadd.s32 s3, s2  }
0x8d: {  	s2 =	sadd.s32 s2, s16  }
0x8e: {  	[smem:$0x3F9A] =	sst s2  }
0x8f: {  	_ = 	snop  }
0x90: {  	(tm) =	ssettm $0x1  }
0x91: {  	s17 =	sld [smem:$0x3FFB];
	_ =	sdelay $0x3  }
0x92: {  	_ =	strace s17  }
0x93: {  	s2 =	sld [smem:$0x3FFC];
	_ =	sdelay $0x3  }
0x94: {  	_ =	strace s2  }
0x95: {  	s2 =	sld [smem:$0x3FFD];
	_ =	sdelay $0x3  }
0x96: {  	_ =	strace s2  }
0x97: {  	_ =	strace $0x8FFFFFFF  }
0x98: {  	s18 =	sld [smem:$0x3FDB];
	_ =	sdelay $0x1  }
0x99: {  	s19 =	simm.s32 $_scs_section_size  }
0x9a: {  	s4 =	simm.s32 $_size__tile_overlayer_lowered;
	s5 =	simm.s32 $_tile_overlayer_lowered  }
0x9b: {  	s22 =	simm.s32 $0x1BFF;
	s21 =	sshll.u32 s5, $0x1;
	s2 =	sadd.s32 s19, s18  }
0x9c: {  	s6 =	simm.s32 $0x0;
	s20 =	sshll.u32 s4, $0x1;
	s4 =	sadd.s32 s21, s2  }
0x9d: {  	[timem:s6], [sflag:s22] =	dma.local [hbm:s4], s20  }
0x9e: {  	_ =	swait.ge [sflag:s22], s20  }
0x9f: {  	s3 =	ssub.s32 $0x0, s20;
	[sflag:s22] =	ssyncset.done $0x0  }
0xa0: {  	[sflag:s22] =	ssyncadd.s32 s3;
	_ =	sdelay $0x1  }
0xa1: {  	s23 =	simm.s32 $0x1B8B  }
0xa2: {  	_ =	swait.ge [sflag:s23], $0x1  }
0xa3: {  	[sflag:s23] =	ssyncset.done $0x0  }
0xa4: {  	s25 =	simm.s32 $0x1B8E;
	s24 =	sld [smem:$0x3FFE];
	[sflag:s23] =	ssyncadd.s32 $0xFFFFFFFF  }
0xa5: {  	s26 =	simm.s32 $execute0_lowered;
	[smem:$0x3FD2] =	sst s25  }
0xa6: {  	s4 =	sshll.u32 s26, $0x1;
	_ =	strace $0x80000055;
	[dreg:$0x1] =	wrdreg $0xFFFFFFFF  }
0xa7: {  	s28 =	simm.s32 $_size_execute0_lowered;
	s2 =	sadd.s32 s2, s4;
	[dreg:$0x0] =	wrdreg $0x0  }
0xa8: {  	s4 =	sshll.u32 s28, $0x1;
	[dreg:$0x2] =	wrdreg s2  }
0xa9: {  	[dreg:$0x3] =	wrdreg s4  }
0xaa: {  	[dreg:$0x4] =	wrdreg $0xC0  }
0xab: {  	_ =	task [dreg:s6], $0x5FFFF  }
0xac: {  	[dreg:$0x1] =	wrdreg $0xFFFFFFFF  }
0xad: {  	[dreg:$0x0] =	wrdreg $0x60  }
0xae: {  	[dreg:$0x2] =	wrdreg s24  }
0xaf: {  	[dreg:$0x3] =	wrdreg $0x9  }
0xb0: {  	_ =	task.clear_ibuf [dreg:s6], $0x4FFFF;
	_ =	strace $0x90000055  }
0xb1: {  	s29 =	simm.s32 $0x9;
	_ =	strace $0x80000057  }
0xb2: {  	_ =	swait.ge [sflag:s29], $0x1  }
0xb3: {  	[sflag:s29] =	ssyncadd.s32 $0xFFFFFFFF  }
0xb4: {  	_ =	strace $0x90000057  }
0xb5: {  	_ =	sfence  }
0xb6: {  	s30 =	sld [smem:$0x0];
	_ =	sdelay $0x2  }
0xb7: {  	s31 =	sshll.u32 s1, $0xD;
	s1 =	sshrl.u32 s1, $0x2  }
0xb8: {  	s3 =	sand.u32 $0x4000, s31;
	s1 =	sadd.s32 s1, s30  }
0xb9: {  	s0 =	sor.u32 s3, s0;
	s1 =	sshll.u32 s1, $0x11  }
0xba: {  	s0 =	sor.u32 s1, s0  }
0xbb: {  	s0 =	sadd.s32 $0x8F2B, s0  }
0xbc: {  	[sflag:s0] =	ssyncadd.remote.s32 $0x1  }
0xbd: {  	_ =	sfence.sel $0xFFFF  }
0xbe: {  	[dreg:$0x0] =	wrdreg $0xFFFFFFFF;
	(pc) =	sbr.abs _section_cstart, $3  }
0xbf: {  	[dreg:$0x1] =	wrdreg $0xFFFFFFFF  }
0xc0: {  	_ =	task.clear_ibuf [dreg:s6], $0x2FFFF;
	_ =	strace $0x9FFFFFFF  }
0xc1: {  	(tm) =	ssettm $0x7FFFFFFF  }
tec
execute0_lowered:
.L_overlay_start_1:
0x0: {  	(tag) =	ssettag $0x1  }
0x1: {  	s4 =	rddreg [dreg:$0x0]  }
0x2: {  	s0 =	rddreg [dreg:$0x1];
	s2 =	simm.s32 $0x0;
	s1 =	stileid.u32  }
0x3: {  	s5 =	srdreg.scid;
	[smem:$0x7FF] =	sst s2;
	s3 =	sadd.s32 $0x32B000, s4  }
0x4: {  	s6 =	sshll.u32 s1, $0x7;
	s7 =	sand.u32 $0x1, s5;
	s28 =	sshll.u32 s1, $0xE  }
0x5: {  	s31 =	sshll.u32 s1, $0x1;
	_ =	strace $0x80000056;
	s26 =	sadd.s32 s6, s4  }
0x6: {  	s8 =	ssub.s32 $0x2, s7;
	s6 =	sadd.s32 s28, s4;
	s9 =	sshll.u32 s7, $0x6  }
0x7: {  	s30 =	sshll.u32 s7, $0xD;
	s7 =	sor.u32 s7, s31;
	s29 =	sshrl.u32 s8, $0x1  }
0x8: {  	s5 =	sadd.s32 s9, s26;
	s6 =	sadd.s32 s30, s6;
	s4 =	ssub.s32 s8, s29  }
0x9: {  	s5 =	sadd.s32 $0x27400, s5;
	s6 =	sadd.s32 $0x59C000, s6;
	s4 =	smax.u32 s4, $0x1  }
.LBB2_1:
0xa: {  	s8 =	sadd.s32 $0x0, s7  }
0xb: {  	p0 =	sgt.u32 s8, $0x270  }
0xc: {  	s8 =	simm.s32 @!p0 $0x0;
	s9 =	simm.s32 @!p0 $0x3  }
0xd: {  	[tilespmem:s8], [sflag:$0x3] =	stream.linear.gather @!p0 [hbm4b:s5+s8], $0x200, $0x38;
	[tilespmem:$0x10200] =	vst v63  }
0xe: {  	_ =	swait.ge @!p0 [sflag:s9], $0x200  }
0xf: {  	[sflag:s9] =	ssyncset.done @!p0 $0x0;
	p0 =	por p0, p0  }
0x10: {  	[sflag:s9] =	ssyncadd.s32 @!p0 $0xFFFFFE00;
	s9 =	simm.s32 @!p0 $0x80;
	s10 =	simm.s32 @!p0 $0x200  }
0x11: {  	[tilespmem:s10], [sflag:$0x1] =	stream.indirect.gather @!p0 [hbm4b:s3+s9], $0x80, s8, s9, $0xb8;
	[tilespmem:$0x10200] =	vst v63  }
0x12: {  	s11 =	simm.s32 @!p0 $0x4200  }
0x13: {  	[tilespmem:s11], [sflag:$0x1] =	stream.indirect.gather @!p0 [hbm4b:s3+s9], $0x80, s9, s9, $0xb8;
	[tilespmem:$0x10200] =	vst v63  }
0x14: {  	s12 =	simm.s32 @!p0 $0x8200;
	s11 =	simm.s32 @!p0 $0x100  }
0x15: {  	[tilespmem:s12], [sflag:$0x1] =	stream.indirect.gather @!p0 [hbm4b:s3+s9], $0x80, s11, s9, $0xb8;
	[tilespmem:$0x10200] =	vst v63  }
0x16: {  	s13 =	simm.s32 @!p0 $0x1;
	s11 =	simm.s32 @!p0 $0x180;
	s12 =	simm.s32 @!p0 $0xC200  }
0x17: {  	[tilespmem:s12], [sflag:$0x1] =	stream.indirect.gather @!p0 [hbm4b:s3+s9], $0x80, s11, s9, $0xb8;
	[tilespmem:$0x10200] =	vst v63  }
0x18: {  	_ =	swait.ge @!p0 [sflag:s13], $0x4000  }
0x19: {  	[sflag:s13] =	ssyncset.done @!p0 $0x0  }
0x1a: {  	[sflag:s13] =	ssyncadd.s32 @!p0 $0xFFFFC000  }
0x1b: {  	_ =	swait.ge @!p0 [sflag:s13], $0x4000  }
0x1c: {  	[sflag:s13] =	ssyncset.done @!p0 $0x0  }
0x1d: {  	[sflag:s13] =	ssyncadd.s32 @!p0 $0xFFFFC000  }
0x1e: {  	_ =	swait.ge @!p0 [sflag:s13], $0x4000  }
0x1f: {  	[sflag:s13] =	ssyncset.done @!p0 $0x0  }
0x20: {  	[sflag:s13] =	ssyncadd.s32 @!p0 $0xFFFFC000  }
0x21: {  	_ =	swait.ge @!p0 [sflag:s13], $0x4000  }
0x22: {  	[sflag:s13] =	ssyncset.done @!p0 $0x0  }
0x23: {  	s31 =	sadd.s32 $0x20, s7;
	s11 =	simm.s32 @!p0 $0x2;
	[sflag:s13] =	ssyncadd.s32 @!p0 $0xFFFFC000  }
0x24: {  	[hbm4b:s6+s8] =	stream.linear.scatter @!p0 [tilespmem:s10], [sflag:$0x2], $0x10000, $0x38;
	[tilespmem:$0x10200] =	vst v63  }
0x25: {  	p2 =	sgt.u32 s31, $0x270;
	s9 =	simm.s32 $0x40;
	_ =	swait.ge @!p0 [sflag:s11], $0x10000  }
0x26: {  	s8 =	sadd.s32 $0x40000, s6;
	s10 =	sadd.s32 $0x800, s5;
	[sflag:s11] =	ssyncset.done @!p0 $0x0  }
.LBB2_2:
0x27: {  	s12 =	simm.s32 @!p2 $0x0;
	s13 =	simm.s32 @!p2 $0x3;
	[sflag:s11] =	ssyncadd.s32 @!p0 $0xFFFF0000  }
0x28: {  	[tilespmem:s12], [sflag:$0x3] =	stream.linear.gather @!p2 [hbm4b:s10+s12], $0x200, $0x38;
	[tilespmem:$0x10200] =	vst v63  }
0x29: {  	s14 =	smov.u32 s9;
	s9 =	sadd.s32 $0x20, s9;
	_ =	swait.ge @!p2 [sflag:s13], $0x200  }
0x2a: {  	p0 =	por p2, p2;
	p1 =	sne.s32 s9, $0x280;
	[sflag:s13] =	ssyncset.done @!p2 $0x0  }
0x2b: {  	s11 =	simm.s32 @!p0 $0x80;
	[sflag:s13] =	ssyncadd.s32 @!p0 $0xFFFFFE00;
	s13 =	simm.s32 @!p0 $0x200  }
0x2c: {  	[tilespmem:s13], [sflag:$0x1] =	stream.indirect.gather @!p0 [hbm4b:s3+s11], $0x80, s12, s11, $0xb8;
	[tilespmem:$0x10200] =	vst v63  }
0x2d: {  	s15 =	simm.s32 @!p0 $0x4200  }
0x2e: {  	[tilespmem:s15], [sflag:$0x1] =	stream.indirect.gather @!p0 [hbm4b:s3+s11], $0x80, s11, s11, $0xb8;
	[tilespmem:$0x10200] =	vst v63  }
0x2f: {  	s16 =	simm.s32 @!p0 $0x8200;
	s15 =	simm.s32 @!p0 $0x100  }
0x30: {  	[tilespmem:s16], [sflag:$0x1] =	stream.indirect.gather @!p0 [hbm4b:s3+s11], $0x80, s15, s11, $0xb8;
	[tilespmem:$0x10200] =	vst v63  }
0x31: {  	s17 =	simm.s32 @!p0 $0x1;
	s15 =	simm.s32 @!p0 $0x180;
	s16 =	simm.s32 @!p0 $0xC200  }
0x32: {  	[tilespmem:s16], [sflag:$0x1] =	stream.indirect.gather @!p0 [hbm4b:s3+s11], $0x80, s15, s11, $0xb8;
	[tilespmem:$0x10200] =	vst v63  }
0x33: {  	_ =	swait.ge @!p0 [sflag:s17], $0x4000  }
0x34: {  	[sflag:s17] =	ssyncset.done @!p0 $0x0  }
0x35: {  	[sflag:s17] =	ssyncadd.s32 @!p0 $0xFFFFC000  }
0x36: {  	_ =	swait.ge @!p0 [sflag:s17], $0x4000  }
0x37: {  	[sflag:s17] =	ssyncset.done @!p0 $0x0  }
0x38: {  	[sflag:s17] =	ssyncadd.s32 @!p0 $0xFFFFC000  }
0x39: {  	_ =	swait.ge @!p0 [sflag:s17], $0x4000  }
0x3a: {  	[sflag:s17] =	ssyncset.done @!p0 $0x0  }
0x3b: {  	[sflag:s17] =	ssyncadd.s32 @!p0 $0xFFFFC000  }
0x3c: {  	_ =	swait.ge @!p0 [sflag:s17], $0x4000  }
.Ltmp0:
0x3d: {  	[sflag:s17] =	ssyncset.done @!p0 $0x0;
	(pc) =	sbr.rel @p1 .LBB2_2-.Ltmp0, $4  }
0x3e: {  	s11 =	simm.s32 @!p0 $0x2;
	[sflag:s17] =	ssyncadd.s32 @!p0 $0xFFFFC000  }
0x3f: {  	[hbm4b:s8+s12] =	stream.linear.scatter @!p0 [tilespmem:s13], [sflag:$0x2], $0x10000, $0x38;
	[tilespmem:$0x10200] =	vst v63  }
0x40: {  	s12 =	sadd.s32 s14, s7;
	s8 =	sadd.s32 $0x40000, s8;
	_ =	swait.ge @!p0 [sflag:s11], $0x10000  }
0x41: {  	s10 =	sadd.s32 $0x800, s10;
	p2 =	sgt.u32 s12, $0x270;
	[sflag:s11] =	ssyncset.done @!p0 $0x0  }
0x42: {  	s9 =	simm.s32 @!p2 $0x0;
	s12 =	simm.s32 @!p2 $0x3;
	[sflag:s11] =	ssyncadd.s32 @!p0 $0xFFFF0000  }
0x43: {  	[tilespmem:s9], [sflag:$0x3] =	stream.linear.gather @!p2 [hbm4b:s10+s9], $0x200, $0x38;
	[tilespmem:$0x10200] =	vst v63  }
0x44: {  	_ =	swait.ge @!p2 [sflag:s12], $0x200  }
0x45: {  	p0 =	por p2, p2;
	[sflag:s12] =	ssyncset.done @!p2 $0x0  }
0x46: {  	s10 =	simm.s32 @!p0 $0x80;
	s11 =	simm.s32 @!p0 $0x200;
	[sflag:s12] =	ssyncadd.s32 @!p0 $0xFFFFFE00  }
0x47: {  	[tilespmem:s11], [sflag:$0x1] =	stream.indirect.gather @!p0 [hbm4b:s3+s10], $0x80, s9, s10, $0xb8;
	[tilespmem:$0x10200] =	vst v63  }
0x48: {  	s12 =	simm.s32 @!p0 $0x4200  }
0x49: {  	[tilespmem:s12], [sflag:$0x1] =	stream.indirect.gather @!p0 [hbm4b:s3+s10], $0x80, s10, s10, $0xb8;
	[tilespmem:$0x10200] =	vst v63  }
0x4a: {  	s13 =	simm.s32 @!p0 $0x8200;
	s12 =	simm.s32 @!p0 $0x100  }
0x4b: {  	[tilespmem:s13], [sflag:$0x1] =	stream.indirect.gather @!p0 [hbm4b:s3+s10], $0x80, s12, s10, $0xb8;
	[tilespmem:$0x10200] =	vst v63  }
0x4c: {  	s14 =	simm.s32 @!p0 $0x1;
	s12 =	simm.s32 @!p0 $0x180;
	s13 =	simm.s32 @!p0 $0xC200  }
0x4d: {  	[tilespmem:s13], [sflag:$0x1] =	stream.indirect.gather @!p0 [hbm4b:s3+s10], $0x80, s12, s10, $0xb8;
	[tilespmem:$0x10200] =	vst v63  }
0x4e: {  	_ =	swait.ge @!p0 [sflag:s14], $0x4000  }
0x4f: {  	[sflag:s14] =	ssyncset.done @!p0 $0x0  }
0x50: {  	[sflag:s14] =	ssyncadd.s32 @!p0 $0xFFFFC000  }
0x51: {  	_ =	swait.ge @!p0 [sflag:s14], $0x4000  }
0x52: {  	[sflag:s14] =	ssyncset.done @!p0 $0x0  }
0x53: {  	[sflag:s14] =	ssyncadd.s32 @!p0 $0xFFFFC000  }
0x54: {  	_ =	swait.ge @!p0 [sflag:s14], $0x4000  }
0x55: {  	[sflag:s14] =	ssyncset.done @!p0 $0x0  }
0x56: {  	[sflag:s14] =	ssyncadd.s32 @!p0 $0xFFFFC000  }
0x57: {  	s2 =	sadd.s32 $0x1, s2;
	_ =	swait.ge @!p0 [sflag:s14], $0x4000  }
0x58: {  	p1 =	sne.s32 s2, s4;
	[sflag:s14] =	ssyncset.done @!p0 $0x0  }
.Ltmp1:
0x59: {  	s10 =	simm.s32 @!p0 $0x2;
	[sflag:s14] =	ssyncadd.s32 @!p0 $0xFFFFC000;
	(pc) =	sbr.rel @p1 .LBB2_1-.Ltmp1, $4  }
0x5a: {  	[hbm4b:s8+s9] =	stream.linear.scatter @!p0 [tilespmem:s11], [sflag:$0x2], $0x10000, $0x38;
	[tilespmem:$0x10200] =	vst v63  }
0x5b: {  	_ =	swait.ge @!p0 [sflag:s10], $0x10000  }
0x5c: {  	[sflag:s10] =	ssyncset.done @!p0 $0x0  }
0x5d: {  	[sflag:s10] =	ssyncadd.s32 @!p0 $0xFFFF0000  }
0x5e: {  	_ =	sfence.sel $0x180000  }
0x5f: {  	[bflag:$0x0] =	sbarrier.arrive $0xFFFF  }
0x60: {  	p0 =	sne.s32 s1, $0x0;
	_ =	strace $0x90000056  }
0x61: {  	s0 =	sadd.s32 @!p0 $0x100000, s0;
	[bflag:$0x2] =	sbarrier.arrive $0xFFFF  }
0x62: {  	[sflag:s0] =	ssyncadd.tile.s32 @!p0 $0x1;
	_ =	shalt  }
.Lfunc_end2:
_tile_overlayer_lowered:
.L_overlay_start_2:
0x63: {  	(tag) =	ssettag $0x2  }
0x64: {  	s0 =	rddreg [dreg:$0x0];
	s2 =	stileid.u32  }
0x65: {  	s1 =	rddreg [dreg:$0x1];
	p0 =	sne.s32 s2, $0x0  }
0x66: {  	s3 =	rddreg [dreg:$0x2];
	[bflag:$0x3] =	sbarrier.arrive $0xFFFF;
	s2 =	simm.s32 @!p0 $0x1C02  }
0x67: {  	[timem:s3], [sflag:s2] =	dma.local @!p0 [hbm:s0], s1  }
0x68: {  	s0 =	simm.s32 @!p0 $0x2  }
0x69: {  	_ =	swait.ge @!p0 [sflag:s0], s1  }
0x6a: {  	s1 =	ssub.s32 @!p0 $0x0, s1;
	[sflag:s0] =	ssyncset.done @!p0 $0x0  }
0x6b: {  	[sflag:s0] =	ssyncadd.s32 @!p0 s1  }
0x6c: {  	[bflag:$0x3] =	sbarrier.arrive $0xFFFF  }
0x6d: {  	_ =	shalt  }

// kernel: kernel.35.cloned.1.call-start
scs
__scs_entry_jumppad:
0x0: {  	(pc) =	sbr.rel $0x88, $3  }
0x1: {  	(tag) =	ssettag $0x0;
	lr =	simm.s32 $0x1  }
0x2: {  	[smem:$0x3F73] =	sst lr;
	_ =	strace $0xD0000000  }
0x3: {  	_ = 	snop  }
0x4: {  	_ = 	snop  }
0x5: {  	_ = 	snop  }
0x6: {  	_ = 	snop  }
0x7: {  	_ = 	snop  }
__scs_overlays_trampoline_lowered:
0x8: {  	[smem:$0x3F82] =	sst s0  }
0x9: {  	[smem:$0x3F83] =	sst s1  }
0xa: {  	[smem:$0x3F84] =	sst s2  }
0xb: {  	[smem:$0x3F85] =	sst s3  }
0xc: {  	[smem:$0x3F86] =	sst s4  }
0xd: {  	[smem:$0x3F87] =	sst s5  }
0xe: {  	[smem:$0x3F88] =	sst s6  }
0xf: {  	[smem:$0x3F89] =	sst s7  }
0x10: {  	[smem:$0x3F8A] =	sst s8  }
0x11: {  	[smem:$0x3F8B] =	sst s9;
	s0 =	simm.s32 @!p0 $0x0  }
0x12: {  	s1 =	sld [smem:$0x3F71];
	s0 =	simm.s32 @p0 $0x1  }
0x13: {  	[smem:$0x3F8C] =	sst s0;
	s0 =	simm.s32 @!p1 $0x0  }
0x14: {  	s2 =	sld [smem:$0x3F70];
	s0 =	simm.s32 @p1 $0x1  }
0x15: {  	[smem:$0x3F8D] =	sst s0;
	s0 =	simm.s32 @!p2 $0x0  }
0x16: {  	s3 =	sld [smem:$0x3FDB];
	s0 =	simm.s32 @p2 $0x1  }
0x17: {  	s4 =	simm.s32 $0x1BF5;
	[smem:$0x3F8F] =	sst s0  }
0x18: {  	s0 =	sld [smem:$0x3F72];
	_ =	swait.ge [sflag:s4], $0x0  }
0x19: {  	s7 =	sld [smem:$0x3F73]  }
0x1a: {  	s8 =	sadd.s32 $0xFFFFE003, lr  }
0x1b: {  	s9 =	sadd.s32 $0xFFFFFEF7, lr;
	s5 =	simm.s32 $0xFFFFFFFF;
	p2 =	slt.u32 s8, $0xFFFFF086  }
0x1c: {  	p1 =	slt.u32 s9, $0xF7A;
	s5 =	simm.s32 @!p2 $0x0  }
0x1d: {  	s5 =	simm.s32 @p1 $0x1;
	p0 =	seq.s32 s7, s2  }
0x1e: {  	s7 =	smul.u32 @!p0 $0xF7A, s2;
	p2 =	seq.s32 @!p0 s5, $0x0  }
0x1f: {  	s9 =	smul.u32 $0xF7A, s1;
	s8 =	simm.s32 @!p0 $0x1BF5;
	p2 =	por !p2, p0  }
0x20: {  	[sflag:s8] =	ssyncset.s32 @!p0 $0xFFFFF086;
	s6 =	sadd.s32 @!p0 s3, s7;
	s7 =	simm.s32 @!p0 $0x108  }
0x21: {  	s3 =	sadd.s32 s3, s9;
	s6 =	sadd.s32 @!p0 $0x88, s6;
	s7 =	simm.s32 @p2 $0x1082  }
0x22: {  	[simem:s7], [sflag:s8] =	dma.local @!p0 [hbm:s6], $0xF7A  }
0x23: {  	s9 =	sor.u32 $0xD0000000, s2;
	s6 =	simm.s32 $0x108;
	_ =	swait.ge @!p0 [sflag:s8], $0x0  }
0x24: {  	s3 =	sadd.s32 $0x88, s3;
	s6 =	simm.s32 @!p1 $0x1082;
	[sflag:s4] =	ssyncset.s32 $0xFFFFF086  }
0x25: {  	[simem:s6], [sflag:s4] =	dma.local [hbm:s3], $0xF7A  }
0x26: {  	[smem:$0x3F73] =	sst s1;
	(tag) =	ssettag s2;
	_ =	strace s9  }
0x27: {  	s1 =	sld [smem:$0x3F83]  }
0x28: {  	s2 =	sld [smem:$0x3F84]  }
0x29: {  	s4 =	sld [smem:$0x3F86]  }
0x2a: {  	p0 =	seq.s32 s5, $0x0;
	s5 =	sld [smem:$0x3F87]  }
0x2b: {  	s6 =	sld [smem:$0x3F88]  }
0x2c: {  	s7 =	sld [smem:$0x3F89]  }
0x2d: {  	s3 =	simm.s32 $0x108;
	s8 =	sld [smem:$0x3F8A]  }
0x2e: {  	s3 =	simm.s32 @!p0 $0x1082;
	s9 =	sld [smem:$0x3F8B]  }
0x2f: {  	lr =	sadd.s32 s0, s3;
	s0 =	sld [smem:$0x3F82]  }
0x30: {  	s3 =	sld [smem:$0x3F85]  }
0x31: {  	[smem:$0x3F8E] =	sst s10  }
0x32: {  	s10 =	sld [smem:$0x3F8C];
	_ =	sdelay $0x3  }
0x33: {  	p0 =	seq.s32 s10, $0x1;
	s10 =	sld [smem:$0x3F8E];
	_ =	sdelay $0x3  }
0x34: {  	[smem:$0x3F8E] =	sst s10  }
0x35: {  	s10 =	sld [smem:$0x3F8D];
	_ =	sdelay $0x3  }
0x36: {  	p1 =	seq.s32 s10, $0x1;
	s10 =	sld [smem:$0x3F8E];
	_ =	sdelay $0x3  }
0x37: {  	[smem:$0x3F8E] =	sst s10  }
0x38: {  	s10 =	sld [smem:$0x3F8F]  }
0x39: {  	_ = 	snop;
	(pc) =	sbr.ind lr, $3  }
0x3a: {  	_ = 	snop  }
0x3b: {  	_ = 	snop  }
0x3c: {  	p2 =	seq.s32 s10, $0x1;
	s10 =	sld [smem:$0x3F8E]  }
0x3d: {  	_ =	shalt  }
0x3e: {  	_ =	shalt  }
0x3f: {  	_ =	shalt  }
0x40: {  	_ =	shalt  }
0x41: {  	_ =	shalt  }
0x42: {  	_ =	shalt  }
0x43: {  	_ =	shalt  }
0x44: {  	_ =	shalt  }
0x45: {  	_ =	shalt  }
0x46: {  	_ =	shalt  }
0x47: {  	_ =	shalt  }
0x48: {  	_ =	shalt  }
0x49: {  	_ =	shalt  }
0x4a: {  	_ =	shalt  }
0x4b: {  	_ =	shalt  }
0x4c: {  	_ =	shalt  }
0x4d: {  	_ =	shalt  }
0x4e: {  	_ =	shalt  }
0x4f: {  	_ =	shalt  }
0x50: {  	_ =	shalt  }
0x51: {  	_ =	shalt  }
0x52: {  	_ =	shalt  }
0x53: {  	_ =	shalt  }
0x54: {  	_ =	shalt  }
0x55: {  	_ =	shalt  }
0x56: {  	_ =	shalt  }
0x57: {  	_ =	shalt  }
0x58: {  	_ =	shalt  }
0x59: {  	_ =	shalt  }
0x5a: {  	_ =	shalt  }
0x5b: {  	_ =	shalt  }
0x5c: {  	_ =	shalt  }
0x5d: {  	_ =	shalt  }
0x5e: {  	_ =	shalt  }
0x5f: {  	_ =	shalt  }
0x60: {  	_ =	shalt  }
0x61: {  	_ =	shalt  }
0x62: {  	_ =	shalt  }
0x63: {  	_ =	shalt  }
0x64: {  	_ =	shalt  }
0x65: {  	_ =	shalt  }
0x66: {  	_ =	shalt  }
0x67: {  	_ =	shalt  }
0x68: {  	_ =	shalt  }
0x69: {  	_ =	shalt  }
0x6a: {  	_ =	shalt  }
0x6b: {  	_ =	shalt  }
0x6c: {  	_ =	shalt  }
0x6d: {  	_ =	shalt  }
0x6e: {  	_ =	shalt  }
0x6f: {  	_ =	shalt  }
0x70: {  	_ =	shalt  }
0x71: {  	_ =	shalt  }
0x72: {  	_ =	shalt  }
0x73: {  	_ =	shalt  }
0x74: {  	_ =	shalt  }
0x75: {  	_ =	shalt  }
0x76: {  	_ =	shalt  }
0x77: {  	_ =	shalt  }
0x78: {  	_ =	shalt  }
0x79: {  	_ =	shalt  }
0x7a: {  	_ =	shalt  }
0x7b: {  	_ =	shalt  }
0x7c: {  	_ =	shalt  }
0x7d: {  	_ =	shalt  }
0x7e: {  	_ =	shalt  }
0x7f: {  	_ =	shalt  }
0x80: {  	_ =	shalt  }
0x81: {  	_ =	shalt  }
0x82: {  	_ =	shalt  }
0x83: {  	_ =	shalt  }
0x84: {  	_ =	shalt  }
0x85: {  	_ =	shalt  }
0x86: {  	_ =	shalt  }
0x87: {  	_ =	shalt  }
.Lfunc_end0:
.L_simem_size_0:
called_computation.6_lowered:
.L_overlay_start_0:
0x88: {  	s2 =	sld [smem:$0x3FD9]  }
0x89: {  	s3 =	sld [smem:$0x3FFE];
	_ =	sdelay $0x1  }
0x8a: {  	s1 =	srdreg.scid  }
0x8b: {  	s0 =	sand.u32 $0x1, s1  }
0x8c: {  	s17 =	sshll.u32 s0, $0xA;
	s2 =	sadd.s32 s3, s2  }
0x8d: {  	s2 =	sadd.s32 s2, s17  }
0x8e: {  	[smem:$0x3F9A] =	sst s2  }
0x8f: {  	_ = 	snop  }
0x90: {  	(tm) =	ssettm $0x1  }
0x91: {  	s18 =	sld [smem:$0x3FFB];
	_ =	sdelay $0x3  }
0x92: {  	_ =	strace s18  }
0x93: {  	s2 =	sld [smem:$0x3FFC];
	_ =	sdelay $0x3  }
0x94: {  	_ =	strace s2  }
0x95: {  	s2 =	sld [smem:$0x3FFD];
	_ =	sdelay $0x3  }
0x96: {  	_ =	strace s2  }
0x97: {  	_ =	strace $0x8FFFFFFF  }
0x98: {  	s19 =	sld [smem:$0x3FDB];
	_ =	sdelay $0x1  }
0x99: {  	s20 =	simm.s32 $_scs_section_size  }
0x9a: {  	s4 =	simm.s32 $_size__tile_overlayer_lowered;
	s5 =	simm.s32 $_tile_overlayer_lowered  }
0x9b: {  	s6 =	simm.s32 $0x1BFF;
	s21 =	sshll.u32 s5, $0x1;
	s3 =	sadd.s32 s20, s19  }
0x9c: {  	s22 =	simm.s32 $0x0;
	s4 =	sshll.u32 s4, $0x1;
	s5 =	sadd.s32 s21, s3  }
0x9d: {  	[timem:s22], [sflag:s6] =	dma.local [hbm:s5], s4  }
0x9e: {  	_ =	swait.ge [sflag:s6], s4  }
0x9f: {  	s4 =	ssub.s32 $0x0, s4;
	[sflag:s6] =	ssyncset.done $0x0  }
0xa0: {  	[sflag:s6] =	ssyncadd.s32 s4;
	_ =	sdelay $0x1  }
0xa1: {  	s23 =	simm.s32 $0x1B8B  }
0xa2: {  	_ =	swait.ge [sflag:s23], $0x1  }
0xa3: {  	[sflag:s23] =	ssyncset.done $0x0  }
0xa4: {  	[sflag:s23] =	ssyncadd.s32 $0xFFFFFFFF  }
0xa5: {  	s4 =	sld [smem:$0x0]  }
0xa6: {  	s5 =	sand.u32 $0xFFFFFFFE, s1  }
0xa7: {  	p0 =	sne.s32 s1, s5  }
0xa8: {  	s5 =	sshll.u32 @p0 s5, $0xE  }
0xa9: {  	s5 =	sadd.s32 @p0 $0x11B8D, s5;
	s6 =	sshll.u32 @p0 s4, $0x11  }
0xaa: {  	s5 =	sor.u32 @p0 s6, s5  }
0xab: {  	[sflag:s5] =	ssyncadd.remote.s32 @p0 $0x1;
	_ =	sdelay $0x1  }
0xac: {  	s5 =	simm.s32 @p0 $0x1B8D  }
0xad: {  	_ =	swait.eq @p0 [sflag:s5], $0x1  }
0xae: {  	[sflag:s5] =	ssyncadd.s32 @p0 $0xFFFFFFFF  }
0xaf: {  	s6 =	sshll.u32 @!p0 s1, $0xE  }
0xb0: {  	s6 =	sor.u32 @!p0 $0x4000, s6;
	s5 =	simm.s32 @!p0 $0x1B8D  }
0xb1: {  	s4 =	sshll.u32 @!p0 s4, $0x11;
	s6 =	sadd.s32 @!p0 $0x11B8D, s6;
	_ =	swait.eq @!p0 [sflag:s5], $0x1  }
0xb2: {  	s4 =	sor.u32 @!p0 s4, s6;
	[sflag:s5] =	ssyncadd.s32 @!p0 $0xFFFFFFFF  }
0xb3: {  	s25 =	simm.s32 $0x1B8E;
	s24 =	sld [smem:$0x3FFE];
	[sflag:s4] =	ssyncadd.remote.s32 @!p0 $0x1  }
0xb4: {  	s26 =	simm.s32 $execute0_lowered;
	[smem:$0x3FD2] =	sst s25  }
0xb5: {  	s5 =	sshll.u32 s26, $0x1;
	_ =	strace $0x8000005B;
	[dreg:$0x1] =	wrdreg $0xFFFFFFFF  }
0xb6: {  	s28 =	simm.s32 $_size_execute0_lowered;
	s3 =	sadd.s32 s3, s5;
	[dreg:$0x0] =	wrdreg $0x0  }
0xb7: {  	s5 =	sshll.u32 s28, $0x1;
	[dreg:$0x2] =	wrdreg s3  }
0xb8: {  	[dreg:$0x3] =	wrdreg s5  }
0xb9: {  	[dreg:$0x4] =	wrdreg $0xC0  }
0xba: {  	_ =	task [dreg:s22], $0x5FFFF  }
0xbb: {  	[dreg:$0x1] =	wrdreg $0xFFFFFFFF  }
0xbc: {  	[dreg:$0x0] =	wrdreg $0x60  }
0xbd: {  	[dreg:$0x2] =	wrdreg s24  }
0xbe: {  	[dreg:$0x3] =	wrdreg $0x9  }
0xbf: {  	_ =	task.clear_ibuf [dreg:s22], $0x4FFFF;
	_ =	strace $0x9000005B  }
0xc0: {  	s29 =	simm.s32 $0x9;
	_ =	strace $0x8000005D  }
0xc1: {  	_ =	swait.ge [sflag:s29], $0x1  }
0xc2: {  	[sflag:s29] =	ssyncadd.s32 $0xFFFFFFFF  }
0xc3: {  	_ =	strace $0x9000005D  }
0xc4: {  	_ =	sfence  }
0xc5: {  	s30 =	sld [smem:$0x0];
	_ =	sdelay $0x2  }
0xc6: {  	s31 =	sshll.u32 s1, $0xD;
	s1 =	sshrl.u32 s1, $0x2  }
0xc7: {  	s4 =	sand.u32 $0x4000, s31;
	s1 =	sadd.s32 s1, s30  }
0xc8: {  	s0 =	sor.u32 s4, s0;
	s1 =	sshll.u32 s1, $0x11  }
0xc9: {  	s0 =	sor.u32 s1, s0  }
0xca: {  	s0 =	sadd.s32 $0x8F2B, s0  }
0xcb: {  	[sflag:s0] =	ssyncadd.remote.s32 $0x1  }
0xcc: {  	_ =	sfence.sel $0xFFFF  }
0xcd: {  	[dreg:$0x0] =	wrdreg $0xFFFFFFFF;
	(pc) =	sbr.abs _section_cstart, $3  }
0xce: {  	[dreg:$0x1] =	wrdreg $0xFFFFFFFF  }
0xcf: {  	_ =	task.clear_ibuf [dreg:s22], $0x2FFFF;
	_ =	strace $0x9FFFFFFF  }
0xd0: {  	(tm) =	ssettm $0x7FFFFFFF  }
0xd1: {  	_ =	shalt  }
tec
execute0_lowered:
.L_overlay_start_1:
0x0: {  	(tag) =	ssettag $0x1  }
0x1: {  	s1 =	srdreg.scid;
	s0 =	stileid.u32  }
0x2: {  	s14 =	sand.u32 $0x1, s1;
	s29 =	sshll.u32 s0, $0x1  }
0x3: {  	s15 =	rddreg [dreg:$0x0];
	s16 =	sor.u32 s14, s29  }
0x4: {  	s2 =	simm.s32 $0x0;
	s1 =	rddreg [dreg:$0x1];
	s3 =	sshll.u32 s16, $0x6  }
0x5: {  	[smem:$0x7FF] =	sst s2;
	s3 =	sadd.s32 s3, s15  }
0x6: {  	_ =	strace $0x8000005C;
	s4 =	sadd.s32 $0x34C00, s3;
	s3 =	simm.s32 $0x2  }
0x7: {  	[tilespmem:s2], [sflag:$0x2] =	stream.linear.gather [hbm4b:s4+s2], $0x200, $0x38;
	[tilespmem:$0x10200] =	vst v63  }
0x8: {  	_ =	swait.ge [sflag:s3], $0x200  }
0x9: {  	s6 =	simm.s32 $0x80;
	[sflag:s3] =	ssyncset.done $0x0  }
0xa: {  	s7 =	simm.s32 $0x200;
	s5 =	sadd.s32 $0x59C000, s15;
	[sflag:s3] =	ssyncadd.s32 $0xFFFFFE00  }
0xb: {  	[tilespmem:s7], [sflag:$0x1] =	stream.indirect.gather [hbm4b:s5+s6], $0x80, s2, s6, $0xb8;
	[tilespmem:$0x10200] =	vst v63  }
0xc: {  	s8 =	simm.s32 $0x4200  }
0xd: {  	[tilespmem:s8], [sflag:$0x1] =	stream.indirect.gather [hbm4b:s5+s6], $0x80, s6, s6, $0xb8;
	[tilespmem:$0x10200] =	vst v63  }
0xe: {  	s9 =	simm.s32 $0x100;
	s10 =	simm.s32 $0x8200  }
0xf: {  	[tilespmem:s10], [sflag:$0x1] =	stream.indirect.gather [hbm4b:s5+s6], $0x80, s9, s6, $0xb8;
	[tilespmem:$0x10200] =	vst v63  }
0x10: {  	s11 =	simm.s32 $0x180;
	s12 =	simm.s32 $0xC200;
	s13 =	simm.s32 $0x1  }
0x11: {  	[tilespmem:s12], [sflag:$0x1] =	stream.indirect.gather [hbm4b:s5+s6], $0x80, s11, s6, $0xb8;
	[tilespmem:$0x10200] =	vst v63  }
0x12: {  	_ =	swait.ge [sflag:s13], $0x4000  }
0x13: {  	[sflag:s13] =	ssyncset.done $0x0  }
0x14: {  	[sflag:s13] =	ssyncadd.s32 $0xFFFFC000  }
0x15: {  	_ =	swait.ge [sflag:s13], $0x4000  }
0x16: {  	[sflag:s13] =	ssyncset.done $0x0  }
0x17: {  	s14 =	ssub.s32 $0x2, s14;
	[sflag:s13] =	ssyncadd.s32 $0xFFFFC000  }
0x18: {  	s17 =	sshrl.u32 s14, $0x1;
	_ =	swait.ge [sflag:s13], $0x4000  }
0x19: {  	s30 =	ssub.s32 s14, s17;
	[sflag:s13] =	ssyncset.done $0x0  }
0x1a: {  	s31 =	smax.u32 s30, $0x1;
	[sflag:s13] =	ssyncadd.s32 $0xFFFFC000  }
0x1b: {  	s16 =	sshll.u32 s16, $0xD;
	p0 =	sne.s32 s31, $0x1;
	_ =	swait.ge [sflag:s13], $0x4000  }
.Ltmp0:
0x1c: {  	s15 =	sadd.s32 s16, s15;
	[sflag:s13] =	ssyncset.done $0x0;
	(pc) =	sbr.rel @!p0 .LBB2_2-.Ltmp0, $4  }
0x1d: {  	s14 =	sadd.s32 $0xFA000, s15;
	[sflag:s13] =	ssyncadd.s32 $0xFFFFC000  }
0x1e: {  	[hbm4b:s14+s2] =	stream.linear.scatter [tilespmem:s7], [sflag:$0x2], $0x10000, $0x38;
	[tilespmem:$0x10200] =	vst v63  }
0x1f: {  	_ =	swait.ge [sflag:s3], $0x10000  }
0x20: {  	s15 =	sadd.s32 $0xFFFFFFFF, s31;
	[sflag:s3] =	ssyncset.done $0x0  }
.LBB2_1:
0x21: {  	p0 =	sne.s32 s15, $0x1;
	s15 =	sadd.s32 $0xFFFFFFFF, s15;
	[sflag:s3] =	ssyncadd.s32 $0xFFFF0000  }
0x22: {  	[tilespmem:s2], [sflag:$0x2] =	stream.linear.gather [hbm4b:s4+s2], $0x200, $0x38;
	[tilespmem:$0x10200] =	vst v63  }
0x23: {  	_ =	swait.ge [sflag:s3], $0x200  }
0x24: {  	[sflag:s3] =	ssyncset.done $0x0  }
0x25: {  	[sflag:s3] =	ssyncadd.s32 $0xFFFFFE00  }
0x26: {  	[tilespmem:s7], [sflag:$0x1] =	stream.indirect.gather [hbm4b:s5+s6], $0x80, s2, s6, $0xb8;
	[tilespmem:$0x10200] =	vst v63  }
0x27: {  	_ = 	snop  }
0x28: {  	[tilespmem:s8], [sflag:$0x1] =	stream.indirect.gather [hbm4b:s5+s6], $0x80, s6, s6, $0xb8;
	[tilespmem:$0x10200] =	vst v63  }
0x29: {  	_ = 	snop  }
0x2a: {  	[tilespmem:s10], [sflag:$0x1] =	stream.indirect.gather [hbm4b:s5+s6], $0x80, s9, s6, $0xb8;
	[tilespmem:$0x10200] =	vst v63  }
0x2b: {  	_ = 	snop  }
0x2c: {  	[tilespmem:s12], [sflag:$0x1] =	stream.indirect.gather [hbm4b:s5+s6], $0x80, s11, s6, $0xb8;
	[tilespmem:$0x10200] =	vst v63  }
0x2d: {  	_ =	swait.ge [sflag:s13], $0x4000  }
0x2e: {  	[sflag:s13] =	ssyncset.done $0x0  }
0x2f: {  	[sflag:s13] =	ssyncadd.s32 $0xFFFFC000  }
0x30: {  	_ =	swait.ge [sflag:s13], $0x4000  }
0x31: {  	[sflag:s13] =	ssyncset.done $0x0  }
0x32: {  	[sflag:s13] =	ssyncadd.s32 $0xFFFFC000  }
0x33: {  	_ =	swait.ge [sflag:s13], $0x4000  }
0x34: {  	[sflag:s13] =	ssyncset.done $0x0  }
0x35: {  	[sflag:s13] =	ssyncadd.s32 $0xFFFFC000  }
0x36: {  	_ =	swait.ge [sflag:s13], $0x4000  }
.Ltmp1:
0x37: {  	[sflag:s13] =	ssyncset.done $0x0;
	(pc) =	sbr.rel @p0 .LBB2_1-.Ltmp1, $4  }
0x38: {  	[sflag:s13] =	ssyncadd.s32 $0xFFFFC000  }
0x39: {  	[hbm4b:s14+s2] =	stream.linear.scatter [tilespmem:s7], [sflag:$0x2], $0x10000, $0x38;
	[tilespmem:$0x10200] =	vst v63  }
0x3a: {  	_ =	swait.ge [sflag:s3], $0x10000  }
0x3b: {  	[sflag:s3] =	ssyncset.done $0x0  }
.LBB2_2:
0x3c: {  	[sflag:s3] =	ssyncadd.s32 $0xFFFF0000  }
0x3d: {  	_ =	sfence.sel $0x180000  }
0x3e: {  	[bflag:$0x0] =	sbarrier.arrive $0xFFFF  }
0x3f: {  	p0 =	sne.s32 s0, $0x0;
	_ =	strace $0x9000005C  }
0x40: {  	s0 =	sadd.s32 @!p0 $0x100000, s1;
	[bflag:$0x2] =	sbarrier.arrive $0xFFFF  }
0x41: {  	[sflag:s0] =	ssyncadd.tile.s32 @!p0 $0x1;
	_ =	shalt  }
.Lfunc_end2:
_tile_overlayer_lowered:
.L_overlay_start_2:
0x42: {  	(tag) =	ssettag $0x2  }
0x43: {  	s0 =	rddreg [dreg:$0x0];
	s2 =	stileid.u32  }
0x44: {  	s1 =	rddreg [dreg:$0x1];
	p0 =	sne.s32 s2, $0x0  }
0x45: {  	s3 =	rddreg [dreg:$0x2];
	[bflag:$0x3] =	sbarrier.arrive $0xFFFF;
	s2 =	simm.s32 @!p0 $0x1C02  }
0x46: {  	[timem:s3], [sflag:s2] =	dma.local @!p0 [hbm:s0], s1  }
0x47: {  	s0 =	simm.s32 @!p0 $0x2  }
0x48: {  	_ =	swait.ge @!p0 [sflag:s0], s1  }
0x49: {  	s1 =	ssub.s32 @!p0 $0x0, s1;
	[sflag:s0] =	ssyncset.done @!p0 $0x0  }
0x4a: {  	[sflag:s0] =	ssyncadd.s32 @!p0 s1  }
0x4b: {  	[bflag:$0x3] =	sbarrier.arrive $0xFFFF  }
0x4c: {  	_ =	shalt  }

// kernel: kernel.38.cloned.1.call-start
scs
__scs_entry_jumppad:
0x0: {  	(pc) =	sbr.rel $0x88, $3  }
0x1: {  	(tag) =	ssettag $0x0;
	lr =	simm.s32 $0x1  }
0x2: {  	[smem:$0x3F73] =	sst lr;
	_ =	strace $0xD0000000  }
0x3: {  	_ = 	snop  }
0x4: {  	_ = 	snop  }
0x5: {  	_ = 	snop  }
0x6: {  	_ = 	snop  }
0x7: {  	_ = 	snop  }
__scs_overlays_trampoline_lowered:
0x8: {  	[smem:$0x3F82] =	sst s0  }
0x9: {  	[smem:$0x3F83] =	sst s1  }
0xa: {  	[smem:$0x3F84] =	sst s2  }
0xb: {  	[smem:$0x3F85] =	sst s3  }
0xc: {  	[smem:$0x3F86] =	sst s4  }
0xd: {  	[smem:$0x3F87] =	sst s5  }
0xe: {  	[smem:$0x3F88] =	sst s6  }
0xf: {  	[smem:$0x3F89] =	sst s7  }
0x10: {  	[smem:$0x3F8A] =	sst s8  }
0x11: {  	[smem:$0x3F8B] =	sst s9;
	s0 =	simm.s32 @!p0 $0x0  }
0x12: {  	s1 =	sld [smem:$0x3F71];
	s0 =	simm.s32 @p0 $0x1  }
0x13: {  	[smem:$0x3F8C] =	sst s0;
	s0 =	simm.s32 @!p1 $0x0  }
0x14: {  	s2 =	sld [smem:$0x3F70];
	s0 =	simm.s32 @p1 $0x1  }
0x15: {  	[smem:$0x3F8D] =	sst s0;
	s0 =	simm.s32 @!p2 $0x0  }
0x16: {  	s3 =	sld [smem:$0x3FDB];
	s0 =	simm.s32 @p2 $0x1  }
0x17: {  	s4 =	simm.s32 $0x1BF5;
	[smem:$0x3F8F] =	sst s0  }
0x18: {  	s0 =	sld [smem:$0x3F72];
	_ =	swait.ge [sflag:s4], $0x0  }
0x19: {  	s7 =	sld [smem:$0x3F73]  }
0x1a: {  	s8 =	sadd.s32 $0xFFFFE003, lr  }
0x1b: {  	s9 =	sadd.s32 $0xFFFFFEF7, lr;
	s5 =	simm.s32 $0xFFFFFFFF;
	p2 =	slt.u32 s8, $0xFFFFF086  }
0x1c: {  	p1 =	slt.u32 s9, $0xF7A;
	s5 =	simm.s32 @!p2 $0x0  }
0x1d: {  	s5 =	simm.s32 @p1 $0x1;
	p0 =	seq.s32 s7, s2  }
0x1e: {  	s7 =	smul.u32 @!p0 $0xF7A, s2;
	p2 =	seq.s32 @!p0 s5, $0x0  }
0x1f: {  	s9 =	smul.u32 $0xF7A, s1;
	s8 =	simm.s32 @!p0 $0x1BF5;
	p2 =	por !p2, p0  }
0x20: {  	[sflag:s8] =	ssyncset.s32 @!p0 $0xFFFFF086;
	s6 =	sadd.s32 @!p0 s3, s7;
	s7 =	simm.s32 @!p0 $0x108  }
0x21: {  	s3 =	sadd.s32 s3, s9;
	s6 =	sadd.s32 @!p0 $0x88, s6;
	s7 =	simm.s32 @p2 $0x1082  }
0x22: {  	[simem:s7], [sflag:s8] =	dma.local @!p0 [hbm:s6], $0xF7A  }
0x23: {  	s9 =	sor.u32 $0xD0000000, s2;
	s6 =	simm.s32 $0x108;
	_ =	swait.ge @!p0 [sflag:s8], $0x0  }
0x24: {  	s3 =	sadd.s32 $0x88, s3;
	s6 =	simm.s32 @!p1 $0x1082;
	[sflag:s4] =	ssyncset.s32 $0xFFFFF086  }
0x25: {  	[simem:s6], [sflag:s4] =	dma.local [hbm:s3], $0xF7A  }
0x26: {  	[smem:$0x3F73] =	sst s1;
	(tag) =	ssettag s2;
	_ =	strace s9  }
0x27: {  	s1 =	sld [smem:$0x3F83]  }
0x28: {  	s2 =	sld [smem:$0x3F84]  }
0x29: {  	s4 =	sld [smem:$0x3F86]  }
0x2a: {  	p0 =	seq.s32 s5, $0x0;
	s5 =	sld [smem:$0x3F87]  }
0x2b: {  	s6 =	sld [smem:$0x3F88]  }
0x2c: {  	s7 =	sld [smem:$0x3F89]  }
0x2d: {  	s3 =	simm.s32 $0x108;
	s8 =	sld [smem:$0x3F8A]  }
0x2e: {  	s3 =	simm.s32 @!p0 $0x1082;
	s9 =	sld [smem:$0x3F8B]  }
0x2f: {  	lr =	sadd.s32 s0, s3;
	s0 =	sld [smem:$0x3F82]  }
0x30: {  	s3 =	sld [smem:$0x3F85]  }
0x31: {  	[smem:$0x3F8E] =	sst s10  }
0x32: {  	s10 =	sld [smem:$0x3F8C];
	_ =	sdelay $0x3  }
0x33: {  	p0 =	seq.s32 s10, $0x1;
	s10 =	sld [smem:$0x3F8E];
	_ =	sdelay $0x3  }
0x34: {  	[smem:$0x3F8E] =	sst s10  }
0x35: {  	s10 =	sld [smem:$0x3F8D];
	_ =	sdelay $0x3  }
0x36: {  	p1 =	seq.s32 s10, $0x1;
	s10 =	sld [smem:$0x3F8E];
	_ =	sdelay $0x3  }
0x37: {  	[smem:$0x3F8E] =	sst s10  }
0x38: {  	s10 =	sld [smem:$0x3F8F]  }
0x39: {  	_ = 	snop;
	(pc) =	sbr.ind lr, $3  }
0x3a: {  	_ = 	snop  }
0x3b: {  	_ = 	snop  }
0x3c: {  	p2 =	seq.s32 s10, $0x1;
	s10 =	sld [smem:$0x3F8E]  }
0x3d: {  	_ =	shalt  }
0x3e: {  	_ =	shalt  }
0x3f: {  	_ =	shalt  }
0x40: {  	_ =	shalt  }
0x41: {  	_ =	shalt  }
0x42: {  	_ =	shalt  }
0x43: {  	_ =	shalt  }
0x44: {  	_ =	shalt  }
0x45: {  	_ =	shalt  }
0x46: {  	_ =	shalt  }
0x47: {  	_ =	shalt  }
0x48: {  	_ =	shalt  }
0x49: {  	_ =	shalt  }
0x4a: {  	_ =	shalt  }
0x4b: {  	_ =	shalt  }
0x4c: {  	_ =	shalt  }
0x4d: {  	_ =	shalt  }
0x4e: {  	_ =	shalt  }
0x4f: {  	_ =	shalt  }
0x50: {  	_ =	shalt  }
0x51: {  	_ =	shalt  }
0x52: {  	_ =	shalt  }
0x53: {  	_ =	shalt  }
0x54: {  	_ =	shalt  }
0x55: {  	_ =	shalt  }
0x56: {  	_ =	shalt  }
0x57: {  	_ =	shalt  }
0x58: {  	_ =	shalt  }
0x59: {  	_ =	shalt  }
0x5a: {  	_ =	shalt  }
0x5b: {  	_ =	shalt  }
0x5c: {  	_ =	shalt  }
0x5d: {  	_ =	shalt  }
0x5e: {  	_ =	shalt  }
0x5f: {  	_ =	shalt  }
0x60: {  	_ =	shalt  }
0x61: {  	_ =	shalt  }
0x62: {  	_ =	shalt  }
0x63: {  	_ =	shalt  }
0x64: {  	_ =	shalt  }
0x65: {  	_ =	shalt  }
0x66: {  	_ =	shalt  }
0x67: {  	_ =	shalt  }
0x68: {  	_ =	shalt  }
0x69: {  	_ =	shalt  }
0x6a: {  	_ =	shalt  }
0x6b: {  	_ =	shalt  }
0x6c: {  	_ =	shalt  }
0x6d: {  	_ =	shalt  }
0x6e: {  	_ =	shalt  }
0x6f: {  	_ =	shalt  }
0x70: {  	_ =	shalt  }
0x71: {  	_ =	shalt  }
0x72: {  	_ =	shalt  }
0x73: {  	_ =	shalt  }
0x74: {  	_ =	shalt  }
0x75: {  	_ =	shalt  }
0x76: {  	_ =	shalt  }
0x77: {  	_ =	shalt  }
0x78: {  	_ =	shalt  }
0x79: {  	_ =	shalt  }
0x7a: {  	_ =	shalt  }
0x7b: {  	_ =	shalt  }
0x7c: {  	_ =	shalt  }
0x7d: {  	_ =	shalt  }
0x7e: {  	_ =	shalt  }
0x7f: {  	_ =	shalt  }
0x80: {  	_ =	shalt  }
0x81: {  	_ =	shalt  }
0x82: {  	_ =	shalt  }
0x83: {  	_ =	shalt  }
0x84: {  	_ =	shalt  }
0x85: {  	_ =	shalt  }
0x86: {  	_ =	shalt  }
0x87: {  	_ =	shalt  }
.Lfunc_end0:
.L_simem_size_0:
called_computation.7_lowered:
.L_overlay_start_0:
0x88: {  	s2 =	sld [smem:$0x3FD9]  }
0x89: {  	s3 =	sld [smem:$0x3FFE];
	_ =	sdelay $0x1  }
0x8a: {  	s1 =	srdreg.scid  }
0x8b: {  	s0 =	sand.u32 $0x1, s1  }
0x8c: {  	s16 =	sshll.u32 s0, $0xA;
	s2 =	sadd.s32 s3, s2  }
0x8d: {  	s2 =	sadd.s32 s2, s16  }
0x8e: {  	[smem:$0x3F9A] =	sst s2  }
0x8f: {  	_ = 	snop  }
0x90: {  	(tm) =	ssettm $0x1  }
0x91: {  	s17 =	sld [smem:$0x3FFB];
	_ =	sdelay $0x3  }
0x92: {  	_ =	strace s17  }
0x93: {  	s2 =	sld [smem:$0x3FFC];
	_ =	sdelay $0x3  }
0x94: {  	_ =	strace s2  }
0x95: {  	s2 =	sld [smem:$0x3FFD];
	_ =	sdelay $0x3  }
0x96: {  	_ =	strace s2  }
0x97: {  	_ =	strace $0x8FFFFFFF  }
0x98: {  	s18 =	sld [smem:$0x3FDB];
	_ =	sdelay $0x1  }
0x99: {  	s19 =	simm.s32 $_scs_section_size  }
0x9a: {  	s4 =	simm.s32 $_size__tile_overlayer_lowered;
	s5 =	simm.s32 $_tile_overlayer_lowered  }
0x9b: {  	s22 =	simm.s32 $0x1BFF;
	s21 =	sshll.u32 s5, $0x1;
	s2 =	sadd.s32 s19, s18  }
0x9c: {  	s6 =	simm.s32 $0x0;
	s20 =	sshll.u32 s4, $0x1;
	s4 =	sadd.s32 s21, s2  }
0x9d: {  	[timem:s6], [sflag:s22] =	dma.local [hbm:s4], s20  }
0x9e: {  	_ =	swait.ge [sflag:s22], s20  }
0x9f: {  	s3 =	ssub.s32 $0x0, s20;
	[sflag:s22] =	ssyncset.done $0x0  }
0xa0: {  	[sflag:s22] =	ssyncadd.s32 s3;
	_ =	sdelay $0x1  }
0xa1: {  	s23 =	simm.s32 $0x1B8B  }
0xa2: {  	_ =	swait.ge [sflag:s23], $0x1  }
0xa3: {  	[sflag:s23] =	ssyncset.done $0x0  }
0xa4: {  	s25 =	simm.s32 $0x1B8E;
	s24 =	sld [smem:$0x3FFE];
	[sflag:s23] =	ssyncadd.s32 $0xFFFFFFFF  }
0xa5: {  	s26 =	simm.s32 $execute0_lowered;
	[smem:$0x3FD2] =	sst s25  }
0xa6: {  	s4 =	sshll.u32 s26, $0x1;
	_ =	strace $0x80000058;
	[dreg:$0x1] =	wrdreg $0xFFFFFFFF  }
0xa7: {  	s28 =	simm.s32 $_size_execute0_lowered;
	s2 =	sadd.s32 s2, s4;
	[dreg:$0x0] =	wrdreg $0x0  }
0xa8: {  	s4 =	sshll.u32 s28, $0x1;
	[dreg:$0x2] =	wrdreg s2  }
0xa9: {  	[dreg:$0x3] =	wrdreg s4  }
0xaa: {  	[dreg:$0x4] =	wrdreg $0xC0  }
0xab: {  	_ =	task [dreg:s6], $0x5FFFF  }
0xac: {  	[dreg:$0x1] =	wrdreg $0xFFFFFFFF  }
0xad: {  	[dreg:$0x0] =	wrdreg $0x60  }
0xae: {  	[dreg:$0x2] =	wrdreg s24  }
0xaf: {  	[dreg:$0x3] =	wrdreg $0xA  }
0xb0: {  	_ =	task.clear_ibuf [dreg:s6], $0x4FFFF;
	_ =	strace $0x90000058  }
0xb1: {  	s29 =	simm.s32 $0xA;
	_ =	strace $0x8000005A  }
0xb2: {  	_ =	swait.ge [sflag:s29], $0x1  }
0xb3: {  	[sflag:s29] =	ssyncadd.s32 $0xFFFFFFFF  }
0xb4: {  	_ =	strace $0x9000005A  }
0xb5: {  	_ =	sfence  }
0xb6: {  	s30 =	sld [smem:$0x0];
	_ =	sdelay $0x2  }
0xb7: {  	s31 =	sshll.u32 s1, $0xD;
	s1 =	sshrl.u32 s1, $0x2  }
0xb8: {  	s3 =	sand.u32 $0x4000, s31;
	s1 =	sadd.s32 s1, s30  }
0xb9: {  	s0 =	sor.u32 s3, s0;
	s1 =	sshll.u32 s1, $0x11  }
0xba: {  	s0 =	sor.u32 s1, s0  }
0xbb: {  	s0 =	sadd.s32 $0x8F2B, s0  }
0xbc: {  	[sflag:s0] =	ssyncadd.remote.s32 $0x1  }
0xbd: {  	_ =	sfence.sel $0xFFFF  }
0xbe: {  	[dreg:$0x0] =	wrdreg $0xFFFFFFFF;
	(pc) =	sbr.abs _section_cstart, $3  }
0xbf: {  	[dreg:$0x1] =	wrdreg $0xFFFFFFFF  }
0xc0: {  	_ =	task.clear_ibuf [dreg:s6], $0x2FFFF;
	_ =	strace $0x9FFFFFFF  }
0xc1: {  	(tm) =	ssettm $0x7FFFFFFF  }
tec
execute0_lowered:
.L_overlay_start_1:
0x0: {  	(tag) =	ssettag $0x1  }
0x1: {  	s1 =	srdreg.scid;
	s0 =	stileid.u32  }
0x2: {  	s14 =	sand.u32 $0x1, s1;
	s29 =	sshll.u32 s0, $0x1  }
0x3: {  	s15 =	rddreg [dreg:$0x0];
	s16 =	sor.u32 s14, s29  }
0x4: {  	s2 =	simm.s32 $0x0;
	s1 =	rddreg [dreg:$0x1];
	s3 =	sshll.u32 s16, $0x6  }
0x5: {  	[smem:$0x7FF] =	sst s2;
	s3 =	sadd.s32 s3, s15  }
0x6: {  	_ =	strace $0x80000059;
	s4 =	sadd.s32 $0x32A00, s3;
	s3 =	simm.s32 $0x2  }
0x7: {  	[tilespmem:s2], [sflag:$0x2] =	stream.linear.gather [hbm4b:s4+s2], $0x200, $0x38;
	[tilespmem:$0x10200] =	vst v63  }
0x8: {  	_ =	swait.ge [sflag:s3], $0x200  }
0x9: {  	s6 =	simm.s32 $0x80;
	[sflag:s3] =	ssyncset.done $0x0  }
0xa: {  	s7 =	simm.s32 $0x200;
	s5 =	sadd.s32 $0x59C000, s15;
	[sflag:s3] =	ssyncadd.s32 $0xFFFFFE00  }
0xb: {  	[tilespmem:s7], [sflag:$0x1] =	stream.indirect.gather [hbm4b:s5+s6], $0x80, s2, s6, $0xb8;
	[tilespmem:$0x10200] =	vst v63  }
0xc: {  	s8 =	simm.s32 $0x4200  }
0xd: {  	[tilespmem:s8], [sflag:$0x1] =	stream.indirect.gather [hbm4b:s5+s6], $0x80, s6, s6, $0xb8;
	[tilespmem:$0x10200] =	vst v63  }
0xe: {  	s9 =	simm.s32 $0x100;
	s10 =	simm.s32 $0x8200  }
0xf: {  	[tilespmem:s10], [sflag:$0x1] =	stream.indirect.gather [hbm4b:s5+s6], $0x80, s9, s6, $0xb8;
	[tilespmem:$0x10200] =	vst v63  }
0x10: {  	s11 =	simm.s32 $0x180;
	s12 =	simm.s32 $0xC200;
	s13 =	simm.s32 $0x1  }
0x11: {  	[tilespmem:s12], [sflag:$0x1] =	stream.indirect.gather [hbm4b:s5+s6], $0x80, s11, s6, $0xb8;
	[tilespmem:$0x10200] =	vst v63  }
0x12: {  	_ =	swait.ge [sflag:s13], $0x4000  }
0x13: {  	[sflag:s13] =	ssyncset.done $0x0  }
0x14: {  	[sflag:s13] =	ssyncadd.s32 $0xFFFFC000  }
0x15: {  	_ =	swait.ge [sflag:s13], $0x4000  }
0x16: {  	[sflag:s13] =	ssyncset.done $0x0  }
0x17: {  	s14 =	ssub.s32 $0x2, s14;
	[sflag:s13] =	ssyncadd.s32 $0xFFFFC000  }
0x18: {  	s17 =	sshrl.u32 s14, $0x1;
	_ =	swait.ge [sflag:s13], $0x4000  }
0x19: {  	s30 =	ssub.s32 s14, s17;
	[sflag:s13] =	ssyncset.done $0x0  }
0x1a: {  	s31 =	smax.u32 s30, $0x1;
	[sflag:s13] =	ssyncadd.s32 $0xFFFFC000  }
0x1b: {  	s16 =	sshll.u32 s16, $0xD;
	p0 =	sne.s32 s31, $0x1;
	_ =	swait.ge [sflag:s13], $0x4000  }
.Ltmp0:
0x1c: {  	s15 =	sadd.s32 s16, s15;
	[sflag:s13] =	ssyncset.done $0x0;
	(pc) =	sbr.rel @!p0 .LBB2_2-.Ltmp0, $4  }
0x1d: {  	s14 =	sadd.s32 $0xBA000, s15;
	[sflag:s13] =	ssyncadd.s32 $0xFFFFC000  }
0x1e: {  	[hbm4b:s14+s2] =	stream.linear.scatter [tilespmem:s7], [sflag:$0x2], $0x10000, $0x38;
	[tilespmem:$0x10200] =	vst v63  }
0x1f: {  	_ =	swait.ge [sflag:s3], $0x10000  }
0x20: {  	s15 =	sadd.s32 $0xFFFFFFFF, s31;
	[sflag:s3] =	ssyncset.done $0x0  }
.LBB2_1:
0x21: {  	p0 =	sne.s32 s15, $0x1;
	s15 =	sadd.s32 $0xFFFFFFFF, s15;
	[sflag:s3] =	ssyncadd.s32 $0xFFFF0000  }
0x22: {  	[tilespmem:s2], [sflag:$0x2] =	stream.linear.gather [hbm4b:s4+s2], $0x200, $0x38;
	[tilespmem:$0x10200] =	vst v63  }
0x23: {  	_ =	swait.ge [sflag:s3], $0x200  }
0x24: {  	[sflag:s3] =	ssyncset.done $0x0  }
0x25: {  	[sflag:s3] =	ssyncadd.s32 $0xFFFFFE00  }
0x26: {  	[tilespmem:s7], [sflag:$0x1] =	stream.indirect.gather [hbm4b:s5+s6], $0x80, s2, s6, $0xb8;
	[tilespmem:$0x10200] =	vst v63  }
0x27: {  	_ = 	snop  }
0x28: {  	[tilespmem:s8], [sflag:$0x1] =	stream.indirect.gather [hbm4b:s5+s6], $0x80, s6, s6, $0xb8;
	[tilespmem:$0x10200] =	vst v63  }
0x29: {  	_ = 	snop  }
0x2a: {  	[tilespmem:s10], [sflag:$0x1] =	stream.indirect.gather [hbm4b:s5+s6], $0x80, s9, s6, $0xb8;
	[tilespmem:$0x10200] =	vst v63  }
0x2b: {  	_ = 	snop  }
0x2c: {  	[tilespmem:s12], [sflag:$0x1] =	stream.indirect.gather [hbm4b:s5+s6], $0x80, s11, s6, $0xb8;
	[tilespmem:$0x10200] =	vst v63  }
0x2d: {  	_ =	swait.ge [sflag:s13], $0x4000  }
0x2e: {  	[sflag:s13] =	ssyncset.done $0x0  }
0x2f: {  	[sflag:s13] =	ssyncadd.s32 $0xFFFFC000  }
0x30: {  	_ =	swait.ge [sflag:s13], $0x4000  }
0x31: {  	[sflag:s13] =	ssyncset.done $0x0  }
0x32: {  	[sflag:s13] =	ssyncadd.s32 $0xFFFFC000  }
0x33: {  	_ =	swait.ge [sflag:s13], $0x4000  }
0x34: {  	[sflag:s13] =	ssyncset.done $0x0  }
0x35: {  	[sflag:s13] =	ssyncadd.s32 $0xFFFFC000  }
0x36: {  	_ =	swait.ge [sflag:s13], $0x4000  }
.Ltmp1:
0x37: {  	[sflag:s13] =	ssyncset.done $0x0;
	(pc) =	sbr.rel @p0 .LBB2_1-.Ltmp1, $4  }
0x38: {  	[sflag:s13] =	ssyncadd.s32 $0xFFFFC000  }
0x39: {  	[hbm4b:s14+s2] =	stream.linear.scatter [tilespmem:s7], [sflag:$0x2], $0x10000, $0x38;
	[tilespmem:$0x10200] =	vst v63  }
0x3a: {  	_ =	swait.ge [sflag:s3], $0x10000  }
0x3b: {  	[sflag:s3] =	ssyncset.done $0x0  }
.LBB2_2:
0x3c: {  	[sflag:s3] =	ssyncadd.s32 $0xFFFF0000  }
0x3d: {  	_ =	sfence.sel $0x180000  }
0x3e: {  	[bflag:$0x0] =	sbarrier.arrive $0xFFFF  }
0x3f: {  	p0 =	sne.s32 s0, $0x0;
	_ =	strace $0x90000059  }
0x40: {  	s0 =	sadd.s32 @!p0 $0x100000, s1;
	[bflag:$0x2] =	sbarrier.arrive $0xFFFF  }
0x41: {  	[sflag:s0] =	ssyncadd.tile.s32 @!p0 $0x1;
	_ =	shalt  }
.Lfunc_end2:
_tile_overlayer_lowered:
.L_overlay_start_2:
0x42: {  	(tag) =	ssettag $0x2  }
0x43: {  	s0 =	rddreg [dreg:$0x0];
	s2 =	stileid.u32  }
0x44: {  	s1 =	rddreg [dreg:$0x1];
	p0 =	sne.s32 s2, $0x0  }
0x45: {  	s3 =	rddreg [dreg:$0x2];
	[bflag:$0x3] =	sbarrier.arrive $0xFFFF;
	s2 =	simm.s32 @!p0 $0x1C02  }
0x46: {  	[timem:s3], [sflag:s2] =	dma.local @!p0 [hbm:s0], s1  }
0x47: {  	s0 =	simm.s32 @!p0 $0x2  }
0x48: {  	_ =	swait.ge @!p0 [sflag:s0], s1  }
0x49: {  	s1 =	ssub.s32 @!p0 $0x0, s1;
	[sflag:s0] =	ssyncset.done @!p0 $0x0  }
0x4a: {  	[sflag:s0] =	ssyncadd.s32 @!p0 s1  }
0x4b: {  	[bflag:$0x3] =	sbarrier.arrive $0xFFFF  }
0x4c: {  	_ =	shalt  }

</sc_bundles>
